<compile_context>
chip_gen: v7x
topology: tpu7x:2x2x1
jax: 0.10.2.dev20260603
libtpu: 0.0.44.dev20260713+nightly
codegen_flags: <defaults>
</compile_context>

<pallas_src>
import functools

import jax
import jax.numpy as jnp
from jax import lax
from jax.experimental import pallas as pl
from jax.experimental.pallas import tpu as pltpu
from jax.experimental.pallas import tpu_sc as plsc

H = 256
HH = 128
NNODES = 10000
NEDGES = 160000
NS = 16
NC = 2
EC = 80
EPT = NEDGES // NS
NCHUNK = EPT // EC
NPAD = 10240
RPT = NPAD // NS
CG = HH // 16

_mesh = plsc.VectorSubcoreMesh(core_axis_name="c", subcore_axis_name="s")


@functools.partial(
    pl.kernel,
    out_type=jax.ShapeDtypeStruct((NC, NPAD, HH), jnp.float32),
    mesh=_mesh,
    scratch_types=[
        pltpu.VMEM((EPT,), jnp.int32),
        pltpu.VMEM((3, EC), jnp.int32),
        pltpu.VMEM((3, EC), jnp.int32),
        pltpu.VMEM((EC, HH), jnp.float32),
        pltpu.VMEM((EC, HH), jnp.float32),
        pltpu.VMEM((EC, HH), jnp.float32),
        pltpu.VMEM_SHARED((NPAD, HH), jnp.float32),
        pltpu.SemaphoreType.DMA,
        pltpu.SemaphoreType.DMA,
        pltpu.SemaphoreType.DMA,
        pltpu.SemaphoreType.DMA,
        pltpu.SemaphoreType.DMA,
        pltpu.SemaphoreType.DMA,
        pltpu.SemaphoreType.DMA,
        pltpu.SemaphoreType.DMA,
        pltpu.SemaphoreType.DMA,
        pltpu.SemaphoreType.DMA,
        pltpu.SemaphoreType.DMA,
        pltpu.SemaphoreType.DMA,
        pltpu.SemaphoreType.DMA,
    ],
)
def _edge_kernel(src_hbm, dst_hbm, x2_hbm, ea2_hbm, out_hbm,
                 gxa, geb, didx, er0, er1, er2, aggr,
                 smx0, smx1, smx2, sme0, sme1, sme2,
                 smd0, smd1, smd2, sms0, sms1, sms2, smz):
    cid = lax.axis_index("c")
    sid = lax.axis_index("s")
    er = (er0, er1, er2)
    semx = (smx0, smx1, smx2)
    seme = (sme0, sme1, sme2)
    semd = (smd0, smd1, smd2)
    sems = (sms0, sms1, sms2)
    te0 = sid * EPT
    r0 = sid * RPT

    gxa_cp = pltpu.async_copy(src_hbm.at[pl.ds(te0, EPT)], gxa, smz)
    iota16 = lax.iota(jnp.int32, 16)
    zero16 = jnp.zeros((16,), jnp.float32)

    @plsc.parallel_loop(0, EC, unroll=2)
    def _zrow(r):
        for g in range(CG):
            er2[r, pl.ds(g * 16, 16)] = zero16

    gxa_cp.wait()

    @plsc.parallel_loop(0, EPT // 16, unroll=4)
    def _bld(g):
        o = g * 16
        gxa[pl.ds(o, 16)] = gxa[pl.ds(o, 16)] * 2 + cid

    for j in range(RPT // EC):
        pltpu.async_copy(er2.at[pl.ds(0, EC)], aggr.at[pl.ds(r0 + j * EC, EC)],
                         smz)

    def issue_a(k, slot):
        o = k * EC
        base = (te0 + o) * 2 + cid
        for g in range(EC // 16):
            geb[slot, pl.ds(g * 16, 16)] = iota16 * 2 + (base + g * 32)
        pltpu.async_copy(ea2_hbm.at[geb.at[slot]], er[slot], seme[slot])
        pltpu.async_copy(dst_hbm.at[pl.ds(te0 + o, EC)], didx.at[slot],
                         semd[slot])

    def wait_a(slot):
        pltpu.make_async_copy(ea2_hbm.at[geb.at[slot]], er[slot],
                              seme[slot]).wait()

    def wait_d(slot):
        pltpu.make_async_copy(dst_hbm.at[pl.ds(te0, EC)], didx.at[slot],
                              semd[slot]).wait()

    def issue_b(k, slot):
        o = k * EC
        pltpu.async_copy(x2_hbm.at[gxa.at[pl.ds(o, EC)]], er[slot],
                         semx[slot], add=True)

    def wait_b(slot):
        pltpu.make_async_copy(x2_hbm.at[gxa.at[pl.ds(0, EC)]], er[slot],
                              semx[slot]).wait()

    def relu(slot):
        ers = er[slot]

        @plsc.parallel_loop(0, EC, unroll=4)
        def _row(r):
            for g in range(CG):
                v = ers[r, pl.ds(g * 16, 16)]
                ers[r, pl.ds(g * 16, 16)] = jnp.maximum(v, 0.0)

    def issue_s(slot):
        pltpu.async_copy(er[slot], aggr.at[didx.at[slot]], sems[slot],
                         add=True)

    def wait_s(slot):
        pltpu.make_async_copy(er[slot], aggr.at[didx.at[slot]],
                              sems[slot]).wait()

    def body(k, s, s1, s2, first=False, last=False, next_a=True):
        if not first:
            wait_s(s2)
        if not last and next_a:
            issue_a(k + 2, s2)
        if not last:
            wait_a(s1)
            issue_b(k + 1, s1)
        wait_b(s)
        relu(s)
        wait_d(s)
        issue_s(s)

    issue_a(0, 0)
    issue_a(1, 1)
    wait_a(0)
    issue_b(0, 0)
    for j in range(RPT // EC):
        pltpu.make_async_copy(er2.at[pl.ds(0, EC)],
                              aggr.at[pl.ds(r0 + j * EC, EC)], smz).wait()
    plsc.subcore_barrier()

    body(0, 0, 1, 2, first=True)

    def triple(k3, _):
        k = k3 * 3 + 1
        body(k, 1, 2, 0)
        body(k + 1, 2, 0, 1)
        body(k + 2, 0, 1, 2)
        return 0

    lax.fori_loop(0, (NCHUNK - 5) // 3, triple, 0)
    body(121, 1, 2, 0)
    body(122, 2, 0, 1)
    body(123, 0, 1, 2, next_a=False)
    body(124, 1, 2, 0, last=True)
    wait_s(1)

    plsc.subcore_barrier()

    pltpu.sync_copy(aggr.at[pl.ds(r0, RPT)], out_hbm.at[cid, pl.ds(r0, RPT)])


BM = 2000


def _mlp_body(x_ref, a_ref, w1_ref, b1_ref, w2_ref, b2_ref, o_ref):
    a = jnp.concatenate([a_ref[0], a_ref[1]], axis=-1)
    h = x_ref[...] + a
    h1 = jnp.dot(h, w1_ref[...], preferred_element_type=jnp.float32)
    h1 = jnp.maximum(h1 + b1_ref[...], 0.0)
    o_ref[...] = (jnp.dot(h1, w2_ref[...], preferred_element_type=jnp.float32)
                  + b2_ref[...])


def _mlp(x, aggr2, W1, b1, W2, b2):
    return pl.pallas_call(
        _mlp_body,
        grid=(NNODES // BM,),
        in_specs=[
            pl.BlockSpec((BM, H), lambda i: (i, 0)),
            pl.BlockSpec((NC, BM, HH), lambda i: (0, i, 0)),
            pl.BlockSpec((H, H), lambda i: (0, 0)),
            pl.BlockSpec((1, H), lambda i: (0, 0)),
            pl.BlockSpec((H, H), lambda i: (0, 0)),
            pl.BlockSpec((1, H), lambda i: (0, 0)),
        ],
        out_specs=pl.BlockSpec((BM, H), lambda i: (i, 0)),
        out_shape=jax.ShapeDtypeStruct((NNODES, H), jnp.float32),
    )(x, aggr2, W1, b1.reshape(1, H), W2, b2.reshape(1, H))


def kernel(x, edge_index, edge_attr, W1, b1, W2, b2):
    ei = edge_index.astype(jnp.int32)
    src = ei[0]
    dst = ei[1]
    x2 = x.reshape(NC * NNODES, HH)
    ea2 = edge_attr.reshape(NC * NEDGES, HH)
    aggr2 = _edge_kernel(src, dst, x2, ea2)
    return _mlp(x, aggr2, W1, b1, W2, b2)

# --- scband reference (transcript-rebuilt; emitter-appended) ---
"""Pipeline reference for scband-message-passing-layer-37924561223841 (READ-ONLY COPY).

The authoritative reference and input builder live on the scoring server;
editing this copy changes nothing except your own understanding.
"""

import jax, jax.numpy as jnp
import numpy as np

N_NODES = 10000
N_EDGES = 160000
HIDDEN = 256

def setup_inputs(seed: int = 0) -> dict:
    key = jax.random.key(seed)
    k_x, k_ei, k_ea, k_w1, k_b1, k_w2, k_b2 = jax.random.split(key, 7)
    x = jax.random.normal(k_x, (N_NODES, HIDDEN), dtype=jnp.float32)
    edge_index = jax.random.randint(k_ei, (2, N_EDGES), 0, N_NODES, dtype=jnp.int64)
    edge_attr = jax.random.normal(k_ea, (N_EDGES, HIDDEN), dtype=jnp.float32)
    # GIN MLP parameters (Linear(H,H) -> ReLU -> Linear(H,H)), Glorot-ish scale
    s = 1.0 / np.sqrt(HIDDEN)
    W1 = jax.random.normal(k_w1, (HIDDEN, HIDDEN), dtype=jnp.float32) * s
    b1 = jnp.zeros((HIDDEN,), dtype=jnp.float32)
    W2 = jax.random.normal(k_w2, (HIDDEN, HIDDEN), dtype=jnp.float32) * s
    b2 = jnp.zeros((HIDDEN,), dtype=jnp.float32)
    return {"x": x, "edge_index": edge_index, "edge_attr": edge_attr,
            "W1": W1, "b1": b1, "W2": W2, "b2": b2}

def reference(x, edge_index, edge_attr, W1, b1, W2, b2):
    # GINE-style local message passing (local_gnn_type='gin', global_model_type=None):
    #   m_ij = ReLU(h_j + e_ij)  (gather over src)
    #   aggr_i = sum_{j in N(i)} m_ij  (scatter-add to dst)
    #   h_i' = MLP((1 + eps) * h_i + aggr_i), eps = 0
    src = edge_index[0]
    dst = edge_index[1]
    msg = jax.nn.relu(jnp.take(x, src, axis=0) + edge_attr)
    aggr = jnp.zeros_like(x).at[dst].add(msg)
    eps = 0.0
    h = (1.0 + eps) * x + aggr
    h = jax.nn.relu(h @ W1 + b1) @ W2 + b2
    # dropout = 0.0 -> identity; edge_attr passed through unchanged
    return h

if __name__ == "__main__":
    import jax
    _d = setup_inputs()
    print(jax.jit(kernel)(*tuple(_d.values())))

</pallas_src>

<mosaic_0001>
#map = affine_map<(d0, d1) -> (0)>
#map1 = affine_map<(d0, d1) -> (0, 0)>
#map2 = affine_map<(d0, d1) -> (0, 0, 0)>
module attributes {stable_mosaic.version = 14 : i64} {
  func.func @_edge_kernel(%arg0: i32, %arg1: i32, %arg2: memref<160000xi32, #tpu.memory_space<hbm>>, %arg3: memref<160000xi32, #tpu.memory_space<hbm>>, %arg4: memref<20000x128xf32, #tpu.memory_space<hbm>>, %arg5: memref<320000x128xf32, #tpu.memory_space<hbm>>, %arg6: memref<2x10240x128xf32, #tpu.memory_space<hbm>>, %arg7: memref<10000xi32, #tpu.memory_space<vmem>>, %arg8: memref<3x80xi32, #tpu.memory_space<vmem>>, %arg9: memref<3x80xi32, #tpu.memory_space<vmem>>, %arg10: memref<80x128xf32, #tpu.memory_space<vmem>>, %arg11: memref<80x128xf32, #tpu.memory_space<vmem>>, %arg12: memref<80x128xf32, #tpu.memory_space<vmem>>, %arg13: memref<10240x128xf32, #tpu.memory_space<vmem_shared>>, %arg14: memref<!tpu.dma_semaphore, #tpu.memory_space<semaphore_mem>>, %arg15: memref<!tpu.dma_semaphore, #tpu.memory_space<semaphore_mem>>, %arg16: memref<!tpu.dma_semaphore, #tpu.memory_space<semaphore_mem>>, %arg17: memref<!tpu.dma_semaphore, #tpu.memory_space<semaphore_mem>>, %arg18: memref<!tpu.dma_semaphore, #tpu.memory_space<semaphore_mem>>, %arg19: memref<!tpu.dma_semaphore, #tpu.memory_space<semaphore_mem>>, %arg20: memref<!tpu.dma_semaphore, #tpu.memory_space<semaphore_mem>>, %arg21: memref<!tpu.dma_semaphore, #tpu.memory_space<semaphore_mem>>, %arg22: memref<!tpu.dma_semaphore, #tpu.memory_space<semaphore_mem>>, %arg23: memref<!tpu.dma_semaphore, #tpu.memory_space<semaphore_mem>>, %arg24: memref<!tpu.dma_semaphore, #tpu.memory_space<semaphore_mem>>, %arg25: memref<!tpu.dma_semaphore, #tpu.memory_space<semaphore_mem>>, %arg26: memref<!tpu.dma_semaphore, #tpu.memory_space<semaphore_mem>>) attributes {dimension_semantics = [#tpu.dimension_semantics<core_parallel>, #tpu.dimension_semantics<subcore_parallel>], iteration_bounds = array<i64: 2, 16>, scalar_prefetch = 0 : i64, scratch_operands = 20 : i64, tpu.core_type = #tpu.core_type<sc_vector_subcore>, window_params = [{transform_indices = #map}, {transform_indices = #map}, {transform_indices = #map1}, {transform_indices = #map1}, {transform_indices = #map2}]} {
    %mul3A = arith.constant 10000 : i32
    %mul3A_0 = arith.muli %arg1, %mul3A : i32
    %mul3A_1 = arith.constant 640 : i32
    %mul3A_2 = arith.muli %arg1, %mul3A_1 : i32
    %dma_start3A = tpu.memref_slice %arg2[%mul3A_0] : memref<160000xi32, #tpu.memory_space<hbm>> -> memref<10000xi32, #tpu.memory_space<hbm>>
    %dma_start3A_3 = tpu.memref_slice %arg2[%mul3A_0] : memref<160000xi32, #tpu.memory_space<hbm>> -> memref<10000xi32, #tpu.memory_space<hbm>>
    tpu.enqueue_dma source(%dma_start3A_3 : memref<10000xi32, #tpu.memory_space<hbm>>) target(%arg7 : memref<10000xi32, #tpu.memory_space<vmem>>) target_semaphore(%arg26 : memref<!tpu.dma_semaphore, #tpu.memory_space<semaphore_mem>>)
    %iota3A = tpu.iota {dimensions = array<i32: 0>} : vector<16xi32>
    %broadcast_in_dim3A = arith.constant 0.000000e+00 : f32
    %broadcast_in_dim3A_4 = vector.broadcast %broadcast_in_dim3A : f32 to vector<16xf32>
    %parallel_loop3A = arith.constant 0 : i32
    %parallel_loop3A_5 = arith.constant 80 : i32
    %parallel_loop3A_6 = arith.constant 1 : i32
    scf.for %parallel_loop3A_863 = %parallel_loop3A to %parallel_loop3A_5 step %parallel_loop3A_6  : i32 {
      %parallel_loop3A_864 = arith.index_cast %parallel_loop3A_863 : i32 to index
      %parallel_loop3A_865 = arith.constant 0 : index
      %parallel_loop3A_866 = tpu.vector_load %arg12[%parallel_loop3A_864, %parallel_loop3A_865] {strides = array<i32>} : memref<80x128xf32, #tpu.memory_space<vmem>>, vector<1x16xf32>,
      %parallel_loop3A_867 = vector.shape_cast %parallel_loop3A_866 : vector<1x16xf32> to vector<16xf32>
      %parallel_loop3A_868 = vector.shape_cast %broadcast_in_dim3A_4 : vector<16xf32> to vector<1x16xf32>
      tpu.vector_store %arg12[%parallel_loop3A_864, %parallel_loop3A_865], %parallel_loop3A_868 {strides = array<i32>} : memref<80x128xf32, #tpu.memory_space<vmem>>, vector<1x16xf32>,
      %parallel_loop3A_869 = arith.index_cast %parallel_loop3A_863 : i32 to index
      %parallel_loop3A_870 = arith.constant 16 : index
      %parallel_loop3A_871 = tpu.vector_load %arg12[%parallel_loop3A_869, %parallel_loop3A_870] {strides = array<i32>} : memref<80x128xf32, #tpu.memory_space<vmem>>, vector<1x16xf32>,
      %parallel_loop3A_872 = vector.shape_cast %parallel_loop3A_871 : vector<1x16xf32> to vector<16xf32>
      %parallel_loop3A_873 = vector.shape_cast %broadcast_in_dim3A_4 : vector<16xf32> to vector<1x16xf32>
      tpu.vector_store %arg12[%parallel_loop3A_869, %parallel_loop3A_870], %parallel_loop3A_873 {strides = array<i32>} : memref<80x128xf32, #tpu.memory_space<vmem>>, vector<1x16xf32>,
      %parallel_loop3A_874 = arith.index_cast %parallel_loop3A_863 : i32 to index
      %parallel_loop3A_875 = arith.constant 32 : index
      %parallel_loop3A_876 = tpu.vector_load %arg12[%parallel_loop3A_874, %parallel_loop3A_875] {strides = array<i32>} : memref<80x128xf32, #tpu.memory_space<vmem>>, vector<1x16xf32>,
      %parallel_loop3A_877 = vector.shape_cast %parallel_loop3A_876 : vector<1x16xf32> to vector<16xf32>
      %parallel_loop3A_878 = vector.shape_cast %broadcast_in_dim3A_4 : vector<16xf32> to vector<1x16xf32>
      tpu.vector_store %arg12[%parallel_loop3A_874, %parallel_loop3A_875], %parallel_loop3A_878 {strides = array<i32>} : memref<80x128xf32, #tpu.memory_space<vmem>>, vector<1x16xf32>,
      %parallel_loop3A_879 = arith.index_cast %parallel_loop3A_863 : i32 to index
      %parallel_loop3A_880 = arith.constant 48 : index
      %parallel_loop3A_881 = tpu.vector_load %arg12[%parallel_loop3A_879, %parallel_loop3A_880] {strides = array<i32>} : memref<80x128xf32, #tpu.memory_space<vmem>>, vector<1x16xf32>,
      %parallel_loop3A_882 = vector.shape_cast %parallel_loop3A_881 : vector<1x16xf32> to vector<16xf32>
      %parallel_loop3A_883 = vector.shape_cast %broadcast_in_dim3A_4 : vector<16xf32> to vector<1x16xf32>
      tpu.vector_store %arg12[%parallel_loop3A_879, %parallel_loop3A_880], %parallel_loop3A_883 {strides = array<i32>} : memref<80x128xf32, #tpu.memory_space<vmem>>, vector<1x16xf32>,
      %parallel_loop3A_884 = arith.index_cast %parallel_loop3A_863 : i32 to index
      %parallel_loop3A_885 = arith.constant 64 : index
      %parallel_loop3A_886 = tpu.vector_load %arg12[%parallel_loop3A_884, %parallel_loop3A_885] {strides = array<i32>} : memref<80x128xf32, #tpu.memory_space<vmem>>, vector<1x16xf32>,
      %parallel_loop3A_887 = vector.shape_cast %parallel_loop3A_886 : vector<1x16xf32> to vector<16xf32>
      %parallel_loop3A_888 = vector.shape_cast %broadcast_in_dim3A_4 : vector<16xf32> to vector<1x16xf32>
      tpu.vector_store %arg12[%parallel_loop3A_884, %parallel_loop3A_885], %parallel_loop3A_888 {strides = array<i32>} : memref<80x128xf32, #tpu.memory_space<vmem>>, vector<1x16xf32>,
      %parallel_loop3A_889 = arith.index_cast %parallel_loop3A_863 : i32 to index
      %parallel_loop3A_890 = arith.constant 80 : index
      %parallel_loop3A_891 = tpu.vector_load %arg12[%parallel_loop3A_889, %parallel_loop3A_890] {strides = array<i32>} : memref<80x128xf32, #tpu.memory_space<vmem>>, vector<1x16xf32>,
      %parallel_loop3A_892 = vector.shape_cast %parallel_loop3A_891 : vector<1x16xf32> to vector<16xf32>
      %parallel_loop3A_893 = vector.shape_cast %broadcast_in_dim3A_4 : vector<16xf32> to vector<1x16xf32>
      tpu.vector_store %arg12[%parallel_loop3A_889, %parallel_loop3A_890], %parallel_loop3A_893 {strides = array<i32>} : memref<80x128xf32, #tpu.memory_space<vmem>>, vector<1x16xf32>,
      %parallel_loop3A_894 = arith.index_cast %parallel_loop3A_863 : i32 to index
      %parallel_loop3A_895 = arith.constant 96 : index
      %parallel_loop3A_896 = tpu.vector_load %arg12[%parallel_loop3A_894, %parallel_loop3A_895] {strides = array<i32>} : memref<80x128xf32, #tpu.memory_space<vmem>>, vector<1x16xf32>,
      %parallel_loop3A_897 = vector.shape_cast %parallel_loop3A_896 : vector<1x16xf32> to vector<16xf32>
      %parallel_loop3A_898 = vector.shape_cast %broadcast_in_dim3A_4 : vector<16xf32> to vector<1x16xf32>
      tpu.vector_store %arg12[%parallel_loop3A_894, %parallel_loop3A_895], %parallel_loop3A_898 {strides = array<i32>} : memref<80x128xf32, #tpu.memory_space<vmem>>, vector<1x16xf32>,
      %parallel_loop3A_899 = arith.index_cast %parallel_loop3A_863 : i32 to index
      %parallel_loop3A_900 = arith.constant 112 : index
      %parallel_loop3A_901 = tpu.vector_load %arg12[%parallel_loop3A_899, %parallel_loop3A_900] {strides = array<i32>} : memref<80x128xf32, #tpu.memory_space<vmem>>, vector<1x16xf32>,
      %parallel_loop3A_902 = vector.shape_cast %parallel_loop3A_901 : vector<1x16xf32> to vector<16xf32>
      %parallel_loop3A_903 = vector.shape_cast %broadcast_in_dim3A_4 : vector<16xf32> to vector<1x16xf32>
      tpu.vector_store %arg12[%parallel_loop3A_899, %parallel_loop3A_900], %parallel_loop3A_903 {strides = array<i32>} : memref<80x128xf32, #tpu.memory_space<vmem>>, vector<1x16xf32>,
    } {sc.loop_unroll_factor = 2 : i64, sc.parallel_access}
    %dma_wait3A = tpu.memref_slice %arg2[%mul3A_0] : memref<160000xi32, #tpu.memory_space<hbm>> -> memref<10000xi32, #tpu.memory_space<hbm>>
    %dma_wait3A_7 = tpu.memref_slice %arg2[%mul3A_0] : memref<160000xi32, #tpu.memory_space<hbm>> -> memref<10000xi32, #tpu.memory_space<hbm>>
    tpu.wait_dma2 semaphore(%arg26 : memref<!tpu.dma_semaphore, #tpu.memory_space<semaphore_mem>>) src(%dma_wait3A_7 : memref<10000xi32, #tpu.memory_space<hbm>>) dst(%arg7 : memref<10000xi32, #tpu.memory_space<vmem>>)
    %parallel_loop3A_8 = arith.constant 0 : i32
    %parallel_loop3A_9 = arith.constant 625 : i32
    %parallel_loop3A_10 = arith.constant 1 : i32
    scf.for %parallel_loop3A_863 = %parallel_loop3A_8 to %parallel_loop3A_9 step %parallel_loop3A_10  : i32 {
      %parallel_loop3A_864 = arith.constant 16 : i32
      %parallel_loop3A_865 = arith.muli %parallel_loop3A_863, %parallel_loop3A_864 : i32
      %parallel_loop3A_866 = arith.index_cast %parallel_loop3A_865 : i32 to index
      %parallel_loop3A_867 = tpu.vector_load %arg7[%parallel_loop3A_866] {strides = array<i32>} : memref<10000xi32, #tpu.memory_space<vmem>>, vector<16xi32>,
      %parallel_loop3A_868 = vector.shape_cast %parallel_loop3A_867 : vector<16xi32> to vector<16xi32>
      %parallel_loop3A_869 = arith.constant 2 : i32
      %parallel_loop3A_870 = vector.broadcast %parallel_loop3A_869 : i32 to vector<16xi32>
      %parallel_loop3A_871 = arith.muli %parallel_loop3A_868, %parallel_loop3A_870 : vector<16xi32>
      %parallel_loop3A_872 = vector.broadcast %arg0 : i32 to vector<16xi32>
      %parallel_loop3A_873 = arith.addi %parallel_loop3A_871, %parallel_loop3A_872 : vector<16xi32>
      %parallel_loop3A_874 = arith.index_cast %parallel_loop3A_865 : i32 to index
      %parallel_loop3A_875 = tpu.vector_load %arg7[%parallel_loop3A_874] {strides = array<i32>} : memref<10000xi32, #tpu.memory_space<vmem>>, vector<16xi32>,
      %parallel_loop3A_876 = vector.shape_cast %parallel_loop3A_875 : vector<16xi32> to vector<16xi32>
      %parallel_loop3A_877 = vector.shape_cast %parallel_loop3A_873 : vector<16xi32> to vector<16xi32>
      tpu.vector_store %arg7[%parallel_loop3A_874], %parallel_loop3A_877 {strides = array<i32>} : memref<10000xi32, #tpu.memory_space<vmem>>, vector<16xi32>,
    } {sc.loop_unroll_factor = 4 : i64, sc.parallel_access}
    %add3A = arith.constant 0 : i32
    %add3A_11 = arith.addi %mul3A_2, %add3A : i32
    %dma_start3A_12 = arith.constant 0 : i32
    %dma_start3A_13 = arith.constant 0 : i32
    %dma_start3A_14 = tpu.memref_slice %arg12[%dma_start3A_12, %dma_start3A_13] : memref<80x128xf32, #tpu.memory_space<vmem>> -> memref<80x128xf32, #tpu.memory_space<vmem>>
    %dma_start3A_15 = arith.constant 0 : i32
    %dma_start3A_16 = tpu.memref_slice %arg13[%add3A_11, %dma_start3A_15] : memref<10240x128xf32, #tpu.memory_space<vmem_shared>> -> memref<80x128xf32, #tpu.memory_space<vmem_shared>>
    %dma_start3A_17 = arith.constant 0 : i32
    %dma_start3A_18 = tpu.memref_slice %arg13[%add3A_11, %dma_start3A_17] : memref<10240x128xf32, #tpu.memory_space<vmem_shared>> -> memref<80x128xf32, #tpu.memory_space<vmem_shared>>
    %dma_start3A_19 = arith.constant 0 : i32
    %dma_start3A_20 = arith.constant 0 : i32
    %dma_start3A_21 = tpu.memref_slice %arg12[%dma_start3A_19, %dma_start3A_20] : memref<80x128xf32, #tpu.memory_space<vmem>> -> memref<80x128xf32, #tpu.memory_space<vmem>>
    tpu.enqueue_dma source(%dma_start3A_21 : memref<80x128xf32, #tpu.memory_space<vmem>>) target(%dma_start3A_18 : memref<80x128xf32, #tpu.memory_space<vmem_shared>>) target_semaphore(%arg26 : memref<!tpu.dma_semaphore, #tpu.memory_space<semaphore_mem>>)
    %add3A_22 = arith.constant 80 : i32
    %add3A_23 = arith.addi %mul3A_2, %add3A_22 : i32
    %dma_start3A_24 = arith.constant 0 : i32
    %dma_start3A_25 = arith.constant 0 : i32
    %dma_start3A_26 = tpu.memref_slice %arg12[%dma_start3A_24, %dma_start3A_25] : memref<80x128xf32, #tpu.memory_space<vmem>> -> memref<80x128xf32, #tpu.memory_space<vmem>>
    %dma_start3A_27 = arith.constant 0 : i32
    %dma_start3A_28 = tpu.memref_slice %arg13[%add3A_23, %dma_start3A_27] : memref<10240x128xf32, #tpu.memory_space<vmem_shared>> -> memref<80x128xf32, #tpu.memory_space<vmem_shared>>
    %dma_start3A_29 = arith.constant 0 : i32
    %dma_start3A_30 = tpu.memref_slice %arg13[%add3A_23, %dma_start3A_29] : memref<10240x128xf32, #tpu.memory_space<vmem_shared>> -> memref<80x128xf32, #tpu.memory_space<vmem_shared>>
    %dma_start3A_31 = arith.constant 0 : i32
    %dma_start3A_32 = arith.constant 0 : i32
    %dma_start3A_33 = tpu.memref_slice %arg12[%dma_start3A_31, %dma_start3A_32] : memref<80x128xf32, #tpu.memory_space<vmem>> -> memref<80x128xf32, #tpu.memory_space<vmem>>
    tpu.enqueue_dma source(%dma_start3A_33 : memref<80x128xf32, #tpu.memory_space<vmem>>) target(%dma_start3A_30 : memref<80x128xf32, #tpu.memory_space<vmem_shared>>) target_semaphore(%arg26 : memref<!tpu.dma_semaphore, #tpu.memory_space<semaphore_mem>>)
    %add3A_34 = arith.constant 160 : i32
    %add3A_35 = arith.addi %mul3A_2, %add3A_34 : i32
    %dma_start3A_36 = arith.constant 0 : i32
    %dma_start3A_37 = arith.constant 0 : i32
    %dma_start3A_38 = tpu.memref_slice %arg12[%dma_start3A_36, %dma_start3A_37] : memref<80x128xf32, #tpu.memory_space<vmem>> -> memref<80x128xf32, #tpu.memory_space<vmem>>
    %dma_start3A_39 = arith.constant 0 : i32
    %dma_start3A_40 = tpu.memref_slice %arg13[%add3A_35, %dma_start3A_39] : memref<10240x128xf32, #tpu.memory_space<vmem_shared>> -> memref<80x128xf32, #tpu.memory_space<vmem_shared>>
    %dma_start3A_41 = arith.constant 0 : i32
    %dma_start3A_42 = tpu.memref_slice %arg13[%add3A_35, %dma_start3A_41] : memref<10240x128xf32, #tpu.memory_space<vmem_shared>> -> memref<80x128xf32, #tpu.memory_space<vmem_shared>>
    %dma_start3A_43 = arith.constant 0 : i32
    %dma_start3A_44 = arith.constant 0 : i32
    %dma_start3A_45 = tpu.memref_slice %arg12[%dma_start3A_43, %dma_start3A_44] : memref<80x128xf32, #tpu.memory_space<vmem>> -> memref<80x128xf32, #tpu.memory_space<vmem>>
    tpu.enqueue_dma source(%dma_start3A_45 : memref<80x128xf32, #tpu.memory_space<vmem>>) target(%dma_start3A_42 : memref<80x128xf32, #tpu.memory_space<vmem_shared>>) target_semaphore(%arg26 : memref<!tpu.dma_semaphore, #tpu.memory_space<semaphore_mem>>)
    %add3A_46 = arith.constant 240 : i32
    %add3A_47 = arith.addi %mul3A_2, %add3A_46 : i32
    %dma_start3A_48 = arith.constant 0 : i32
    %dma_start3A_49 = arith.constant 0 : i32
    %dma_start3A_50 = tpu.memref_slice %arg12[%dma_start3A_48, %dma_start3A_49] : memref<80x128xf32, #tpu.memory_space<vmem>> -> memref<80x128xf32, #tpu.memory_space<vmem>>
    %dma_start3A_51 = arith.constant 0 : i32
    %dma_start3A_52 = tpu.memref_slice %arg13[%add3A_47, %dma_start3A_51] : memref<10240x128xf32, #tpu.memory_space<vmem_shared>> -> memref<80x128xf32, #tpu.memory_space<vmem_shared>>
    %dma_start3A_53 = arith.constant 0 : i32
    %dma_start3A_54 = tpu.memref_slice %arg13[%add3A_47, %dma_start3A_53] : memref<10240x128xf32, #tpu.memory_space<vmem_shared>> -> memref<80x128xf32, #tpu.memory_space<vmem_shared>>
    %dma_start3A_55 = arith.constant 0 : i32
    %dma_start3A_56 = arith.constant 0 : i32
    %dma_start3A_57 = tpu.memref_slice %arg12[%dma_start3A_55, %dma_start3A_56] : memref<80x128xf32, #tpu.memory_space<vmem>> -> memref<80x128xf32, #tpu.memory_space<vmem>>
    tpu.enqueue_dma source(%dma_start3A_57 : memref<80x128xf32, #tpu.memory_space<vmem>>) target(%dma_start3A_54 : memref<80x128xf32, #tpu.memory_space<vmem_shared>>) target_semaphore(%arg26 : memref<!tpu.dma_semaphore, #tpu.memory_space<semaphore_mem>>)
    %add3A_58 = arith.constant 320 : i32
    %add3A_59 = arith.addi %mul3A_2, %add3A_58 : i32
    %dma_start3A_60 = arith.constant 0 : i32
    %dma_start3A_61 = arith.constant 0 : i32
    %dma_start3A_62 = tpu.memref_slice %arg12[%dma_start3A_60, %dma_start3A_61] : memref<80x128xf32, #tpu.memory_space<vmem>> -> memref<80x128xf32, #tpu.memory_space<vmem>>
    %dma_start3A_63 = arith.constant 0 : i32
    %dma_start3A_64 = tpu.memref_slice %arg13[%add3A_59, %dma_start3A_63] : memref<10240x128xf32, #tpu.memory_space<vmem_shared>> -> memref<80x128xf32, #tpu.memory_space<vmem_shared>>
    %dma_start3A_65 = arith.constant 0 : i32
    %dma_start3A_66 = tpu.memref_slice %arg13[%add3A_59, %dma_start3A_65] : memref<10240x128xf32, #tpu.memory_space<vmem_shared>> -> memref<80x128xf32, #tpu.memory_space<vmem_shared>>
    %dma_start3A_67 = arith.constant 0 : i32
    %dma_start3A_68 = arith.constant 0 : i32
    %dma_start3A_69 = tpu.memref_slice %arg12[%dma_start3A_67, %dma_start3A_68] : memref<80x128xf32, #tpu.memory_space<vmem>> -> memref<80x128xf32, #tpu.memory_space<vmem>>
    tpu.enqueue_dma source(%dma_start3A_69 : memref<80x128xf32, #tpu.memory_space<vmem>>) target(%dma_start3A_66 : memref<80x128xf32, #tpu.memory_space<vmem_shared>>) target_semaphore(%arg26 : memref<!tpu.dma_semaphore, #tpu.memory_space<semaphore_mem>>)
    %add3A_70 = arith.constant 400 : i32
    %add3A_71 = arith.addi %mul3A_2, %add3A_70 : i32
    %dma_start3A_72 = arith.constant 0 : i32
    %dma_start3A_73 = arith.constant 0 : i32
    %dma_start3A_74 = tpu.memref_slice %arg12[%dma_start3A_72, %dma_start3A_73] : memref<80x128xf32, #tpu.memory_space<vmem>> -> memref<80x128xf32, #tpu.memory_space<vmem>>
    %dma_start3A_75 = arith.constant 0 : i32
    %dma_start3A_76 = tpu.memref_slice %arg13[%add3A_71, %dma_start3A_75] : memref<10240x128xf32, #tpu.memory_space<vmem_shared>> -> memref<80x128xf32, #tpu.memory_space<vmem_shared>>
    %dma_start3A_77 = arith.constant 0 : i32
    %dma_start3A_78 = tpu.memref_slice %arg13[%add3A_71, %dma_start3A_77] : memref<10240x128xf32, #tpu.memory_space<vmem_shared>> -> memref<80x128xf32, #tpu.memory_space<vmem_shared>>
    %dma_start3A_79 = arith.constant 0 : i32
    %dma_start3A_80 = arith.constant 0 : i32
    %dma_start3A_81 = tpu.memref_slice %arg12[%dma_start3A_79, %dma_start3A_80] : memref<80x128xf32, #tpu.memory_space<vmem>> -> memref<80x128xf32, #tpu.memory_space<vmem>>
    tpu.enqueue_dma source(%dma_start3A_81 : memref<80x128xf32, #tpu.memory_space<vmem>>) target(%dma_start3A_78 : memref<80x128xf32, #tpu.memory_space<vmem_shared>>) target_semaphore(%arg26 : memref<!tpu.dma_semaphore, #tpu.memory_space<semaphore_mem>>)
    %add3A_82 = arith.constant 480 : i32
    %add3A_83 = arith.addi %mul3A_2, %add3A_82 : i32
    %dma_start3A_84 = arith.constant 0 : i32
    %dma_start3A_85 = arith.constant 0 : i32
    %dma_start3A_86 = tpu.memref_slice %arg12[%dma_start3A_84, %dma_start3A_85] : memref<80x128xf32, #tpu.memory_space<vmem>> -> memref<80x128xf32, #tpu.memory_space<vmem>>
    %dma_start3A_87 = arith.constant 0 : i32
    %dma_start3A_88 = tpu.memref_slice %arg13[%add3A_83, %dma_start3A_87] : memref<10240x128xf32, #tpu.memory_space<vmem_shared>> -> memref<80x128xf32, #tpu.memory_space<vmem_shared>>
    %dma_start3A_89 = arith.constant 0 : i32
    %dma_start3A_90 = tpu.memref_slice %arg13[%add3A_83, %dma_start3A_89] : memref<10240x128xf32, #tpu.memory_space<vmem_shared>> -> memref<80x128xf32, #tpu.memory_space<vmem_shared>>
    %dma_start3A_91 = arith.constant 0 : i32
    %dma_start3A_92 = arith.constant 0 : i32
    %dma_start3A_93 = tpu.memref_slice %arg12[%dma_start3A_91, %dma_start3A_92] : memref<80x128xf32, #tpu.memory_space<vmem>> -> memref<80x128xf32, #tpu.memory_space<vmem>>
    tpu.enqueue_dma source(%dma_start3A_93 : memref<80x128xf32, #tpu.memory_space<vmem>>) target(%dma_start3A_90 : memref<80x128xf32, #tpu.memory_space<vmem_shared>>) target_semaphore(%arg26 : memref<!tpu.dma_semaphore, #tpu.memory_space<semaphore_mem>>)
    %add3A_94 = arith.constant 560 : i32
    %add3A_95 = arith.addi %mul3A_2, %add3A_94 : i32
    %dma_start3A_96 = arith.constant 0 : i32
    %dma_start3A_97 = arith.constant 0 : i32
    %dma_start3A_98 = tpu.memref_slice %arg12[%dma_start3A_96, %dma_start3A_97] : memref<80x128xf32, #tpu.memory_space<vmem>> -> memref<80x128xf32, #tpu.memory_space<vmem>>
    %dma_start3A_99 = arith.constant 0 : i32
    %dma_start3A_100 = tpu.memref_slice %arg13[%add3A_95, %dma_start3A_99] : memref<10240x128xf32, #tpu.memory_space<vmem_shared>> -> memref<80x128xf32, #tpu.memory_space<vmem_shared>>
    %dma_start3A_101 = arith.constant 0 : i32
    %dma_start3A_102 = tpu.memref_slice %arg13[%add3A_95, %dma_start3A_101] : memref<10240x128xf32, #tpu.memory_space<vmem_shared>> -> memref<80x128xf32, #tpu.memory_space<vmem_shared>>
    %dma_start3A_103 = arith.constant 0 : i32
    %dma_start3A_104 = arith.constant 0 : i32
    %dma_start3A_105 = tpu.memref_slice %arg12[%dma_start3A_103, %dma_start3A_104] : memref<80x128xf32, #tpu.memory_space<vmem>> -> memref<80x128xf32, #tpu.memory_space<vmem>>
    tpu.enqueue_dma source(%dma_start3A_105 : memref<80x128xf32, #tpu.memory_space<vmem>>) target(%dma_start3A_102 : memref<80x128xf32, #tpu.memory_space<vmem_shared>>) target_semaphore(%arg26 : memref<!tpu.dma_semaphore, #tpu.memory_space<semaphore_mem>>)
    %add3A_106 = arith.constant 0 : i32
    %add3A_107 = arith.addi %mul3A_0, %add3A_106 : i32
    %mul3A_108 = arith.constant 2 : i32
    %mul3A_109 = arith.muli %add3A_107, %mul3A_108 : i32
    %add3A_110 = arith.addi %mul3A_109, %arg0 : i32
    %mul3A_111 = arith.constant 2 : i32
    %mul3A_112 = vector.broadcast %mul3A_111 : i32 to vector<16xi32>
    %mul3A_113 = arith.muli %iota3A, %mul3A_112 : vector<16xi32>
    %add3A_114 = arith.constant 0 : i32
    %add3A_115 = arith.addi %add3A_110, %add3A_114 : i32
    %add3A_116 = vector.broadcast %add3A_115 : i32 to vector<16xi32>
    %add3A_117 = arith.addi %mul3A_113, %add3A_116 : vector<16xi32>
    %swap3A = arith.constant 0 : i32
    %swap3A_118 = arith.index_cast %swap3A : i32 to index
    %swap3A_119 = arith.constant 0 : index
    %swap3A_120 = tpu.vector_load %arg8[%swap3A_118, %swap3A_119] {strides = array<i32>} : memref<3x80xi32, #tpu.memory_space<vmem>>, vector<1x16xi32>,
    %swap3A_121 = vector.shape_cast %swap3A_120 : vector<1x16xi32> to vector<16xi32>
    %swap3A_122 = vector.shape_cast %add3A_117 : vector<16xi32> to vector<1x16xi32>
    tpu.vector_store %arg8[%swap3A_118, %swap3A_119], %swap3A_122 {strides = array<i32>} : memref<3x80xi32, #tpu.memory_space<vmem>>, vector<1x16xi32>,
    %mul3A_123 = arith.constant 2 : i32
    %mul3A_124 = vector.broadcast %mul3A_123 : i32 to vector<16xi32>
    %mul3A_125 = arith.muli %iota3A, %mul3A_124 : vector<16xi32>
    %add3A_126 = arith.constant 32 : i32
    %add3A_127 = arith.addi %add3A_110, %add3A_126 : i32
    %add3A_128 = vector.broadcast %add3A_127 : i32 to vector<16xi32>
    %add3A_129 = arith.addi %mul3A_125, %add3A_128 : vector<16xi32>
    %swap3A_130 = arith.constant 0 : i32
    %swap3A_131 = arith.index_cast %swap3A_130 : i32 to index
    %swap3A_132 = arith.constant 16 : index
    %swap3A_133 = tpu.vector_load %arg8[%swap3A_131, %swap3A_132] {strides = array<i32>} : memref<3x80xi32, #tpu.memory_space<vmem>>, vector<1x16xi32>,
    %swap3A_134 = vector.shape_cast %swap3A_133 : vector<1x16xi32> to vector<16xi32>
    %swap3A_135 = vector.shape_cast %add3A_129 : vector<16xi32> to vector<1x16xi32>
    tpu.vector_store %arg8[%swap3A_131, %swap3A_132], %swap3A_135 {strides = array<i32>} : memref<3x80xi32, #tpu.memory_space<vmem>>, vector<1x16xi32>,
    %mul3A_136 = arith.constant 2 : i32
    %mul3A_137 = vector.broadcast %mul3A_136 : i32 to vector<16xi32>
    %mul3A_138 = arith.muli %iota3A, %mul3A_137 : vector<16xi32>
    %add3A_139 = arith.constant 64 : i32
    %add3A_140 = arith.addi %add3A_110, %add3A_139 : i32
    %add3A_141 = vector.broadcast %add3A_140 : i32 to vector<16xi32>
    %add3A_142 = arith.addi %mul3A_138, %add3A_141 : vector<16xi32>
    %swap3A_143 = arith.constant 0 : i32
    %swap3A_144 = arith.index_cast %swap3A_143 : i32 to index
    %swap3A_145 = arith.constant 32 : index
    %swap3A_146 = tpu.vector_load %arg8[%swap3A_144, %swap3A_145] {strides = array<i32>} : memref<3x80xi32, #tpu.memory_space<vmem>>, vector<1x16xi32>,
    %swap3A_147 = vector.shape_cast %swap3A_146 : vector<1x16xi32> to vector<16xi32>
    %swap3A_148 = vector.shape_cast %add3A_142 : vector<16xi32> to vector<1x16xi32>
    tpu.vector_store %arg8[%swap3A_144, %swap3A_145], %swap3A_148 {strides = array<i32>} : memref<3x80xi32, #tpu.memory_space<vmem>>, vector<1x16xi32>,
    %mul3A_149 = arith.constant 2 : i32
    %mul3A_150 = vector.broadcast %mul3A_149 : i32 to vector<16xi32>
    %mul3A_151 = arith.muli %iota3A, %mul3A_150 : vector<16xi32>
    %add3A_152 = arith.constant 96 : i32
    %add3A_153 = arith.addi %add3A_110, %add3A_152 : i32
    %add3A_154 = vector.broadcast %add3A_153 : i32 to vector<16xi32>
    %add3A_155 = arith.addi %mul3A_151, %add3A_154 : vector<16xi32>
    %swap3A_156 = arith.constant 0 : i32
    %swap3A_157 = arith.index_cast %swap3A_156 : i32 to index
    %swap3A_158 = arith.constant 48 : index
    %swap3A_159 = tpu.vector_load %arg8[%swap3A_157, %swap3A_158] {strides = array<i32>} : memref<3x80xi32, #tpu.memory_space<vmem>>, vector<1x16xi32>,
    %swap3A_160 = vector.shape_cast %swap3A_159 : vector<1x16xi32> to vector<16xi32>
    %swap3A_161 = vector.shape_cast %add3A_155 : vector<16xi32> to vector<1x16xi32>
    tpu.vector_store %arg8[%swap3A_157, %swap3A_158], %swap3A_161 {strides = array<i32>} : memref<3x80xi32, #tpu.memory_space<vmem>>, vector<1x16xi32>,
    %mul3A_162 = arith.constant 2 : i32
    %mul3A_163 = vector.broadcast %mul3A_162 : i32 to vector<16xi32>
    %mul3A_164 = arith.muli %iota3A, %mul3A_163 : vector<16xi32>
    %add3A_165 = arith.constant 128 : i32
    %add3A_166 = arith.addi %add3A_110, %add3A_165 : i32
    %add3A_167 = vector.broadcast %add3A_166 : i32 to vector<16xi32>
    %add3A_168 = arith.addi %mul3A_164, %add3A_167 : vector<16xi32>
    %swap3A_169 = arith.constant 0 : i32
    %swap3A_170 = arith.index_cast %swap3A_169 : i32 to index
    %swap3A_171 = arith.constant 64 : index
    %swap3A_172 = tpu.vector_load %arg8[%swap3A_170, %swap3A_171] {strides = array<i32>} : memref<3x80xi32, #tpu.memory_space<vmem>>, vector<1x16xi32>,
    %swap3A_173 = vector.shape_cast %swap3A_172 : vector<1x16xi32> to vector<16xi32>
    %swap3A_174 = vector.shape_cast %add3A_168 : vector<16xi32> to vector<1x16xi32>
    tpu.vector_store %arg8[%swap3A_170, %swap3A_171], %swap3A_174 {strides = array<i32>} : memref<3x80xi32, #tpu.memory_space<vmem>>, vector<1x16xi32>,
    %dma_start3A_175 = arith.constant 0 : i32
    %dma_start3A_176 = arith.constant 0 : i32
    %dma_start3A_177 = tpu.memref_slice %arg8[%dma_start3A_175, %dma_start3A_176] : memref<3x80xi32, #tpu.memory_space<vmem>> -> memref<1x80xi32, #tpu.memory_space<vmem>>
    %dma_start3A_178 = tpu.memref_squeeze %dma_start3A_177 : memref<1x80xi32, #tpu.memory_space<vmem>> -> memref<80xi32, #tpu.memory_space<vmem>>
    %dma_start3A_179 = arith.constant 0 : i32
    %dma_start3A_180 = arith.constant 0 : i32
    %dma_start3A_181 = tpu.memref_slice %arg5[%dma_start3A_179, %dma_start3A_180] : memref<320000x128xf32, #tpu.memory_space<hbm>> -> memref<320000x128xf32, #tpu.memory_space<hbm>>
    tpu.enqueue_indirect_dma source(%dma_start3A_181 : memref<320000x128xf32, #tpu.memory_space<hbm>>) target(%arg10 : memref<80x128xf32, #tpu.memory_space<vmem>>) offsets(%dma_start3A_178 : memref<80xi32, #tpu.memory_space<vmem>>) semaphore(%arg17 : memref<!tpu.dma_semaphore, #tpu.memory_space<semaphore_mem>>)
    %add3A_182 = arith.constant 0 : i32
    %add3A_183 = arith.addi %mul3A_0, %add3A_182 : i32
    %dma_start3A_184 = arith.constant 0 : i32
    %dma_start3A_185 = arith.constant 0 : i32
    %dma_start3A_186 = tpu.memref_slice %arg9[%dma_start3A_184, %dma_start3A_185] : memref<3x80xi32, #tpu.memory_space<vmem>> -> memref<1x80xi32, #tpu.memory_space<vmem>>
    %dma_start3A_187 = tpu.memref_squeeze %dma_start3A_186 : memref<1x80xi32, #tpu.memory_space<vmem>> -> memref<80xi32, #tpu.memory_space<vmem>>
    %dma_start3A_188 = tpu.memref_slice %arg3[%add3A_183] : memref<160000xi32, #tpu.memory_space<hbm>> -> memref<80xi32, #tpu.memory_space<hbm>>
    %dma_start3A_189 = arith.constant 0 : i32
    %dma_start3A_190 = tpu.memref_slice %arg9[%dma_start3A_184, %dma_start3A_189] : memref<3x80xi32, #tpu.memory_space<vmem>> -> memref<1x80xi32, #tpu.memory_space<vmem>>
    %dma_start3A_191 = tpu.memref_squeeze %dma_start3A_190 : memref<1x80xi32, #tpu.memory_space<vmem>> -> memref<80xi32, #tpu.memory_space<vmem>>
    %dma_start3A_192 = tpu.memref_slice %arg3[%add3A_183] : memref<160000xi32, #tpu.memory_space<hbm>> -> memref<80xi32, #tpu.memory_space<hbm>>
    tpu.enqueue_dma source(%dma_start3A_192 : memref<80xi32, #tpu.memory_space<hbm>>) target(%dma_start3A_191 : memref<80xi32, #tpu.memory_space<vmem>>) target_semaphore(%arg20 : memref<!tpu.dma_semaphore, #tpu.memory_space<semaphore_mem>>)
    %add3A_193 = arith.constant 80 : i32
    %add3A_194 = arith.addi %mul3A_0, %add3A_193 : i32
    %mul3A_195 = arith.constant 2 : i32
    %mul3A_196 = arith.muli %add3A_194, %mul3A_195 : i32
    %add3A_197 = arith.addi %mul3A_196, %arg0 : i32
    %mul3A_198 = arith.constant 2 : i32
    %mul3A_199 = vector.broadcast %mul3A_198 : i32 to vector<16xi32>
    %mul3A_200 = arith.muli %iota3A, %mul3A_199 : vector<16xi32>
    %add3A_201 = arith.constant 0 : i32
    %add3A_202 = arith.addi %add3A_197, %add3A_201 : i32
    %add3A_203 = vector.broadcast %add3A_202 : i32 to vector<16xi32>
    %add3A_204 = arith.addi %mul3A_200, %add3A_203 : vector<16xi32>
    %swap3A_205 = arith.constant 1 : i32
    %swap3A_206 = arith.index_cast %swap3A_205 : i32 to index
    %swap3A_207 = arith.constant 0 : index
    %swap3A_208 = tpu.vector_load %arg8[%swap3A_206, %swap3A_207] {strides = array<i32>} : memref<3x80xi32, #tpu.memory_space<vmem>>, vector<1x16xi32>,
    %swap3A_209 = vector.shape_cast %swap3A_208 : vector<1x16xi32> to vector<16xi32>
    %swap3A_210 = vector.shape_cast %add3A_204 : vector<16xi32> to vector<1x16xi32>
    tpu.vector_store %arg8[%swap3A_206, %swap3A_207], %swap3A_210 {strides = array<i32>} : memref<3x80xi32, #tpu.memory_space<vmem>>, vector<1x16xi32>,
    %mul3A_211 = arith.constant 2 : i32
    %mul3A_212 = vector.broadcast %mul3A_211 : i32 to vector<16xi32>
    %mul3A_213 = arith.muli %iota3A, %mul3A_212 : vector<16xi32>
    %add3A_214 = arith.constant 32 : i32
    %add3A_215 = arith.addi %add3A_197, %add3A_214 : i32
    %add3A_216 = vector.broadcast %add3A_215 : i32 to vector<16xi32>
    %add3A_217 = arith.addi %mul3A_213, %add3A_216 : vector<16xi32>
    %swap3A_218 = arith.constant 1 : i32
    %swap3A_219 = arith.index_cast %swap3A_218 : i32 to index
    %swap3A_220 = arith.constant 16 : index
    %swap3A_221 = tpu.vector_load %arg8[%swap3A_219, %swap3A_220] {strides = array<i32>} : memref<3x80xi32, #tpu.memory_space<vmem>>, vector<1x16xi32>,
    %swap3A_222 = vector.shape_cast %swap3A_221 : vector<1x16xi32> to vector<16xi32>
    %swap3A_223 = vector.shape_cast %add3A_217 : vector<16xi32> to vector<1x16xi32>
    tpu.vector_store %arg8[%swap3A_219, %swap3A_220], %swap3A_223 {strides = array<i32>} : memref<3x80xi32, #tpu.memory_space<vmem>>, vector<1x16xi32>,
    %mul3A_224 = arith.constant 2 : i32
    %mul3A_225 = vector.broadcast %mul3A_224 : i32 to vector<16xi32>
    %mul3A_226 = arith.muli %iota3A, %mul3A_225 : vector<16xi32>
    %add3A_227 = arith.constant 64 : i32
    %add3A_228 = arith.addi %add3A_197, %add3A_227 : i32
    %add3A_229 = vector.broadcast %add3A_228 : i32 to vector<16xi32>
    %add3A_230 = arith.addi %mul3A_226, %add3A_229 : vector<16xi32>
    %swap3A_231 = arith.constant 1 : i32
    %swap3A_232 = arith.index_cast %swap3A_231 : i32 to index
    %swap3A_233 = arith.constant 32 : index
    %swap3A_234 = tpu.vector_load %arg8[%swap3A_232, %swap3A_233] {strides = array<i32>} : memref<3x80xi32, #tpu.memory_space<vmem>>, vector<1x16xi32>,
    %swap3A_235 = vector.shape_cast %swap3A_234 : vector<1x16xi32> to vector<16xi32>
    %swap3A_236 = vector.shape_cast %add3A_230 : vector<16xi32> to vector<1x16xi32>
    tpu.vector_store %arg8[%swap3A_232, %swap3A_233], %swap3A_236 {strides = array<i32>} : memref<3x80xi32, #tpu.memory_space<vmem>>, vector<1x16xi32>,
    %mul3A_237 = arith.constant 2 : i32
    %mul3A_238 = vector.broadcast %mul3A_237 : i32 to vector<16xi32>
    %mul3A_239 = arith.muli %iota3A, %mul3A_238 : vector<16xi32>
    %add3A_240 = arith.constant 96 : i32
    %add3A_241 = arith.addi %add3A_197, %add3A_240 : i32
    %add3A_242 = vector.broadcast %add3A_241 : i32 to vector<16xi32>
    %add3A_243 = arith.addi %mul3A_239, %add3A_242 : vector<16xi32>
    %swap3A_244 = arith.constant 1 : i32
    %swap3A_245 = arith.index_cast %swap3A_244 : i32 to index
    %swap3A_246 = arith.constant 48 : index
    %swap3A_247 = tpu.vector_load %arg8[%swap3A_245, %swap3A_246] {strides = array<i32>} : memref<3x80xi32, #tpu.memory_space<vmem>>, vector<1x16xi32>,
    %swap3A_248 = vector.shape_cast %swap3A_247 : vector<1x16xi32> to vector<16xi32>
    %swap3A_249 = vector.shape_cast %add3A_243 : vector<16xi32> to vector<1x16xi32>
    tpu.vector_store %arg8[%swap3A_245, %swap3A_246], %swap3A_249 {strides = array<i32>} : memref<3x80xi32, #tpu.memory_space<vmem>>, vector<1x16xi32>,
    %mul3A_250 = arith.constant 2 : i32
    %mul3A_251 = vector.broadcast %mul3A_250 : i32 to vector<16xi32>
    %mul3A_252 = arith.muli %iota3A, %mul3A_251 : vector<16xi32>
    %add3A_253 = arith.constant 128 : i32
    %add3A_254 = arith.addi %add3A_197, %add3A_253 : i32
    %add3A_255 = vector.broadcast %add3A_254 : i32 to vector<16xi32>
    %add3A_256 = arith.addi %mul3A_252, %add3A_255 : vector<16xi32>
    %swap3A_257 = arith.constant 1 : i32
    %swap3A_258 = arith.index_cast %swap3A_257 : i32 to index
    %swap3A_259 = arith.constant 64 : index
    %swap3A_260 = tpu.vector_load %arg8[%swap3A_258, %swap3A_259] {strides = array<i32>} : memref<3x80xi32, #tpu.memory_space<vmem>>, vector<1x16xi32>,
    %swap3A_261 = vector.shape_cast %swap3A_260 : vector<1x16xi32> to vector<16xi32>
    %swap3A_262 = vector.shape_cast %add3A_256 : vector<16xi32> to vector<1x16xi32>
    tpu.vector_store %arg8[%swap3A_258, %swap3A_259], %swap3A_262 {strides = array<i32>} : memref<3x80xi32, #tpu.memory_space<vmem>>, vector<1x16xi32>,
    %dma_start3A_263 = arith.constant 1 : i32
    %dma_start3A_264 = arith.constant 0 : i32
    %dma_start3A_265 = tpu.memref_slice %arg8[%dma_start3A_263, %dma_start3A_264] : memref<3x80xi32, #tpu.memory_space<vmem>> -> memref<1x80xi32, #tpu.memory_space<vmem>>
    %dma_start3A_266 = tpu.memref_squeeze %dma_start3A_265 : memref<1x80xi32, #tpu.memory_space<vmem>> -> memref<80xi32, #tpu.memory_space<vmem>>
    %dma_start3A_267 = arith.constant 0 : i32
    %dma_start3A_268 = arith.constant 0 : i32
    %dma_start3A_269 = tpu.memref_slice %arg5[%dma_start3A_267, %dma_start3A_268] : memref<320000x128xf32, #tpu.memory_space<hbm>> -> memref<320000x128xf32, #tpu.memory_space<hbm>>
    tpu.enqueue_indirect_dma source(%dma_start3A_269 : memref<320000x128xf32, #tpu.memory_space<hbm>>) target(%arg11 : memref<80x128xf32, #tpu.memory_space<vmem>>) offsets(%dma_start3A_266 : memref<80xi32, #tpu.memory_space<vmem>>) semaphore(%arg18 : memref<!tpu.dma_semaphore, #tpu.memory_space<semaphore_mem>>)
    %add3A_270 = arith.constant 80 : i32
    %add3A_271 = arith.addi %mul3A_0, %add3A_270 : i32
    %dma_start3A_272 = arith.constant 1 : i32
    %dma_start3A_273 = arith.constant 0 : i32
    %dma_start3A_274 = tpu.memref_slice %arg9[%dma_start3A_272, %dma_start3A_273] : memref<3x80xi32, #tpu.memory_space<vmem>> -> memref<1x80xi32, #tpu.memory_space<vmem>>
    %dma_start3A_275 = tpu.memref_squeeze %dma_start3A_274 : memref<1x80xi32, #tpu.memory_space<vmem>> -> memref<80xi32, #tpu.memory_space<vmem>>
    %dma_start3A_276 = tpu.memref_slice %arg3[%add3A_271] : memref<160000xi32, #tpu.memory_space<hbm>> -> memref<80xi32, #tpu.memory_space<hbm>>
    %dma_start3A_277 = arith.constant 0 : i32
    %dma_start3A_278 = tpu.memref_slice %arg9[%dma_start3A_272, %dma_start3A_277] : memref<3x80xi32, #tpu.memory_space<vmem>> -> memref<1x80xi32, #tpu.memory_space<vmem>>
    %dma_start3A_279 = tpu.memref_squeeze %dma_start3A_278 : memref<1x80xi32, #tpu.memory_space<vmem>> -> memref<80xi32, #tpu.memory_space<vmem>>
    %dma_start3A_280 = tpu.memref_slice %arg3[%add3A_271] : memref<160000xi32, #tpu.memory_space<hbm>> -> memref<80xi32, #tpu.memory_space<hbm>>
    tpu.enqueue_dma source(%dma_start3A_280 : memref<80xi32, #tpu.memory_space<hbm>>) target(%dma_start3A_279 : memref<80xi32, #tpu.memory_space<vmem>>) target_semaphore(%arg21 : memref<!tpu.dma_semaphore, #tpu.memory_space<semaphore_mem>>)
    %dma_wait3A_281 = arith.constant 0 : i32
    %dma_wait3A_282 = arith.constant 0 : i32
    %dma_wait3A_283 = tpu.memref_slice %arg8[%dma_wait3A_281, %dma_wait3A_282] : memref<3x80xi32, #tpu.memory_space<vmem>> -> memref<1x80xi32, #tpu.memory_space<vmem>>
    %dma_wait3A_284 = tpu.memref_squeeze %dma_wait3A_283 : memref<1x80xi32, #tpu.memory_space<vmem>> -> memref<80xi32, #tpu.memory_space<vmem>>
    %dma_wait3A_285 = arith.constant 0 : i32
    %dma_wait3A_286 = arith.constant 0 : i32
    %dma_wait3A_287 = tpu.memref_slice %arg5[%dma_wait3A_285, %dma_wait3A_286] : memref<320000x128xf32, #tpu.memory_space<hbm>> -> memref<320000x128xf32, #tpu.memory_space<hbm>>
    tpu.wait_indirect_dma semaphore(%arg17 : memref<!tpu.dma_semaphore, #tpu.memory_space<semaphore_mem>>) src(%dma_wait3A_287 : memref<320000x128xf32, #tpu.memory_space<hbm>>) dst(%arg10 : memref<80x128xf32, #tpu.memory_space<vmem>>)
    %dma_start3A_288 = arith.constant 0 : i32
    %dma_start3A_289 = tpu.memref_slice %arg7[%dma_start3A_288] : memref<10000xi32, #tpu.memory_space<vmem>> -> memref<80xi32, #tpu.memory_space<vmem>>
    %dma_start3A_290 = arith.constant 0 : i32
    %dma_start3A_291 = arith.constant 0 : i32
    %dma_start3A_292 = tpu.memref_slice %arg4[%dma_start3A_290, %dma_start3A_291] : memref<20000x128xf32, #tpu.memory_space<hbm>> -> memref<20000x128xf32, #tpu.memory_space<hbm>>
    tpu.enqueue_indirect_dma source(%dma_start3A_292 : memref<20000x128xf32, #tpu.memory_space<hbm>>) target(%arg10 : memref<80x128xf32, #tpu.memory_space<vmem>>) offsets(%dma_start3A_289 : memref<80xi32, #tpu.memory_space<vmem>>) semaphore(%arg14 : memref<!tpu.dma_semaphore, #tpu.memory_space<semaphore_mem>>) {add = true}
    %add3A_293 = arith.constant 0 : i32
    %add3A_294 = arith.addi %mul3A_2, %add3A_293 : i32
    %dma_wait3A_295 = arith.constant 0 : i32
    %dma_wait3A_296 = arith.constant 0 : i32
    %dma_wait3A_297 = tpu.memref_slice %arg12[%dma_wait3A_295, %dma_wait3A_296] : memref<80x128xf32, #tpu.memory_space<vmem>> -> memref<80x128xf32, #tpu.memory_space<vmem>>
    %dma_wait3A_298 = arith.constant 0 : i32
    %dma_wait3A_299 = tpu.memref_slice %arg13[%add3A_294, %dma_wait3A_298] : memref<10240x128xf32, #tpu.memory_space<vmem_shared>> -> memref<80x128xf32, #tpu.memory_space<vmem_shared>>
    %dma_wait3A_300 = arith.constant 0 : i32
    %dma_wait3A_301 = tpu.memref_slice %arg13[%add3A_294, %dma_wait3A_300] : memref<10240x128xf32, #tpu.memory_space<vmem_shared>> -> memref<80x128xf32, #tpu.memory_space<vmem_shared>>
    %dma_wait3A_302 = arith.constant 0 : i32
    %dma_wait3A_303 = arith.constant 0 : i32
    %dma_wait3A_304 = tpu.memref_slice %arg12[%dma_wait3A_302, %dma_wait3A_303] : memref<80x128xf32, #tpu.memory_space<vmem>> -> memref<80x128xf32, #tpu.memory_space<vmem>>
    tpu.wait_dma2 semaphore(%arg26 : memref<!tpu.dma_semaphore, #tpu.memory_space<semaphore_mem>>) src(%dma_wait3A_304 : memref<80x128xf32, #tpu.memory_space<vmem>>) dst(%dma_wait3A_301 : memref<80x128xf32, #tpu.memory_space<vmem_shared>>)
    %add3A_305 = arith.constant 80 : i32
    %add3A_306 = arith.addi %mul3A_2, %add3A_305 : i32
    %dma_wait3A_307 = arith.constant 0 : i32
    %dma_wait3A_308 = arith.constant 0 : i32
    %dma_wait3A_309 = tpu.memref_slice %arg12[%dma_wait3A_307, %dma_wait3A_308] : memref<80x128xf32, #tpu.memory_space<vmem>> -> memref<80x128xf32, #tpu.memory_space<vmem>>
    %dma_wait3A_310 = arith.constant 0 : i32
    %dma_wait3A_311 = tpu.memref_slice %arg13[%add3A_306, %dma_wait3A_310] : memref<10240x128xf32, #tpu.memory_space<vmem_shared>> -> memref<80x128xf32, #tpu.memory_space<vmem_shared>>
    %dma_wait3A_312 = arith.constant 0 : i32
    %dma_wait3A_313 = tpu.memref_slice %arg13[%add3A_306, %dma_wait3A_312] : memref<10240x128xf32, #tpu.memory_space<vmem_shared>> -> memref<80x128xf32, #tpu.memory_space<vmem_shared>>
    %dma_wait3A_314 = arith.constant 0 : i32
    %dma_wait3A_315 = arith.constant 0 : i32
    %dma_wait3A_316 = tpu.memref_slice %arg12[%dma_wait3A_314, %dma_wait3A_315] : memref<80x128xf32, #tpu.memory_space<vmem>> -> memref<80x128xf32, #tpu.memory_space<vmem>>
    tpu.wait_dma2 semaphore(%arg26 : memref<!tpu.dma_semaphore, #tpu.memory_space<semaphore_mem>>) src(%dma_wait3A_316 : memref<80x128xf32, #tpu.memory_space<vmem>>) dst(%dma_wait3A_313 : memref<80x128xf32, #tpu.memory_space<vmem_shared>>)
    %add3A_317 = arith.constant 160 : i32
    %add3A_318 = arith.addi %mul3A_2, %add3A_317 : i32
    %dma_wait3A_319 = arith.constant 0 : i32
    %dma_wait3A_320 = arith.constant 0 : i32
    %dma_wait3A_321 = tpu.memref_slice %arg12[%dma_wait3A_319, %dma_wait3A_320] : memref<80x128xf32, #tpu.memory_space<vmem>> -> memref<80x128xf32, #tpu.memory_space<vmem>>
    %dma_wait3A_322 = arith.constant 0 : i32
    %dma_wait3A_323 = tpu.memref_slice %arg13[%add3A_318, %dma_wait3A_322] : memref<10240x128xf32, #tpu.memory_space<vmem_shared>> -> memref<80x128xf32, #tpu.memory_space<vmem_shared>>
    %dma_wait3A_324 = arith.constant 0 : i32
    %dma_wait3A_325 = tpu.memref_slice %arg13[%add3A_318, %dma_wait3A_324] : memref<10240x128xf32, #tpu.memory_space<vmem_shared>> -> memref<80x128xf32, #tpu.memory_space<vmem_shared>>
    %dma_wait3A_326 = arith.constant 0 : i32
    %dma_wait3A_327 = arith.constant 0 : i32
    %dma_wait3A_328 = tpu.memref_slice %arg12[%dma_wait3A_326, %dma_wait3A_327] : memref<80x128xf32, #tpu.memory_space<vmem>> -> memref<80x128xf32, #tpu.memory_space<vmem>>
    tpu.wait_dma2 semaphore(%arg26 : memref<!tpu.dma_semaphore, #tpu.memory_space<semaphore_mem>>) src(%dma_wait3A_328 : memref<80x128xf32, #tpu.memory_space<vmem>>) dst(%dma_wait3A_325 : memref<80x128xf32, #tpu.memory_space<vmem_shared>>)
    %add3A_329 = arith.constant 240 : i32
    %add3A_330 = arith.addi %mul3A_2, %add3A_329 : i32
    %dma_wait3A_331 = arith.constant 0 : i32
    %dma_wait3A_332 = arith.constant 0 : i32
    %dma_wait3A_333 = tpu.memref_slice %arg12[%dma_wait3A_331, %dma_wait3A_332] : memref<80x128xf32, #tpu.memory_space<vmem>> -> memref<80x128xf32, #tpu.memory_space<vmem>>
    %dma_wait3A_334 = arith.constant 0 : i32
    %dma_wait3A_335 = tpu.memref_slice %arg13[%add3A_330, %dma_wait3A_334] : memref<10240x128xf32, #tpu.memory_space<vmem_shared>> -> memref<80x128xf32, #tpu.memory_space<vmem_shared>>
    %dma_wait3A_336 = arith.constant 0 : i32
    %dma_wait3A_337 = tpu.memref_slice %arg13[%add3A_330, %dma_wait3A_336] : memref<10240x128xf32, #tpu.memory_space<vmem_shared>> -> memref<80x128xf32, #tpu.memory_space<vmem_shared>>
    %dma_wait3A_338 = arith.constant 0 : i32
    %dma_wait3A_339 = arith.constant 0 : i32
    %dma_wait3A_340 = tpu.memref_slice %arg12[%dma_wait3A_338, %dma_wait3A_339] : memref<80x128xf32, #tpu.memory_space<vmem>> -> memref<80x128xf32, #tpu.memory_space<vmem>>
    tpu.wait_dma2 semaphore(%arg26 : memref<!tpu.dma_semaphore, #tpu.memory_space<semaphore_mem>>) src(%dma_wait3A_340 : memref<80x128xf32, #tpu.memory_space<vmem>>) dst(%dma_wait3A_337 : memref<80x128xf32, #tpu.memory_space<vmem_shared>>)
    %add3A_341 = arith.constant 320 : i32
    %add3A_342 = arith.addi %mul3A_2, %add3A_341 : i32
    %dma_wait3A_343 = arith.constant 0 : i32
    %dma_wait3A_344 = arith.constant 0 : i32
    %dma_wait3A_345 = tpu.memref_slice %arg12[%dma_wait3A_343, %dma_wait3A_344] : memref<80x128xf32, #tpu.memory_space<vmem>> -> memref<80x128xf32, #tpu.memory_space<vmem>>
    %dma_wait3A_346 = arith.constant 0 : i32
    %dma_wait3A_347 = tpu.memref_slice %arg13[%add3A_342, %dma_wait3A_346] : memref<10240x128xf32, #tpu.memory_space<vmem_shared>> -> memref<80x128xf32, #tpu.memory_space<vmem_shared>>
    %dma_wait3A_348 = arith.constant 0 : i32
    %dma_wait3A_349 = tpu.memref_slice %arg13[%add3A_342, %dma_wait3A_348] : memref<10240x128xf32, #tpu.memory_space<vmem_shared>> -> memref<80x128xf32, #tpu.memory_space<vmem_shared>>
    %dma_wait3A_350 = arith.constant 0 : i32
    %dma_wait3A_351 = arith.constant 0 : i32
    %dma_wait3A_352 = tpu.memref_slice %arg12[%dma_wait3A_350, %dma_wait3A_351] : memref<80x128xf32, #tpu.memory_space<vmem>> -> memref<80x128xf32, #tpu.memory_space<vmem>>
    tpu.wait_dma2 semaphore(%arg26 : memref<!tpu.dma_semaphore, #tpu.memory_space<semaphore_mem>>) src(%dma_wait3A_352 : memref<80x128xf32, #tpu.memory_space<vmem>>) dst(%dma_wait3A_349 : memref<80x128xf32, #tpu.memory_space<vmem_shared>>)
    %add3A_353 = arith.constant 400 : i32
    %add3A_354 = arith.addi %mul3A_2, %add3A_353 : i32
    %dma_wait3A_355 = arith.constant 0 : i32
    %dma_wait3A_356 = arith.constant 0 : i32
    %dma_wait3A_357 = tpu.memref_slice %arg12[%dma_wait3A_355, %dma_wait3A_356] : memref<80x128xf32, #tpu.memory_space<vmem>> -> memref<80x128xf32, #tpu.memory_space<vmem>>
    %dma_wait3A_358 = arith.constant 0 : i32
    %dma_wait3A_359 = tpu.memref_slice %arg13[%add3A_354, %dma_wait3A_358] : memref<10240x128xf32, #tpu.memory_space<vmem_shared>> -> memref<80x128xf32, #tpu.memory_space<vmem_shared>>
    %dma_wait3A_360 = arith.constant 0 : i32
    %dma_wait3A_361 = tpu.memref_slice %arg13[%add3A_354, %dma_wait3A_360] : memref<10240x128xf32, #tpu.memory_space<vmem_shared>> -> memref<80x128xf32, #tpu.memory_space<vmem_shared>>
    %dma_wait3A_362 = arith.constant 0 : i32
    %dma_wait3A_363 = arith.constant 0 : i32
    %dma_wait3A_364 = tpu.memref_slice %arg12[%dma_wait3A_362, %dma_wait3A_363] : memref<80x128xf32, #tpu.memory_space<vmem>> -> memref<80x128xf32, #tpu.memory_space<vmem>>
    tpu.wait_dma2 semaphore(%arg26 : memref<!tpu.dma_semaphore, #tpu.memory_space<semaphore_mem>>) src(%dma_wait3A_364 : memref<80x128xf32, #tpu.memory_space<vmem>>) dst(%dma_wait3A_361 : memref<80x128xf32, #tpu.memory_space<vmem_shared>>)
    %add3A_365 = arith.constant 480 : i32
    %add3A_366 = arith.addi %mul3A_2, %add3A_365 : i32
    %dma_wait3A_367 = arith.constant 0 : i32
    %dma_wait3A_368 = arith.constant 0 : i32
    %dma_wait3A_369 = tpu.memref_slice %arg12[%dma_wait3A_367, %dma_wait3A_368] : memref<80x128xf32, #tpu.memory_space<vmem>> -> memref<80x128xf32, #tpu.memory_space<vmem>>
    %dma_wait3A_370 = arith.constant 0 : i32
    %dma_wait3A_371 = tpu.memref_slice %arg13[%add3A_366, %dma_wait3A_370] : memref<10240x128xf32, #tpu.memory_space<vmem_shared>> -> memref<80x128xf32, #tpu.memory_space<vmem_shared>>
    %dma_wait3A_372 = arith.constant 0 : i32
    %dma_wait3A_373 = tpu.memref_slice %arg13[%add3A_366, %dma_wait3A_372] : memref<10240x128xf32, #tpu.memory_space<vmem_shared>> -> memref<80x128xf32, #tpu.memory_space<vmem_shared>>
    %dma_wait3A_374 = arith.constant 0 : i32
    %dma_wait3A_375 = arith.constant 0 : i32
    %dma_wait3A_376 = tpu.memref_slice %arg12[%dma_wait3A_374, %dma_wait3A_375] : memref<80x128xf32, #tpu.memory_space<vmem>> -> memref<80x128xf32, #tpu.memory_space<vmem>>
    tpu.wait_dma2 semaphore(%arg26 : memref<!tpu.dma_semaphore, #tpu.memory_space<semaphore_mem>>) src(%dma_wait3A_376 : memref<80x128xf32, #tpu.memory_space<vmem>>) dst(%dma_wait3A_373 : memref<80x128xf32, #tpu.memory_space<vmem_shared>>)
    %add3A_377 = arith.constant 560 : i32
    %add3A_378 = arith.addi %mul3A_2, %add3A_377 : i32
    %dma_wait3A_379 = arith.constant 0 : i32
    %dma_wait3A_380 = arith.constant 0 : i32
    %dma_wait3A_381 = tpu.memref_slice %arg12[%dma_wait3A_379, %dma_wait3A_380] : memref<80x128xf32, #tpu.memory_space<vmem>> -> memref<80x128xf32, #tpu.memory_space<vmem>>
    %dma_wait3A_382 = arith.constant 0 : i32
    %dma_wait3A_383 = tpu.memref_slice %arg13[%add3A_378, %dma_wait3A_382] : memref<10240x128xf32, #tpu.memory_space<vmem_shared>> -> memref<80x128xf32, #tpu.memory_space<vmem_shared>>
    %dma_wait3A_384 = arith.constant 0 : i32
    %dma_wait3A_385 = tpu.memref_slice %arg13[%add3A_378, %dma_wait3A_384] : memref<10240x128xf32, #tpu.memory_space<vmem_shared>> -> memref<80x128xf32, #tpu.memory_space<vmem_shared>>
    %dma_wait3A_386 = arith.constant 0 : i32
    %dma_wait3A_387 = arith.constant 0 : i32
    %dma_wait3A_388 = tpu.memref_slice %arg12[%dma_wait3A_386, %dma_wait3A_387] : memref<80x128xf32, #tpu.memory_space<vmem>> -> memref<80x128xf32, #tpu.memory_space<vmem>>
    tpu.wait_dma2 semaphore(%arg26 : memref<!tpu.dma_semaphore, #tpu.memory_space<semaphore_mem>>) src(%dma_wait3A_388 : memref<80x128xf32, #tpu.memory_space<vmem>>) dst(%dma_wait3A_385 : memref<80x128xf32, #tpu.memory_space<vmem_shared>>)
    %barrier3A = arith.constant 0 : index
    tpu.barrier barrier_id(%barrier3A)
    %add3A_389 = arith.constant 160 : i32
    %add3A_390 = arith.addi %mul3A_0, %add3A_389 : i32
    %mul3A_391 = arith.constant 2 : i32
    %mul3A_392 = arith.muli %add3A_390, %mul3A_391 : i32
    %add3A_393 = arith.addi %mul3A_392, %arg0 : i32
    %mul3A_394 = arith.constant 2 : i32
    %mul3A_395 = vector.broadcast %mul3A_394 : i32 to vector<16xi32>
    %mul3A_396 = arith.muli %iota3A, %mul3A_395 : vector<16xi32>
    %add3A_397 = arith.constant 0 : i32
    %add3A_398 = arith.addi %add3A_393, %add3A_397 : i32
    %add3A_399 = vector.broadcast %add3A_398 : i32 to vector<16xi32>
    %add3A_400 = arith.addi %mul3A_396, %add3A_399 : vector<16xi32>
    %swap3A_401 = arith.constant 2 : i32
    %swap3A_402 = arith.index_cast %swap3A_401 : i32 to index
    %swap3A_403 = arith.constant 0 : index
    %swap3A_404 = tpu.vector_load %arg8[%swap3A_402, %swap3A_403] {strides = array<i32>} : memref<3x80xi32, #tpu.memory_space<vmem>>, vector<1x16xi32>,
    %swap3A_405 = vector.shape_cast %swap3A_404 : vector<1x16xi32> to vector<16xi32>
    %swap3A_406 = vector.shape_cast %add3A_400 : vector<16xi32> to vector<1x16xi32>
    tpu.vector_store %arg8[%swap3A_402, %swap3A_403], %swap3A_406 {strides = array<i32>} : memref<3x80xi32, #tpu.memory_space<vmem>>, vector<1x16xi32>,
    %mul3A_407 = arith.constant 2 : i32
    %mul3A_408 = vector.broadcast %mul3A_407 : i32 to vector<16xi32>
    %mul3A_409 = arith.muli %iota3A, %mul3A_408 : vector<16xi32>
    %add3A_410 = arith.constant 32 : i32
    %add3A_411 = arith.addi %add3A_393, %add3A_410 : i32
    %add3A_412 = vector.broadcast %add3A_411 : i32 to vector<16xi32>
    %add3A_413 = arith.addi %mul3A_409, %add3A_412 : vector<16xi32>
    %swap3A_414 = arith.constant 2 : i32
    %swap3A_415 = arith.index_cast %swap3A_414 : i32 to index
    %swap3A_416 = arith.constant 16 : index
    %swap3A_417 = tpu.vector_load %arg8[%swap3A_415, %swap3A_416] {strides = array<i32>} : memref<3x80xi32, #tpu.memory_space<vmem>>, vector<1x16xi32>,
    %swap3A_418 = vector.shape_cast %swap3A_417 : vector<1x16xi32> to vector<16xi32>
    %swap3A_419 = vector.shape_cast %add3A_413 : vector<16xi32> to vector<1x16xi32>
    tpu.vector_store %arg8[%swap3A_415, %swap3A_416], %swap3A_419 {strides = array<i32>} : memref<3x80xi32, #tpu.memory_space<vmem>>, vector<1x16xi32>,
    %mul3A_420 = arith.constant 2 : i32
    %mul3A_421 = vector.broadcast %mul3A_420 : i32 to vector<16xi32>
    %mul3A_422 = arith.muli %iota3A, %mul3A_421 : vector<16xi32>
    %add3A_423 = arith.constant 64 : i32
    %add3A_424 = arith.addi %add3A_393, %add3A_423 : i32
    %add3A_425 = vector.broadcast %add3A_424 : i32 to vector<16xi32>
    %add3A_426 = arith.addi %mul3A_422, %add3A_425 : vector<16xi32>
    %swap3A_427 = arith.constant 2 : i32
    %swap3A_428 = arith.index_cast %swap3A_427 : i32 to index
    %swap3A_429 = arith.constant 32 : index
    %swap3A_430 = tpu.vector_load %arg8[%swap3A_428, %swap3A_429] {strides = array<i32>} : memref<3x80xi32, #tpu.memory_space<vmem>>, vector<1x16xi32>,
    %swap3A_431 = vector.shape_cast %swap3A_430 : vector<1x16xi32> to vector<16xi32>
    %swap3A_432 = vector.shape_cast %add3A_426 : vector<16xi32> to vector<1x16xi32>
    tpu.vector_store %arg8[%swap3A_428, %swap3A_429], %swap3A_432 {strides = array<i32>} : memref<3x80xi32, #tpu.memory_space<vmem>>, vector<1x16xi32>,
    %mul3A_433 = arith.constant 2 : i32
    %mul3A_434 = vector.broadcast %mul3A_433 : i32 to vector<16xi32>
    %mul3A_435 = arith.muli %iota3A, %mul3A_434 : vector<16xi32>
    %add3A_436 = arith.constant 96 : i32
    %add3A_437 = arith.addi %add3A_393, %add3A_436 : i32
    %add3A_438 = vector.broadcast %add3A_437 : i32 to vector<16xi32>
    %add3A_439 = arith.addi %mul3A_435, %add3A_438 : vector<16xi32>
    %swap3A_440 = arith.constant 2 : i32
    %swap3A_441 = arith.index_cast %swap3A_440 : i32 to index
    %swap3A_442 = arith.constant 48 : index
    %swap3A_443 = tpu.vector_load %arg8[%swap3A_441, %swap3A_442] {strides = array<i32>} : memref<3x80xi32, #tpu.memory_space<vmem>>, vector<1x16xi32>,
    %swap3A_444 = vector.shape_cast %swap3A_443 : vector<1x16xi32> to vector<16xi32>
    %swap3A_445 = vector.shape_cast %add3A_439 : vector<16xi32> to vector<1x16xi32>
    tpu.vector_store %arg8[%swap3A_441, %swap3A_442], %swap3A_445 {strides = array<i32>} : memref<3x80xi32, #tpu.memory_space<vmem>>, vector<1x16xi32>,
    %mul3A_446 = arith.constant 2 : i32
    %mul3A_447 = vector.broadcast %mul3A_446 : i32 to vector<16xi32>
    %mul3A_448 = arith.muli %iota3A, %mul3A_447 : vector<16xi32>
    %add3A_449 = arith.constant 128 : i32
    %add3A_450 = arith.addi %add3A_393, %add3A_449 : i32
    %add3A_451 = vector.broadcast %add3A_450 : i32 to vector<16xi32>
    %add3A_452 = arith.addi %mul3A_448, %add3A_451 : vector<16xi32>
    %swap3A_453 = arith.constant 2 : i32
    %swap3A_454 = arith.index_cast %swap3A_453 : i32 to index
    %swap3A_455 = arith.constant 64 : index
    %swap3A_456 = tpu.vector_load %arg8[%swap3A_454, %swap3A_455] {strides = array<i32>} : memref<3x80xi32, #tpu.memory_space<vmem>>, vector<1x16xi32>,
    %swap3A_457 = vector.shape_cast %swap3A_456 : vector<1x16xi32> to vector<16xi32>
    %swap3A_458 = vector.shape_cast %add3A_452 : vector<16xi32> to vector<1x16xi32>
    tpu.vector_store %arg8[%swap3A_454, %swap3A_455], %swap3A_458 {strides = array<i32>} : memref<3x80xi32, #tpu.memory_space<vmem>>, vector<1x16xi32>,
    %dma_start3A_459 = arith.constant 2 : i32
    %dma_start3A_460 = arith.constant 0 : i32
    %dma_start3A_461 = tpu.memref_slice %arg8[%dma_start3A_459, %dma_start3A_460] : memref<3x80xi32, #tpu.memory_space<vmem>> -> memref<1x80xi32, #tpu.memory_space<vmem>>
    %dma_start3A_462 = tpu.memref_squeeze %dma_start3A_461 : memref<1x80xi32, #tpu.memory_space<vmem>> -> memref<80xi32, #tpu.memory_space<vmem>>
    %dma_start3A_463 = arith.constant 0 : i32
    %dma_start3A_464 = arith.constant 0 : i32
    %dma_start3A_465 = tpu.memref_slice %arg5[%dma_start3A_463, %dma_start3A_464] : memref<320000x128xf32, #tpu.memory_space<hbm>> -> memref<320000x128xf32, #tpu.memory_space<hbm>>
    tpu.enqueue_indirect_dma source(%dma_start3A_465 : memref<320000x128xf32, #tpu.memory_space<hbm>>) target(%arg12 : memref<80x128xf32, #tpu.memory_space<vmem>>) offsets(%dma_start3A_462 : memref<80xi32, #tpu.memory_space<vmem>>) semaphore(%arg19 : memref<!tpu.dma_semaphore, #tpu.memory_space<semaphore_mem>>)
    %add3A_466 = arith.constant 160 : i32
    %add3A_467 = arith.addi %mul3A_0, %add3A_466 : i32
    %dma_start3A_468 = arith.constant 2 : i32
    %dma_start3A_469 = arith.constant 0 : i32
    %dma_start3A_470 = tpu.memref_slice %arg9[%dma_start3A_468, %dma_start3A_469] : memref<3x80xi32, #tpu.memory_space<vmem>> -> memref<1x80xi32, #tpu.memory_space<vmem>>
    %dma_start3A_471 = tpu.memref_squeeze %dma_start3A_470 : memref<1x80xi32, #tpu.memory_space<vmem>> -> memref<80xi32, #tpu.memory_space<vmem>>
    %dma_start3A_472 = tpu.memref_slice %arg3[%add3A_467] : memref<160000xi32, #tpu.memory_space<hbm>> -> memref<80xi32, #tpu.memory_space<hbm>>
    %dma_start3A_473 = arith.constant 0 : i32
    %dma_start3A_474 = tpu.memref_slice %arg9[%dma_start3A_468, %dma_start3A_473] : memref<3x80xi32, #tpu.memory_space<vmem>> -> memref<1x80xi32, #tpu.memory_space<vmem>>
    %dma_start3A_475 = tpu.memref_squeeze %dma_start3A_474 : memref<1x80xi32, #tpu.memory_space<vmem>> -> memref<80xi32, #tpu.memory_space<vmem>>
    %dma_start3A_476 = tpu.memref_slice %arg3[%add3A_467] : memref<160000xi32, #tpu.memory_space<hbm>> -> memref<80xi32, #tpu.memory_space<hbm>>
    tpu.enqueue_dma source(%dma_start3A_476 : memref<80xi32, #tpu.memory_space<hbm>>) target(%dma_start3A_475 : memref<80xi32, #tpu.memory_space<vmem>>) target_semaphore(%arg22 : memref<!tpu.dma_semaphore, #tpu.memory_space<semaphore_mem>>)
    %dma_wait3A_477 = arith.constant 1 : i32
    %dma_wait3A_478 = arith.constant 0 : i32
    %dma_wait3A_479 = tpu.memref_slice %arg8[%dma_wait3A_477, %dma_wait3A_478] : memref<3x80xi32, #tpu.memory_space<vmem>> -> memref<1x80xi32, #tpu.memory_space<vmem>>
    %dma_wait3A_480 = tpu.memref_squeeze %dma_wait3A_479 : memref<1x80xi32, #tpu.memory_space<vmem>> -> memref<80xi32, #tpu.memory_space<vmem>>
    %dma_wait3A_481 = arith.constant 0 : i32
    %dma_wait3A_482 = arith.constant 0 : i32
    %dma_wait3A_483 = tpu.memref_slice %arg5[%dma_wait3A_481, %dma_wait3A_482] : memref<320000x128xf32, #tpu.memory_space<hbm>> -> memref<320000x128xf32, #tpu.memory_space<hbm>>
    tpu.wait_indirect_dma semaphore(%arg18 : memref<!tpu.dma_semaphore, #tpu.memory_space<semaphore_mem>>) src(%dma_wait3A_483 : memref<320000x128xf32, #tpu.memory_space<hbm>>) dst(%arg11 : memref<80x128xf32, #tpu.memory_space<vmem>>)
    %dma_start3A_484 = arith.constant 80 : i32
    %dma_start3A_485 = tpu.memref_slice %arg7[%dma_start3A_484] : memref<10000xi32, #tpu.memory_space<vmem>> -> memref<80xi32, #tpu.memory_space<vmem>>
    %dma_start3A_486 = arith.constant 0 : i32
    %dma_start3A_487 = arith.constant 0 : i32
    %dma_start3A_488 = tpu.memref_slice %arg4[%dma_start3A_486, %dma_start3A_487] : memref<20000x128xf32, #tpu.memory_space<hbm>> -> memref<20000x128xf32, #tpu.memory_space<hbm>>
    tpu.enqueue_indirect_dma source(%dma_start3A_488 : memref<20000x128xf32, #tpu.memory_space<hbm>>) target(%arg11 : memref<80x128xf32, #tpu.memory_space<vmem>>) offsets(%dma_start3A_485 : memref<80xi32, #tpu.memory_space<vmem>>) semaphore(%arg15 : memref<!tpu.dma_semaphore, #tpu.memory_space<semaphore_mem>>) {add = true}
    %dma_wait3A_489 = arith.constant 0 : i32
    %dma_wait3A_490 = tpu.memref_slice %arg7[%dma_wait3A_489] : memref<10000xi32, #tpu.memory_space<vmem>> -> memref<80xi32, #tpu.memory_space<vmem>>
    %dma_wait3A_491 = arith.constant 0 : i32
    %dma_wait3A_492 = arith.constant 0 : i32
    %dma_wait3A_493 = tpu.memref_slice %arg4[%dma_wait3A_491, %dma_wait3A_492] : memref<20000x128xf32, #tpu.memory_space<hbm>> -> memref<20000x128xf32, #tpu.memory_space<hbm>>
    tpu.wait_indirect_dma semaphore(%arg14 : memref<!tpu.dma_semaphore, #tpu.memory_space<semaphore_mem>>) src(%dma_wait3A_493 : memref<20000x128xf32, #tpu.memory_space<hbm>>) dst(%arg10 : memref<80x128xf32, #tpu.memory_space<vmem>>)
    %parallel_loop3A_494 = arith.constant 0 : i32
    %parallel_loop3A_495 = arith.constant 80 : i32
    %parallel_loop3A_496 = arith.constant 1 : i32
    scf.for %parallel_loop3A_863 = %parallel_loop3A_494 to %parallel_loop3A_495 step %parallel_loop3A_496  : i32 {
      %parallel_loop3A_864 = arith.index_cast %parallel_loop3A_863 : i32 to index
      %parallel_loop3A_865 = arith.constant 0 : index
      %parallel_loop3A_866 = tpu.vector_load %arg10[%parallel_loop3A_864, %parallel_loop3A_865] {strides = array<i32>} : memref<80x128xf32, #tpu.memory_space<vmem>>, vector<1x16xf32>,
      %parallel_loop3A_867 = vector.shape_cast %parallel_loop3A_866 : vector<1x16xf32> to vector<16xf32>
      %parallel_loop3A_868 = arith.constant 0.000000e+00 : f32
      %parallel_loop3A_869 = vector.broadcast %parallel_loop3A_868 : f32 to vector<16xf32>
      %parallel_loop3A_870 = arith.maximumf %parallel_loop3A_867, %parallel_loop3A_869 : vector<16xf32>
      %parallel_loop3A_871 = arith.index_cast %parallel_loop3A_863 : i32 to index
      %parallel_loop3A_872 = arith.constant 0 : index
      %parallel_loop3A_873 = tpu.vector_load %arg10[%parallel_loop3A_871, %parallel_loop3A_872] {strides = array<i32>} : memref<80x128xf32, #tpu.memory_space<vmem>>, vector<1x16xf32>,
      %parallel_loop3A_874 = vector.shape_cast %parallel_loop3A_873 : vector<1x16xf32> to vector<16xf32>
      %parallel_loop3A_875 = vector.shape_cast %parallel_loop3A_870 : vector<16xf32> to vector<1x16xf32>
      tpu.vector_store %arg10[%parallel_loop3A_871, %parallel_loop3A_872], %parallel_loop3A_875 {strides = array<i32>} : memref<80x128xf32, #tpu.memory_space<vmem>>, vector<1x16xf32>,
      %parallel_loop3A_876 = arith.index_cast %parallel_loop3A_863 : i32 to index
      %parallel_loop3A_877 = arith.constant 16 : index
      %parallel_loop3A_878 = tpu.vector_load %arg10[%parallel_loop3A_876, %parallel_loop3A_877] {strides = array<i32>} : memref<80x128xf32, #tpu.memory_space<vmem>>, vector<1x16xf32>,
      %parallel_loop3A_879 = vector.shape_cast %parallel_loop3A_878 : vector<1x16xf32> to vector<16xf32>
      %parallel_loop3A_880 = arith.constant 0.000000e+00 : f32
      %parallel_loop3A_881 = vector.broadcast %parallel_loop3A_880 : f32 to vector<16xf32>
      %parallel_loop3A_882 = arith.maximumf %parallel_loop3A_879, %parallel_loop3A_881 : vector<16xf32>
      %parallel_loop3A_883 = arith.index_cast %parallel_loop3A_863 : i32 to index
      %parallel_loop3A_884 = arith.constant 16 : index
      %parallel_loop3A_885 = tpu.vector_load %arg10[%parallel_loop3A_883, %parallel_loop3A_884] {strides = array<i32>} : memref<80x128xf32, #tpu.memory_space<vmem>>, vector<1x16xf32>,
      %parallel_loop3A_886 = vector.shape_cast %parallel_loop3A_885 : vector<1x16xf32> to vector<16xf32>
      %parallel_loop3A_887 = vector.shape_cast %parallel_loop3A_882 : vector<16xf32> to vector<1x16xf32>
      tpu.vector_store %arg10[%parallel_loop3A_883, %parallel_loop3A_884], %parallel_loop3A_887 {strides = array<i32>} : memref<80x128xf32, #tpu.memory_space<vmem>>, vector<1x16xf32>,
      %parallel_loop3A_888 = arith.index_cast %parallel_loop3A_863 : i32 to index
      %parallel_loop3A_889 = arith.constant 32 : index
      %parallel_loop3A_890 = tpu.vector_load %arg10[%parallel_loop3A_888, %parallel_loop3A_889] {strides = array<i32>} : memref<80x128xf32, #tpu.memory_space<vmem>>, vector<1x16xf32>,
      %parallel_loop3A_891 = vector.shape_cast %parallel_loop3A_890 : vector<1x16xf32> to vector<16xf32>
      %parallel_loop3A_892 = arith.constant 0.000000e+00 : f32
      %parallel_loop3A_893 = vector.broadcast %parallel_loop3A_892 : f32 to vector<16xf32>
      %parallel_loop3A_894 = arith.maximumf %parallel_loop3A_891, %parallel_loop3A_893 : vector<16xf32>
      %parallel_loop3A_895 = arith.index_cast %parallel_loop3A_863 : i32 to index
      %parallel_loop3A_896 = arith.constant 32 : index
      %parallel_loop3A_897 = tpu.vector_load %arg10[%parallel_loop3A_895, %parallel_loop3A_896] {strides = array<i32>} : memref<80x128xf32, #tpu.memory_space<vmem>>, vector<1x16xf32>,
      %parallel_loop3A_898 = vector.shape_cast %parallel_loop3A_897 : vector<1x16xf32> to vector<16xf32>
      %parallel_loop3A_899 = vector.shape_cast %parallel_loop3A_894 : vector<16xf32> to vector<1x16xf32>
      tpu.vector_store %arg10[%parallel_loop3A_895, %parallel_loop3A_896], %parallel_loop3A_899 {strides = array<i32>} : memref<80x128xf32, #tpu.memory_space<vmem>>, vector<1x16xf32>,
      %parallel_loop3A_900 = arith.index_cast %parallel_loop3A_863 : i32 to index
      %parallel_loop3A_901 = arith.constant 48 : index
      %parallel_loop3A_902 = tpu.vector_load %arg10[%parallel_loop3A_900, %parallel_loop3A_901] {strides = array<i32>} : memref<80x128xf32, #tpu.memory_space<vmem>>, vector<1x16xf32>,
      %parallel_loop3A_903 = vector.shape_cast %parallel_loop3A_902 : vector<1x16xf32> to vector<16xf32>
      %parallel_loop3A_904 = arith.constant 0.000000e+00 : f32
      %parallel_loop3A_905 = vector.broadcast %parallel_loop3A_904 : f32 to vector<16xf32>
      %parallel_loop3A_906 = arith.maximumf %parallel_loop3A_903, %parallel_loop3A_905 : vector<16xf32>
      %parallel_loop3A_907 = arith.index_cast %parallel_loop3A_863 : i32 to index
      %parallel_loop3A_908 = arith.constant 48 : index
      %parallel_loop3A_909 = tpu.vector_load %arg10[%parallel_loop3A_907, %parallel_loop3A_908] {strides = array<i32>} : memref<80x128xf32, #tpu.memory_space<vmem>>, vector<1x16xf32>,
      %parallel_loop3A_910 = vector.shape_cast %parallel_loop3A_909 : vector<1x16xf32> to vector<16xf32>
      %parallel_loop3A_911 = vector.shape_cast %parallel_loop3A_906 : vector<16xf32> to vector<1x16xf32>
      tpu.vector_store %arg10[%parallel_loop3A_907, %parallel_loop3A_908], %parallel_loop3A_911 {strides = array<i32>} : memref<80x128xf32, #tpu.memory_space<vmem>>, vector<1x16xf32>,
      %parallel_loop3A_912 = arith.index_cast %parallel_loop3A_863 : i32 to index
      %parallel_loop3A_913 = arith.constant 64 : index
      %parallel_loop3A_914 = tpu.vector_load %arg10[%parallel_loop3A_912, %parallel_loop3A_913] {strides = array<i32>} : memref<80x128xf32, #tpu.memory_space<vmem>>, vector<1x16xf32>,
      %parallel_loop3A_915 = vector.shape_cast %parallel_loop3A_914 : vector<1x16xf32> to vector<16xf32>
      %parallel_loop3A_916 = arith.constant 0.000000e+00 : f32
      %parallel_loop3A_917 = vector.broadcast %parallel_loop3A_916 : f32 to vector<16xf32>
      %parallel_loop3A_918 = arith.maximumf %parallel_loop3A_915, %parallel_loop3A_917 : vector<16xf32>
      %parallel_loop3A_919 = arith.index_cast %parallel_loop3A_863 : i32 to index
      %parallel_loop3A_920 = arith.constant 64 : index
      %parallel_loop3A_921 = tpu.vector_load %arg10[%parallel_loop3A_919, %parallel_loop3A_920] {strides = array<i32>} : memref<80x128xf32, #tpu.memory_space<vmem>>, vector<1x16xf32>,
      %parallel_loop3A_922 = vector.shape_cast %parallel_loop3A_921 : vector<1x16xf32> to vector<16xf32>
      %parallel_loop3A_923 = vector.shape_cast %parallel_loop3A_918 : vector<16xf32> to vector<1x16xf32>
      tpu.vector_store %arg10[%parallel_loop3A_919, %parallel_loop3A_920], %parallel_loop3A_923 {strides = array<i32>} : memref<80x128xf32, #tpu.memory_space<vmem>>, vector<1x16xf32>,
      %parallel_loop3A_924 = arith.index_cast %parallel_loop3A_863 : i32 to index
      %parallel_loop3A_925 = arith.constant 80 : index
      %parallel_loop3A_926 = tpu.vector_load %arg10[%parallel_loop3A_924, %parallel_loop3A_925] {strides = array<i32>} : memref<80x128xf32, #tpu.memory_space<vmem>>, vector<1x16xf32>,
      %parallel_loop3A_927 = vector.shape_cast %parallel_loop3A_926 : vector<1x16xf32> to vector<16xf32>
      %parallel_loop3A_928 = arith.constant 0.000000e+00 : f32
      %parallel_loop3A_929 = vector.broadcast %parallel_loop3A_928 : f32 to vector<16xf32>
      %parallel_loop3A_930 = arith.maximumf %parallel_loop3A_927, %parallel_loop3A_929 : vector<16xf32>
      %parallel_loop3A_931 = arith.index_cast %parallel_loop3A_863 : i32 to index
      %parallel_loop3A_932 = arith.constant 80 : index
      %parallel_loop3A_933 = tpu.vector_load %arg10[%parallel_loop3A_931, %parallel_loop3A_932] {strides = array<i32>} : memref<80x128xf32, #tpu.memory_space<vmem>>, vector<1x16xf32>,
      %parallel_loop3A_934 = vector.shape_cast %parallel_loop3A_933 : vector<1x16xf32> to vector<16xf32>
      %parallel_loop3A_935 = vector.shape_cast %parallel_loop3A_930 : vector<16xf32> to vector<1x16xf32>
      tpu.vector_store %arg10[%parallel_loop3A_931, %parallel_loop3A_932], %parallel_loop3A_935 {strides = array<i32>} : memref<80x128xf32, #tpu.memory_space<vmem>>, vector<1x16xf32>,
      %parallel_loop3A_936 = arith.index_cast %parallel_loop3A_863 : i32 to index
      %parallel_loop3A_937 = arith.constant 96 : index
      %parallel_loop3A_938 = tpu.vector_load %arg10[%parallel_loop3A_936, %parallel_loop3A_937] {strides = array<i32>} : memref<80x128xf32, #tpu.memory_space<vmem>>, vector<1x16xf32>,
      %parallel_loop3A_939 = vector.shape_cast %parallel_loop3A_938 : vector<1x16xf32> to vector<16xf32>
      %parallel_loop3A_940 = arith.constant 0.000000e+00 : f32
      %parallel_loop3A_941 = vector.broadcast %parallel_loop3A_940 : f32 to vector<16xf32>
      %parallel_loop3A_942 = arith.maximumf %parallel_loop3A_939, %parallel_loop3A_941 : vector<16xf32>
      %parallel_loop3A_943 = arith.index_cast %parallel_loop3A_863 : i32 to index
      %parallel_loop3A_944 = arith.constant 96 : index
      %parallel_loop3A_945 = tpu.vector_load %arg10[%parallel_loop3A_943, %parallel_loop3A_944] {strides = array<i32>} : memref<80x128xf32, #tpu.memory_space<vmem>>, vector<1x16xf32>,
      %parallel_loop3A_946 = vector.shape_cast %parallel_loop3A_945 : vector<1x16xf32> to vector<16xf32>
      %parallel_loop3A_947 = vector.shape_cast %parallel_loop3A_942 : vector<16xf32> to vector<1x16xf32>
      tpu.vector_store %arg10[%parallel_loop3A_943, %parallel_loop3A_944], %parallel_loop3A_947 {strides = array<i32>} : memref<80x128xf32, #tpu.memory_space<vmem>>, vector<1x16xf32>,
      %parallel_loop3A_948 = arith.index_cast %parallel_loop3A_863 : i32 to index
      %parallel_loop3A_949 = arith.constant 112 : index
      %parallel_loop3A_950 = tpu.vector_load %arg10[%parallel_loop3A_948, %parallel_loop3A_949] {strides = array<i32>} : memref<80x128xf32, #tpu.memory_space<vmem>>, vector<1x16xf32>,
      %parallel_loop3A_951 = vector.shape_cast %parallel_loop3A_950 : vector<1x16xf32> to vector<16xf32>
      %parallel_loop3A_952 = arith.constant 0.000000e+00 : f32
      %parallel_loop3A_953 = vector.broadcast %parallel_loop3A_952 : f32 to vector<16xf32>
      %parallel_loop3A_954 = arith.maximumf %parallel_loop3A_951, %parallel_loop3A_953 : vector<16xf32>
      %parallel_loop3A_955 = arith.index_cast %parallel_loop3A_863 : i32 to index
      %parallel_loop3A_956 = arith.constant 112 : index
      %parallel_loop3A_957 = tpu.vector_load %arg10[%parallel_loop3A_955, %parallel_loop3A_956] {strides = array<i32>} : memref<80x128xf32, #tpu.memory_space<vmem>>, vector<1x16xf32>,
      %parallel_loop3A_958 = vector.shape_cast %parallel_loop3A_957 : vector<1x16xf32> to vector<16xf32>
      %parallel_loop3A_959 = vector.shape_cast %parallel_loop3A_954 : vector<16xf32> to vector<1x16xf32>
      tpu.vector_store %arg10[%parallel_loop3A_955, %parallel_loop3A_956], %parallel_loop3A_959 {strides = array<i32>} : memref<80x128xf32, #tpu.memory_space<vmem>>, vector<1x16xf32>,
    } {sc.loop_unroll_factor = 4 : i64, sc.parallel_access}
    %dma_wait3A_497 = arith.constant 0 : i32
    %dma_wait3A_498 = arith.constant 0 : i32
    %dma_wait3A_499 = tpu.memref_slice %arg9[%dma_wait3A_497, %dma_wait3A_498] : memref<3x80xi32, #tpu.memory_space<vmem>> -> memref<1x80xi32, #tpu.memory_space<vmem>>
    %dma_wait3A_500 = tpu.memref_squeeze %dma_wait3A_499 : memref<1x80xi32, #tpu.memory_space<vmem>> -> memref<80xi32, #tpu.memory_space<vmem>>
    %dma_wait3A_501 = tpu.memref_slice %arg3[%mul3A_0] : memref<160000xi32, #tpu.memory_space<hbm>> -> memref<80xi32, #tpu.memory_space<hbm>>
    %dma_wait3A_502 = arith.constant 0 : i32
    %dma_wait3A_503 = tpu.memref_slice %arg9[%dma_wait3A_497, %dma_wait3A_502] : memref<3x80xi32, #tpu.memory_space<vmem>> -> memref<1x80xi32, #tpu.memory_space<vmem>>
    %dma_wait3A_504 = tpu.memref_squeeze %dma_wait3A_503 : memref<1x80xi32, #tpu.memory_space<vmem>> -> memref<80xi32, #tpu.memory_space<vmem>>
    %dma_wait3A_505 = tpu.memref_slice %arg3[%mul3A_0] : memref<160000xi32, #tpu.memory_space<hbm>> -> memref<80xi32, #tpu.memory_space<hbm>>
    tpu.wait_dma2 semaphore(%arg20 : memref<!tpu.dma_semaphore, #tpu.memory_space<semaphore_mem>>) src(%dma_wait3A_505 : memref<80xi32, #tpu.memory_space<hbm>>) dst(%dma_wait3A_504 : memref<80xi32, #tpu.memory_space<vmem>>)
    %dma_start3A_506 = arith.constant 0 : i32
    %dma_start3A_507 = arith.constant 0 : i32
    %dma_start3A_508 = tpu.memref_slice %arg9[%dma_start3A_506, %dma_start3A_507] : memref<3x80xi32, #tpu.memory_space<vmem>> -> memref<1x80xi32, #tpu.memory_space<vmem>>
    %dma_start3A_509 = tpu.memref_squeeze %dma_start3A_508 : memref<1x80xi32, #tpu.memory_space<vmem>> -> memref<80xi32, #tpu.memory_space<vmem>>
    %dma_start3A_510 = arith.constant 0 : i32
    %dma_start3A_511 = arith.constant 0 : i32
    %dma_start3A_512 = tpu.memref_slice %arg13[%dma_start3A_510, %dma_start3A_511] : memref<10240x128xf32, #tpu.memory_space<vmem_shared>> -> memref<10240x128xf32, #tpu.memory_space<vmem_shared>>
    tpu.enqueue_indirect_dma source(%arg10 : memref<80x128xf32, #tpu.memory_space<vmem>>) target(%dma_start3A_512 : memref<10240x128xf32, #tpu.memory_space<vmem_shared>>) offsets(%dma_start3A_509 : memref<80xi32, #tpu.memory_space<vmem>>) semaphore(%arg23 : memref<!tpu.dma_semaphore, #tpu.memory_space<semaphore_mem>>) {add = true}
    %scan3A = arith.constant 0 : i32
    %scan3A_513 = arith.constant 0 : i32
    %scan3A_514 = arith.constant 40 : i32
    %scan3A_515 = arith.addi %scan3A_513, %scan3A_514 : i32
    %scan3A_516 = arith.constant 1 : i32
    %scan3A_517 = scf.for %scan3A_863 = %scan3A_513 to %scan3A_515 step %scan3A_516 iter_args(%scan3A_864 = %scan3A) -> (i32)  : i32 {
      %mul3A_865 = arith.constant 3 : i32
      %mul3A_866 = arith.muli %scan3A_863, %mul3A_865 : i32
      %add3A_867 = arith.constant 1 : i32
      %add3A_868 = arith.addi %mul3A_866, %add3A_867 : i32
      %dma_wait3A_869 = arith.constant 0 : i32
      %dma_wait3A_870 = arith.constant 0 : i32
      %dma_wait3A_871 = tpu.memref_slice %arg9[%dma_wait3A_869, %dma_wait3A_870] : memref<3x80xi32, #tpu.memory_space<vmem>> -> memref<1x80xi32, #tpu.memory_space<vmem>>
      %dma_wait3A_872 = tpu.memref_squeeze %dma_wait3A_871 : memref<1x80xi32, #tpu.memory_space<vmem>> -> memref<80xi32, #tpu.memory_space<vmem>>
      %dma_wait3A_873 = arith.constant 0 : i32
      %dma_wait3A_874 = arith.constant 0 : i32
      %dma_wait3A_875 = tpu.memref_slice %arg13[%dma_wait3A_873, %dma_wait3A_874] : memref<10240x128xf32, #tpu.memory_space<vmem_shared>> -> memref<10240x128xf32, #tpu.memory_space<vmem_shared>>
      tpu.wait_indirect_dma semaphore(%arg23 : memref<!tpu.dma_semaphore, #tpu.memory_space<semaphore_mem>>) src(%arg10 : memref<80x128xf32, #tpu.memory_space<vmem>>) dst(%dma_wait3A_875 : memref<10240x128xf32, #tpu.memory_space<vmem_shared>>)
      %add3A_876 = arith.constant 2 : i32
      %add3A_877 = arith.addi %add3A_868, %add3A_876 : i32
      %mul3A_878 = arith.constant 80 : i32
      %mul3A_879 = arith.muli %add3A_877, %mul3A_878 : i32
      %add3A_880 = arith.addi %mul3A_0, %mul3A_879 : i32
      %mul3A_881 = arith.constant 2 : i32
      %mul3A_882 = arith.muli %add3A_880, %mul3A_881 : i32
      %add3A_883 = arith.addi %mul3A_882, %arg0 : i32
      %mul3A_884 = arith.constant 2 : i32
      %mul3A_885 = vector.broadcast %mul3A_884 : i32 to vector<16xi32>
      %mul3A_886 = arith.muli %iota3A, %mul3A_885 : vector<16xi32>
      %add3A_887 = arith.constant 0 : i32
      %add3A_888 = arith.addi %add3A_883, %add3A_887 : i32
      %add3A_889 = vector.broadcast %add3A_888 : i32 to vector<16xi32>
      %add3A_890 = arith.addi %mul3A_886, %add3A_889 : vector<16xi32>
      %swap3A_891 = arith.constant 0 : i32
      %swap3A_892 = arith.index_cast %swap3A_891 : i32 to index
      %swap3A_893 = arith.constant 0 : index
      %swap3A_894 = tpu.vector_load %arg8[%swap3A_892, %swap3A_893] {strides = array<i32>} : memref<3x80xi32, #tpu.memory_space<vmem>>, vector<1x16xi32>,
      %swap3A_895 = vector.shape_cast %swap3A_894 : vector<1x16xi32> to vector<16xi32>
      %swap3A_896 = vector.shape_cast %add3A_890 : vector<16xi32> to vector<1x16xi32>
      tpu.vector_store %arg8[%swap3A_892, %swap3A_893], %swap3A_896 {strides = array<i32>} : memref<3x80xi32, #tpu.memory_space<vmem>>, vector<1x16xi32>,
      %mul3A_897 = arith.constant 2 : i32
      %mul3A_898 = vector.broadcast %mul3A_897 : i32 to vector<16xi32>
      %mul3A_899 = arith.muli %iota3A, %mul3A_898 : vector<16xi32>
      %add3A_900 = arith.constant 32 : i32
      %add3A_901 = arith.addi %add3A_883, %add3A_900 : i32
      %add3A_902 = vector.broadcast %add3A_901 : i32 to vector<16xi32>
      %add3A_903 = arith.addi %mul3A_899, %add3A_902 : vector<16xi32>
      %swap3A_904 = arith.constant 0 : i32
      %swap3A_905 = arith.index_cast %swap3A_904 : i32 to index
      %swap3A_906 = arith.constant 16 : index
      %swap3A_907 = tpu.vector_load %arg8[%swap3A_905, %swap3A_906] {strides = array<i32>} : memref<3x80xi32, #tpu.memory_space<vmem>>, vector<1x16xi32>,
      %swap3A_908 = vector.shape_cast %swap3A_907 : vector<1x16xi32> to vector<16xi32>
      %swap3A_909 = vector.shape_cast %add3A_903 : vector<16xi32> to vector<1x16xi32>
      tpu.vector_store %arg8[%swap3A_905, %swap3A_906], %swap3A_909 {strides = array<i32>} : memref<3x80xi32, #tpu.memory_space<vmem>>, vector<1x16xi32>,
      %mul3A_910 = arith.constant 2 : i32
      %mul3A_911 = vector.broadcast %mul3A_910 : i32 to vector<16xi32>
      %mul3A_912 = arith.muli %iota3A, %mul3A_911 : vector<16xi32>
      %add3A_913 = arith.constant 64 : i32
      %add3A_914 = arith.addi %add3A_883, %add3A_913 : i32
      %add3A_915 = vector.broadcast %add3A_914 : i32 to vector<16xi32>
      %add3A_916 = arith.addi %mul3A_912, %add3A_915 : vector<16xi32>
      %swap3A_917 = arith.constant 0 : i32
      %swap3A_918 = arith.index_cast %swap3A_917 : i32 to index
      %swap3A_919 = arith.constant 32 : index
      %swap3A_920 = tpu.vector_load %arg8[%swap3A_918, %swap3A_919] {strides = array<i32>} : memref<3x80xi32, #tpu.memory_space<vmem>>, vector<1x16xi32>,
      %swap3A_921 = vector.shape_cast %swap3A_920 : vector<1x16xi32> to vector<16xi32>
      %swap3A_922 = vector.shape_cast %add3A_916 : vector<16xi32> to vector<1x16xi32>
      tpu.vector_store %arg8[%swap3A_918, %swap3A_919], %swap3A_922 {strides = array<i32>} : memref<3x80xi32, #tpu.memory_space<vmem>>, vector<1x16xi32>,
      %mul3A_923 = arith.constant 2 : i32
      %mul3A_924 = vector.broadcast %mul3A_923 : i32 to vector<16xi32>
      %mul3A_925 = arith.muli %iota3A, %mul3A_924 : vector<16xi32>
      %add3A_926 = arith.constant 96 : i32
      %add3A_927 = arith.addi %add3A_883, %add3A_926 : i32
      %add3A_928 = vector.broadcast %add3A_927 : i32 to vector<16xi32>
      %add3A_929 = arith.addi %mul3A_925, %add3A_928 : vector<16xi32>
      %swap3A_930 = arith.constant 0 : i32
      %swap3A_931 = arith.index_cast %swap3A_930 : i32 to index
      %swap3A_932 = arith.constant 48 : index
      %swap3A_933 = tpu.vector_load %arg8[%swap3A_931, %swap3A_932] {strides = array<i32>} : memref<3x80xi32, #tpu.memory_space<vmem>>, vector<1x16xi32>,
      %swap3A_934 = vector.shape_cast %swap3A_933 : vector<1x16xi32> to vector<16xi32>
      %swap3A_935 = vector.shape_cast %add3A_929 : vector<16xi32> to vector<1x16xi32>
      tpu.vector_store %arg8[%swap3A_931, %swap3A_932], %swap3A_935 {strides = array<i32>} : memref<3x80xi32, #tpu.memory_space<vmem>>, vector<1x16xi32>,
      %mul3A_936 = arith.constant 2 : i32
      %mul3A_937 = vector.broadcast %mul3A_936 : i32 to vector<16xi32>
      %mul3A_938 = arith.muli %iota3A, %mul3A_937 : vector<16xi32>
      %add3A_939 = arith.constant 128 : i32
      %add3A_940 = arith.addi %add3A_883, %add3A_939 : i32
      %add3A_941 = vector.broadcast %add3A_940 : i32 to vector<16xi32>
      %add3A_942 = arith.addi %mul3A_938, %add3A_941 : vector<16xi32>
      %swap3A_943 = arith.constant 0 : i32
      %swap3A_944 = arith.index_cast %swap3A_943 : i32 to index
      %swap3A_945 = arith.constant 64 : index
      %swap3A_946 = tpu.vector_load %arg8[%swap3A_944, %swap3A_945] {strides = array<i32>} : memref<3x80xi32, #tpu.memory_space<vmem>>, vector<1x16xi32>,
      %swap3A_947 = vector.shape_cast %swap3A_946 : vector<1x16xi32> to vector<16xi32>
      %swap3A_948 = vector.shape_cast %add3A_942 : vector<16xi32> to vector<1x16xi32>
      tpu.vector_store %arg8[%swap3A_944, %swap3A_945], %swap3A_948 {strides = array<i32>} : memref<3x80xi32, #tpu.memory_space<vmem>>, vector<1x16xi32>,
      %dma_start3A_949 = arith.constant 0 : i32
      %dma_start3A_950 = arith.constant 0 : i32
      %dma_start3A_951 = tpu.memref_slice %arg8[%dma_start3A_949, %dma_start3A_950] : memref<3x80xi32, #tpu.memory_space<vmem>> -> memref<1x80xi32, #tpu.memory_space<vmem>>
      %dma_start3A_952 = tpu.memref_squeeze %dma_start3A_951 : memref<1x80xi32, #tpu.memory_space<vmem>> -> memref<80xi32, #tpu.memory_space<vmem>>
      %dma_start3A_953 = arith.constant 0 : i32
      %dma_start3A_954 = arith.constant 0 : i32
      %dma_start3A_955 = tpu.memref_slice %arg5[%dma_start3A_953, %dma_start3A_954] : memref<320000x128xf32, #tpu.memory_space<hbm>> -> memref<320000x128xf32, #tpu.memory_space<hbm>>
      tpu.enqueue_indirect_dma source(%dma_start3A_955 : memref<320000x128xf32, #tpu.memory_space<hbm>>) target(%arg10 : memref<80x128xf32, #tpu.memory_space<vmem>>) offsets(%dma_start3A_952 : memref<80xi32, #tpu.memory_space<vmem>>) semaphore(%arg17 : memref<!tpu.dma_semaphore, #tpu.memory_space<semaphore_mem>>)
      %add3A_956 = arith.addi %mul3A_0, %mul3A_879 : i32
      %dma_start3A_957 = arith.constant 0 : i32
      %dma_start3A_958 = arith.constant 0 : i32
      %dma_start3A_959 = tpu.memref_slice %arg9[%dma_start3A_957, %dma_start3A_958] : memref<3x80xi32, #tpu.memory_space<vmem>> -> memref<1x80xi32, #tpu.memory_space<vmem>>
      %dma_start3A_960 = tpu.memref_squeeze %dma_start3A_959 : memref<1x80xi32, #tpu.memory_space<vmem>> -> memref<80xi32, #tpu.memory_space<vmem>>
      %dma_start3A_961 = tpu.memref_slice %arg3[%add3A_956] : memref<160000xi32, #tpu.memory_space<hbm>> -> memref<80xi32, #tpu.memory_space<hbm>>
      %dma_start3A_962 = arith.constant 0 : i32
      %dma_start3A_963 = tpu.memref_slice %arg9[%dma_start3A_957, %dma_start3A_962] : memref<3x80xi32, #tpu.memory_space<vmem>> -> memref<1x80xi32, #tpu.memory_space<vmem>>
      %dma_start3A_964 = tpu.memref_squeeze %dma_start3A_963 : memref<1x80xi32, #tpu.memory_space<vmem>> -> memref<80xi32, #tpu.memory_space<vmem>>
      %dma_start3A_965 = tpu.memref_slice %arg3[%add3A_956] : memref<160000xi32, #tpu.memory_space<hbm>> -> memref<80xi32, #tpu.memory_space<hbm>>
      tpu.enqueue_dma source(%dma_start3A_965 : memref<80xi32, #tpu.memory_space<hbm>>) target(%dma_start3A_964 : memref<80xi32, #tpu.memory_space<vmem>>) target_semaphore(%arg20 : memref<!tpu.dma_semaphore, #tpu.memory_space<semaphore_mem>>)
      %dma_wait3A_966 = arith.constant 2 : i32
      %dma_wait3A_967 = arith.constant 0 : i32
      %dma_wait3A_968 = tpu.memref_slice %arg8[%dma_wait3A_966, %dma_wait3A_967] : memref<3x80xi32, #tpu.memory_space<vmem>> -> memref<1x80xi32, #tpu.memory_space<vmem>>
      %dma_wait3A_969 = tpu.memref_squeeze %dma_wait3A_968 : memref<1x80xi32, #tpu.memory_space<vmem>> -> memref<80xi32, #tpu.memory_space<vmem>>
      %dma_wait3A_970 = arith.constant 0 : i32
      %dma_wait3A_971 = arith.constant 0 : i32
      %dma_wait3A_972 = tpu.memref_slice %arg5[%dma_wait3A_970, %dma_wait3A_971] : memref<320000x128xf32, #tpu.memory_space<hbm>> -> memref<320000x128xf32, #tpu.memory_space<hbm>>
      tpu.wait_indirect_dma semaphore(%arg19 : memref<!tpu.dma_semaphore, #tpu.memory_space<semaphore_mem>>) src(%dma_wait3A_972 : memref<320000x128xf32, #tpu.memory_space<hbm>>) dst(%arg12 : memref<80x128xf32, #tpu.memory_space<vmem>>)
      %add3A_973 = arith.constant 1 : i32
      %add3A_974 = arith.addi %add3A_868, %add3A_973 : i32
      %mul3A_975 = arith.constant 80 : i32
      %mul3A_976 = arith.muli %add3A_974, %mul3A_975 : i32
      %dma_start3A_977 = tpu.memref_slice %arg7[%mul3A_976] : memref<10000xi32, #tpu.memory_space<vmem>> -> memref<80xi32, #tpu.memory_space<vmem>>
      %dma_start3A_978 = arith.constant 0 : i32
      %dma_start3A_979 = arith.constant 0 : i32
      %dma_start3A_980 = tpu.memref_slice %arg4[%dma_start3A_978, %dma_start3A_979] : memref<20000x128xf32, #tpu.memory_space<hbm>> -> memref<20000x128xf32, #tpu.memory_space<hbm>>
      tpu.enqueue_indirect_dma source(%dma_start3A_980 : memref<20000x128xf32, #tpu.memory_space<hbm>>) target(%arg12 : memref<80x128xf32, #tpu.memory_space<vmem>>) offsets(%dma_start3A_977 : memref<80xi32, #tpu.memory_space<vmem>>) semaphore(%arg16 : memref<!tpu.dma_semaphore, #tpu.memory_space<semaphore_mem>>) {add = true}
      %dma_wait3A_981 = arith.constant 0 : i32
      %dma_wait3A_982 = tpu.memref_slice %arg7[%dma_wait3A_981] : memref<10000xi32, #tpu.memory_space<vmem>> -> memref<80xi32, #tpu.memory_space<vmem>>
      %dma_wait3A_983 = arith.constant 0 : i32
      %dma_wait3A_984 = arith.constant 0 : i32
      %dma_wait3A_985 = tpu.memref_slice %arg4[%dma_wait3A_983, %dma_wait3A_984] : memref<20000x128xf32, #tpu.memory_space<hbm>> -> memref<20000x128xf32, #tpu.memory_space<hbm>>
      tpu.wait_indirect_dma semaphore(%arg15 : memref<!tpu.dma_semaphore, #tpu.memory_space<semaphore_mem>>) src(%dma_wait3A_985 : memref<20000x128xf32, #tpu.memory_space<hbm>>) dst(%arg11 : memref<80x128xf32, #tpu.memory_space<vmem>>)
      %parallel_loop3A_986 = arith.constant 0 : i32
      %parallel_loop3A_987 = arith.constant 80 : i32
      %parallel_loop3A_988 = arith.constant 1 : i32
      scf.for %parallel_loop3A_1282 = %parallel_loop3A_986 to %parallel_loop3A_987 step %parallel_loop3A_988  : i32 {
        %parallel_loop3A_1283 = arith.index_cast %parallel_loop3A_1282 : i32 to index
        %parallel_loop3A_1284 = arith.constant 0 : index
        %parallel_loop3A_1285 = tpu.vector_load %arg11[%parallel_loop3A_1283, %parallel_loop3A_1284] {strides = array<i32>} : memref<80x128xf32, #tpu.memory_space<vmem>>, vector<1x16xf32>,
        %parallel_loop3A_1286 = vector.shape_cast %parallel_loop3A_1285 : vector<1x16xf32> to vector<16xf32>
        %parallel_loop3A_1287 = arith.constant 0.000000e+00 : f32
        %parallel_loop3A_1288 = vector.broadcast %parallel_loop3A_1287 : f32 to vector<16xf32>
        %parallel_loop3A_1289 = arith.maximumf %parallel_loop3A_1286, %parallel_loop3A_1288 : vector<16xf32>
        %parallel_loop3A_1290 = arith.index_cast %parallel_loop3A_1282 : i32 to index
        %parallel_loop3A_1291 = arith.constant 0 : index
        %parallel_loop3A_1292 = tpu.vector_load %arg11[%parallel_loop3A_1290, %parallel_loop3A_1291] {strides = array<i32>} : memref<80x128xf32, #tpu.memory_space<vmem>>, vector<1x16xf32>,
        %parallel_loop3A_1293 = vector.shape_cast %parallel_loop3A_1292 : vector<1x16xf32> to vector<16xf32>
        %parallel_loop3A_1294 = vector.shape_cast %parallel_loop3A_1289 : vector<16xf32> to vector<1x16xf32>
        tpu.vector_store %arg11[%parallel_loop3A_1290, %parallel_loop3A_1291], %parallel_loop3A_1294 {strides = array<i32>} : memref<80x128xf32, #tpu.memory_space<vmem>>, vector<1x16xf32>,
        %parallel_loop3A_1295 = arith.index_cast %parallel_loop3A_1282 : i32 to index
        %parallel_loop3A_1296 = arith.constant 16 : index
        %parallel_loop3A_1297 = tpu.vector_load %arg11[%parallel_loop3A_1295, %parallel_loop3A_1296] {strides = array<i32>} : memref<80x128xf32, #tpu.memory_space<vmem>>, vector<1x16xf32>,
        %parallel_loop3A_1298 = vector.shape_cast %parallel_loop3A_1297 : vector<1x16xf32> to vector<16xf32>
        %parallel_loop3A_1299 = arith.constant 0.000000e+00 : f32
        %parallel_loop3A_1300 = vector.broadcast %parallel_loop3A_1299 : f32 to vector<16xf32>
        %parallel_loop3A_1301 = arith.maximumf %parallel_loop3A_1298, %parallel_loop3A_1300 : vector<16xf32>
        %parallel_loop3A_1302 = arith.index_cast %parallel_loop3A_1282 : i32 to index
        %parallel_loop3A_1303 = arith.constant 16 : index
        %parallel_loop3A_1304 = tpu.vector_load %arg11[%parallel_loop3A_1302, %parallel_loop3A_1303] {strides = array<i32>} : memref<80x128xf32, #tpu.memory_space<vmem>>, vector<1x16xf32>,
        %parallel_loop3A_1305 = vector.shape_cast %parallel_loop3A_1304 : vector<1x16xf32> to vector<16xf32>
        %parallel_loop3A_1306 = vector.shape_cast %parallel_loop3A_1301 : vector<16xf32> to vector<1x16xf32>
        tpu.vector_store %arg11[%parallel_loop3A_1302, %parallel_loop3A_1303], %parallel_loop3A_1306 {strides = array<i32>} : memref<80x128xf32, #tpu.memory_space<vmem>>, vector<1x16xf32>,
        %parallel_loop3A_1307 = arith.index_cast %parallel_loop3A_1282 : i32 to index
        %parallel_loop3A_1308 = arith.constant 32 : index
        %parallel_loop3A_1309 = tpu.vector_load %arg11[%parallel_loop3A_1307, %parallel_loop3A_1308] {strides = array<i32>} : memref<80x128xf32, #tpu.memory_space<vmem>>, vector<1x16xf32>,
        %parallel_loop3A_1310 = vector.shape_cast %parallel_loop3A_1309 : vector<1x16xf32> to vector<16xf32>
        %parallel_loop3A_1311 = arith.constant 0.000000e+00 : f32
        %parallel_loop3A_1312 = vector.broadcast %parallel_loop3A_1311 : f32 to vector<16xf32>
        %parallel_loop3A_1313 = arith.maximumf %parallel_loop3A_1310, %parallel_loop3A_1312 : vector<16xf32>
        %parallel_loop3A_1314 = arith.index_cast %parallel_loop3A_1282 : i32 to index
        %parallel_loop3A_1315 = arith.constant 32 : index
        %parallel_loop3A_1316 = tpu.vector_load %arg11[%parallel_loop3A_1314, %parallel_loop3A_1315] {strides = array<i32>} : memref<80x128xf32, #tpu.memory_space<vmem>>, vector<1x16xf32>,
        %parallel_loop3A_1317 = vector.shape_cast %parallel_loop3A_1316 : vector<1x16xf32> to vector<16xf32>
        %parallel_loop3A_1318 = vector.shape_cast %parallel_loop3A_1313 : vector<16xf32> to vector<1x16xf32>
        tpu.vector_store %arg11[%parallel_loop3A_1314, %parallel_loop3A_1315], %parallel_loop3A_1318 {strides = array<i32>} : memref<80x128xf32, #tpu.memory_space<vmem>>, vector<1x16xf32>,
        %parallel_loop3A_1319 = arith.index_cast %parallel_loop3A_1282 : i32 to index
        %parallel_loop3A_1320 = arith.constant 48 : index
        %parallel_loop3A_1321 = tpu.vector_load %arg11[%parallel_loop3A_1319, %parallel_loop3A_1320] {strides = array<i32>} : memref<80x128xf32, #tpu.memory_space<vmem>>, vector<1x16xf32>,
        %parallel_loop3A_1322 = vector.shape_cast %parallel_loop3A_1321 : vector<1x16xf32> to vector<16xf32>
        %parallel_loop3A_1323 = arith.constant 0.000000e+00 : f32
        %parallel_loop3A_1324 = vector.broadcast %parallel_loop3A_1323 : f32 to vector<16xf32>
        %parallel_loop3A_1325 = arith.maximumf %parallel_loop3A_1322, %parallel_loop3A_1324 : vector<16xf32>
        %parallel_loop3A_1326 = arith.index_cast %parallel_loop3A_1282 : i32 to index
        %parallel_loop3A_1327 = arith.constant 48 : index
        %parallel_loop3A_1328 = tpu.vector_load %arg11[%parallel_loop3A_1326, %parallel_loop3A_1327] {strides = array<i32>} : memref<80x128xf32, #tpu.memory_space<vmem>>, vector<1x16xf32>,
        %parallel_loop3A_1329 = vector.shape_cast %parallel_loop3A_1328 : vector<1x16xf32> to vector<16xf32>
        %parallel_loop3A_1330 = vector.shape_cast %parallel_loop3A_1325 : vector<16xf32> to vector<1x16xf32>
        tpu.vector_store %arg11[%parallel_loop3A_1326, %parallel_loop3A_1327], %parallel_loop3A_1330 {strides = array<i32>} : memref<80x128xf32, #tpu.memory_space<vmem>>, vector<1x16xf32>,
        %parallel_loop3A_1331 = arith.index_cast %parallel_loop3A_1282 : i32 to index
        %parallel_loop3A_1332 = arith.constant 64 : index
        %parallel_loop3A_1333 = tpu.vector_load %arg11[%parallel_loop3A_1331, %parallel_loop3A_1332] {strides = array<i32>} : memref<80x128xf32, #tpu.memory_space<vmem>>, vector<1x16xf32>,
        %parallel_loop3A_1334 = vector.shape_cast %parallel_loop3A_1333 : vector<1x16xf32> to vector<16xf32>
        %parallel_loop3A_1335 = arith.constant 0.000000e+00 : f32
        %parallel_loop3A_1336 = vector.broadcast %parallel_loop3A_1335 : f32 to vector<16xf32>
        %parallel_loop3A_1337 = arith.maximumf %parallel_loop3A_1334, %parallel_loop3A_1336 : vector<16xf32>
        %parallel_loop3A_1338 = arith.index_cast %parallel_loop3A_1282 : i32 to index
        %parallel_loop3A_1339 = arith.constant 64 : index
        %parallel_loop3A_1340 = tpu.vector_load %arg11[%parallel_loop3A_1338, %parallel_loop3A_1339] {strides = array<i32>} : memref<80x128xf32, #tpu.memory_space<vmem>>, vector<1x16xf32>,
        %parallel_loop3A_1341 = vector.shape_cast %parallel_loop3A_1340 : vector<1x16xf32> to vector<16xf32>
        %parallel_loop3A_1342 = vector.shape_cast %parallel_loop3A_1337 : vector<16xf32> to vector<1x16xf32>
        tpu.vector_store %arg11[%parallel_loop3A_1338, %parallel_loop3A_1339], %parallel_loop3A_1342 {strides = array<i32>} : memref<80x128xf32, #tpu.memory_space<vmem>>, vector<1x16xf32>,
        %parallel_loop3A_1343 = arith.index_cast %parallel_loop3A_1282 : i32 to index
        %parallel_loop3A_1344 = arith.constant 80 : index
        %parallel_loop3A_1345 = tpu.vector_load %arg11[%parallel_loop3A_1343, %parallel_loop3A_1344] {strides = array<i32>} : memref<80x128xf32, #tpu.memory_space<vmem>>, vector<1x16xf32>,
        %parallel_loop3A_1346 = vector.shape_cast %parallel_loop3A_1345 : vector<1x16xf32> to vector<16xf32>
        %parallel_loop3A_1347 = arith.constant 0.000000e+00 : f32
        %parallel_loop3A_1348 = vector.broadcast %parallel_loop3A_1347 : f32 to vector<16xf32>
        %parallel_loop3A_1349 = arith.maximumf %parallel_loop3A_1346, %parallel_loop3A_1348 : vector<16xf32>
        %parallel_loop3A_1350 = arith.index_cast %parallel_loop3A_1282 : i32 to index
        %parallel_loop3A_1351 = arith.constant 80 : index
        %parallel_loop3A_1352 = tpu.vector_load %arg11[%parallel_loop3A_1350, %parallel_loop3A_1351] {strides = array<i32>} : memref<80x128xf32, #tpu.memory_space<vmem>>, vector<1x16xf32>,
        %parallel_loop3A_1353 = vector.shape_cast %parallel_loop3A_1352 : vector<1x16xf32> to vector<16xf32>
        %parallel_loop3A_1354 = vector.shape_cast %parallel_loop3A_1349 : vector<16xf32> to vector<1x16xf32>
        tpu.vector_store %arg11[%parallel_loop3A_1350, %parallel_loop3A_1351], %parallel_loop3A_1354 {strides = array<i32>} : memref<80x128xf32, #tpu.memory_space<vmem>>, vector<1x16xf32>,
        %parallel_loop3A_1355 = arith.index_cast %parallel_loop3A_1282 : i32 to index
        %parallel_loop3A_1356 = arith.constant 96 : index
        %parallel_loop3A_1357 = tpu.vector_load %arg11[%parallel_loop3A_1355, %parallel_loop3A_1356] {strides = array<i32>} : memref<80x128xf32, #tpu.memory_space<vmem>>, vector<1x16xf32>,
        %parallel_loop3A_1358 = vector.shape_cast %parallel_loop3A_1357 : vector<1x16xf32> to vector<16xf32>
        %parallel_loop3A_1359 = arith.constant 0.000000e+00 : f32
        %parallel_loop3A_1360 = vector.broadcast %parallel_loop3A_1359 : f32 to vector<16xf32>
        %parallel_loop3A_1361 = arith.maximumf %parallel_loop3A_1358, %parallel_loop3A_1360 : vector<16xf32>
        %parallel_loop3A_1362 = arith.index_cast %parallel_loop3A_1282 : i32 to index
        %parallel_loop3A_1363 = arith.constant 96 : index
        %parallel_loop3A_1364 = tpu.vector_load %arg11[%parallel_loop3A_1362, %parallel_loop3A_1363] {strides = array<i32>} : memref<80x128xf32, #tpu.memory_space<vmem>>, vector<1x16xf32>,
        %parallel_loop3A_1365 = vector.shape_cast %parallel_loop3A_1364 : vector<1x16xf32> to vector<16xf32>
        %parallel_loop3A_1366 = vector.shape_cast %parallel_loop3A_1361 : vector<16xf32> to vector<1x16xf32>
        tpu.vector_store %arg11[%parallel_loop3A_1362, %parallel_loop3A_1363], %parallel_loop3A_1366 {strides = array<i32>} : memref<80x128xf32, #tpu.memory_space<vmem>>, vector<1x16xf32>,
        %parallel_loop3A_1367 = arith.index_cast %parallel_loop3A_1282 : i32 to index
        %parallel_loop3A_1368 = arith.constant 112 : index
        %parallel_loop3A_1369 = tpu.vector_load %arg11[%parallel_loop3A_1367, %parallel_loop3A_1368] {strides = array<i32>} : memref<80x128xf32, #tpu.memory_space<vmem>>, vector<1x16xf32>,
        %parallel_loop3A_1370 = vector.shape_cast %parallel_loop3A_1369 : vector<1x16xf32> to vector<16xf32>
        %parallel_loop3A_1371 = arith.constant 0.000000e+00 : f32
        %parallel_loop3A_1372 = vector.broadcast %parallel_loop3A_1371 : f32 to vector<16xf32>
        %parallel_loop3A_1373 = arith.maximumf %parallel_loop3A_1370, %parallel_loop3A_1372 : vector<16xf32>
        %parallel_loop3A_1374 = arith.index_cast %parallel_loop3A_1282 : i32 to index
        %parallel_loop3A_1375 = arith.constant 112 : index
        %parallel_loop3A_1376 = tpu.vector_load %arg11[%parallel_loop3A_1374, %parallel_loop3A_1375] {strides = array<i32>} : memref<80x128xf32, #tpu.memory_space<vmem>>, vector<1x16xf32>,
        %parallel_loop3A_1377 = vector.shape_cast %parallel_loop3A_1376 : vector<1x16xf32> to vector<16xf32>
        %parallel_loop3A_1378 = vector.shape_cast %parallel_loop3A_1373 : vector<16xf32> to vector<1x16xf32>
        tpu.vector_store %arg11[%parallel_loop3A_1374, %parallel_loop3A_1375], %parallel_loop3A_1378 {strides = array<i32>} : memref<80x128xf32, #tpu.memory_space<vmem>>, vector<1x16xf32>,
      } {sc.loop_unroll_factor = 4 : i64, sc.parallel_access}
      %dma_wait3A_989 = arith.constant 1 : i32
      %dma_wait3A_990 = arith.constant 0 : i32
      %dma_wait3A_991 = tpu.memref_slice %arg9[%dma_wait3A_989, %dma_wait3A_990] : memref<3x80xi32, #tpu.memory_space<vmem>> -> memref<1x80xi32, #tpu.memory_space<vmem>>
      %dma_wait3A_992 = tpu.memref_squeeze %dma_wait3A_991 : memref<1x80xi32, #tpu.memory_space<vmem>> -> memref<80xi32, #tpu.memory_space<vmem>>
      %dma_wait3A_993 = tpu.memref_slice %arg3[%mul3A_0] : memref<160000xi32, #tpu.memory_space<hbm>> -> memref<80xi32, #tpu.memory_space<hbm>>
      %dma_wait3A_994 = arith.constant 0 : i32
      %dma_wait3A_995 = tpu.memref_slice %arg9[%dma_wait3A_989, %dma_wait3A_994] : memref<3x80xi32, #tpu.memory_space<vmem>> -> memref<1x80xi32, #tpu.memory_space<vmem>>
      %dma_wait3A_996 = tpu.memref_squeeze %dma_wait3A_995 : memref<1x80xi32, #tpu.memory_space<vmem>> -> memref<80xi32, #tpu.memory_space<vmem>>
      %dma_wait3A_997 = tpu.memref_slice %arg3[%mul3A_0] : memref<160000xi32, #tpu.memory_space<hbm>> -> memref<80xi32, #tpu.memory_space<hbm>>
      tpu.wait_dma2 semaphore(%arg21 : memref<!tpu.dma_semaphore, #tpu.memory_space<semaphore_mem>>) src(%dma_wait3A_997 : memref<80xi32, #tpu.memory_space<hbm>>) dst(%dma_wait3A_996 : memref<80xi32, #tpu.memory_space<vmem>>)
      %dma_start3A_998 = arith.constant 1 : i32
      %dma_start3A_999 = arith.constant 0 : i32
      %dma_start3A_1000 = tpu.memref_slice %arg9[%dma_start3A_998, %dma_start3A_999] : memref<3x80xi32, #tpu.memory_space<vmem>> -> memref<1x80xi32, #tpu.memory_space<vmem>>
      %dma_start3A_1001 = tpu.memref_squeeze %dma_start3A_1000 : memref<1x80xi32, #tpu.memory_space<vmem>> -> memref<80xi32, #tpu.memory_space<vmem>>
      %dma_start3A_1002 = arith.constant 0 : i32
      %dma_start3A_1003 = arith.constant 0 : i32
      %dma_start3A_1004 = tpu.memref_slice %arg13[%dma_start3A_1002, %dma_start3A_1003] : memref<10240x128xf32, #tpu.memory_space<vmem_shared>> -> memref<10240x128xf32, #tpu.memory_space<vmem_shared>>
      tpu.enqueue_indirect_dma source(%arg11 : memref<80x128xf32, #tpu.memory_space<vmem>>) target(%dma_start3A_1004 : memref<10240x128xf32, #tpu.memory_space<vmem_shared>>) offsets(%dma_start3A_1001 : memref<80xi32, #tpu.memory_space<vmem>>) semaphore(%arg24 : memref<!tpu.dma_semaphore, #tpu.memory_space<semaphore_mem>>) {add = true}
      %add3A_1005 = arith.constant 1 : i32
      %add3A_1006 = arith.addi %add3A_868, %add3A_1005 : i32
      %dma_wait3A_1007 = arith.constant 1 : i32
      %dma_wait3A_1008 = arith.constant 0 : i32
      %dma_wait3A_1009 = tpu.memref_slice %arg9[%dma_wait3A_1007, %dma_wait3A_1008] : memref<3x80xi32, #tpu.memory_space<vmem>> -> memref<1x80xi32, #tpu.memory_space<vmem>>
      %dma_wait3A_1010 = tpu.memref_squeeze %dma_wait3A_1009 : memref<1x80xi32, #tpu.memory_space<vmem>> -> memref<80xi32, #tpu.memory_space<vmem>>
      %dma_wait3A_1011 = arith.constant 0 : i32
      %dma_wait3A_1012 = arith.constant 0 : i32
      %dma_wait3A_1013 = tpu.memref_slice %arg13[%dma_wait3A_1011, %dma_wait3A_1012] : memref<10240x128xf32, #tpu.memory_space<vmem_shared>> -> memref<10240x128xf32, #tpu.memory_space<vmem_shared>>
      tpu.wait_indirect_dma semaphore(%arg24 : memref<!tpu.dma_semaphore, #tpu.memory_space<semaphore_mem>>) src(%arg11 : memref<80x128xf32, #tpu.memory_space<vmem>>) dst(%dma_wait3A_1013 : memref<10240x128xf32, #tpu.memory_space<vmem_shared>>)
      %add3A_1014 = arith.constant 2 : i32
      %add3A_1015 = arith.addi %add3A_1006, %add3A_1014 : i32
      %mul3A_1016 = arith.constant 80 : i32
      %mul3A_1017 = arith.muli %add3A_1015, %mul3A_1016 : i32
      %add3A_1018 = arith.addi %mul3A_0, %mul3A_1017 : i32
      %mul3A_1019 = arith.constant 2 : i32
      %mul3A_1020 = arith.muli %add3A_1018, %mul3A_1019 : i32
      %add3A_1021 = arith.addi %mul3A_1020, %arg0 : i32
      %mul3A_1022 = arith.constant 2 : i32
      %mul3A_1023 = vector.broadcast %mul3A_1022 : i32 to vector<16xi32>
      %mul3A_1024 = arith.muli %iota3A, %mul3A_1023 : vector<16xi32>
      %add3A_1025 = arith.constant 0 : i32
      %add3A_1026 = arith.addi %add3A_1021, %add3A_1025 : i32
      %add3A_1027 = vector.broadcast %add3A_1026 : i32 to vector<16xi32>
      %add3A_1028 = arith.addi %mul3A_1024, %add3A_1027 : vector<16xi32>
      %swap3A_1029 = arith.constant 1 : i32
      %swap3A_1030 = arith.index_cast %swap3A_1029 : i32 to index
      %swap3A_1031 = arith.constant 0 : index
      %swap3A_1032 = tpu.vector_load %arg8[%swap3A_1030, %swap3A_1031] {strides = array<i32>} : memref<3x80xi32, #tpu.memory_space<vmem>>, vector<1x16xi32>,
      %swap3A_1033 = vector.shape_cast %swap3A_1032 : vector<1x16xi32> to vector<16xi32>
      %swap3A_1034 = vector.shape_cast %add3A_1028 : vector<16xi32> to vector<1x16xi32>
      tpu.vector_store %arg8[%swap3A_1030, %swap3A_1031], %swap3A_1034 {strides = array<i32>} : memref<3x80xi32, #tpu.memory_space<vmem>>, vector<1x16xi32>,
      %mul3A_1035 = arith.constant 2 : i32
      %mul3A_1036 = vector.broadcast %mul3A_1035 : i32 to vector<16xi32>
      %mul3A_1037 = arith.muli %iota3A, %mul3A_1036 : vector<16xi32>
      %add3A_1038 = arith.constant 32 : i32
      %add3A_1039 = arith.addi %add3A_1021, %add3A_1038 : i32
      %add3A_1040 = vector.broadcast %add3A_1039 : i32 to vector<16xi32>
      %add3A_1041 = arith.addi %mul3A_1037, %add3A_1040 : vector<16xi32>
      %swap3A_1042 = arith.constant 1 : i32
      %swap3A_1043 = arith.index_cast %swap3A_1042 : i32 to index
      %swap3A_1044 = arith.constant 16 : index
      %swap3A_1045 = tpu.vector_load %arg8[%swap3A_1043, %swap3A_1044] {strides = array<i32>} : memref<3x80xi32, #tpu.memory_space<vmem>>, vector<1x16xi32>,
      %swap3A_1046 = vector.shape_cast %swap3A_1045 : vector<1x16xi32> to vector<16xi32>
      %swap3A_1047 = vector.shape_cast %add3A_1041 : vector<16xi32> to vector<1x16xi32>
      tpu.vector_store %arg8[%swap3A_1043, %swap3A_1044], %swap3A_1047 {strides = array<i32>} : memref<3x80xi32, #tpu.memory_space<vmem>>, vector<1x16xi32>,
      %mul3A_1048 = arith.constant 2 : i32
      %mul3A_1049 = vector.broadcast %mul3A_1048 : i32 to vector<16xi32>
      %mul3A_1050 = arith.muli %iota3A, %mul3A_1049 : vector<16xi32>
      %add3A_1051 = arith.constant 64 : i32
      %add3A_1052 = arith.addi %add3A_1021, %add3A_1051 : i32
      %add3A_1053 = vector.broadcast %add3A_1052 : i32 to vector<16xi32>
      %add3A_1054 = arith.addi %mul3A_1050, %add3A_1053 : vector<16xi32>
      %swap3A_1055 = arith.constant 1 : i32
      %swap3A_1056 = arith.index_cast %swap3A_1055 : i32 to index
      %swap3A_1057 = arith.constant 32 : index
      %swap3A_1058 = tpu.vector_load %arg8[%swap3A_1056, %swap3A_1057] {strides = array<i32>} : memref<3x80xi32, #tpu.memory_space<vmem>>, vector<1x16xi32>,
      %swap3A_1059 = vector.shape_cast %swap3A_1058 : vector<1x16xi32> to vector<16xi32>
      %swap3A_1060 = vector.shape_cast %add3A_1054 : vector<16xi32> to vector<1x16xi32>
      tpu.vector_store %arg8[%swap3A_1056, %swap3A_1057], %swap3A_1060 {strides = array<i32>} : memref<3x80xi32, #tpu.memory_space<vmem>>, vector<1x16xi32>,
      %mul3A_1061 = arith.constant 2 : i32
      %mul3A_1062 = vector.broadcast %mul3A_1061 : i32 to vector<16xi32>
      %mul3A_1063 = arith.muli %iota3A, %mul3A_1062 : vector<16xi32>
      %add3A_1064 = arith.constant 96 : i32
      %add3A_1065 = arith.addi %add3A_1021, %add3A_1064 : i32
      %add3A_1066 = vector.broadcast %add3A_1065 : i32 to vector<16xi32>
      %add3A_1067 = arith.addi %mul3A_1063, %add3A_1066 : vector<16xi32>
      %swap3A_1068 = arith.constant 1 : i32
      %swap3A_1069 = arith.index_cast %swap3A_1068 : i32 to index
      %swap3A_1070 = arith.constant 48 : index
      %swap3A_1071 = tpu.vector_load %arg8[%swap3A_1069, %swap3A_1070] {strides = array<i32>} : memref<3x80xi32, #tpu.memory_space<vmem>>, vector<1x16xi32>,
      %swap3A_1072 = vector.shape_cast %swap3A_1071 : vector<1x16xi32> to vector<16xi32>
      %swap3A_1073 = vector.shape_cast %add3A_1067 : vector<16xi32> to vector<1x16xi32>
      tpu.vector_store %arg8[%swap3A_1069, %swap3A_1070], %swap3A_1073 {strides = array<i32>} : memref<3x80xi32, #tpu.memory_space<vmem>>, vector<1x16xi32>,
      %mul3A_1074 = arith.constant 2 : i32
      %mul3A_1075 = vector.broadcast %mul3A_1074 : i32 to vector<16xi32>
      %mul3A_1076 = arith.muli %iota3A, %mul3A_1075 : vector<16xi32>
      %add3A_1077 = arith.constant 128 : i32
      %add3A_1078 = arith.addi %add3A_1021, %add3A_1077 : i32
      %add3A_1079 = vector.broadcast %add3A_1078 : i32 to vector<16xi32>
      %add3A_1080 = arith.addi %mul3A_1076, %add3A_1079 : vector<16xi32>
      %swap3A_1081 = arith.constant 1 : i32
      %swap3A_1082 = arith.index_cast %swap3A_1081 : i32 to index
      %swap3A_1083 = arith.constant 64 : index
      %swap3A_1084 = tpu.vector_load %arg8[%swap3A_1082, %swap3A_1083] {strides = array<i32>} : memref<3x80xi32, #tpu.memory_space<vmem>>, vector<1x16xi32>,
      %swap3A_1085 = vector.shape_cast %swap3A_1084 : vector<1x16xi32> to vector<16xi32>
      %swap3A_1086 = vector.shape_cast %add3A_1080 : vector<16xi32> to vector<1x16xi32>
      tpu.vector_store %arg8[%swap3A_1082, %swap3A_1083], %swap3A_1086 {strides = array<i32>} : memref<3x80xi32, #tpu.memory_space<vmem>>, vector<1x16xi32>,
      %dma_start3A_1087 = arith.constant 1 : i32
      %dma_start3A_1088 = arith.constant 0 : i32
      %dma_start3A_1089 = tpu.memref_slice %arg8[%dma_start3A_1087, %dma_start3A_1088] : memref<3x80xi32, #tpu.memory_space<vmem>> -> memref<1x80xi32, #tpu.memory_space<vmem>>
      %dma_start3A_1090 = tpu.memref_squeeze %dma_start3A_1089 : memref<1x80xi32, #tpu.memory_space<vmem>> -> memref<80xi32, #tpu.memory_space<vmem>>
      %dma_start3A_1091 = arith.constant 0 : i32
      %dma_start3A_1092 = arith.constant 0 : i32
      %dma_start3A_1093 = tpu.memref_slice %arg5[%dma_start3A_1091, %dma_start3A_1092] : memref<320000x128xf32, #tpu.memory_space<hbm>> -> memref<320000x128xf32, #tpu.memory_space<hbm>>
      tpu.enqueue_indirect_dma source(%dma_start3A_1093 : memref<320000x128xf32, #tpu.memory_space<hbm>>) target(%arg11 : memref<80x128xf32, #tpu.memory_space<vmem>>) offsets(%dma_start3A_1090 : memref<80xi32, #tpu.memory_space<vmem>>) semaphore(%arg18 : memref<!tpu.dma_semaphore, #tpu.memory_space<semaphore_mem>>)
      %add3A_1094 = arith.addi %mul3A_0, %mul3A_1017 : i32
      %dma_start3A_1095 = arith.constant 1 : i32
      %dma_start3A_1096 = arith.constant 0 : i32
      %dma_start3A_1097 = tpu.memref_slice %arg9[%dma_start3A_1095, %dma_start3A_1096] : memref<3x80xi32, #tpu.memory_space<vmem>> -> memref<1x80xi32, #tpu.memory_space<vmem>>
      %dma_start3A_1098 = tpu.memref_squeeze %dma_start3A_1097 : memref<1x80xi32, #tpu.memory_space<vmem>> -> memref<80xi32, #tpu.memory_space<vmem>>
      %dma_start3A_1099 = tpu.memref_slice %arg3[%add3A_1094] : memref<160000xi32, #tpu.memory_space<hbm>> -> memref<80xi32, #tpu.memory_space<hbm>>
      %dma_start3A_1100 = arith.constant 0 : i32
      %dma_start3A_1101 = tpu.memref_slice %arg9[%dma_start3A_1095, %dma_start3A_1100] : memref<3x80xi32, #tpu.memory_space<vmem>> -> memref<1x80xi32, #tpu.memory_space<vmem>>
      %dma_start3A_1102 = tpu.memref_squeeze %dma_start3A_1101 : memref<1x80xi32, #tpu.memory_space<vmem>> -> memref<80xi32, #tpu.memory_space<vmem>>
      %dma_start3A_1103 = tpu.memref_slice %arg3[%add3A_1094] : memref<160000xi32, #tpu.memory_space<hbm>> -> memref<80xi32, #tpu.memory_space<hbm>>
      tpu.enqueue_dma source(%dma_start3A_1103 : memref<80xi32, #tpu.memory_space<hbm>>) target(%dma_start3A_1102 : memref<80xi32, #tpu.memory_space<vmem>>) target_semaphore(%arg21 : memref<!tpu.dma_semaphore, #tpu.memory_space<semaphore_mem>>)
      %dma_wait3A_1104 = arith.constant 0 : i32
      %dma_wait3A_1105 = arith.constant 0 : i32
      %dma_wait3A_1106 = tpu.memref_slice %arg8[%dma_wait3A_1104, %dma_wait3A_1105] : memref<3x80xi32, #tpu.memory_space<vmem>> -> memref<1x80xi32, #tpu.memory_space<vmem>>
      %dma_wait3A_1107 = tpu.memref_squeeze %dma_wait3A_1106 : memref<1x80xi32, #tpu.memory_space<vmem>> -> memref<80xi32, #tpu.memory_space<vmem>>
      %dma_wait3A_1108 = arith.constant 0 : i32
      %dma_wait3A_1109 = arith.constant 0 : i32
      %dma_wait3A_1110 = tpu.memref_slice %arg5[%dma_wait3A_1108, %dma_wait3A_1109] : memref<320000x128xf32, #tpu.memory_space<hbm>> -> memref<320000x128xf32, #tpu.memory_space<hbm>>
      tpu.wait_indirect_dma semaphore(%arg17 : memref<!tpu.dma_semaphore, #tpu.memory_space<semaphore_mem>>) src(%dma_wait3A_1110 : memref<320000x128xf32, #tpu.memory_space<hbm>>) dst(%arg10 : memref<80x128xf32, #tpu.memory_space<vmem>>)
      %add3A_1111 = arith.constant 1 : i32
      %add3A_1112 = arith.addi %add3A_1006, %add3A_1111 : i32
      %mul3A_1113 = arith.constant 80 : i32
      %mul3A_1114 = arith.muli %add3A_1112, %mul3A_1113 : i32
      %dma_start3A_1115 = tpu.memref_slice %arg7[%mul3A_1114] : memref<10000xi32, #tpu.memory_space<vmem>> -> memref<80xi32, #tpu.memory_space<vmem>>
      %dma_start3A_1116 = arith.constant 0 : i32
      %dma_start3A_1117 = arith.constant 0 : i32
      %dma_start3A_1118 = tpu.memref_slice %arg4[%dma_start3A_1116, %dma_start3A_1117] : memref<20000x128xf32, #tpu.memory_space<hbm>> -> memref<20000x128xf32, #tpu.memory_space<hbm>>
      tpu.enqueue_indirect_dma source(%dma_start3A_1118 : memref<20000x128xf32, #tpu.memory_space<hbm>>) target(%arg10 : memref<80x128xf32, #tpu.memory_space<vmem>>) offsets(%dma_start3A_1115 : memref<80xi32, #tpu.memory_space<vmem>>) semaphore(%arg14 : memref<!tpu.dma_semaphore, #tpu.memory_space<semaphore_mem>>) {add = true}
      %dma_wait3A_1119 = arith.constant 0 : i32
      %dma_wait3A_1120 = tpu.memref_slice %arg7[%dma_wait3A_1119] : memref<10000xi32, #tpu.memory_space<vmem>> -> memref<80xi32, #tpu.memory_space<vmem>>
      %dma_wait3A_1121 = arith.constant 0 : i32
      %dma_wait3A_1122 = arith.constant 0 : i32
      %dma_wait3A_1123 = tpu.memref_slice %arg4[%dma_wait3A_1121, %dma_wait3A_1122] : memref<20000x128xf32, #tpu.memory_space<hbm>> -> memref<20000x128xf32, #tpu.memory_space<hbm>>
      tpu.wait_indirect_dma semaphore(%arg16 : memref<!tpu.dma_semaphore, #tpu.memory_space<semaphore_mem>>) src(%dma_wait3A_1123 : memref<20000x128xf32, #tpu.memory_space<hbm>>) dst(%arg12 : memref<80x128xf32, #tpu.memory_space<vmem>>)
      %parallel_loop3A_1124 = arith.constant 0 : i32
      %parallel_loop3A_1125 = arith.constant 80 : i32
      %parallel_loop3A_1126 = arith.constant 1 : i32
      scf.for %parallel_loop3A_1282 = %parallel_loop3A_1124 to %parallel_loop3A_1125 step %parallel_loop3A_1126  : i32 {
        %parallel_loop3A_1283 = arith.index_cast %parallel_loop3A_1282 : i32 to index
        %parallel_loop3A_1284 = arith.constant 0 : index
        %parallel_loop3A_1285 = tpu.vector_load %arg12[%parallel_loop3A_1283, %parallel_loop3A_1284] {strides = array<i32>} : memref<80x128xf32, #tpu.memory_space<vmem>>, vector<1x16xf32>,
        %parallel_loop3A_1286 = vector.shape_cast %parallel_loop3A_1285 : vector<1x16xf32> to vector<16xf32>
        %parallel_loop3A_1287 = arith.constant 0.000000e+00 : f32
        %parallel_loop3A_1288 = vector.broadcast %parallel_loop3A_1287 : f32 to vector<16xf32>
        %parallel_loop3A_1289 = arith.maximumf %parallel_loop3A_1286, %parallel_loop3A_1288 : vector<16xf32>
        %parallel_loop3A_1290 = arith.index_cast %parallel_loop3A_1282 : i32 to index
        %parallel_loop3A_1291 = arith.constant 0 : index
        %parallel_loop3A_1292 = tpu.vector_load %arg12[%parallel_loop3A_1290, %parallel_loop3A_1291] {strides = array<i32>} : memref<80x128xf32, #tpu.memory_space<vmem>>, vector<1x16xf32>,
        %parallel_loop3A_1293 = vector.shape_cast %parallel_loop3A_1292 : vector<1x16xf32> to vector<16xf32>
        %parallel_loop3A_1294 = vector.shape_cast %parallel_loop3A_1289 : vector<16xf32> to vector<1x16xf32>
        tpu.vector_store %arg12[%parallel_loop3A_1290, %parallel_loop3A_1291], %parallel_loop3A_1294 {strides = array<i32>} : memref<80x128xf32, #tpu.memory_space<vmem>>, vector<1x16xf32>,
        %parallel_loop3A_1295 = arith.index_cast %parallel_loop3A_1282 : i32 to index
        %parallel_loop3A_1296 = arith.constant 16 : index
        %parallel_loop3A_1297 = tpu.vector_load %arg12[%parallel_loop3A_1295, %parallel_loop3A_1296] {strides = array<i32>} : memref<80x128xf32, #tpu.memory_space<vmem>>, vector<1x16xf32>,
        %parallel_loop3A_1298 = vector.shape_cast %parallel_loop3A_1297 : vector<1x16xf32> to vector<16xf32>
        %parallel_loop3A_1299 = arith.constant 0.000000e+00 : f32
        %parallel_loop3A_1300 = vector.broadcast %parallel_loop3A_1299 : f32 to vector<16xf32>
        %parallel_loop3A_1301 = arith.maximumf %parallel_loop3A_1298, %parallel_loop3A_1300 : vector<16xf32>
        %parallel_loop3A_1302 = arith.index_cast %parallel_loop3A_1282 : i32 to index
        %parallel_loop3A_1303 = arith.constant 16 : index
        %parallel_loop3A_1304 = tpu.vector_load %arg12[%parallel_loop3A_1302, %parallel_loop3A_1303] {strides = array<i32>} : memref<80x128xf32, #tpu.memory_space<vmem>>, vector<1x16xf32>,
        %parallel_loop3A_1305 = vector.shape_cast %parallel_loop3A_1304 : vector<1x16xf32> to vector<16xf32>
        %parallel_loop3A_1306 = vector.shape_cast %parallel_loop3A_1301 : vector<16xf32> to vector<1x16xf32>
        tpu.vector_store %arg12[%parallel_loop3A_1302, %parallel_loop3A_1303], %parallel_loop3A_1306 {strides = array<i32>} : memref<80x128xf32, #tpu.memory_space<vmem>>, vector<1x16xf32>,
        %parallel_loop3A_1307 = arith.index_cast %parallel_loop3A_1282 : i32 to index
        %parallel_loop3A_1308 = arith.constant 32 : index
        %parallel_loop3A_1309 = tpu.vector_load %arg12[%parallel_loop3A_1307, %parallel_loop3A_1308] {strides = array<i32>} : memref<80x128xf32, #tpu.memory_space<vmem>>, vector<1x16xf32>,
        %parallel_loop3A_1310 = vector.shape_cast %parallel_loop3A_1309 : vector<1x16xf32> to vector<16xf32>
        %parallel_loop3A_1311 = arith.constant 0.000000e+00 : f32
        %parallel_loop3A_1312 = vector.broadcast %parallel_loop3A_1311 : f32 to vector<16xf32>
        %parallel_loop3A_1313 = arith.maximumf %parallel_loop3A_1310, %parallel_loop3A_1312 : vector<16xf32>
        %parallel_loop3A_1314 = arith.index_cast %parallel_loop3A_1282 : i32 to index
        %parallel_loop3A_1315 = arith.constant 32 : index
        %parallel_loop3A_1316 = tpu.vector_load %arg12[%parallel_loop3A_1314, %parallel_loop3A_1315] {strides = array<i32>} : memref<80x128xf32, #tpu.memory_space<vmem>>, vector<1x16xf32>,
        %parallel_loop3A_1317 = vector.shape_cast %parallel_loop3A_1316 : vector<1x16xf32> to vector<16xf32>
        %parallel_loop3A_1318 = vector.shape_cast %parallel_loop3A_1313 : vector<16xf32> to vector<1x16xf32>
        tpu.vector_store %arg12[%parallel_loop3A_1314, %parallel_loop3A_1315], %parallel_loop3A_1318 {strides = array<i32>} : memref<80x128xf32, #tpu.memory_space<vmem>>, vector<1x16xf32>,
        %parallel_loop3A_1319 = arith.index_cast %parallel_loop3A_1282 : i32 to index
        %parallel_loop3A_1320 = arith.constant 48 : index
        %parallel_loop3A_1321 = tpu.vector_load %arg12[%parallel_loop3A_1319, %parallel_loop3A_1320] {strides = array<i32>} : memref<80x128xf32, #tpu.memory_space<vmem>>, vector<1x16xf32>,
        %parallel_loop3A_1322 = vector.shape_cast %parallel_loop3A_1321 : vector<1x16xf32> to vector<16xf32>
        %parallel_loop3A_1323 = arith.constant 0.000000e+00 : f32
        %parallel_loop3A_1324 = vector.broadcast %parallel_loop3A_1323 : f32 to vector<16xf32>
        %parallel_loop3A_1325 = arith.maximumf %parallel_loop3A_1322, %parallel_loop3A_1324 : vector<16xf32>
        %parallel_loop3A_1326 = arith.index_cast %parallel_loop3A_1282 : i32 to index
        %parallel_loop3A_1327 = arith.constant 48 : index
        %parallel_loop3A_1328 = tpu.vector_load %arg12[%parallel_loop3A_1326, %parallel_loop3A_1327] {strides = array<i32>} : memref<80x128xf32, #tpu.memory_space<vmem>>, vector<1x16xf32>,
        %parallel_loop3A_1329 = vector.shape_cast %parallel_loop3A_1328 : vector<1x16xf32> to vector<16xf32>
        %parallel_loop3A_1330 = vector.shape_cast %parallel_loop3A_1325 : vector<16xf32> to vector<1x16xf32>
        tpu.vector_store %arg12[%parallel_loop3A_1326, %parallel_loop3A_1327], %parallel_loop3A_1330 {strides = array<i32>} : memref<80x128xf32, #tpu.memory_space<vmem>>, vector<1x16xf32>,
        %parallel_loop3A_1331 = arith.index_cast %parallel_loop3A_1282 : i32 to index
        %parallel_loop3A_1332 = arith.constant 64 : index
        %parallel_loop3A_1333 = tpu.vector_load %arg12[%parallel_loop3A_1331, %parallel_loop3A_1332] {strides = array<i32>} : memref<80x128xf32, #tpu.memory_space<vmem>>, vector<1x16xf32>,
        %parallel_loop3A_1334 = vector.shape_cast %parallel_loop3A_1333 : vector<1x16xf32> to vector<16xf32>
        %parallel_loop3A_1335 = arith.constant 0.000000e+00 : f32
        %parallel_loop3A_1336 = vector.broadcast %parallel_loop3A_1335 : f32 to vector<16xf32>
        %parallel_loop3A_1337 = arith.maximumf %parallel_loop3A_1334, %parallel_loop3A_1336 : vector<16xf32>
        %parallel_loop3A_1338 = arith.index_cast %parallel_loop3A_1282 : i32 to index
        %parallel_loop3A_1339 = arith.constant 64 : index
        %parallel_loop3A_1340 = tpu.vector_load %arg12[%parallel_loop3A_1338, %parallel_loop3A_1339] {strides = array<i32>} : memref<80x128xf32, #tpu.memory_space<vmem>>, vector<1x16xf32>,
        %parallel_loop3A_1341 = vector.shape_cast %parallel_loop3A_1340 : vector<1x16xf32> to vector<16xf32>
        %parallel_loop3A_1342 = vector.shape_cast %parallel_loop3A_1337 : vector<16xf32> to vector<1x16xf32>
        tpu.vector_store %arg12[%parallel_loop3A_1338, %parallel_loop3A_1339], %parallel_loop3A_1342 {strides = array<i32>} : memref<80x128xf32, #tpu.memory_space<vmem>>, vector<1x16xf32>,
        %parallel_loop3A_1343 = arith.index_cast %parallel_loop3A_1282 : i32 to index
        %parallel_loop3A_1344 = arith.constant 80 : index
        %parallel_loop3A_1345 = tpu.vector_load %arg12[%parallel_loop3A_1343, %parallel_loop3A_1344] {strides = array<i32>} : memref<80x128xf32, #tpu.memory_space<vmem>>, vector<1x16xf32>,
        %parallel_loop3A_1346 = vector.shape_cast %parallel_loop3A_1345 : vector<1x16xf32> to vector<16xf32>
        %parallel_loop3A_1347 = arith.constant 0.000000e+00 : f32
        %parallel_loop3A_1348 = vector.broadcast %parallel_loop3A_1347 : f32 to vector<16xf32>
        %parallel_loop3A_1349 = arith.maximumf %parallel_loop3A_1346, %parallel_loop3A_1348 : vector<16xf32>
        %parallel_loop3A_1350 = arith.index_cast %parallel_loop3A_1282 : i32 to index
        %parallel_loop3A_1351 = arith.constant 80 : index
        %parallel_loop3A_1352 = tpu.vector_load %arg12[%parallel_loop3A_1350, %parallel_loop3A_1351] {strides = array<i32>} : memref<80x128xf32, #tpu.memory_space<vmem>>, vector<1x16xf32>,
        %parallel_loop3A_1353 = vector.shape_cast %parallel_loop3A_1352 : vector<1x16xf32> to vector<16xf32>
        %parallel_loop3A_1354 = vector.shape_cast %parallel_loop3A_1349 : vector<16xf32> to vector<1x16xf32>
        tpu.vector_store %arg12[%parallel_loop3A_1350, %parallel_loop3A_1351], %parallel_loop3A_1354 {strides = array<i32>} : memref<80x128xf32, #tpu.memory_space<vmem>>, vector<1x16xf32>,
        %parallel_loop3A_1355 = arith.index_cast %parallel_loop3A_1282 : i32 to index
        %parallel_loop3A_1356 = arith.constant 96 : index
        %parallel_loop3A_1357 = tpu.vector_load %arg12[%parallel_loop3A_1355, %parallel_loop3A_1356] {strides = array<i32>} : memref<80x128xf32, #tpu.memory_space<vmem>>, vector<1x16xf32>,
        %parallel_loop3A_1358 = vector.shape_cast %parallel_loop3A_1357 : vector<1x16xf32> to vector<16xf32>
        %parallel_loop3A_1359 = arith.constant 0.000000e+00 : f32
        %parallel_loop3A_1360 = vector.broadcast %parallel_loop3A_1359 : f32 to vector<16xf32>
        %parallel_loop3A_1361 = arith.maximumf %parallel_loop3A_1358, %parallel_loop3A_1360 : vector<16xf32>
        %parallel_loop3A_1362 = arith.index_cast %parallel_loop3A_1282 : i32 to index
        %parallel_loop3A_1363 = arith.constant 96 : index
        %parallel_loop3A_1364 = tpu.vector_load %arg12[%parallel_loop3A_1362, %parallel_loop3A_1363] {strides = array<i32>} : memref<80x128xf32, #tpu.memory_space<vmem>>, vector<1x16xf32>,
        %parallel_loop3A_1365 = vector.shape_cast %parallel_loop3A_1364 : vector<1x16xf32> to vector<16xf32>
        %parallel_loop3A_1366 = vector.shape_cast %parallel_loop3A_1361 : vector<16xf32> to vector<1x16xf32>
        tpu.vector_store %arg12[%parallel_loop3A_1362, %parallel_loop3A_1363], %parallel_loop3A_1366 {strides = array<i32>} : memref<80x128xf32, #tpu.memory_space<vmem>>, vector<1x16xf32>,
        %parallel_loop3A_1367 = arith.index_cast %parallel_loop3A_1282 : i32 to index
        %parallel_loop3A_1368 = arith.constant 112 : index
        %parallel_loop3A_1369 = tpu.vector_load %arg12[%parallel_loop3A_1367, %parallel_loop3A_1368] {strides = array<i32>} : memref<80x128xf32, #tpu.memory_space<vmem>>, vector<1x16xf32>,
        %parallel_loop3A_1370 = vector.shape_cast %parallel_loop3A_1369 : vector<1x16xf32> to vector<16xf32>
        %parallel_loop3A_1371 = arith.constant 0.000000e+00 : f32
        %parallel_loop3A_1372 = vector.broadcast %parallel_loop3A_1371 : f32 to vector<16xf32>
        %parallel_loop3A_1373 = arith.maximumf %parallel_loop3A_1370, %parallel_loop3A_1372 : vector<16xf32>
        %parallel_loop3A_1374 = arith.index_cast %parallel_loop3A_1282 : i32 to index
        %parallel_loop3A_1375 = arith.constant 112 : index
        %parallel_loop3A_1376 = tpu.vector_load %arg12[%parallel_loop3A_1374, %parallel_loop3A_1375] {strides = array<i32>} : memref<80x128xf32, #tpu.memory_space<vmem>>, vector<1x16xf32>,
        %parallel_loop3A_1377 = vector.shape_cast %parallel_loop3A_1376 : vector<1x16xf32> to vector<16xf32>
        %parallel_loop3A_1378 = vector.shape_cast %parallel_loop3A_1373 : vector<16xf32> to vector<1x16xf32>
        tpu.vector_store %arg12[%parallel_loop3A_1374, %parallel_loop3A_1375], %parallel_loop3A_1378 {strides = array<i32>} : memref<80x128xf32, #tpu.memory_space<vmem>>, vector<1x16xf32>,
      } {sc.loop_unroll_factor = 4 : i64, sc.parallel_access}
      %dma_wait3A_1127 = arith.constant 2 : i32
      %dma_wait3A_1128 = arith.constant 0 : i32
      %dma_wait3A_1129 = tpu.memref_slice %arg9[%dma_wait3A_1127, %dma_wait3A_1128] : memref<3x80xi32, #tpu.memory_space<vmem>> -> memref<1x80xi32, #tpu.memory_space<vmem>>
      %dma_wait3A_1130 = tpu.memref_squeeze %dma_wait3A_1129 : memref<1x80xi32, #tpu.memory_space<vmem>> -> memref<80xi32, #tpu.memory_space<vmem>>
      %dma_wait3A_1131 = tpu.memref_slice %arg3[%mul3A_0] : memref<160000xi32, #tpu.memory_space<hbm>> -> memref<80xi32, #tpu.memory_space<hbm>>
      %dma_wait3A_1132 = arith.constant 0 : i32
      %dma_wait3A_1133 = tpu.memref_slice %arg9[%dma_wait3A_1127, %dma_wait3A_1132] : memref<3x80xi32, #tpu.memory_space<vmem>> -> memref<1x80xi32, #tpu.memory_space<vmem>>
      %dma_wait3A_1134 = tpu.memref_squeeze %dma_wait3A_1133 : memref<1x80xi32, #tpu.memory_space<vmem>> -> memref<80xi32, #tpu.memory_space<vmem>>
      %dma_wait3A_1135 = tpu.memref_slice %arg3[%mul3A_0] : memref<160000xi32, #tpu.memory_space<hbm>> -> memref<80xi32, #tpu.memory_space<hbm>>
      tpu.wait_dma2 semaphore(%arg22 : memref<!tpu.dma_semaphore, #tpu.memory_space<semaphore_mem>>) src(%dma_wait3A_1135 : memref<80xi32, #tpu.memory_space<hbm>>) dst(%dma_wait3A_1134 : memref<80xi32, #tpu.memory_space<vmem>>)
      %dma_start3A_1136 = arith.constant 2 : i32
      %dma_start3A_1137 = arith.constant 0 : i32
      %dma_start3A_1138 = tpu.memref_slice %arg9[%dma_start3A_1136, %dma_start3A_1137] : memref<3x80xi32, #tpu.memory_space<vmem>> -> memref<1x80xi32, #tpu.memory_space<vmem>>
      %dma_start3A_1139 = tpu.memref_squeeze %dma_start3A_1138 : memref<1x80xi32, #tpu.memory_space<vmem>> -> memref<80xi32, #tpu.memory_space<vmem>>
      %dma_start3A_1140 = arith.constant 0 : i32
      %dma_start3A_1141 = arith.constant 0 : i32
      %dma_start3A_1142 = tpu.memref_slice %arg13[%dma_start3A_1140, %dma_start3A_1141] : memref<10240x128xf32, #tpu.memory_space<vmem_shared>> -> memref<10240x128xf32, #tpu.memory_space<vmem_shared>>
      tpu.enqueue_indirect_dma source(%arg12 : memref<80x128xf32, #tpu.memory_space<vmem>>) target(%dma_start3A_1142 : memref<10240x128xf32, #tpu.memory_space<vmem_shared>>) offsets(%dma_start3A_1139 : memref<80xi32, #tpu.memory_space<vmem>>) semaphore(%arg25 : memref<!tpu.dma_semaphore, #tpu.memory_space<semaphore_mem>>) {add = true}
      %add3A_1143 = arith.constant 2 : i32
      %add3A_1144 = arith.addi %add3A_868, %add3A_1143 : i32
      %dma_wait3A_1145 = arith.constant 2 : i32
      %dma_wait3A_1146 = arith.constant 0 : i32
      %dma_wait3A_1147 = tpu.memref_slice %arg9[%dma_wait3A_1145, %dma_wait3A_1146] : memref<3x80xi32, #tpu.memory_space<vmem>> -> memref<1x80xi32, #tpu.memory_space<vmem>>
      %dma_wait3A_1148 = tpu.memref_squeeze %dma_wait3A_1147 : memref<1x80xi32, #tpu.memory_space<vmem>> -> memref<80xi32, #tpu.memory_space<vmem>>
      %dma_wait3A_1149 = arith.constant 0 : i32
      %dma_wait3A_1150 = arith.constant 0 : i32
      %dma_wait3A_1151 = tpu.memref_slice %arg13[%dma_wait3A_1149, %dma_wait3A_1150] : memref<10240x128xf32, #tpu.memory_space<vmem_shared>> -> memref<10240x128xf32, #tpu.memory_space<vmem_shared>>
      tpu.wait_indirect_dma semaphore(%arg25 : memref<!tpu.dma_semaphore, #tpu.memory_space<semaphore_mem>>) src(%arg12 : memref<80x128xf32, #tpu.memory_space<vmem>>) dst(%dma_wait3A_1151 : memref<10240x128xf32, #tpu.memory_space<vmem_shared>>)
      %add3A_1152 = arith.constant 2 : i32
      %add3A_1153 = arith.addi %add3A_1144, %add3A_1152 : i32
      %mul3A_1154 = arith.constant 80 : i32
      %mul3A_1155 = arith.muli %add3A_1153, %mul3A_1154 : i32
      %add3A_1156 = arith.addi %mul3A_0, %mul3A_1155 : i32
      %mul3A_1157 = arith.constant 2 : i32
      %mul3A_1158 = arith.muli %add3A_1156, %mul3A_1157 : i32
      %add3A_1159 = arith.addi %mul3A_1158, %arg0 : i32
      %mul3A_1160 = arith.constant 2 : i32
      %mul3A_1161 = vector.broadcast %mul3A_1160 : i32 to vector<16xi32>
      %mul3A_1162 = arith.muli %iota3A, %mul3A_1161 : vector<16xi32>
      %add3A_1163 = arith.constant 0 : i32
      %add3A_1164 = arith.addi %add3A_1159, %add3A_1163 : i32
      %add3A_1165 = vector.broadcast %add3A_1164 : i32 to vector<16xi32>
      %add3A_1166 = arith.addi %mul3A_1162, %add3A_1165 : vector<16xi32>
      %swap3A_1167 = arith.constant 2 : i32
      %swap3A_1168 = arith.index_cast %swap3A_1167 : i32 to index
      %swap3A_1169 = arith.constant 0 : index
      %swap3A_1170 = tpu.vector_load %arg8[%swap3A_1168, %swap3A_1169] {strides = array<i32>} : memref<3x80xi32, #tpu.memory_space<vmem>>, vector<1x16xi32>,
      %swap3A_1171 = vector.shape_cast %swap3A_1170 : vector<1x16xi32> to vector<16xi32>
      %swap3A_1172 = vector.shape_cast %add3A_1166 : vector<16xi32> to vector<1x16xi32>
      tpu.vector_store %arg8[%swap3A_1168, %swap3A_1169], %swap3A_1172 {strides = array<i32>} : memref<3x80xi32, #tpu.memory_space<vmem>>, vector<1x16xi32>,
      %mul3A_1173 = arith.constant 2 : i32
      %mul3A_1174 = vector.broadcast %mul3A_1173 : i32 to vector<16xi32>
      %mul3A_1175 = arith.muli %iota3A, %mul3A_1174 : vector<16xi32>
      %add3A_1176 = arith.constant 32 : i32
      %add3A_1177 = arith.addi %add3A_1159, %add3A_1176 : i32
      %add3A_1178 = vector.broadcast %add3A_1177 : i32 to vector<16xi32>
      %add3A_1179 = arith.addi %mul3A_1175, %add3A_1178 : vector<16xi32>
      %swap3A_1180 = arith.constant 2 : i32
      %swap3A_1181 = arith.index_cast %swap3A_1180 : i32 to index
      %swap3A_1182 = arith.constant 16 : index
      %swap3A_1183 = tpu.vector_load %arg8[%swap3A_1181, %swap3A_1182] {strides = array<i32>} : memref<3x80xi32, #tpu.memory_space<vmem>>, vector<1x16xi32>,
      %swap3A_1184 = vector.shape_cast %swap3A_1183 : vector<1x16xi32> to vector<16xi32>
      %swap3A_1185 = vector.shape_cast %add3A_1179 : vector<16xi32> to vector<1x16xi32>
      tpu.vector_store %arg8[%swap3A_1181, %swap3A_1182], %swap3A_1185 {strides = array<i32>} : memref<3x80xi32, #tpu.memory_space<vmem>>, vector<1x16xi32>,
      %mul3A_1186 = arith.constant 2 : i32
      %mul3A_1187 = vector.broadcast %mul3A_1186 : i32 to vector<16xi32>
      %mul3A_1188 = arith.muli %iota3A, %mul3A_1187 : vector<16xi32>
      %add3A_1189 = arith.constant 64 : i32
      %add3A_1190 = arith.addi %add3A_1159, %add3A_1189 : i32
      %add3A_1191 = vector.broadcast %add3A_1190 : i32 to vector<16xi32>
      %add3A_1192 = arith.addi %mul3A_1188, %add3A_1191 : vector<16xi32>
      %swap3A_1193 = arith.constant 2 : i32
      %swap3A_1194 = arith.index_cast %swap3A_1193 : i32 to index
      %swap3A_1195 = arith.constant 32 : index
      %swap3A_1196 = tpu.vector_load %arg8[%swap3A_1194, %swap3A_1195] {strides = array<i32>} : memref<3x80xi32, #tpu.memory_space<vmem>>, vector<1x16xi32>,
      %swap3A_1197 = vector.shape_cast %swap3A_1196 : vector<1x16xi32> to vector<16xi32>
      %swap3A_1198 = vector.shape_cast %add3A_1192 : vector<16xi32> to vector<1x16xi32>
      tpu.vector_store %arg8[%swap3A_1194, %swap3A_1195], %swap3A_1198 {strides = array<i32>} : memref<3x80xi32, #tpu.memory_space<vmem>>, vector<1x16xi32>,
      %mul3A_1199 = arith.constant 2 : i32
      %mul3A_1200 = vector.broadcast %mul3A_1199 : i32 to vector<16xi32>
      %mul3A_1201 = arith.muli %iota3A, %mul3A_1200 : vector<16xi32>
      %add3A_1202 = arith.constant 96 : i32
      %add3A_1203 = arith.addi %add3A_1159, %add3A_1202 : i32
      %add3A_1204 = vector.broadcast %add3A_1203 : i32 to vector<16xi32>
      %add3A_1205 = arith.addi %mul3A_1201, %add3A_1204 : vector<16xi32>
      %swap3A_1206 = arith.constant 2 : i32
      %swap3A_1207 = arith.index_cast %swap3A_1206 : i32 to index
      %swap3A_1208 = arith.constant 48 : index
      %swap3A_1209 = tpu.vector_load %arg8[%swap3A_1207, %swap3A_1208] {strides = array<i32>} : memref<3x80xi32, #tpu.memory_space<vmem>>, vector<1x16xi32>,
      %swap3A_1210 = vector.shape_cast %swap3A_1209 : vector<1x16xi32> to vector<16xi32>
      %swap3A_1211 = vector.shape_cast %add3A_1205 : vector<16xi32> to vector<1x16xi32>
      tpu.vector_store %arg8[%swap3A_1207, %swap3A_1208], %swap3A_1211 {strides = array<i32>} : memref<3x80xi32, #tpu.memory_space<vmem>>, vector<1x16xi32>,
      %mul3A_1212 = arith.constant 2 : i32
      %mul3A_1213 = vector.broadcast %mul3A_1212 : i32 to vector<16xi32>
      %mul3A_1214 = arith.muli %iota3A, %mul3A_1213 : vector<16xi32>
      %add3A_1215 = arith.constant 128 : i32
      %add3A_1216 = arith.addi %add3A_1159, %add3A_1215 : i32
      %add3A_1217 = vector.broadcast %add3A_1216 : i32 to vector<16xi32>
      %add3A_1218 = arith.addi %mul3A_1214, %add3A_1217 : vector<16xi32>
      %swap3A_1219 = arith.constant 2 : i32
      %swap3A_1220 = arith.index_cast %swap3A_1219 : i32 to index
      %swap3A_1221 = arith.constant 64 : index
      %swap3A_1222 = tpu.vector_load %arg8[%swap3A_1220, %swap3A_1221] {strides = array<i32>} : memref<3x80xi32, #tpu.memory_space<vmem>>, vector<1x16xi32>,
      %swap3A_1223 = vector.shape_cast %swap3A_1222 : vector<1x16xi32> to vector<16xi32>
      %swap3A_1224 = vector.shape_cast %add3A_1218 : vector<16xi32> to vector<1x16xi32>
      tpu.vector_store %arg8[%swap3A_1220, %swap3A_1221], %swap3A_1224 {strides = array<i32>} : memref<3x80xi32, #tpu.memory_space<vmem>>, vector<1x16xi32>,
      %dma_start3A_1225 = arith.constant 2 : i32
      %dma_start3A_1226 = arith.constant 0 : i32
      %dma_start3A_1227 = tpu.memref_slice %arg8[%dma_start3A_1225, %dma_start3A_1226] : memref<3x80xi32, #tpu.memory_space<vmem>> -> memref<1x80xi32, #tpu.memory_space<vmem>>
      %dma_start3A_1228 = tpu.memref_squeeze %dma_start3A_1227 : memref<1x80xi32, #tpu.memory_space<vmem>> -> memref<80xi32, #tpu.memory_space<vmem>>
      %dma_start3A_1229 = arith.constant 0 : i32
      %dma_start3A_1230 = arith.constant 0 : i32
      %dma_start3A_1231 = tpu.memref_slice %arg5[%dma_start3A_1229, %dma_start3A_1230] : memref<320000x128xf32, #tpu.memory_space<hbm>> -> memref<320000x128xf32, #tpu.memory_space<hbm>>
      tpu.enqueue_indirect_dma source(%dma_start3A_1231 : memref<320000x128xf32, #tpu.memory_space<hbm>>) target(%arg12 : memref<80x128xf32, #tpu.memory_space<vmem>>) offsets(%dma_start3A_1228 : memref<80xi32, #tpu.memory_space<vmem>>) semaphore(%arg19 : memref<!tpu.dma_semaphore, #tpu.memory_space<semaphore_mem>>)
      %add3A_1232 = arith.addi %mul3A_0, %mul3A_1155 : i32
      %dma_start3A_1233 = arith.constant 2 : i32
      %dma_start3A_1234 = arith.constant 0 : i32
      %dma_start3A_1235 = tpu.memref_slice %arg9[%dma_start3A_1233, %dma_start3A_1234] : memref<3x80xi32, #tpu.memory_space<vmem>> -> memref<1x80xi32, #tpu.memory_space<vmem>>
      %dma_start3A_1236 = tpu.memref_squeeze %dma_start3A_1235 : memref<1x80xi32, #tpu.memory_space<vmem>> -> memref<80xi32, #tpu.memory_space<vmem>>
      %dma_start3A_1237 = tpu.memref_slice %arg3[%add3A_1232] : memref<160000xi32, #tpu.memory_space<hbm>> -> memref<80xi32, #tpu.memory_space<hbm>>
      %dma_start3A_1238 = arith.constant 0 : i32
      %dma_start3A_1239 = tpu.memref_slice %arg9[%dma_start3A_1233, %dma_start3A_1238] : memref<3x80xi32, #tpu.memory_space<vmem>> -> memref<1x80xi32, #tpu.memory_space<vmem>>
      %dma_start3A_1240 = tpu.memref_squeeze %dma_start3A_1239 : memref<1x80xi32, #tpu.memory_space<vmem>> -> memref<80xi32, #tpu.memory_space<vmem>>
      %dma_start3A_1241 = tpu.memref_slice %arg3[%add3A_1232] : memref<160000xi32, #tpu.memory_space<hbm>> -> memref<80xi32, #tpu.memory_space<hbm>>
      tpu.enqueue_dma source(%dma_start3A_1241 : memref<80xi32, #tpu.memory_space<hbm>>) target(%dma_start3A_1240 : memref<80xi32, #tpu.memory_space<vmem>>) target_semaphore(%arg22 : memref<!tpu.dma_semaphore, #tpu.memory_space<semaphore_mem>>)
      %dma_wait3A_1242 = arith.constant 1 : i32
      %dma_wait3A_1243 = arith.constant 0 : i32
      %dma_wait3A_1244 = tpu.memref_slice %arg8[%dma_wait3A_1242, %dma_wait3A_1243] : memref<3x80xi32, #tpu.memory_space<vmem>> -> memref<1x80xi32, #tpu.memory_space<vmem>>
      %dma_wait3A_1245 = tpu.memref_squeeze %dma_wait3A_1244 : memref<1x80xi32, #tpu.memory_space<vmem>> -> memref<80xi32, #tpu.memory_space<vmem>>
      %dma_wait3A_1246 = arith.constant 0 : i32
      %dma_wait3A_1247 = arith.constant 0 : i32
      %dma_wait3A_1248 = tpu.memref_slice %arg5[%dma_wait3A_1246, %dma_wait3A_1247] : memref<320000x128xf32, #tpu.memory_space<hbm>> -> memref<320000x128xf32, #tpu.memory_space<hbm>>
      tpu.wait_indirect_dma semaphore(%arg18 : memref<!tpu.dma_semaphore, #tpu.memory_space<semaphore_mem>>) src(%dma_wait3A_1248 : memref<320000x128xf32, #tpu.memory_space<hbm>>) dst(%arg11 : memref<80x128xf32, #tpu.memory_space<vmem>>)
      %add3A_1249 = arith.constant 1 : i32
      %add3A_1250 = arith.addi %add3A_1144, %add3A_1249 : i32
      %mul3A_1251 = arith.constant 80 : i32
      %mul3A_1252 = arith.muli %add3A_1250, %mul3A_1251 : i32
      %dma_start3A_1253 = tpu.memref_slice %arg7[%mul3A_1252] : memref<10000xi32, #tpu.memory_space<vmem>> -> memref<80xi32, #tpu.memory_space<vmem>>
      %dma_start3A_1254 = arith.constant 0 : i32
      %dma_start3A_1255 = arith.constant 0 : i32
      %dma_start3A_1256 = tpu.memref_slice %arg4[%dma_start3A_1254, %dma_start3A_1255] : memref<20000x128xf32, #tpu.memory_space<hbm>> -> memref<20000x128xf32, #tpu.memory_space<hbm>>
      tpu.enqueue_indirect_dma source(%dma_start3A_1256 : memref<20000x128xf32, #tpu.memory_space<hbm>>) target(%arg11 : memref<80x128xf32, #tpu.memory_space<vmem>>) offsets(%dma_start3A_1253 : memref<80xi32, #tpu.memory_space<vmem>>) semaphore(%arg15 : memref<!tpu.dma_semaphore, #tpu.memory_space<semaphore_mem>>) {add = true}
      %dma_wait3A_1257 = arith.constant 0 : i32
      %dma_wait3A_1258 = tpu.memref_slice %arg7[%dma_wait3A_1257] : memref<10000xi32, #tpu.memory_space<vmem>> -> memref<80xi32, #tpu.memory_space<vmem>>
      %dma_wait3A_1259 = arith.constant 0 : i32
      %dma_wait3A_1260 = arith.constant 0 : i32
      %dma_wait3A_1261 = tpu.memref_slice %arg4[%dma_wait3A_1259, %dma_wait3A_1260] : memref<20000x128xf32, #tpu.memory_space<hbm>> -> memref<20000x128xf32, #tpu.memory_space<hbm>>
      tpu.wait_indirect_dma semaphore(%arg14 : memref<!tpu.dma_semaphore, #tpu.memory_space<semaphore_mem>>) src(%dma_wait3A_1261 : memref<20000x128xf32, #tpu.memory_space<hbm>>) dst(%arg10 : memref<80x128xf32, #tpu.memory_space<vmem>>)
      %parallel_loop3A_1262 = arith.constant 0 : i32
      %parallel_loop3A_1263 = arith.constant 80 : i32
      %parallel_loop3A_1264 = arith.constant 1 : i32
      scf.for %parallel_loop3A_1282 = %parallel_loop3A_1262 to %parallel_loop3A_1263 step %parallel_loop3A_1264  : i32 {
        %parallel_loop3A_1283 = arith.index_cast %parallel_loop3A_1282 : i32 to index
        %parallel_loop3A_1284 = arith.constant 0 : index
        %parallel_loop3A_1285 = tpu.vector_load %arg10[%parallel_loop3A_1283, %parallel_loop3A_1284] {strides = array<i32>} : memref<80x128xf32, #tpu.memory_space<vmem>>, vector<1x16xf32>,
        %parallel_loop3A_1286 = vector.shape_cast %parallel_loop3A_1285 : vector<1x16xf32> to vector<16xf32>
        %parallel_loop3A_1287 = arith.constant 0.000000e+00 : f32
        %parallel_loop3A_1288 = vector.broadcast %parallel_loop3A_1287 : f32 to vector<16xf32>
        %parallel_loop3A_1289 = arith.maximumf %parallel_loop3A_1286, %parallel_loop3A_1288 : vector<16xf32>
        %parallel_loop3A_1290 = arith.index_cast %parallel_loop3A_1282 : i32 to index
        %parallel_loop3A_1291 = arith.constant 0 : index
        %parallel_loop3A_1292 = tpu.vector_load %arg10[%parallel_loop3A_1290, %parallel_loop3A_1291] {strides = array<i32>} : memref<80x128xf32, #tpu.memory_space<vmem>>, vector<1x16xf32>,
        %parallel_loop3A_1293 = vector.shape_cast %parallel_loop3A_1292 : vector<1x16xf32> to vector<16xf32>
        %parallel_loop3A_1294 = vector.shape_cast %parallel_loop3A_1289 : vector<16xf32> to vector<1x16xf32>
        tpu.vector_store %arg10[%parallel_loop3A_1290, %parallel_loop3A_1291], %parallel_loop3A_1294 {strides = array<i32>} : memref<80x128xf32, #tpu.memory_space<vmem>>, vector<1x16xf32>,
        %parallel_loop3A_1295 = arith.index_cast %parallel_loop3A_1282 : i32 to index
        %parallel_loop3A_1296 = arith.constant 16 : index
        %parallel_loop3A_1297 = tpu.vector_load %arg10[%parallel_loop3A_1295, %parallel_loop3A_1296] {strides = array<i32>} : memref<80x128xf32, #tpu.memory_space<vmem>>, vector<1x16xf32>,
        %parallel_loop3A_1298 = vector.shape_cast %parallel_loop3A_1297 : vector<1x16xf32> to vector<16xf32>
        %parallel_loop3A_1299 = arith.constant 0.000000e+00 : f32
        %parallel_loop3A_1300 = vector.broadcast %parallel_loop3A_1299 : f32 to vector<16xf32>
        %parallel_loop3A_1301 = arith.maximumf %parallel_loop3A_1298, %parallel_loop3A_1300 : vector<16xf32>
        %parallel_loop3A_1302 = arith.index_cast %parallel_loop3A_1282 : i32 to index
        %parallel_loop3A_1303 = arith.constant 16 : index
        %parallel_loop3A_1304 = tpu.vector_load %arg10[%parallel_loop3A_1302, %parallel_loop3A_1303] {strides = array<i32>} : memref<80x128xf32, #tpu.memory_space<vmem>>, vector<1x16xf32>,
        %parallel_loop3A_1305 = vector.shape_cast %parallel_loop3A_1304 : vector<1x16xf32> to vector<16xf32>
        %parallel_loop3A_1306 = vector.shape_cast %parallel_loop3A_1301 : vector<16xf32> to vector<1x16xf32>
        tpu.vector_store %arg10[%parallel_loop3A_1302, %parallel_loop3A_1303], %parallel_loop3A_1306 {strides = array<i32>} : memref<80x128xf32, #tpu.memory_space<vmem>>, vector<1x16xf32>,
        %parallel_loop3A_1307 = arith.index_cast %parallel_loop3A_1282 : i32 to index
        %parallel_loop3A_1308 = arith.constant 32 : index
        %parallel_loop3A_1309 = tpu.vector_load %arg10[%parallel_loop3A_1307, %parallel_loop3A_1308] {strides = array<i32>} : memref<80x128xf32, #tpu.memory_space<vmem>>, vector<1x16xf32>,
        %parallel_loop3A_1310 = vector.shape_cast %parallel_loop3A_1309 : vector<1x16xf32> to vector<16xf32>
        %parallel_loop3A_1311 = arith.constant 0.000000e+00 : f32
        %parallel_loop3A_1312 = vector.broadcast %parallel_loop3A_1311 : f32 to vector<16xf32>
        %parallel_loop3A_1313 = arith.maximumf %parallel_loop3A_1310, %parallel_loop3A_1312 : vector<16xf32>
        %parallel_loop3A_1314 = arith.index_cast %parallel_loop3A_1282 : i32 to index
        %parallel_loop3A_1315 = arith.constant 32 : index
        %parallel_loop3A_1316 = tpu.vector_load %arg10[%parallel_loop3A_1314, %parallel_loop3A_1315] {strides = array<i32>} : memref<80x128xf32, #tpu.memory_space<vmem>>, vector<1x16xf32>,
        %parallel_loop3A_1317 = vector.shape_cast %parallel_loop3A_1316 : vector<1x16xf32> to vector<16xf32>
        %parallel_loop3A_1318 = vector.shape_cast %parallel_loop3A_1313 : vector<16xf32> to vector<1x16xf32>
        tpu.vector_store %arg10[%parallel_loop3A_1314, %parallel_loop3A_1315], %parallel_loop3A_1318 {strides = array<i32>} : memref<80x128xf32, #tpu.memory_space<vmem>>, vector<1x16xf32>,
        %parallel_loop3A_1319 = arith.index_cast %parallel_loop3A_1282 : i32 to index
        %parallel_loop3A_1320 = arith.constant 48 : index
        %parallel_loop3A_1321 = tpu.vector_load %arg10[%parallel_loop3A_1319, %parallel_loop3A_1320] {strides = array<i32>} : memref<80x128xf32, #tpu.memory_space<vmem>>, vector<1x16xf32>,
        %parallel_loop3A_1322 = vector.shape_cast %parallel_loop3A_1321 : vector<1x16xf32> to vector<16xf32>
        %parallel_loop3A_1323 = arith.constant 0.000000e+00 : f32
        %parallel_loop3A_1324 = vector.broadcast %parallel_loop3A_1323 : f32 to vector<16xf32>
        %parallel_loop3A_1325 = arith.maximumf %parallel_loop3A_1322, %parallel_loop3A_1324 : vector<16xf32>
        %parallel_loop3A_1326 = arith.index_cast %parallel_loop3A_1282 : i32 to index
        %parallel_loop3A_1327 = arith.constant 48 : index
        %parallel_loop3A_1328 = tpu.vector_load %arg10[%parallel_loop3A_1326, %parallel_loop3A_1327] {strides = array<i32>} : memref<80x128xf32, #tpu.memory_space<vmem>>, vector<1x16xf32>,
        %parallel_loop3A_1329 = vector.shape_cast %parallel_loop3A_1328 : vector<1x16xf32> to vector<16xf32>
        %parallel_loop3A_1330 = vector.shape_cast %parallel_loop3A_1325 : vector<16xf32> to vector<1x16xf32>
        tpu.vector_store %arg10[%parallel_loop3A_1326, %parallel_loop3A_1327], %parallel_loop3A_1330 {strides = array<i32>} : memref<80x128xf32, #tpu.memory_space<vmem>>, vector<1x16xf32>,
        %parallel_loop3A_1331 = arith.index_cast %parallel_loop3A_1282 : i32 to index
        %parallel_loop3A_1332 = arith.constant 64 : index
        %parallel_loop3A_1333 = tpu.vector_load %arg10[%parallel_loop3A_1331, %parallel_loop3A_1332] {strides = array<i32>} : memref<80x128xf32, #tpu.memory_space<vmem>>, vector<1x16xf32>,
        %parallel_loop3A_1334 = vector.shape_cast %parallel_loop3A_1333 : vector<1x16xf32> to vector<16xf32>
        %parallel_loop3A_1335 = arith.constant 0.000000e+00 : f32
        %parallel_loop3A_1336 = vector.broadcast %parallel_loop3A_1335 : f32 to vector<16xf32>
        %parallel_loop3A_1337 = arith.maximumf %parallel_loop3A_1334, %parallel_loop3A_1336 : vector<16xf32>
        %parallel_loop3A_1338 = arith.index_cast %parallel_loop3A_1282 : i32 to index
        %parallel_loop3A_1339 = arith.constant 64 : index
        %parallel_loop3A_1340 = tpu.vector_load %arg10[%parallel_loop3A_1338, %parallel_loop3A_1339] {strides = array<i32>} : memref<80x128xf32, #tpu.memory_space<vmem>>, vector<1x16xf32>,
        %parallel_loop3A_1341 = vector.shape_cast %parallel_loop3A_1340 : vector<1x16xf32> to vector<16xf32>
        %parallel_loop3A_1342 = vector.shape_cast %parallel_loop3A_1337 : vector<16xf32> to vector<1x16xf32>
        tpu.vector_store %arg10[%parallel_loop3A_1338, %parallel_loop3A_1339], %parallel_loop3A_1342 {strides = array<i32>} : memref<80x128xf32, #tpu.memory_space<vmem>>, vector<1x16xf32>,
        %parallel_loop3A_1343 = arith.index_cast %parallel_loop3A_1282 : i32 to index
        %parallel_loop3A_1344 = arith.constant 80 : index
        %parallel_loop3A_1345 = tpu.vector_load %arg10[%parallel_loop3A_1343, %parallel_loop3A_1344] {strides = array<i32>} : memref<80x128xf32, #tpu.memory_space<vmem>>, vector<1x16xf32>,
        %parallel_loop3A_1346 = vector.shape_cast %parallel_loop3A_1345 : vector<1x16xf32> to vector<16xf32>
        %parallel_loop3A_1347 = arith.constant 0.000000e+00 : f32
        %parallel_loop3A_1348 = vector.broadcast %parallel_loop3A_1347 : f32 to vector<16xf32>
        %parallel_loop3A_1349 = arith.maximumf %parallel_loop3A_1346, %parallel_loop3A_1348 : vector<16xf32>
        %parallel_loop3A_1350 = arith.index_cast %parallel_loop3A_1282 : i32 to index
        %parallel_loop3A_1351 = arith.constant 80 : index
        %parallel_loop3A_1352 = tpu.vector_load %arg10[%parallel_loop3A_1350, %parallel_loop3A_1351] {strides = array<i32>} : memref<80x128xf32, #tpu.memory_space<vmem>>, vector<1x16xf32>,
        %parallel_loop3A_1353 = vector.shape_cast %parallel_loop3A_1352 : vector<1x16xf32> to vector<16xf32>
        %parallel_loop3A_1354 = vector.shape_cast %parallel_loop3A_1349 : vector<16xf32> to vector<1x16xf32>
        tpu.vector_store %arg10[%parallel_loop3A_1350, %parallel_loop3A_1351], %parallel_loop3A_1354 {strides = array<i32>} : memref<80x128xf32, #tpu.memory_space<vmem>>, vector<1x16xf32>,
        %parallel_loop3A_1355 = arith.index_cast %parallel_loop3A_1282 : i32 to index
        %parallel_loop3A_1356 = arith.constant 96 : index
        %parallel_loop3A_1357 = tpu.vector_load %arg10[%parallel_loop3A_1355, %parallel_loop3A_1356] {strides = array<i32>} : memref<80x128xf32, #tpu.memory_space<vmem>>, vector<1x16xf32>,
        %parallel_loop3A_1358 = vector.shape_cast %parallel_loop3A_1357 : vector<1x16xf32> to vector<16xf32>
        %parallel_loop3A_1359 = arith.constant 0.000000e+00 : f32
        %parallel_loop3A_1360 = vector.broadcast %parallel_loop3A_1359 : f32 to vector<16xf32>
        %parallel_loop3A_1361 = arith.maximumf %parallel_loop3A_1358, %parallel_loop3A_1360 : vector<16xf32>
        %parallel_loop3A_1362 = arith.index_cast %parallel_loop3A_1282 : i32 to index
        %parallel_loop3A_1363 = arith.constant 96 : index
        %parallel_loop3A_1364 = tpu.vector_load %arg10[%parallel_loop3A_1362, %parallel_loop3A_1363] {strides = array<i32>} : memref<80x128xf32, #tpu.memory_space<vmem>>, vector<1x16xf32>,
        %parallel_loop3A_1365 = vector.shape_cast %parallel_loop3A_1364 : vector<1x16xf32> to vector<16xf32>
        %parallel_loop3A_1366 = vector.shape_cast %parallel_loop3A_1361 : vector<16xf32> to vector<1x16xf32>
        tpu.vector_store %arg10[%parallel_loop3A_1362, %parallel_loop3A_1363], %parallel_loop3A_1366 {strides = array<i32>} : memref<80x128xf32, #tpu.memory_space<vmem>>, vector<1x16xf32>,
        %parallel_loop3A_1367 = arith.index_cast %parallel_loop3A_1282 : i32 to index
        %parallel_loop3A_1368 = arith.constant 112 : index
        %parallel_loop3A_1369 = tpu.vector_load %arg10[%parallel_loop3A_1367, %parallel_loop3A_1368] {strides = array<i32>} : memref<80x128xf32, #tpu.memory_space<vmem>>, vector<1x16xf32>,
        %parallel_loop3A_1370 = vector.shape_cast %parallel_loop3A_1369 : vector<1x16xf32> to vector<16xf32>
        %parallel_loop3A_1371 = arith.constant 0.000000e+00 : f32
        %parallel_loop3A_1372 = vector.broadcast %parallel_loop3A_1371 : f32 to vector<16xf32>
        %parallel_loop3A_1373 = arith.maximumf %parallel_loop3A_1370, %parallel_loop3A_1372 : vector<16xf32>
        %parallel_loop3A_1374 = arith.index_cast %parallel_loop3A_1282 : i32 to index
        %parallel_loop3A_1375 = arith.constant 112 : index
        %parallel_loop3A_1376 = tpu.vector_load %arg10[%parallel_loop3A_1374, %parallel_loop3A_1375] {strides = array<i32>} : memref<80x128xf32, #tpu.memory_space<vmem>>, vector<1x16xf32>,
        %parallel_loop3A_1377 = vector.shape_cast %parallel_loop3A_1376 : vector<1x16xf32> to vector<16xf32>
        %parallel_loop3A_1378 = vector.shape_cast %parallel_loop3A_1373 : vector<16xf32> to vector<1x16xf32>
        tpu.vector_store %arg10[%parallel_loop3A_1374, %parallel_loop3A_1375], %parallel_loop3A_1378 {strides = array<i32>} : memref<80x128xf32, #tpu.memory_space<vmem>>, vector<1x16xf32>,
      } {sc.loop_unroll_factor = 4 : i64, sc.parallel_access}
      %dma_wait3A_1265 = arith.constant 0 : i32
      %dma_wait3A_1266 = arith.constant 0 : i32
      %dma_wait3A_1267 = tpu.memref_slice %arg9[%dma_wait3A_1265, %dma_wait3A_1266] : memref<3x80xi32, #tpu.memory_space<vmem>> -> memref<1x80xi32, #tpu.memory_space<vmem>>
      %dma_wait3A_1268 = tpu.memref_squeeze %dma_wait3A_1267 : memref<1x80xi32, #tpu.memory_space<vmem>> -> memref<80xi32, #tpu.memory_space<vmem>>
      %dma_wait3A_1269 = tpu.memref_slice %arg3[%mul3A_0] : memref<160000xi32, #tpu.memory_space<hbm>> -> memref<80xi32, #tpu.memory_space<hbm>>
      %dma_wait3A_1270 = arith.constant 0 : i32
      %dma_wait3A_1271 = tpu.memref_slice %arg9[%dma_wait3A_1265, %dma_wait3A_1270] : memref<3x80xi32, #tpu.memory_space<vmem>> -> memref<1x80xi32, #tpu.memory_space<vmem>>
      %dma_wait3A_1272 = tpu.memref_squeeze %dma_wait3A_1271 : memref<1x80xi32, #tpu.memory_space<vmem>> -> memref<80xi32, #tpu.memory_space<vmem>>
      %dma_wait3A_1273 = tpu.memref_slice %arg3[%mul3A_0] : memref<160000xi32, #tpu.memory_space<hbm>> -> memref<80xi32, #tpu.memory_space<hbm>>
      tpu.wait_dma2 semaphore(%arg20 : memref<!tpu.dma_semaphore, #tpu.memory_space<semaphore_mem>>) src(%dma_wait3A_1273 : memref<80xi32, #tpu.memory_space<hbm>>) dst(%dma_wait3A_1272 : memref<80xi32, #tpu.memory_space<vmem>>)
      %dma_start3A_1274 = arith.constant 0 : i32
      %dma_start3A_1275 = arith.constant 0 : i32
      %dma_start3A_1276 = tpu.memref_slice %arg9[%dma_start3A_1274, %dma_start3A_1275] : memref<3x80xi32, #tpu.memory_space<vmem>> -> memref<1x80xi32, #tpu.memory_space<vmem>>
      %dma_start3A_1277 = tpu.memref_squeeze %dma_start3A_1276 : memref<1x80xi32, #tpu.memory_space<vmem>> -> memref<80xi32, #tpu.memory_space<vmem>>
      %dma_start3A_1278 = arith.constant 0 : i32
      %dma_start3A_1279 = arith.constant 0 : i32
      %dma_start3A_1280 = tpu.memref_slice %arg13[%dma_start3A_1278, %dma_start3A_1279] : memref<10240x128xf32, #tpu.memory_space<vmem_shared>> -> memref<10240x128xf32, #tpu.memory_space<vmem_shared>>
      tpu.enqueue_indirect_dma source(%arg10 : memref<80x128xf32, #tpu.memory_space<vmem>>) target(%dma_start3A_1280 : memref<10240x128xf32, #tpu.memory_space<vmem_shared>>) offsets(%dma_start3A_1277 : memref<80xi32, #tpu.memory_space<vmem>>) semaphore(%arg23 : memref<!tpu.dma_semaphore, #tpu.memory_space<semaphore_mem>>) {add = true}
      %scan3A_1281 = arith.constant 0 : i32
      scf.yield %scan3A_1281 : i32
    }
    %scan3A_518 = arith.constant 40 : i32
    %dma_wait3A_519 = arith.constant 0 : i32
    %dma_wait3A_520 = arith.constant 0 : i32
    %dma_wait3A_521 = tpu.memref_slice %arg9[%dma_wait3A_519, %dma_wait3A_520] : memref<3x80xi32, #tpu.memory_space<vmem>> -> memref<1x80xi32, #tpu.memory_space<vmem>>
    %dma_wait3A_522 = tpu.memref_squeeze %dma_wait3A_521 : memref<1x80xi32, #tpu.memory_space<vmem>> -> memref<80xi32, #tpu.memory_space<vmem>>
    %dma_wait3A_523 = arith.constant 0 : i32
    %dma_wait3A_524 = arith.constant 0 : i32
    %dma_wait3A_525 = tpu.memref_slice %arg13[%dma_wait3A_523, %dma_wait3A_524] : memref<10240x128xf32, #tpu.memory_space<vmem_shared>> -> memref<10240x128xf32, #tpu.memory_space<vmem_shared>>
    tpu.wait_indirect_dma semaphore(%arg23 : memref<!tpu.dma_semaphore, #tpu.memory_space<semaphore_mem>>) src(%arg10 : memref<80x128xf32, #tpu.memory_space<vmem>>) dst(%dma_wait3A_525 : memref<10240x128xf32, #tpu.memory_space<vmem_shared>>)
    %add3A_526 = arith.constant 9840 : i32
    %add3A_527 = arith.addi %mul3A_0, %add3A_526 : i32
    %mul3A_528 = arith.constant 2 : i32
    %mul3A_529 = arith.muli %add3A_527, %mul3A_528 : i32
    %add3A_530 = arith.addi %mul3A_529, %arg0 : i32
    %mul3A_531 = arith.constant 2 : i32
    %mul3A_532 = vector.broadcast %mul3A_531 : i32 to vector<16xi32>
    %mul3A_533 = arith.muli %iota3A, %mul3A_532 : vector<16xi32>
    %add3A_534 = arith.constant 0 : i32
    %add3A_535 = arith.addi %add3A_530, %add3A_534 : i32
    %add3A_536 = vector.broadcast %add3A_535 : i32 to vector<16xi32>
    %add3A_537 = arith.addi %mul3A_533, %add3A_536 : vector<16xi32>
    %swap3A_538 = arith.constant 0 : i32
    %swap3A_539 = arith.index_cast %swap3A_538 : i32 to index
    %swap3A_540 = arith.constant 0 : index
    %swap3A_541 = tpu.vector_load %arg8[%swap3A_539, %swap3A_540] {strides = array<i32>} : memref<3x80xi32, #tpu.memory_space<vmem>>, vector<1x16xi32>,
    %swap3A_542 = vector.shape_cast %swap3A_541 : vector<1x16xi32> to vector<16xi32>
    %swap3A_543 = vector.shape_cast %add3A_537 : vector<16xi32> to vector<1x16xi32>
    tpu.vector_store %arg8[%swap3A_539, %swap3A_540], %swap3A_543 {strides = array<i32>} : memref<3x80xi32, #tpu.memory_space<vmem>>, vector<1x16xi32>,
    %mul3A_544 = arith.constant 2 : i32
    %mul3A_545 = vector.broadcast %mul3A_544 : i32 to vector<16xi32>
    %mul3A_546 = arith.muli %iota3A, %mul3A_545 : vector<16xi32>
    %add3A_547 = arith.constant 32 : i32
    %add3A_548 = arith.addi %add3A_530, %add3A_547 : i32
    %add3A_549 = vector.broadcast %add3A_548 : i32 to vector<16xi32>
    %add3A_550 = arith.addi %mul3A_546, %add3A_549 : vector<16xi32>
    %swap3A_551 = arith.constant 0 : i32
    %swap3A_552 = arith.index_cast %swap3A_551 : i32 to index
    %swap3A_553 = arith.constant 16 : index
    %swap3A_554 = tpu.vector_load %arg8[%swap3A_552, %swap3A_553] {strides = array<i32>} : memref<3x80xi32, #tpu.memory_space<vmem>>, vector<1x16xi32>,
    %swap3A_555 = vector.shape_cast %swap3A_554 : vector<1x16xi32> to vector<16xi32>
    %swap3A_556 = vector.shape_cast %add3A_550 : vector<16xi32> to vector<1x16xi32>
    tpu.vector_store %arg8[%swap3A_552, %swap3A_553], %swap3A_556 {strides = array<i32>} : memref<3x80xi32, #tpu.memory_space<vmem>>, vector<1x16xi32>,
    %mul3A_557 = arith.constant 2 : i32
    %mul3A_558 = vector.broadcast %mul3A_557 : i32 to vector<16xi32>
    %mul3A_559 = arith.muli %iota3A, %mul3A_558 : vector<16xi32>
    %add3A_560 = arith.constant 64 : i32
    %add3A_561 = arith.addi %add3A_530, %add3A_560 : i32
    %add3A_562 = vector.broadcast %add3A_561 : i32 to vector<16xi32>
    %add3A_563 = arith.addi %mul3A_559, %add3A_562 : vector<16xi32>
    %swap3A_564 = arith.constant 0 : i32
    %swap3A_565 = arith.index_cast %swap3A_564 : i32 to index
    %swap3A_566 = arith.constant 32 : index
    %swap3A_567 = tpu.vector_load %arg8[%swap3A_565, %swap3A_566] {strides = array<i32>} : memref<3x80xi32, #tpu.memory_space<vmem>>, vector<1x16xi32>,
    %swap3A_568 = vector.shape_cast %swap3A_567 : vector<1x16xi32> to vector<16xi32>
    %swap3A_569 = vector.shape_cast %add3A_563 : vector<16xi32> to vector<1x16xi32>
    tpu.vector_store %arg8[%swap3A_565, %swap3A_566], %swap3A_569 {strides = array<i32>} : memref<3x80xi32, #tpu.memory_space<vmem>>, vector<1x16xi32>,
    %mul3A_570 = arith.constant 2 : i32
    %mul3A_571 = vector.broadcast %mul3A_570 : i32 to vector<16xi32>
    %mul3A_572 = arith.muli %iota3A, %mul3A_571 : vector<16xi32>
    %add3A_573 = arith.constant 96 : i32
    %add3A_574 = arith.addi %add3A_530, %add3A_573 : i32
    %add3A_575 = vector.broadcast %add3A_574 : i32 to vector<16xi32>
    %add3A_576 = arith.addi %mul3A_572, %add3A_575 : vector<16xi32>
    %swap3A_577 = arith.constant 0 : i32
    %swap3A_578 = arith.index_cast %swap3A_577 : i32 to index
    %swap3A_579 = arith.constant 48 : index
    %swap3A_580 = tpu.vector_load %arg8[%swap3A_578, %swap3A_579] {strides = array<i32>} : memref<3x80xi32, #tpu.memory_space<vmem>>, vector<1x16xi32>,
    %swap3A_581 = vector.shape_cast %swap3A_580 : vector<1x16xi32> to vector<16xi32>
    %swap3A_582 = vector.shape_cast %add3A_576 : vector<16xi32> to vector<1x16xi32>
    tpu.vector_store %arg8[%swap3A_578, %swap3A_579], %swap3A_582 {strides = array<i32>} : memref<3x80xi32, #tpu.memory_space<vmem>>, vector<1x16xi32>,
    %mul3A_583 = arith.constant 2 : i32
    %mul3A_584 = vector.broadcast %mul3A_583 : i32 to vector<16xi32>
    %mul3A_585 = arith.muli %iota3A, %mul3A_584 : vector<16xi32>
    %add3A_586 = arith.constant 128 : i32
    %add3A_587 = arith.addi %add3A_530, %add3A_586 : i32
    %add3A_588 = vector.broadcast %add3A_587 : i32 to vector<16xi32>
    %add3A_589 = arith.addi %mul3A_585, %add3A_588 : vector<16xi32>
    %swap3A_590 = arith.constant 0 : i32
    %swap3A_591 = arith.index_cast %swap3A_590 : i32 to index
    %swap3A_592 = arith.constant 64 : index
    %swap3A_593 = tpu.vector_load %arg8[%swap3A_591, %swap3A_592] {strides = array<i32>} : memref<3x80xi32, #tpu.memory_space<vmem>>, vector<1x16xi32>,
    %swap3A_594 = vector.shape_cast %swap3A_593 : vector<1x16xi32> to vector<16xi32>
    %swap3A_595 = vector.shape_cast %add3A_589 : vector<16xi32> to vector<1x16xi32>
    tpu.vector_store %arg8[%swap3A_591, %swap3A_592], %swap3A_595 {strides = array<i32>} : memref<3x80xi32, #tpu.memory_space<vmem>>, vector<1x16xi32>,
    %dma_start3A_596 = arith.constant 0 : i32
    %dma_start3A_597 = arith.constant 0 : i32
    %dma_start3A_598 = tpu.memref_slice %arg8[%dma_start3A_596, %dma_start3A_597] : memref<3x80xi32, #tpu.memory_space<vmem>> -> memref<1x80xi32, #tpu.memory_space<vmem>>
    %dma_start3A_599 = tpu.memref_squeeze %dma_start3A_598 : memref<1x80xi32, #tpu.memory_space<vmem>> -> memref<80xi32, #tpu.memory_space<vmem>>
    %dma_start3A_600 = arith.constant 0 : i32
    %dma_start3A_601 = arith.constant 0 : i32
    %dma_start3A_602 = tpu.memref_slice %arg5[%dma_start3A_600, %dma_start3A_601] : memref<320000x128xf32, #tpu.memory_space<hbm>> -> memref<320000x128xf32, #tpu.memory_space<hbm>>
    tpu.enqueue_indirect_dma source(%dma_start3A_602 : memref<320000x128xf32, #tpu.memory_space<hbm>>) target(%arg10 : memref<80x128xf32, #tpu.memory_space<vmem>>) offsets(%dma_start3A_599 : memref<80xi32, #tpu.memory_space<vmem>>) semaphore(%arg17 : memref<!tpu.dma_semaphore, #tpu.memory_space<semaphore_mem>>)
    %add3A_603 = arith.constant 9840 : i32
    %add3A_604 = arith.addi %mul3A_0, %add3A_603 : i32
    %dma_start3A_605 = arith.constant 0 : i32
    %dma_start3A_606 = arith.constant 0 : i32
    %dma_start3A_607 = tpu.memref_slice %arg9[%dma_start3A_605, %dma_start3A_606] : memref<3x80xi32, #tpu.memory_space<vmem>> -> memref<1x80xi32, #tpu.memory_space<vmem>>
    %dma_start3A_608 = tpu.memref_squeeze %dma_start3A_607 : memref<1x80xi32, #tpu.memory_space<vmem>> -> memref<80xi32, #tpu.memory_space<vmem>>
    %dma_start3A_609 = tpu.memref_slice %arg3[%add3A_604] : memref<160000xi32, #tpu.memory_space<hbm>> -> memref<80xi32, #tpu.memory_space<hbm>>
    %dma_start3A_610 = arith.constant 0 : i32
    %dma_start3A_611 = tpu.memref_slice %arg9[%dma_start3A_605, %dma_start3A_610] : memref<3x80xi32, #tpu.memory_space<vmem>> -> memref<1x80xi32, #tpu.memory_space<vmem>>
    %dma_start3A_612 = tpu.memref_squeeze %dma_start3A_611 : memref<1x80xi32, #tpu.memory_space<vmem>> -> memref<80xi32, #tpu.memory_space<vmem>>
    %dma_start3A_613 = tpu.memref_slice %arg3[%add3A_604] : memref<160000xi32, #tpu.memory_space<hbm>> -> memref<80xi32, #tpu.memory_space<hbm>>
    tpu.enqueue_dma source(%dma_start3A_613 : memref<80xi32, #tpu.memory_space<hbm>>) target(%dma_start3A_612 : memref<80xi32, #tpu.memory_space<vmem>>) target_semaphore(%arg20 : memref<!tpu.dma_semaphore, #tpu.memory_space<semaphore_mem>>)
    %dma_wait3A_614 = arith.constant 2 : i32
    %dma_wait3A_615 = arith.constant 0 : i32
    %dma_wait3A_616 = tpu.memref_slice %arg8[%dma_wait3A_614, %dma_wait3A_615] : memref<3x80xi32, #tpu.memory_space<vmem>> -> memref<1x80xi32, #tpu.memory_space<vmem>>
    %dma_wait3A_617 = tpu.memref_squeeze %dma_wait3A_616 : memref<1x80xi32, #tpu.memory_space<vmem>> -> memref<80xi32, #tpu.memory_space<vmem>>
    %dma_wait3A_618 = arith.constant 0 : i32
    %dma_wait3A_619 = arith.constant 0 : i32
    %dma_wait3A_620 = tpu.memref_slice %arg5[%dma_wait3A_618, %dma_wait3A_619] : memref<320000x128xf32, #tpu.memory_space<hbm>> -> memref<320000x128xf32, #tpu.memory_space<hbm>>
    tpu.wait_indirect_dma semaphore(%arg19 : memref<!tpu.dma_semaphore, #tpu.memory_space<semaphore_mem>>) src(%dma_wait3A_620 : memref<320000x128xf32, #tpu.memory_space<hbm>>) dst(%arg12 : memref<80x128xf32, #tpu.memory_space<vmem>>)
    %dma_start3A_621 = arith.constant 9760 : i32
    %dma_start3A_622 = tpu.memref_slice %arg7[%dma_start3A_621] : memref<10000xi32, #tpu.memory_space<vmem>> -> memref<80xi32, #tpu.memory_space<vmem>>
    %dma_start3A_623 = arith.constant 0 : i32
    %dma_start3A_624 = arith.constant 0 : i32
    %dma_start3A_625 = tpu.memref_slice %arg4[%dma_start3A_623, %dma_start3A_624] : memref<20000x128xf32, #tpu.memory_space<hbm>> -> memref<20000x128xf32, #tpu.memory_space<hbm>>
    tpu.enqueue_indirect_dma source(%dma_start3A_625 : memref<20000x128xf32, #tpu.memory_space<hbm>>) target(%arg12 : memref<80x128xf32, #tpu.memory_space<vmem>>) offsets(%dma_start3A_622 : memref<80xi32, #tpu.memory_space<vmem>>) semaphore(%arg16 : memref<!tpu.dma_semaphore, #tpu.memory_space<semaphore_mem>>) {add = true}
    %dma_wait3A_626 = arith.constant 0 : i32
    %dma_wait3A_627 = tpu.memref_slice %arg7[%dma_wait3A_626] : memref<10000xi32, #tpu.memory_space<vmem>> -> memref<80xi32, #tpu.memory_space<vmem>>
    %dma_wait3A_628 = arith.constant 0 : i32
    %dma_wait3A_629 = arith.constant 0 : i32
    %dma_wait3A_630 = tpu.memref_slice %arg4[%dma_wait3A_628, %dma_wait3A_629] : memref<20000x128xf32, #tpu.memory_space<hbm>> -> memref<20000x128xf32, #tpu.memory_space<hbm>>
    tpu.wait_indirect_dma semaphore(%arg15 : memref<!tpu.dma_semaphore, #tpu.memory_space<semaphore_mem>>) src(%dma_wait3A_630 : memref<20000x128xf32, #tpu.memory_space<hbm>>) dst(%arg11 : memref<80x128xf32, #tpu.memory_space<vmem>>)
    %parallel_loop3A_631 = arith.constant 0 : i32
    %parallel_loop3A_632 = arith.constant 80 : i32
    %parallel_loop3A_633 = arith.constant 1 : i32
    scf.for %parallel_loop3A_863 = %parallel_loop3A_631 to %parallel_loop3A_632 step %parallel_loop3A_633  : i32 {
      %parallel_loop3A_864 = arith.index_cast %parallel_loop3A_863 : i32 to index
      %parallel_loop3A_865 = arith.constant 0 : index
      %parallel_loop3A_866 = tpu.vector_load %arg11[%parallel_loop3A_864, %parallel_loop3A_865] {strides = array<i32>} : memref<80x128xf32, #tpu.memory_space<vmem>>, vector<1x16xf32>,
      %parallel_loop3A_867 = vector.shape_cast %parallel_loop3A_866 : vector<1x16xf32> to vector<16xf32>
      %parallel_loop3A_868 = arith.constant 0.000000e+00 : f32
      %parallel_loop3A_869 = vector.broadcast %parallel_loop3A_868 : f32 to vector<16xf32>
      %parallel_loop3A_870 = arith.maximumf %parallel_loop3A_867, %parallel_loop3A_869 : vector<16xf32>
      %parallel_loop3A_871 = arith.index_cast %parallel_loop3A_863 : i32 to index
      %parallel_loop3A_872 = arith.constant 0 : index
      %parallel_loop3A_873 = tpu.vector_load %arg11[%parallel_loop3A_871, %parallel_loop3A_872] {strides = array<i32>} : memref<80x128xf32, #tpu.memory_space<vmem>>, vector<1x16xf32>,
      %parallel_loop3A_874 = vector.shape_cast %parallel_loop3A_873 : vector<1x16xf32> to vector<16xf32>
      %parallel_loop3A_875 = vector.shape_cast %parallel_loop3A_870 : vector<16xf32> to vector<1x16xf32>
      tpu.vector_store %arg11[%parallel_loop3A_871, %parallel_loop3A_872], %parallel_loop3A_875 {strides = array<i32>} : memref<80x128xf32, #tpu.memory_space<vmem>>, vector<1x16xf32>,
      %parallel_loop3A_876 = arith.index_cast %parallel_loop3A_863 : i32 to index
      %parallel_loop3A_877 = arith.constant 16 : index
      %parallel_loop3A_878 = tpu.vector_load %arg11[%parallel_loop3A_876, %parallel_loop3A_877] {strides = array<i32>} : memref<80x128xf32, #tpu.memory_space<vmem>>, vector<1x16xf32>,
      %parallel_loop3A_879 = vector.shape_cast %parallel_loop3A_878 : vector<1x16xf32> to vector<16xf32>
      %parallel_loop3A_880 = arith.constant 0.000000e+00 : f32
      %parallel_loop3A_881 = vector.broadcast %parallel_loop3A_880 : f32 to vector<16xf32>
      %parallel_loop3A_882 = arith.maximumf %parallel_loop3A_879, %parallel_loop3A_881 : vector<16xf32>
      %parallel_loop3A_883 = arith.index_cast %parallel_loop3A_863 : i32 to index
      %parallel_loop3A_884 = arith.constant 16 : index
      %parallel_loop3A_885 = tpu.vector_load %arg11[%parallel_loop3A_883, %parallel_loop3A_884] {strides = array<i32>} : memref<80x128xf32, #tpu.memory_space<vmem>>, vector<1x16xf32>,
      %parallel_loop3A_886 = vector.shape_cast %parallel_loop3A_885 : vector<1x16xf32> to vector<16xf32>
      %parallel_loop3A_887 = vector.shape_cast %parallel_loop3A_882 : vector<16xf32> to vector<1x16xf32>
      tpu.vector_store %arg11[%parallel_loop3A_883, %parallel_loop3A_884], %parallel_loop3A_887 {strides = array<i32>} : memref<80x128xf32, #tpu.memory_space<vmem>>, vector<1x16xf32>,
      %parallel_loop3A_888 = arith.index_cast %parallel_loop3A_863 : i32 to index
      %parallel_loop3A_889 = arith.constant 32 : index
      %parallel_loop3A_890 = tpu.vector_load %arg11[%parallel_loop3A_888, %parallel_loop3A_889] {strides = array<i32>} : memref<80x128xf32, #tpu.memory_space<vmem>>, vector<1x16xf32>,
      %parallel_loop3A_891 = vector.shape_cast %parallel_loop3A_890 : vector<1x16xf32> to vector<16xf32>
      %parallel_loop3A_892 = arith.constant 0.000000e+00 : f32
      %parallel_loop3A_893 = vector.broadcast %parallel_loop3A_892 : f32 to vector<16xf32>
      %parallel_loop3A_894 = arith.maximumf %parallel_loop3A_891, %parallel_loop3A_893 : vector<16xf32>
      %parallel_loop3A_895 = arith.index_cast %parallel_loop3A_863 : i32 to index
      %parallel_loop3A_896 = arith.constant 32 : index
      %parallel_loop3A_897 = tpu.vector_load %arg11[%parallel_loop3A_895, %parallel_loop3A_896] {strides = array<i32>} : memref<80x128xf32, #tpu.memory_space<vmem>>, vector<1x16xf32>,
      %parallel_loop3A_898 = vector.shape_cast %parallel_loop3A_897 : vector<1x16xf32> to vector<16xf32>
      %parallel_loop3A_899 = vector.shape_cast %parallel_loop3A_894 : vector<16xf32> to vector<1x16xf32>
      tpu.vector_store %arg11[%parallel_loop3A_895, %parallel_loop3A_896], %parallel_loop3A_899 {strides = array<i32>} : memref<80x128xf32, #tpu.memory_space<vmem>>, vector<1x16xf32>,
      %parallel_loop3A_900 = arith.index_cast %parallel_loop3A_863 : i32 to index
      %parallel_loop3A_901 = arith.constant 48 : index
      %parallel_loop3A_902 = tpu.vector_load %arg11[%parallel_loop3A_900, %parallel_loop3A_901] {strides = array<i32>} : memref<80x128xf32, #tpu.memory_space<vmem>>, vector<1x16xf32>,
      %parallel_loop3A_903 = vector.shape_cast %parallel_loop3A_902 : vector<1x16xf32> to vector<16xf32>
      %parallel_loop3A_904 = arith.constant 0.000000e+00 : f32
      %parallel_loop3A_905 = vector.broadcast %parallel_loop3A_904 : f32 to vector<16xf32>
      %parallel_loop3A_906 = arith.maximumf %parallel_loop3A_903, %parallel_loop3A_905 : vector<16xf32>
      %parallel_loop3A_907 = arith.index_cast %parallel_loop3A_863 : i32 to index
      %parallel_loop3A_908 = arith.constant 48 : index
      %parallel_loop3A_909 = tpu.vector_load %arg11[%parallel_loop3A_907, %parallel_loop3A_908] {strides = array<i32>} : memref<80x128xf32, #tpu.memory_space<vmem>>, vector<1x16xf32>,
      %parallel_loop3A_910 = vector.shape_cast %parallel_loop3A_909 : vector<1x16xf32> to vector<16xf32>
      %parallel_loop3A_911 = vector.shape_cast %parallel_loop3A_906 : vector<16xf32> to vector<1x16xf32>
      tpu.vector_store %arg11[%parallel_loop3A_907, %parallel_loop3A_908], %parallel_loop3A_911 {strides = array<i32>} : memref<80x128xf32, #tpu.memory_space<vmem>>, vector<1x16xf32>,
      %parallel_loop3A_912 = arith.index_cast %parallel_loop3A_863 : i32 to index
      %parallel_loop3A_913 = arith.constant 64 : index
      %parallel_loop3A_914 = tpu.vector_load %arg11[%parallel_loop3A_912, %parallel_loop3A_913] {strides = array<i32>} : memref<80x128xf32, #tpu.memory_space<vmem>>, vector<1x16xf32>,
      %parallel_loop3A_915 = vector.shape_cast %parallel_loop3A_914 : vector<1x16xf32> to vector<16xf32>
      %parallel_loop3A_916 = arith.constant 0.000000e+00 : f32
      %parallel_loop3A_917 = vector.broadcast %parallel_loop3A_916 : f32 to vector<16xf32>
      %parallel_loop3A_918 = arith.maximumf %parallel_loop3A_915, %parallel_loop3A_917 : vector<16xf32>
      %parallel_loop3A_919 = arith.index_cast %parallel_loop3A_863 : i32 to index
      %parallel_loop3A_920 = arith.constant 64 : index
      %parallel_loop3A_921 = tpu.vector_load %arg11[%parallel_loop3A_919, %parallel_loop3A_920] {strides = array<i32>} : memref<80x128xf32, #tpu.memory_space<vmem>>, vector<1x16xf32>,
      %parallel_loop3A_922 = vector.shape_cast %parallel_loop3A_921 : vector<1x16xf32> to vector<16xf32>
      %parallel_loop3A_923 = vector.shape_cast %parallel_loop3A_918 : vector<16xf32> to vector<1x16xf32>
      tpu.vector_store %arg11[%parallel_loop3A_919, %parallel_loop3A_920], %parallel_loop3A_923 {strides = array<i32>} : memref<80x128xf32, #tpu.memory_space<vmem>>, vector<1x16xf32>,
      %parallel_loop3A_924 = arith.index_cast %parallel_loop3A_863 : i32 to index
      %parallel_loop3A_925 = arith.constant 80 : index
      %parallel_loop3A_926 = tpu.vector_load %arg11[%parallel_loop3A_924, %parallel_loop3A_925] {strides = array<i32>} : memref<80x128xf32, #tpu.memory_space<vmem>>, vector<1x16xf32>,
      %parallel_loop3A_927 = vector.shape_cast %parallel_loop3A_926 : vector<1x16xf32> to vector<16xf32>
      %parallel_loop3A_928 = arith.constant 0.000000e+00 : f32
      %parallel_loop3A_929 = vector.broadcast %parallel_loop3A_928 : f32 to vector<16xf32>
      %parallel_loop3A_930 = arith.maximumf %parallel_loop3A_927, %parallel_loop3A_929 : vector<16xf32>
      %parallel_loop3A_931 = arith.index_cast %parallel_loop3A_863 : i32 to index
      %parallel_loop3A_932 = arith.constant 80 : index
      %parallel_loop3A_933 = tpu.vector_load %arg11[%parallel_loop3A_931, %parallel_loop3A_932] {strides = array<i32>} : memref<80x128xf32, #tpu.memory_space<vmem>>, vector<1x16xf32>,
      %parallel_loop3A_934 = vector.shape_cast %parallel_loop3A_933 : vector<1x16xf32> to vector<16xf32>
      %parallel_loop3A_935 = vector.shape_cast %parallel_loop3A_930 : vector<16xf32> to vector<1x16xf32>
      tpu.vector_store %arg11[%parallel_loop3A_931, %parallel_loop3A_932], %parallel_loop3A_935 {strides = array<i32>} : memref<80x128xf32, #tpu.memory_space<vmem>>, vector<1x16xf32>,
      %parallel_loop3A_936 = arith.index_cast %parallel_loop3A_863 : i32 to index
      %parallel_loop3A_937 = arith.constant 96 : index
      %parallel_loop3A_938 = tpu.vector_load %arg11[%parallel_loop3A_936, %parallel_loop3A_937] {strides = array<i32>} : memref<80x128xf32, #tpu.memory_space<vmem>>, vector<1x16xf32>,
      %parallel_loop3A_939 = vector.shape_cast %parallel_loop3A_938 : vector<1x16xf32> to vector<16xf32>
      %parallel_loop3A_940 = arith.constant 0.000000e+00 : f32
      %parallel_loop3A_941 = vector.broadcast %parallel_loop3A_940 : f32 to vector<16xf32>
      %parallel_loop3A_942 = arith.maximumf %parallel_loop3A_939, %parallel_loop3A_941 : vector<16xf32>
      %parallel_loop3A_943 = arith.index_cast %parallel_loop3A_863 : i32 to index
      %parallel_loop3A_944 = arith.constant 96 : index
      %parallel_loop3A_945 = tpu.vector_load %arg11[%parallel_loop3A_943, %parallel_loop3A_944] {strides = array<i32>} : memref<80x128xf32, #tpu.memory_space<vmem>>, vector<1x16xf32>,
      %parallel_loop3A_946 = vector.shape_cast %parallel_loop3A_945 : vector<1x16xf32> to vector<16xf32>
      %parallel_loop3A_947 = vector.shape_cast %parallel_loop3A_942 : vector<16xf32> to vector<1x16xf32>
      tpu.vector_store %arg11[%parallel_loop3A_943, %parallel_loop3A_944], %parallel_loop3A_947 {strides = array<i32>} : memref<80x128xf32, #tpu.memory_space<vmem>>, vector<1x16xf32>,
      %parallel_loop3A_948 = arith.index_cast %parallel_loop3A_863 : i32 to index
      %parallel_loop3A_949 = arith.constant 112 : index
      %parallel_loop3A_950 = tpu.vector_load %arg11[%parallel_loop3A_948, %parallel_loop3A_949] {strides = array<i32>} : memref<80x128xf32, #tpu.memory_space<vmem>>, vector<1x16xf32>,
      %parallel_loop3A_951 = vector.shape_cast %parallel_loop3A_950 : vector<1x16xf32> to vector<16xf32>
      %parallel_loop3A_952 = arith.constant 0.000000e+00 : f32
      %parallel_loop3A_953 = vector.broadcast %parallel_loop3A_952 : f32 to vector<16xf32>
      %parallel_loop3A_954 = arith.maximumf %parallel_loop3A_951, %parallel_loop3A_953 : vector<16xf32>
      %parallel_loop3A_955 = arith.index_cast %parallel_loop3A_863 : i32 to index
      %parallel_loop3A_956 = arith.constant 112 : index
      %parallel_loop3A_957 = tpu.vector_load %arg11[%parallel_loop3A_955, %parallel_loop3A_956] {strides = array<i32>} : memref<80x128xf32, #tpu.memory_space<vmem>>, vector<1x16xf32>,
      %parallel_loop3A_958 = vector.shape_cast %parallel_loop3A_957 : vector<1x16xf32> to vector<16xf32>
      %parallel_loop3A_959 = vector.shape_cast %parallel_loop3A_954 : vector<16xf32> to vector<1x16xf32>
      tpu.vector_store %arg11[%parallel_loop3A_955, %parallel_loop3A_956], %parallel_loop3A_959 {strides = array<i32>} : memref<80x128xf32, #tpu.memory_space<vmem>>, vector<1x16xf32>,
    } {sc.loop_unroll_factor = 4 : i64, sc.parallel_access}
    %dma_wait3A_634 = arith.constant 1 : i32
    %dma_wait3A_635 = arith.constant 0 : i32
    %dma_wait3A_636 = tpu.memref_slice %arg9[%dma_wait3A_634, %dma_wait3A_635] : memref<3x80xi32, #tpu.memory_space<vmem>> -> memref<1x80xi32, #tpu.memory_space<vmem>>
    %dma_wait3A_637 = tpu.memref_squeeze %dma_wait3A_636 : memref<1x80xi32, #tpu.memory_space<vmem>> -> memref<80xi32, #tpu.memory_space<vmem>>
    %dma_wait3A_638 = tpu.memref_slice %arg3[%mul3A_0] : memref<160000xi32, #tpu.memory_space<hbm>> -> memref<80xi32, #tpu.memory_space<hbm>>
    %dma_wait3A_639 = arith.constant 0 : i32
    %dma_wait3A_640 = tpu.memref_slice %arg9[%dma_wait3A_634, %dma_wait3A_639] : memref<3x80xi32, #tpu.memory_space<vmem>> -> memref<1x80xi32, #tpu.memory_space<vmem>>
    %dma_wait3A_641 = tpu.memref_squeeze %dma_wait3A_640 : memref<1x80xi32, #tpu.memory_space<vmem>> -> memref<80xi32, #tpu.memory_space<vmem>>
    %dma_wait3A_642 = tpu.memref_slice %arg3[%mul3A_0] : memref<160000xi32, #tpu.memory_space<hbm>> -> memref<80xi32, #tpu.memory_space<hbm>>
    tpu.wait_dma2 semaphore(%arg21 : memref<!tpu.dma_semaphore, #tpu.memory_space<semaphore_mem>>) src(%dma_wait3A_642 : memref<80xi32, #tpu.memory_space<hbm>>) dst(%dma_wait3A_641 : memref<80xi32, #tpu.memory_space<vmem>>)
    %dma_start3A_643 = arith.constant 1 : i32
    %dma_start3A_644 = arith.constant 0 : i32
    %dma_start3A_645 = tpu.memref_slice %arg9[%dma_start3A_643, %dma_start3A_644] : memref<3x80xi32, #tpu.memory_space<vmem>> -> memref<1x80xi32, #tpu.memory_space<vmem>>
    %dma_start3A_646 = tpu.memref_squeeze %dma_start3A_645 : memref<1x80xi32, #tpu.memory_space<vmem>> -> memref<80xi32, #tpu.memory_space<vmem>>
    %dma_start3A_647 = arith.constant 0 : i32
    %dma_start3A_648 = arith.constant 0 : i32
    %dma_start3A_649 = tpu.memref_slice %arg13[%dma_start3A_647, %dma_start3A_648] : memref<10240x128xf32, #tpu.memory_space<vmem_shared>> -> memref<10240x128xf32, #tpu.memory_space<vmem_shared>>
    tpu.enqueue_indirect_dma source(%arg11 : memref<80x128xf32, #tpu.memory_space<vmem>>) target(%dma_start3A_649 : memref<10240x128xf32, #tpu.memory_space<vmem_shared>>) offsets(%dma_start3A_646 : memref<80xi32, #tpu.memory_space<vmem>>) semaphore(%arg24 : memref<!tpu.dma_semaphore, #tpu.memory_space<semaphore_mem>>) {add = true}
    %dma_wait3A_650 = arith.constant 1 : i32
    %dma_wait3A_651 = arith.constant 0 : i32
    %dma_wait3A_652 = tpu.memref_slice %arg9[%dma_wait3A_650, %dma_wait3A_651] : memref<3x80xi32, #tpu.memory_space<vmem>> -> memref<1x80xi32, #tpu.memory_space<vmem>>
    %dma_wait3A_653 = tpu.memref_squeeze %dma_wait3A_652 : memref<1x80xi32, #tpu.memory_space<vmem>> -> memref<80xi32, #tpu.memory_space<vmem>>
    %dma_wait3A_654 = arith.constant 0 : i32
    %dma_wait3A_655 = arith.constant 0 : i32
    %dma_wait3A_656 = tpu.memref_slice %arg13[%dma_wait3A_654, %dma_wait3A_655] : memref<10240x128xf32, #tpu.memory_space<vmem_shared>> -> memref<10240x128xf32, #tpu.memory_space<vmem_shared>>
    tpu.wait_indirect_dma semaphore(%arg24 : memref<!tpu.dma_semaphore, #tpu.memory_space<semaphore_mem>>) src(%arg11 : memref<80x128xf32, #tpu.memory_space<vmem>>) dst(%dma_wait3A_656 : memref<10240x128xf32, #tpu.memory_space<vmem_shared>>)
    %add3A_657 = arith.constant 9920 : i32
    %add3A_658 = arith.addi %mul3A_0, %add3A_657 : i32
    %mul3A_659 = arith.constant 2 : i32
    %mul3A_660 = arith.muli %add3A_658, %mul3A_659 : i32
    %add3A_661 = arith.addi %mul3A_660, %arg0 : i32
    %mul3A_662 = arith.constant 2 : i32
    %mul3A_663 = vector.broadcast %mul3A_662 : i32 to vector<16xi32>
    %mul3A_664 = arith.muli %iota3A, %mul3A_663 : vector<16xi32>
    %add3A_665 = arith.constant 0 : i32
    %add3A_666 = arith.addi %add3A_661, %add3A_665 : i32
    %add3A_667 = vector.broadcast %add3A_666 : i32 to vector<16xi32>
    %add3A_668 = arith.addi %mul3A_664, %add3A_667 : vector<16xi32>
    %swap3A_669 = arith.constant 1 : i32
    %swap3A_670 = arith.index_cast %swap3A_669 : i32 to index
    %swap3A_671 = arith.constant 0 : index
    %swap3A_672 = tpu.vector_load %arg8[%swap3A_670, %swap3A_671] {strides = array<i32>} : memref<3x80xi32, #tpu.memory_space<vmem>>, vector<1x16xi32>,
    %swap3A_673 = vector.shape_cast %swap3A_672 : vector<1x16xi32> to vector<16xi32>
    %swap3A_674 = vector.shape_cast %add3A_668 : vector<16xi32> to vector<1x16xi32>
    tpu.vector_store %arg8[%swap3A_670, %swap3A_671], %swap3A_674 {strides = array<i32>} : memref<3x80xi32, #tpu.memory_space<vmem>>, vector<1x16xi32>,
    %mul3A_675 = arith.constant 2 : i32
    %mul3A_676 = vector.broadcast %mul3A_675 : i32 to vector<16xi32>
    %mul3A_677 = arith.muli %iota3A, %mul3A_676 : vector<16xi32>
    %add3A_678 = arith.constant 32 : i32
    %add3A_679 = arith.addi %add3A_661, %add3A_678 : i32
    %add3A_680 = vector.broadcast %add3A_679 : i32 to vector<16xi32>
    %add3A_681 = arith.addi %mul3A_677, %add3A_680 : vector<16xi32>
    %swap3A_682 = arith.constant 1 : i32
    %swap3A_683 = arith.index_cast %swap3A_682 : i32 to index
    %swap3A_684 = arith.constant 16 : index
    %swap3A_685 = tpu.vector_load %arg8[%swap3A_683, %swap3A_684] {strides = array<i32>} : memref<3x80xi32, #tpu.memory_space<vmem>>, vector<1x16xi32>,
    %swap3A_686 = vector.shape_cast %swap3A_685 : vector<1x16xi32> to vector<16xi32>
    %swap3A_687 = vector.shape_cast %add3A_681 : vector<16xi32> to vector<1x16xi32>
    tpu.vector_store %arg8[%swap3A_683, %swap3A_684], %swap3A_687 {strides = array<i32>} : memref<3x80xi32, #tpu.memory_space<vmem>>, vector<1x16xi32>,
    %mul3A_688 = arith.constant 2 : i32
    %mul3A_689 = vector.broadcast %mul3A_688 : i32 to vector<16xi32>
    %mul3A_690 = arith.muli %iota3A, %mul3A_689 : vector<16xi32>
    %add3A_691 = arith.constant 64 : i32
    %add3A_692 = arith.addi %add3A_661, %add3A_691 : i32
    %add3A_693 = vector.broadcast %add3A_692 : i32 to vector<16xi32>
    %add3A_694 = arith.addi %mul3A_690, %add3A_693 : vector<16xi32>
    %swap3A_695 = arith.constant 1 : i32
    %swap3A_696 = arith.index_cast %swap3A_695 : i32 to index
    %swap3A_697 = arith.constant 32 : index
    %swap3A_698 = tpu.vector_load %arg8[%swap3A_696, %swap3A_697] {strides = array<i32>} : memref<3x80xi32, #tpu.memory_space<vmem>>, vector<1x16xi32>,
    %swap3A_699 = vector.shape_cast %swap3A_698 : vector<1x16xi32> to vector<16xi32>
    %swap3A_700 = vector.shape_cast %add3A_694 : vector<16xi32> to vector<1x16xi32>
    tpu.vector_store %arg8[%swap3A_696, %swap3A_697], %swap3A_700 {strides = array<i32>} : memref<3x80xi32, #tpu.memory_space<vmem>>, vector<1x16xi32>,
    %mul3A_701 = arith.constant 2 : i32
    %mul3A_702 = vector.broadcast %mul3A_701 : i32 to vector<16xi32>
    %mul3A_703 = arith.muli %iota3A, %mul3A_702 : vector<16xi32>
    %add3A_704 = arith.constant 96 : i32
    %add3A_705 = arith.addi %add3A_661, %add3A_704 : i32
    %add3A_706 = vector.broadcast %add3A_705 : i32 to vector<16xi32>
    %add3A_707 = arith.addi %mul3A_703, %add3A_706 : vector<16xi32>
    %swap3A_708 = arith.constant 1 : i32
    %swap3A_709 = arith.index_cast %swap3A_708 : i32 to index
    %swap3A_710 = arith.constant 48 : index
    %swap3A_711 = tpu.vector_load %arg8[%swap3A_709, %swap3A_710] {strides = array<i32>} : memref<3x80xi32, #tpu.memory_space<vmem>>, vector<1x16xi32>,
    %swap3A_712 = vector.shape_cast %swap3A_711 : vector<1x16xi32> to vector<16xi32>
    %swap3A_713 = vector.shape_cast %add3A_707 : vector<16xi32> to vector<1x16xi32>
    tpu.vector_store %arg8[%swap3A_709, %swap3A_710], %swap3A_713 {strides = array<i32>} : memref<3x80xi32, #tpu.memory_space<vmem>>, vector<1x16xi32>,
    %mul3A_714 = arith.constant 2 : i32
    %mul3A_715 = vector.broadcast %mul3A_714 : i32 to vector<16xi32>
    %mul3A_716 = arith.muli %iota3A, %mul3A_715 : vector<16xi32>
    %add3A_717 = arith.constant 128 : i32
    %add3A_718 = arith.addi %add3A_661, %add3A_717 : i32
    %add3A_719 = vector.broadcast %add3A_718 : i32 to vector<16xi32>
    %add3A_720 = arith.addi %mul3A_716, %add3A_719 : vector<16xi32>
    %swap3A_721 = arith.constant 1 : i32
    %swap3A_722 = arith.index_cast %swap3A_721 : i32 to index
    %swap3A_723 = arith.constant 64 : index
    %swap3A_724 = tpu.vector_load %arg8[%swap3A_722, %swap3A_723] {strides = array<i32>} : memref<3x80xi32, #tpu.memory_space<vmem>>, vector<1x16xi32>,
    %swap3A_725 = vector.shape_cast %swap3A_724 : vector<1x16xi32> to vector<16xi32>
    %swap3A_726 = vector.shape_cast %add3A_720 : vector<16xi32> to vector<1x16xi32>
    tpu.vector_store %arg8[%swap3A_722, %swap3A_723], %swap3A_726 {strides = array<i32>} : memref<3x80xi32, #tpu.memory_space<vmem>>, vector<1x16xi32>,
    %dma_start3A_727 = arith.constant 1 : i32
    %dma_start3A_728 = arith.constant 0 : i32
    %dma_start3A_729 = tpu.memref_slice %arg8[%dma_start3A_727, %dma_start3A_728] : memref<3x80xi32, #tpu.memory_space<vmem>> -> memref<1x80xi32, #tpu.memory_space<vmem>>
    %dma_start3A_730 = tpu.memref_squeeze %dma_start3A_729 : memref<1x80xi32, #tpu.memory_space<vmem>> -> memref<80xi32, #tpu.memory_space<vmem>>
    %dma_start3A_731 = arith.constant 0 : i32
    %dma_start3A_732 = arith.constant 0 : i32
    %dma_start3A_733 = tpu.memref_slice %arg5[%dma_start3A_731, %dma_start3A_732] : memref<320000x128xf32, #tpu.memory_space<hbm>> -> memref<320000x128xf32, #tpu.memory_space<hbm>>
    tpu.enqueue_indirect_dma source(%dma_start3A_733 : memref<320000x128xf32, #tpu.memory_space<hbm>>) target(%arg11 : memref<80x128xf32, #tpu.memory_space<vmem>>) offsets(%dma_start3A_730 : memref<80xi32, #tpu.memory_space<vmem>>) semaphore(%arg18 : memref<!tpu.dma_semaphore, #tpu.memory_space<semaphore_mem>>)
    %add3A_734 = arith.constant 9920 : i32
    %add3A_735 = arith.addi %mul3A_0, %add3A_734 : i32
    %dma_start3A_736 = arith.constant 1 : i32
    %dma_start3A_737 = arith.constant 0 : i32
    %dma_start3A_738 = tpu.memref_slice %arg9[%dma_start3A_736, %dma_start3A_737] : memref<3x80xi32, #tpu.memory_space<vmem>> -> memref<1x80xi32, #tpu.memory_space<vmem>>
    %dma_start3A_739 = tpu.memref_squeeze %dma_start3A_738 : memref<1x80xi32, #tpu.memory_space<vmem>> -> memref<80xi32, #tpu.memory_space<vmem>>
    %dma_start3A_740 = tpu.memref_slice %arg3[%add3A_735] : memref<160000xi32, #tpu.memory_space<hbm>> -> memref<80xi32, #tpu.memory_space<hbm>>
    %dma_start3A_741 = arith.constant 0 : i32
    %dma_start3A_742 = tpu.memref_slice %arg9[%dma_start3A_736, %dma_start3A_741] : memref<3x80xi32, #tpu.memory_space<vmem>> -> memref<1x80xi32, #tpu.memory_space<vmem>>
    %dma_start3A_743 = tpu.memref_squeeze %dma_start3A_742 : memref<1x80xi32, #tpu.memory_space<vmem>> -> memref<80xi32, #tpu.memory_space<vmem>>
    %dma_start3A_744 = tpu.memref_slice %arg3[%add3A_735] : memref<160000xi32, #tpu.memory_space<hbm>> -> memref<80xi32, #tpu.memory_space<hbm>>
    tpu.enqueue_dma source(%dma_start3A_744 : memref<80xi32, #tpu.memory_space<hbm>>) target(%dma_start3A_743 : memref<80xi32, #tpu.memory_space<vmem>>) target_semaphore(%arg21 : memref<!tpu.dma_semaphore, #tpu.memory_space<semaphore_mem>>)
    %dma_wait3A_745 = arith.constant 0 : i32
    %dma_wait3A_746 = arith.constant 0 : i32
    %dma_wait3A_747 = tpu.memref_slice %arg8[%dma_wait3A_745, %dma_wait3A_746] : memref<3x80xi32, #tpu.memory_space<vmem>> -> memref<1x80xi32, #tpu.memory_space<vmem>>
    %dma_wait3A_748 = tpu.memref_squeeze %dma_wait3A_747 : memref<1x80xi32, #tpu.memory_space<vmem>> -> memref<80xi32, #tpu.memory_space<vmem>>
    %dma_wait3A_749 = arith.constant 0 : i32
    %dma_wait3A_750 = arith.constant 0 : i32
    %dma_wait3A_751 = tpu.memref_slice %arg5[%dma_wait3A_749, %dma_wait3A_750] : memref<320000x128xf32, #tpu.memory_space<hbm>> -> memref<320000x128xf32, #tpu.memory_space<hbm>>
    tpu.wait_indirect_dma semaphore(%arg17 : memref<!tpu.dma_semaphore, #tpu.memory_space<semaphore_mem>>) src(%dma_wait3A_751 : memref<320000x128xf32, #tpu.memory_space<hbm>>) dst(%arg10 : memref<80x128xf32, #tpu.memory_space<vmem>>)
    %dma_start3A_752 = arith.constant 9840 : i32
    %dma_start3A_753 = tpu.memref_slice %arg7[%dma_start3A_752] : memref<10000xi32, #tpu.memory_space<vmem>> -> memref<80xi32, #tpu.memory_space<vmem>>
    %dma_start3A_754 = arith.constant 0 : i32
    %dma_start3A_755 = arith.constant 0 : i32
    %dma_start3A_756 = tpu.memref_slice %arg4[%dma_start3A_754, %dma_start3A_755] : memref<20000x128xf32, #tpu.memory_space<hbm>> -> memref<20000x128xf32, #tpu.memory_space<hbm>>
    tpu.enqueue_indirect_dma source(%dma_start3A_756 : memref<20000x128xf32, #tpu.memory_space<hbm>>) target(%arg10 : memref<80x128xf32, #tpu.memory_space<vmem>>) offsets(%dma_start3A_753 : memref<80xi32, #tpu.memory_space<vmem>>) semaphore(%arg14 : memref<!tpu.dma_semaphore, #tpu.memory_space<semaphore_mem>>) {add = true}
    %dma_wait3A_757 = arith.constant 0 : i32
    %dma_wait3A_758 = tpu.memref_slice %arg7[%dma_wait3A_757] : memref<10000xi32, #tpu.memory_space<vmem>> -> memref<80xi32, #tpu.memory_space<vmem>>
    %dma_wait3A_759 = arith.constant 0 : i32
    %dma_wait3A_760 = arith.constant 0 : i32
    %dma_wait3A_761 = tpu.memref_slice %arg4[%dma_wait3A_759, %dma_wait3A_760] : memref<20000x128xf32, #tpu.memory_space<hbm>> -> memref<20000x128xf32, #tpu.memory_space<hbm>>
    tpu.wait_indirect_dma semaphore(%arg16 : memref<!tpu.dma_semaphore, #tpu.memory_space<semaphore_mem>>) src(%dma_wait3A_761 : memref<20000x128xf32, #tpu.memory_space<hbm>>) dst(%arg12 : memref<80x128xf32, #tpu.memory_space<vmem>>)
    %parallel_loop3A_762 = arith.constant 0 : i32
    %parallel_loop3A_763 = arith.constant 80 : i32
    %parallel_loop3A_764 = arith.constant 1 : i32
    scf.for %parallel_loop3A_863 = %parallel_loop3A_762 to %parallel_loop3A_763 step %parallel_loop3A_764  : i32 {
      %parallel_loop3A_864 = arith.index_cast %parallel_loop3A_863 : i32 to index
      %parallel_loop3A_865 = arith.constant 0 : index
      %parallel_loop3A_866 = tpu.vector_load %arg12[%parallel_loop3A_864, %parallel_loop3A_865] {strides = array<i32>} : memref<80x128xf32, #tpu.memory_space<vmem>>, vector<1x16xf32>,
      %parallel_loop3A_867 = vector.shape_cast %parallel_loop3A_866 : vector<1x16xf32> to vector<16xf32>
      %parallel_loop3A_868 = arith.constant 0.000000e+00 : f32
      %parallel_loop3A_869 = vector.broadcast %parallel_loop3A_868 : f32 to vector<16xf32>
      %parallel_loop3A_870 = arith.maximumf %parallel_loop3A_867, %parallel_loop3A_869 : vector<16xf32>
      %parallel_loop3A_871 = arith.index_cast %parallel_loop3A_863 : i32 to index
      %parallel_loop3A_872 = arith.constant 0 : index
      %parallel_loop3A_873 = tpu.vector_load %arg12[%parallel_loop3A_871, %parallel_loop3A_872] {strides = array<i32>} : memref<80x128xf32, #tpu.memory_space<vmem>>, vector<1x16xf32>,
      %parallel_loop3A_874 = vector.shape_cast %parallel_loop3A_873 : vector<1x16xf32> to vector<16xf32>
      %parallel_loop3A_875 = vector.shape_cast %parallel_loop3A_870 : vector<16xf32> to vector<1x16xf32>
      tpu.vector_store %arg12[%parallel_loop3A_871, %parallel_loop3A_872], %parallel_loop3A_875 {strides = array<i32>} : memref<80x128xf32, #tpu.memory_space<vmem>>, vector<1x16xf32>,
      %parallel_loop3A_876 = arith.index_cast %parallel_loop3A_863 : i32 to index
      %parallel_loop3A_877 = arith.constant 16 : index
      %parallel_loop3A_878 = tpu.vector_load %arg12[%parallel_loop3A_876, %parallel_loop3A_877] {strides = array<i32>} : memref<80x128xf32, #tpu.memory_space<vmem>>, vector<1x16xf32>,
      %parallel_loop3A_879 = vector.shape_cast %parallel_loop3A_878 : vector<1x16xf32> to vector<16xf32>
      %parallel_loop3A_880 = arith.constant 0.000000e+00 : f32
      %parallel_loop3A_881 = vector.broadcast %parallel_loop3A_880 : f32 to vector<16xf32>
      %parallel_loop3A_882 = arith.maximumf %parallel_loop3A_879, %parallel_loop3A_881 : vector<16xf32>
      %parallel_loop3A_883 = arith.index_cast %parallel_loop3A_863 : i32 to index
      %parallel_loop3A_884 = arith.constant 16 : index
      %parallel_loop3A_885 = tpu.vector_load %arg12[%parallel_loop3A_883, %parallel_loop3A_884] {strides = array<i32>} : memref<80x128xf32, #tpu.memory_space<vmem>>, vector<1x16xf32>,
      %parallel_loop3A_886 = vector.shape_cast %parallel_loop3A_885 : vector<1x16xf32> to vector<16xf32>
      %parallel_loop3A_887 = vector.shape_cast %parallel_loop3A_882 : vector<16xf32> to vector<1x16xf32>
      tpu.vector_store %arg12[%parallel_loop3A_883, %parallel_loop3A_884], %parallel_loop3A_887 {strides = array<i32>} : memref<80x128xf32, #tpu.memory_space<vmem>>, vector<1x16xf32>,
      %parallel_loop3A_888 = arith.index_cast %parallel_loop3A_863 : i32 to index
      %parallel_loop3A_889 = arith.constant 32 : index
      %parallel_loop3A_890 = tpu.vector_load %arg12[%parallel_loop3A_888, %parallel_loop3A_889] {strides = array<i32>} : memref<80x128xf32, #tpu.memory_space<vmem>>, vector<1x16xf32>,
      %parallel_loop3A_891 = vector.shape_cast %parallel_loop3A_890 : vector<1x16xf32> to vector<16xf32>
      %parallel_loop3A_892 = arith.constant 0.000000e+00 : f32
      %parallel_loop3A_893 = vector.broadcast %parallel_loop3A_892 : f32 to vector<16xf32>
      %parallel_loop3A_894 = arith.maximumf %parallel_loop3A_891, %parallel_loop3A_893 : vector<16xf32>
      %parallel_loop3A_895 = arith.index_cast %parallel_loop3A_863 : i32 to index
      %parallel_loop3A_896 = arith.constant 32 : index
      %parallel_loop3A_897 = tpu.vector_load %arg12[%parallel_loop3A_895, %parallel_loop3A_896] {strides = array<i32>} : memref<80x128xf32, #tpu.memory_space<vmem>>, vector<1x16xf32>,
      %parallel_loop3A_898 = vector.shape_cast %parallel_loop3A_897 : vector<1x16xf32> to vector<16xf32>
      %parallel_loop3A_899 = vector.shape_cast %parallel_loop3A_894 : vector<16xf32> to vector<1x16xf32>
      tpu.vector_store %arg12[%parallel_loop3A_895, %parallel_loop3A_896], %parallel_loop3A_899 {strides = array<i32>} : memref<80x128xf32, #tpu.memory_space<vmem>>, vector<1x16xf32>,
      %parallel_loop3A_900 = arith.index_cast %parallel_loop3A_863 : i32 to index
      %parallel_loop3A_901 = arith.constant 48 : index
      %parallel_loop3A_902 = tpu.vector_load %arg12[%parallel_loop3A_900, %parallel_loop3A_901] {strides = array<i32>} : memref<80x128xf32, #tpu.memory_space<vmem>>, vector<1x16xf32>,
      %parallel_loop3A_903 = vector.shape_cast %parallel_loop3A_902 : vector<1x16xf32> to vector<16xf32>
      %parallel_loop3A_904 = arith.constant 0.000000e+00 : f32
      %parallel_loop3A_905 = vector.broadcast %parallel_loop3A_904 : f32 to vector<16xf32>
      %parallel_loop3A_906 = arith.maximumf %parallel_loop3A_903, %parallel_loop3A_905 : vector<16xf32>
      %parallel_loop3A_907 = arith.index_cast %parallel_loop3A_863 : i32 to index
      %parallel_loop3A_908 = arith.constant 48 : index
      %parallel_loop3A_909 = tpu.vector_load %arg12[%parallel_loop3A_907, %parallel_loop3A_908] {strides = array<i32>} : memref<80x128xf32, #tpu.memory_space<vmem>>, vector<1x16xf32>,
      %parallel_loop3A_910 = vector.shape_cast %parallel_loop3A_909 : vector<1x16xf32> to vector<16xf32>
      %parallel_loop3A_911 = vector.shape_cast %parallel_loop3A_906 : vector<16xf32> to vector<1x16xf32>
      tpu.vector_store %arg12[%parallel_loop3A_907, %parallel_loop3A_908], %parallel_loop3A_911 {strides = array<i32>} : memref<80x128xf32, #tpu.memory_space<vmem>>, vector<1x16xf32>,
      %parallel_loop3A_912 = arith.index_cast %parallel_loop3A_863 : i32 to index
      %parallel_loop3A_913 = arith.constant 64 : index
      %parallel_loop3A_914 = tpu.vector_load %arg12[%parallel_loop3A_912, %parallel_loop3A_913] {strides = array<i32>} : memref<80x128xf32, #tpu.memory_space<vmem>>, vector<1x16xf32>,
      %parallel_loop3A_915 = vector.shape_cast %parallel_loop3A_914 : vector<1x16xf32> to vector<16xf32>
      %parallel_loop3A_916 = arith.constant 0.000000e+00 : f32
      %parallel_loop3A_917 = vector.broadcast %parallel_loop3A_916 : f32 to vector<16xf32>
      %parallel_loop3A_918 = arith.maximumf %parallel_loop3A_915, %parallel_loop3A_917 : vector<16xf32>
      %parallel_loop3A_919 = arith.index_cast %parallel_loop3A_863 : i32 to index
      %parallel_loop3A_920 = arith.constant 64 : index
      %parallel_loop3A_921 = tpu.vector_load %arg12[%parallel_loop3A_919, %parallel_loop3A_920] {strides = array<i32>} : memref<80x128xf32, #tpu.memory_space<vmem>>, vector<1x16xf32>,
      %parallel_loop3A_922 = vector.shape_cast %parallel_loop3A_921 : vector<1x16xf32> to vector<16xf32>
      %parallel_loop3A_923 = vector.shape_cast %parallel_loop3A_918 : vector<16xf32> to vector<1x16xf32>
      tpu.vector_store %arg12[%parallel_loop3A_919, %parallel_loop3A_920], %parallel_loop3A_923 {strides = array<i32>} : memref<80x128xf32, #tpu.memory_space<vmem>>, vector<1x16xf32>,
      %parallel_loop3A_924 = arith.index_cast %parallel_loop3A_863 : i32 to index
      %parallel_loop3A_925 = arith.constant 80 : index
      %parallel_loop3A_926 = tpu.vector_load %arg12[%parallel_loop3A_924, %parallel_loop3A_925] {strides = array<i32>} : memref<80x128xf32, #tpu.memory_space<vmem>>, vector<1x16xf32>,
      %parallel_loop3A_927 = vector.shape_cast %parallel_loop3A_926 : vector<1x16xf32> to vector<16xf32>
      %parallel_loop3A_928 = arith.constant 0.000000e+00 : f32
      %parallel_loop3A_929 = vector.broadcast %parallel_loop3A_928 : f32 to vector<16xf32>
      %parallel_loop3A_930 = arith.maximumf %parallel_loop3A_927, %parallel_loop3A_929 : vector<16xf32>
      %parallel_loop3A_931 = arith.index_cast %parallel_loop3A_863 : i32 to index
      %parallel_loop3A_932 = arith.constant 80 : index
      %parallel_loop3A_933 = tpu.vector_load %arg12[%parallel_loop3A_931, %parallel_loop3A_932] {strides = array<i32>} : memref<80x128xf32, #tpu.memory_space<vmem>>, vector<1x16xf32>,
      %parallel_loop3A_934 = vector.shape_cast %parallel_loop3A_933 : vector<1x16xf32> to vector<16xf32>
      %parallel_loop3A_935 = vector.shape_cast %parallel_loop3A_930 : vector<16xf32> to vector<1x16xf32>
      tpu.vector_store %arg12[%parallel_loop3A_931, %parallel_loop3A_932], %parallel_loop3A_935 {strides = array<i32>} : memref<80x128xf32, #tpu.memory_space<vmem>>, vector<1x16xf32>,
      %parallel_loop3A_936 = arith.index_cast %parallel_loop3A_863 : i32 to index
      %parallel_loop3A_937 = arith.constant 96 : index
      %parallel_loop3A_938 = tpu.vector_load %arg12[%parallel_loop3A_936, %parallel_loop3A_937] {strides = array<i32>} : memref<80x128xf32, #tpu.memory_space<vmem>>, vector<1x16xf32>,
      %parallel_loop3A_939 = vector.shape_cast %parallel_loop3A_938 : vector<1x16xf32> to vector<16xf32>
      %parallel_loop3A_940 = arith.constant 0.000000e+00 : f32
      %parallel_loop3A_941 = vector.broadcast %parallel_loop3A_940 : f32 to vector<16xf32>
      %parallel_loop3A_942 = arith.maximumf %parallel_loop3A_939, %parallel_loop3A_941 : vector<16xf32>
      %parallel_loop3A_943 = arith.index_cast %parallel_loop3A_863 : i32 to index
      %parallel_loop3A_944 = arith.constant 96 : index
      %parallel_loop3A_945 = tpu.vector_load %arg12[%parallel_loop3A_943, %parallel_loop3A_944] {strides = array<i32>} : memref<80x128xf32, #tpu.memory_space<vmem>>, vector<1x16xf32>,
      %parallel_loop3A_946 = vector.shape_cast %parallel_loop3A_945 : vector<1x16xf32> to vector<16xf32>
      %parallel_loop3A_947 = vector.shape_cast %parallel_loop3A_942 : vector<16xf32> to vector<1x16xf32>
      tpu.vector_store %arg12[%parallel_loop3A_943, %parallel_loop3A_944], %parallel_loop3A_947 {strides = array<i32>} : memref<80x128xf32, #tpu.memory_space<vmem>>, vector<1x16xf32>,
      %parallel_loop3A_948 = arith.index_cast %parallel_loop3A_863 : i32 to index
      %parallel_loop3A_949 = arith.constant 112 : index
      %parallel_loop3A_950 = tpu.vector_load %arg12[%parallel_loop3A_948, %parallel_loop3A_949] {strides = array<i32>} : memref<80x128xf32, #tpu.memory_space<vmem>>, vector<1x16xf32>,
      %parallel_loop3A_951 = vector.shape_cast %parallel_loop3A_950 : vector<1x16xf32> to vector<16xf32>
      %parallel_loop3A_952 = arith.constant 0.000000e+00 : f32
      %parallel_loop3A_953 = vector.broadcast %parallel_loop3A_952 : f32 to vector<16xf32>
      %parallel_loop3A_954 = arith.maximumf %parallel_loop3A_951, %parallel_loop3A_953 : vector<16xf32>
      %parallel_loop3A_955 = arith.index_cast %parallel_loop3A_863 : i32 to index
      %parallel_loop3A_956 = arith.constant 112 : index
      %parallel_loop3A_957 = tpu.vector_load %arg12[%parallel_loop3A_955, %parallel_loop3A_956] {strides = array<i32>} : memref<80x128xf32, #tpu.memory_space<vmem>>, vector<1x16xf32>,
      %parallel_loop3A_958 = vector.shape_cast %parallel_loop3A_957 : vector<1x16xf32> to vector<16xf32>
      %parallel_loop3A_959 = vector.shape_cast %parallel_loop3A_954 : vector<16xf32> to vector<1x16xf32>
      tpu.vector_store %arg12[%parallel_loop3A_955, %parallel_loop3A_956], %parallel_loop3A_959 {strides = array<i32>} : memref<80x128xf32, #tpu.memory_space<vmem>>, vector<1x16xf32>,
    } {sc.loop_unroll_factor = 4 : i64, sc.parallel_access}
    %dma_wait3A_765 = arith.constant 2 : i32
    %dma_wait3A_766 = arith.constant 0 : i32
    %dma_wait3A_767 = tpu.memref_slice %arg9[%dma_wait3A_765, %dma_wait3A_766] : memref<3x80xi32, #tpu.memory_space<vmem>> -> memref<1x80xi32, #tpu.memory_space<vmem>>
    %dma_wait3A_768 = tpu.memref_squeeze %dma_wait3A_767 : memref<1x80xi32, #tpu.memory_space<vmem>> -> memref<80xi32, #tpu.memory_space<vmem>>
    %dma_wait3A_769 = tpu.memref_slice %arg3[%mul3A_0] : memref<160000xi32, #tpu.memory_space<hbm>> -> memref<80xi32, #tpu.memory_space<hbm>>
    %dma_wait3A_770 = arith.constant 0 : i32
    %dma_wait3A_771 = tpu.memref_slice %arg9[%dma_wait3A_765, %dma_wait3A_770] : memref<3x80xi32, #tpu.memory_space<vmem>> -> memref<1x80xi32, #tpu.memory_space<vmem>>
    %dma_wait3A_772 = tpu.memref_squeeze %dma_wait3A_771 : memref<1x80xi32, #tpu.memory_space<vmem>> -> memref<80xi32, #tpu.memory_space<vmem>>
    %dma_wait3A_773 = tpu.memref_slice %arg3[%mul3A_0] : memref<160000xi32, #tpu.memory_space<hbm>> -> memref<80xi32, #tpu.memory_space<hbm>>
    tpu.wait_dma2 semaphore(%arg22 : memref<!tpu.dma_semaphore, #tpu.memory_space<semaphore_mem>>) src(%dma_wait3A_773 : memref<80xi32, #tpu.memory_space<hbm>>) dst(%dma_wait3A_772 : memref<80xi32, #tpu.memory_space<vmem>>)
    %dma_start3A_774 = arith.constant 2 : i32
    %dma_start3A_775 = arith.constant 0 : i32
    %dma_start3A_776 = tpu.memref_slice %arg9[%dma_start3A_774, %dma_start3A_775] : memref<3x80xi32, #tpu.memory_space<vmem>> -> memref<1x80xi32, #tpu.memory_space<vmem>>
    %dma_start3A_777 = tpu.memref_squeeze %dma_start3A_776 : memref<1x80xi32, #tpu.memory_space<vmem>> -> memref<80xi32, #tpu.memory_space<vmem>>
    %dma_start3A_778 = arith.constant 0 : i32
    %dma_start3A_779 = arith.constant 0 : i32
    %dma_start3A_780 = tpu.memref_slice %arg13[%dma_start3A_778, %dma_start3A_779] : memref<10240x128xf32, #tpu.memory_space<vmem_shared>> -> memref<10240x128xf32, #tpu.memory_space<vmem_shared>>
    tpu.enqueue_indirect_dma source(%arg12 : memref<80x128xf32, #tpu.memory_space<vmem>>) target(%dma_start3A_780 : memref<10240x128xf32, #tpu.memory_space<vmem_shared>>) offsets(%dma_start3A_777 : memref<80xi32, #tpu.memory_space<vmem>>) semaphore(%arg25 : memref<!tpu.dma_semaphore, #tpu.memory_space<semaphore_mem>>) {add = true}
    %dma_wait3A_781 = arith.constant 2 : i32
    %dma_wait3A_782 = arith.constant 0 : i32
    %dma_wait3A_783 = tpu.memref_slice %arg9[%dma_wait3A_781, %dma_wait3A_782] : memref<3x80xi32, #tpu.memory_space<vmem>> -> memref<1x80xi32, #tpu.memory_space<vmem>>
    %dma_wait3A_784 = tpu.memref_squeeze %dma_wait3A_783 : memref<1x80xi32, #tpu.memory_space<vmem>> -> memref<80xi32, #tpu.memory_space<vmem>>
    %dma_wait3A_785 = arith.constant 0 : i32
    %dma_wait3A_786 = arith.constant 0 : i32
    %dma_wait3A_787 = tpu.memref_slice %arg13[%dma_wait3A_785, %dma_wait3A_786] : memref<10240x128xf32, #tpu.memory_space<vmem_shared>> -> memref<10240x128xf32, #tpu.memory_space<vmem_shared>>
    tpu.wait_indirect_dma semaphore(%arg25 : memref<!tpu.dma_semaphore, #tpu.memory_space<semaphore_mem>>) src(%arg12 : memref<80x128xf32, #tpu.memory_space<vmem>>) dst(%dma_wait3A_787 : memref<10240x128xf32, #tpu.memory_space<vmem_shared>>)
    %dma_wait3A_788 = arith.constant 1 : i32
    %dma_wait3A_789 = arith.constant 0 : i32
    %dma_wait3A_790 = tpu.memref_slice %arg8[%dma_wait3A_788, %dma_wait3A_789] : memref<3x80xi32, #tpu.memory_space<vmem>> -> memref<1x80xi32, #tpu.memory_space<vmem>>
    %dma_wait3A_791 = tpu.memref_squeeze %dma_wait3A_790 : memref<1x80xi32, #tpu.memory_space<vmem>> -> memref<80xi32, #tpu.memory_space<vmem>>
    %dma_wait3A_792 = arith.constant 0 : i32
    %dma_wait3A_793 = arith.constant 0 : i32
    %dma_wait3A_794 = tpu.memref_slice %arg5[%dma_wait3A_792, %dma_wait3A_793] : memref<320000x128xf32, #tpu.memory_space<hbm>> -> memref<320000x128xf32, #tpu.memory_space<hbm>>
    tpu.wait_indirect_dma semaphore(%arg18 : memref<!tpu.dma_semaphore, #tpu.memory_space<semaphore_mem>>) src(%dma_wait3A_794 : memref<320000x128xf32, #tpu.memory_space<hbm>>) dst(%arg11 : memref<80x128xf32, #tpu.memory_space<vmem>>)
    %dma_start3A_795 = arith.constant 9920 : i32
    %dma_start3A_796 = tpu.memref_slice %arg7[%dma_start3A_795] : memref<10000xi32, #tpu.memory_space<vmem>> -> memref<80xi32, #tpu.memory_space<vmem>>
    %dma_start3A_797 = arith.constant 0 : i32
    %dma_start3A_798 = arith.constant 0 : i32
    %dma_start3A_799 = tpu.memref_slice %arg4[%dma_start3A_797, %dma_start3A_798] : memref<20000x128xf32, #tpu.memory_space<hbm>> -> memref<20000x128xf32, #tpu.memory_space<hbm>>
    tpu.enqueue_indirect_dma source(%dma_start3A_799 : memref<20000x128xf32, #tpu.memory_space<hbm>>) target(%arg11 : memref<80x128xf32, #tpu.memory_space<vmem>>) offsets(%dma_start3A_796 : memref<80xi32, #tpu.memory_space<vmem>>) semaphore(%arg15 : memref<!tpu.dma_semaphore, #tpu.memory_space<semaphore_mem>>) {add = true}
    %dma_wait3A_800 = arith.constant 0 : i32
    %dma_wait3A_801 = tpu.memref_slice %arg7[%dma_wait3A_800] : memref<10000xi32, #tpu.memory_space<vmem>> -> memref<80xi32, #tpu.memory_space<vmem>>
    %dma_wait3A_802 = arith.constant 0 : i32
    %dma_wait3A_803 = arith.constant 0 : i32
    %dma_wait3A_804 = tpu.memref_slice %arg4[%dma_wait3A_802, %dma_wait3A_803] : memref<20000x128xf32, #tpu.memory_space<hbm>> -> memref<20000x128xf32, #tpu.memory_space<hbm>>
    tpu.wait_indirect_dma semaphore(%arg14 : memref<!tpu.dma_semaphore, #tpu.memory_space<semaphore_mem>>) src(%dma_wait3A_804 : memref<20000x128xf32, #tpu.memory_space<hbm>>) dst(%arg10 : memref<80x128xf32, #tpu.memory_space<vmem>>)
    %parallel_loop3A_805 = arith.constant 0 : i32
    %parallel_loop3A_806 = arith.constant 80 : i32
    %parallel_loop3A_807 = arith.constant 1 : i32
    scf.for %parallel_loop3A_863 = %parallel_loop3A_805 to %parallel_loop3A_806 step %parallel_loop3A_807  : i32 {
      %parallel_loop3A_864 = arith.index_cast %parallel_loop3A_863 : i32 to index
      %parallel_loop3A_865 = arith.constant 0 : index
      %parallel_loop3A_866 = tpu.vector_load %arg10[%parallel_loop3A_864, %parallel_loop3A_865] {strides = array<i32>} : memref<80x128xf32, #tpu.memory_space<vmem>>, vector<1x16xf32>,
      %parallel_loop3A_867 = vector.shape_cast %parallel_loop3A_866 : vector<1x16xf32> to vector<16xf32>
      %parallel_loop3A_868 = arith.constant 0.000000e+00 : f32
      %parallel_loop3A_869 = vector.broadcast %parallel_loop3A_868 : f32 to vector<16xf32>
      %parallel_loop3A_870 = arith.maximumf %parallel_loop3A_867, %parallel_loop3A_869 : vector<16xf32>
      %parallel_loop3A_871 = arith.index_cast %parallel_loop3A_863 : i32 to index
      %parallel_loop3A_872 = arith.constant 0 : index
      %parallel_loop3A_873 = tpu.vector_load %arg10[%parallel_loop3A_871, %parallel_loop3A_872] {strides = array<i32>} : memref<80x128xf32, #tpu.memory_space<vmem>>, vector<1x16xf32>,
      %parallel_loop3A_874 = vector.shape_cast %parallel_loop3A_873 : vector<1x16xf32> to vector<16xf32>
      %parallel_loop3A_875 = vector.shape_cast %parallel_loop3A_870 : vector<16xf32> to vector<1x16xf32>
      tpu.vector_store %arg10[%parallel_loop3A_871, %parallel_loop3A_872], %parallel_loop3A_875 {strides = array<i32>} : memref<80x128xf32, #tpu.memory_space<vmem>>, vector<1x16xf32>,
      %parallel_loop3A_876 = arith.index_cast %parallel_loop3A_863 : i32 to index
      %parallel_loop3A_877 = arith.constant 16 : index
      %parallel_loop3A_878 = tpu.vector_load %arg10[%parallel_loop3A_876, %parallel_loop3A_877] {strides = array<i32>} : memref<80x128xf32, #tpu.memory_space<vmem>>, vector<1x16xf32>,
      %parallel_loop3A_879 = vector.shape_cast %parallel_loop3A_878 : vector<1x16xf32> to vector<16xf32>
      %parallel_loop3A_880 = arith.constant 0.000000e+00 : f32
      %parallel_loop3A_881 = vector.broadcast %parallel_loop3A_880 : f32 to vector<16xf32>
      %parallel_loop3A_882 = arith.maximumf %parallel_loop3A_879, %parallel_loop3A_881 : vector<16xf32>
      %parallel_loop3A_883 = arith.index_cast %parallel_loop3A_863 : i32 to index
      %parallel_loop3A_884 = arith.constant 16 : index
      %parallel_loop3A_885 = tpu.vector_load %arg10[%parallel_loop3A_883, %parallel_loop3A_884] {strides = array<i32>} : memref<80x128xf32, #tpu.memory_space<vmem>>, vector<1x16xf32>,
      %parallel_loop3A_886 = vector.shape_cast %parallel_loop3A_885 : vector<1x16xf32> to vector<16xf32>
      %parallel_loop3A_887 = vector.shape_cast %parallel_loop3A_882 : vector<16xf32> to vector<1x16xf32>
      tpu.vector_store %arg10[%parallel_loop3A_883, %parallel_loop3A_884], %parallel_loop3A_887 {strides = array<i32>} : memref<80x128xf32, #tpu.memory_space<vmem>>, vector<1x16xf32>,
      %parallel_loop3A_888 = arith.index_cast %parallel_loop3A_863 : i32 to index
      %parallel_loop3A_889 = arith.constant 32 : index
      %parallel_loop3A_890 = tpu.vector_load %arg10[%parallel_loop3A_888, %parallel_loop3A_889] {strides = array<i32>} : memref<80x128xf32, #tpu.memory_space<vmem>>, vector<1x16xf32>,
      %parallel_loop3A_891 = vector.shape_cast %parallel_loop3A_890 : vector<1x16xf32> to vector<16xf32>
      %parallel_loop3A_892 = arith.constant 0.000000e+00 : f32
      %parallel_loop3A_893 = vector.broadcast %parallel_loop3A_892 : f32 to vector<16xf32>
      %parallel_loop3A_894 = arith.maximumf %parallel_loop3A_891, %parallel_loop3A_893 : vector<16xf32>
      %parallel_loop3A_895 = arith.index_cast %parallel_loop3A_863 : i32 to index
      %parallel_loop3A_896 = arith.constant 32 : index
      %parallel_loop3A_897 = tpu.vector_load %arg10[%parallel_loop3A_895, %parallel_loop3A_896] {strides = array<i32>} : memref<80x128xf32, #tpu.memory_space<vmem>>, vector<1x16xf32>,
      %parallel_loop3A_898 = vector.shape_cast %parallel_loop3A_897 : vector<1x16xf32> to vector<16xf32>
      %parallel_loop3A_899 = vector.shape_cast %parallel_loop3A_894 : vector<16xf32> to vector<1x16xf32>
      tpu.vector_store %arg10[%parallel_loop3A_895, %parallel_loop3A_896], %parallel_loop3A_899 {strides = array<i32>} : memref<80x128xf32, #tpu.memory_space<vmem>>, vector<1x16xf32>,
      %parallel_loop3A_900 = arith.index_cast %parallel_loop3A_863 : i32 to index
      %parallel_loop3A_901 = arith.constant 48 : index
      %parallel_loop3A_902 = tpu.vector_load %arg10[%parallel_loop3A_900, %parallel_loop3A_901] {strides = array<i32>} : memref<80x128xf32, #tpu.memory_space<vmem>>, vector<1x16xf32>,
      %parallel_loop3A_903 = vector.shape_cast %parallel_loop3A_902 : vector<1x16xf32> to vector<16xf32>
      %parallel_loop3A_904 = arith.constant 0.000000e+00 : f32
      %parallel_loop3A_905 = vector.broadcast %parallel_loop3A_904 : f32 to vector<16xf32>
      %parallel_loop3A_906 = arith.maximumf %parallel_loop3A_903, %parallel_loop3A_905 : vector<16xf32>
      %parallel_loop3A_907 = arith.index_cast %parallel_loop3A_863 : i32 to index
      %parallel_loop3A_908 = arith.constant 48 : index
      %parallel_loop3A_909 = tpu.vector_load %arg10[%parallel_loop3A_907, %parallel_loop3A_908] {strides = array<i32>} : memref<80x128xf32, #tpu.memory_space<vmem>>, vector<1x16xf32>,
      %parallel_loop3A_910 = vector.shape_cast %parallel_loop3A_909 : vector<1x16xf32> to vector<16xf32>
      %parallel_loop3A_911 = vector.shape_cast %parallel_loop3A_906 : vector<16xf32> to vector<1x16xf32>
      tpu.vector_store %arg10[%parallel_loop3A_907, %parallel_loop3A_908], %parallel_loop3A_911 {strides = array<i32>} : memref<80x128xf32, #tpu.memory_space<vmem>>, vector<1x16xf32>,
      %parallel_loop3A_912 = arith.index_cast %parallel_loop3A_863 : i32 to index
      %parallel_loop3A_913 = arith.constant 64 : index
      %parallel_loop3A_914 = tpu.vector_load %arg10[%parallel_loop3A_912, %parallel_loop3A_913] {strides = array<i32>} : memref<80x128xf32, #tpu.memory_space<vmem>>, vector<1x16xf32>,
      %parallel_loop3A_915 = vector.shape_cast %parallel_loop3A_914 : vector<1x16xf32> to vector<16xf32>
      %parallel_loop3A_916 = arith.constant 0.000000e+00 : f32
      %parallel_loop3A_917 = vector.broadcast %parallel_loop3A_916 : f32 to vector<16xf32>
      %parallel_loop3A_918 = arith.maximumf %parallel_loop3A_915, %parallel_loop3A_917 : vector<16xf32>
      %parallel_loop3A_919 = arith.index_cast %parallel_loop3A_863 : i32 to index
      %parallel_loop3A_920 = arith.constant 64 : index
      %parallel_loop3A_921 = tpu.vector_load %arg10[%parallel_loop3A_919, %parallel_loop3A_920] {strides = array<i32>} : memref<80x128xf32, #tpu.memory_space<vmem>>, vector<1x16xf32>,
      %parallel_loop3A_922 = vector.shape_cast %parallel_loop3A_921 : vector<1x16xf32> to vector<16xf32>
      %parallel_loop3A_923 = vector.shape_cast %parallel_loop3A_918 : vector<16xf32> to vector<1x16xf32>
      tpu.vector_store %arg10[%parallel_loop3A_919, %parallel_loop3A_920], %parallel_loop3A_923 {strides = array<i32>} : memref<80x128xf32, #tpu.memory_space<vmem>>, vector<1x16xf32>,
      %parallel_loop3A_924 = arith.index_cast %parallel_loop3A_863 : i32 to index
      %parallel_loop3A_925 = arith.constant 80 : index
      %parallel_loop3A_926 = tpu.vector_load %arg10[%parallel_loop3A_924, %parallel_loop3A_925] {strides = array<i32>} : memref<80x128xf32, #tpu.memory_space<vmem>>, vector<1x16xf32>,
      %parallel_loop3A_927 = vector.shape_cast %parallel_loop3A_926 : vector<1x16xf32> to vector<16xf32>
      %parallel_loop3A_928 = arith.constant 0.000000e+00 : f32
      %parallel_loop3A_929 = vector.broadcast %parallel_loop3A_928 : f32 to vector<16xf32>
      %parallel_loop3A_930 = arith.maximumf %parallel_loop3A_927, %parallel_loop3A_929 : vector<16xf32>
      %parallel_loop3A_931 = arith.index_cast %parallel_loop3A_863 : i32 to index
      %parallel_loop3A_932 = arith.constant 80 : index
      %parallel_loop3A_933 = tpu.vector_load %arg10[%parallel_loop3A_931, %parallel_loop3A_932] {strides = array<i32>} : memref<80x128xf32, #tpu.memory_space<vmem>>, vector<1x16xf32>,
      %parallel_loop3A_934 = vector.shape_cast %parallel_loop3A_933 : vector<1x16xf32> to vector<16xf32>
      %parallel_loop3A_935 = vector.shape_cast %parallel_loop3A_930 : vector<16xf32> to vector<1x16xf32>
      tpu.vector_store %arg10[%parallel_loop3A_931, %parallel_loop3A_932], %parallel_loop3A_935 {strides = array<i32>} : memref<80x128xf32, #tpu.memory_space<vmem>>, vector<1x16xf32>,
      %parallel_loop3A_936 = arith.index_cast %parallel_loop3A_863 : i32 to index
      %parallel_loop3A_937 = arith.constant 96 : index
      %parallel_loop3A_938 = tpu.vector_load %arg10[%parallel_loop3A_936, %parallel_loop3A_937] {strides = array<i32>} : memref<80x128xf32, #tpu.memory_space<vmem>>, vector<1x16xf32>,
      %parallel_loop3A_939 = vector.shape_cast %parallel_loop3A_938 : vector<1x16xf32> to vector<16xf32>
      %parallel_loop3A_940 = arith.constant 0.000000e+00 : f32
      %parallel_loop3A_941 = vector.broadcast %parallel_loop3A_940 : f32 to vector<16xf32>
      %parallel_loop3A_942 = arith.maximumf %parallel_loop3A_939, %parallel_loop3A_941 : vector<16xf32>
      %parallel_loop3A_943 = arith.index_cast %parallel_loop3A_863 : i32 to index
      %parallel_loop3A_944 = arith.constant 96 : index
      %parallel_loop3A_945 = tpu.vector_load %arg10[%parallel_loop3A_943, %parallel_loop3A_944] {strides = array<i32>} : memref<80x128xf32, #tpu.memory_space<vmem>>, vector<1x16xf32>,
      %parallel_loop3A_946 = vector.shape_cast %parallel_loop3A_945 : vector<1x16xf32> to vector<16xf32>
      %parallel_loop3A_947 = vector.shape_cast %parallel_loop3A_942 : vector<16xf32> to vector<1x16xf32>
      tpu.vector_store %arg10[%parallel_loop3A_943, %parallel_loop3A_944], %parallel_loop3A_947 {strides = array<i32>} : memref<80x128xf32, #tpu.memory_space<vmem>>, vector<1x16xf32>,
      %parallel_loop3A_948 = arith.index_cast %parallel_loop3A_863 : i32 to index
      %parallel_loop3A_949 = arith.constant 112 : index
      %parallel_loop3A_950 = tpu.vector_load %arg10[%parallel_loop3A_948, %parallel_loop3A_949] {strides = array<i32>} : memref<80x128xf32, #tpu.memory_space<vmem>>, vector<1x16xf32>,
      %parallel_loop3A_951 = vector.shape_cast %parallel_loop3A_950 : vector<1x16xf32> to vector<16xf32>
      %parallel_loop3A_952 = arith.constant 0.000000e+00 : f32
      %parallel_loop3A_953 = vector.broadcast %parallel_loop3A_952 : f32 to vector<16xf32>
      %parallel_loop3A_954 = arith.maximumf %parallel_loop3A_951, %parallel_loop3A_953 : vector<16xf32>
      %parallel_loop3A_955 = arith.index_cast %parallel_loop3A_863 : i32 to index
      %parallel_loop3A_956 = arith.constant 112 : index
      %parallel_loop3A_957 = tpu.vector_load %arg10[%parallel_loop3A_955, %parallel_loop3A_956] {strides = array<i32>} : memref<80x128xf32, #tpu.memory_space<vmem>>, vector<1x16xf32>,
      %parallel_loop3A_958 = vector.shape_cast %parallel_loop3A_957 : vector<1x16xf32> to vector<16xf32>
      %parallel_loop3A_959 = vector.shape_cast %parallel_loop3A_954 : vector<16xf32> to vector<1x16xf32>
      tpu.vector_store %arg10[%parallel_loop3A_955, %parallel_loop3A_956], %parallel_loop3A_959 {strides = array<i32>} : memref<80x128xf32, #tpu.memory_space<vmem>>, vector<1x16xf32>,
    } {sc.loop_unroll_factor = 4 : i64, sc.parallel_access}
    %dma_wait3A_808 = arith.constant 0 : i32
    %dma_wait3A_809 = arith.constant 0 : i32
    %dma_wait3A_810 = tpu.memref_slice %arg9[%dma_wait3A_808, %dma_wait3A_809] : memref<3x80xi32, #tpu.memory_space<vmem>> -> memref<1x80xi32, #tpu.memory_space<vmem>>
    %dma_wait3A_811 = tpu.memref_squeeze %dma_wait3A_810 : memref<1x80xi32, #tpu.memory_space<vmem>> -> memref<80xi32, #tpu.memory_space<vmem>>
    %dma_wait3A_812 = tpu.memref_slice %arg3[%mul3A_0] : memref<160000xi32, #tpu.memory_space<hbm>> -> memref<80xi32, #tpu.memory_space<hbm>>
    %dma_wait3A_813 = arith.constant 0 : i32
    %dma_wait3A_814 = tpu.memref_slice %arg9[%dma_wait3A_808, %dma_wait3A_813] : memref<3x80xi32, #tpu.memory_space<vmem>> -> memref<1x80xi32, #tpu.memory_space<vmem>>
    %dma_wait3A_815 = tpu.memref_squeeze %dma_wait3A_814 : memref<1x80xi32, #tpu.memory_space<vmem>> -> memref<80xi32, #tpu.memory_space<vmem>>
    %dma_wait3A_816 = tpu.memref_slice %arg3[%mul3A_0] : memref<160000xi32, #tpu.memory_space<hbm>> -> memref<80xi32, #tpu.memory_space<hbm>>
    tpu.wait_dma2 semaphore(%arg20 : memref<!tpu.dma_semaphore, #tpu.memory_space<semaphore_mem>>) src(%dma_wait3A_816 : memref<80xi32, #tpu.memory_space<hbm>>) dst(%dma_wait3A_815 : memref<80xi32, #tpu.memory_space<vmem>>)
    %dma_start3A_817 = arith.constant 0 : i32
    %dma_start3A_818 = arith.constant 0 : i32
    %dma_start3A_819 = tpu.memref_slice %arg9[%dma_start3A_817, %dma_start3A_818] : memref<3x80xi32, #tpu.memory_space<vmem>> -> memref<1x80xi32, #tpu.memory_space<vmem>>
    %dma_start3A_820 = tpu.memref_squeeze %dma_start3A_819 : memref<1x80xi32, #tpu.memory_space<vmem>> -> memref<80xi32, #tpu.memory_space<vmem>>
    %dma_start3A_821 = arith.constant 0 : i32
    %dma_start3A_822 = arith.constant 0 : i32
    %dma_start3A_823 = tpu.memref_slice %arg13[%dma_start3A_821, %dma_start3A_822] : memref<10240x128xf32, #tpu.memory_space<vmem_shared>> -> memref<10240x128xf32, #tpu.memory_space<vmem_shared>>
    tpu.enqueue_indirect_dma source(%arg10 : memref<80x128xf32, #tpu.memory_space<vmem>>) target(%dma_start3A_823 : memref<10240x128xf32, #tpu.memory_space<vmem_shared>>) offsets(%dma_start3A_820 : memref<80xi32, #tpu.memory_space<vmem>>) semaphore(%arg23 : memref<!tpu.dma_semaphore, #tpu.memory_space<semaphore_mem>>) {add = true}
    %dma_wait3A_824 = arith.constant 0 : i32
    %dma_wait3A_825 = arith.constant 0 : i32
    %dma_wait3A_826 = tpu.memref_slice %arg9[%dma_wait3A_824, %dma_wait3A_825] : memref<3x80xi32, #tpu.memory_space<vmem>> -> memref<1x80xi32, #tpu.memory_space<vmem>>
    %dma_wait3A_827 = tpu.memref_squeeze %dma_wait3A_826 : memref<1x80xi32, #tpu.memory_space<vmem>> -> memref<80xi32, #tpu.memory_space<vmem>>
    %dma_wait3A_828 = arith.constant 0 : i32
    %dma_wait3A_829 = arith.constant 0 : i32
    %dma_wait3A_830 = tpu.memref_slice %arg13[%dma_wait3A_828, %dma_wait3A_829] : memref<10240x128xf32, #tpu.memory_space<vmem_shared>> -> memref<10240x128xf32, #tpu.memory_space<vmem_shared>>
    tpu.wait_indirect_dma semaphore(%arg23 : memref<!tpu.dma_semaphore, #tpu.memory_space<semaphore_mem>>) src(%arg10 : memref<80x128xf32, #tpu.memory_space<vmem>>) dst(%dma_wait3A_830 : memref<10240x128xf32, #tpu.memory_space<vmem_shared>>)
    %dma_wait3A_831 = arith.constant 0 : i32
    %dma_wait3A_832 = tpu.memref_slice %arg7[%dma_wait3A_831] : memref<10000xi32, #tpu.memory_space<vmem>> -> memref<80xi32, #tpu.memory_space<vmem>>
    %dma_wait3A_833 = arith.constant 0 : i32
    %dma_wait3A_834 = arith.constant 0 : i32
    %dma_wait3A_835 = tpu.memref_slice %arg4[%dma_wait3A_833, %dma_wait3A_834] : memref<20000x128xf32, #tpu.memory_space<hbm>> -> memref<20000x128xf32, #tpu.memory_space<hbm>>
    tpu.wait_indirect_dma semaphore(%arg15 : memref<!tpu.dma_semaphore, #tpu.memory_space<semaphore_mem>>) src(%dma_wait3A_835 : memref<20000x128xf32, #tpu.memory_space<hbm>>) dst(%arg11 : memref<80x128xf32, #tpu.memory_space<vmem>>)
    %parallel_loop3A_836 = arith.constant 0 : i32
    %parallel_loop3A_837 = arith.constant 80 : i32
    %parallel_loop3A_838 = arith.constant 1 : i32
    scf.for %parallel_loop3A_863 = %parallel_loop3A_836 to %parallel_loop3A_837 step %parallel_loop3A_838  : i32 {
      %parallel_loop3A_864 = arith.index_cast %parallel_loop3A_863 : i32 to index
      %parallel_loop3A_865 = arith.constant 0 : index
      %parallel_loop3A_866 = tpu.vector_load %arg11[%parallel_loop3A_864, %parallel_loop3A_865] {strides = array<i32>} : memref<80x128xf32, #tpu.memory_space<vmem>>, vector<1x16xf32>,
      %parallel_loop3A_867 = vector.shape_cast %parallel_loop3A_866 : vector<1x16xf32> to vector<16xf32>
      %parallel_loop3A_868 = arith.constant 0.000000e+00 : f32
      %parallel_loop3A_869 = vector.broadcast %parallel_loop3A_868 : f32 to vector<16xf32>
      %parallel_loop3A_870 = arith.maximumf %parallel_loop3A_867, %parallel_loop3A_869 : vector<16xf32>
      %parallel_loop3A_871 = arith.index_cast %parallel_loop3A_863 : i32 to index
      %parallel_loop3A_872 = arith.constant 0 : index
      %parallel_loop3A_873 = tpu.vector_load %arg11[%parallel_loop3A_871, %parallel_loop3A_872] {strides = array<i32>} : memref<80x128xf32, #tpu.memory_space<vmem>>, vector<1x16xf32>,
      %parallel_loop3A_874 = vector.shape_cast %parallel_loop3A_873 : vector<1x16xf32> to vector<16xf32>
      %parallel_loop3A_875 = vector.shape_cast %parallel_loop3A_870 : vector<16xf32> to vector<1x16xf32>
      tpu.vector_store %arg11[%parallel_loop3A_871, %parallel_loop3A_872], %parallel_loop3A_875 {strides = array<i32>} : memref<80x128xf32, #tpu.memory_space<vmem>>, vector<1x16xf32>,
      %parallel_loop3A_876 = arith.index_cast %parallel_loop3A_863 : i32 to index
      %parallel_loop3A_877 = arith.constant 16 : index
      %parallel_loop3A_878 = tpu.vector_load %arg11[%parallel_loop3A_876, %parallel_loop3A_877] {strides = array<i32>} : memref<80x128xf32, #tpu.memory_space<vmem>>, vector<1x16xf32>,
      %parallel_loop3A_879 = vector.shape_cast %parallel_loop3A_878 : vector<1x16xf32> to vector<16xf32>
      %parallel_loop3A_880 = arith.constant 0.000000e+00 : f32
      %parallel_loop3A_881 = vector.broadcast %parallel_loop3A_880 : f32 to vector<16xf32>
      %parallel_loop3A_882 = arith.maximumf %parallel_loop3A_879, %parallel_loop3A_881 : vector<16xf32>
      %parallel_loop3A_883 = arith.index_cast %parallel_loop3A_863 : i32 to index
      %parallel_loop3A_884 = arith.constant 16 : index
      %parallel_loop3A_885 = tpu.vector_load %arg11[%parallel_loop3A_883, %parallel_loop3A_884] {strides = array<i32>} : memref<80x128xf32, #tpu.memory_space<vmem>>, vector<1x16xf32>,
      %parallel_loop3A_886 = vector.shape_cast %parallel_loop3A_885 : vector<1x16xf32> to vector<16xf32>
      %parallel_loop3A_887 = vector.shape_cast %parallel_loop3A_882 : vector<16xf32> to vector<1x16xf32>
      tpu.vector_store %arg11[%parallel_loop3A_883, %parallel_loop3A_884], %parallel_loop3A_887 {strides = array<i32>} : memref<80x128xf32, #tpu.memory_space<vmem>>, vector<1x16xf32>,
      %parallel_loop3A_888 = arith.index_cast %parallel_loop3A_863 : i32 to index
      %parallel_loop3A_889 = arith.constant 32 : index
      %parallel_loop3A_890 = tpu.vector_load %arg11[%parallel_loop3A_888, %parallel_loop3A_889] {strides = array<i32>} : memref<80x128xf32, #tpu.memory_space<vmem>>, vector<1x16xf32>,
      %parallel_loop3A_891 = vector.shape_cast %parallel_loop3A_890 : vector<1x16xf32> to vector<16xf32>
      %parallel_loop3A_892 = arith.constant 0.000000e+00 : f32
      %parallel_loop3A_893 = vector.broadcast %parallel_loop3A_892 : f32 to vector<16xf32>
      %parallel_loop3A_894 = arith.maximumf %parallel_loop3A_891, %parallel_loop3A_893 : vector<16xf32>
      %parallel_loop3A_895 = arith.index_cast %parallel_loop3A_863 : i32 to index
      %parallel_loop3A_896 = arith.constant 32 : index
      %parallel_loop3A_897 = tpu.vector_load %arg11[%parallel_loop3A_895, %parallel_loop3A_896] {strides = array<i32>} : memref<80x128xf32, #tpu.memory_space<vmem>>, vector<1x16xf32>,
      %parallel_loop3A_898 = vector.shape_cast %parallel_loop3A_897 : vector<1x16xf32> to vector<16xf32>
      %parallel_loop3A_899 = vector.shape_cast %parallel_loop3A_894 : vector<16xf32> to vector<1x16xf32>
      tpu.vector_store %arg11[%parallel_loop3A_895, %parallel_loop3A_896], %parallel_loop3A_899 {strides = array<i32>} : memref<80x128xf32, #tpu.memory_space<vmem>>, vector<1x16xf32>,
      %parallel_loop3A_900 = arith.index_cast %parallel_loop3A_863 : i32 to index
      %parallel_loop3A_901 = arith.constant 48 : index
      %parallel_loop3A_902 = tpu.vector_load %arg11[%parallel_loop3A_900, %parallel_loop3A_901] {strides = array<i32>} : memref<80x128xf32, #tpu.memory_space<vmem>>, vector<1x16xf32>,
      %parallel_loop3A_903 = vector.shape_cast %parallel_loop3A_902 : vector<1x16xf32> to vector<16xf32>
      %parallel_loop3A_904 = arith.constant 0.000000e+00 : f32
      %parallel_loop3A_905 = vector.broadcast %parallel_loop3A_904 : f32 to vector<16xf32>
      %parallel_loop3A_906 = arith.maximumf %parallel_loop3A_903, %parallel_loop3A_905 : vector<16xf32>
      %parallel_loop3A_907 = arith.index_cast %parallel_loop3A_863 : i32 to index
      %parallel_loop3A_908 = arith.constant 48 : index
      %parallel_loop3A_909 = tpu.vector_load %arg11[%parallel_loop3A_907, %parallel_loop3A_908] {strides = array<i32>} : memref<80x128xf32, #tpu.memory_space<vmem>>, vector<1x16xf32>,
      %parallel_loop3A_910 = vector.shape_cast %parallel_loop3A_909 : vector<1x16xf32> to vector<16xf32>
      %parallel_loop3A_911 = vector.shape_cast %parallel_loop3A_906 : vector<16xf32> to vector<1x16xf32>
      tpu.vector_store %arg11[%parallel_loop3A_907, %parallel_loop3A_908], %parallel_loop3A_911 {strides = array<i32>} : memref<80x128xf32, #tpu.memory_space<vmem>>, vector<1x16xf32>,
      %parallel_loop3A_912 = arith.index_cast %parallel_loop3A_863 : i32 to index
      %parallel_loop3A_913 = arith.constant 64 : index
      %parallel_loop3A_914 = tpu.vector_load %arg11[%parallel_loop3A_912, %parallel_loop3A_913] {strides = array<i32>} : memref<80x128xf32, #tpu.memory_space<vmem>>, vector<1x16xf32>,
      %parallel_loop3A_915 = vector.shape_cast %parallel_loop3A_914 : vector<1x16xf32> to vector<16xf32>
      %parallel_loop3A_916 = arith.constant 0.000000e+00 : f32
      %parallel_loop3A_917 = vector.broadcast %parallel_loop3A_916 : f32 to vector<16xf32>
      %parallel_loop3A_918 = arith.maximumf %parallel_loop3A_915, %parallel_loop3A_917 : vector<16xf32>
      %parallel_loop3A_919 = arith.index_cast %parallel_loop3A_863 : i32 to index
      %parallel_loop3A_920 = arith.constant 64 : index
      %parallel_loop3A_921 = tpu.vector_load %arg11[%parallel_loop3A_919, %parallel_loop3A_920] {strides = array<i32>} : memref<80x128xf32, #tpu.memory_space<vmem>>, vector<1x16xf32>,
      %parallel_loop3A_922 = vector.shape_cast %parallel_loop3A_921 : vector<1x16xf32> to vector<16xf32>
      %parallel_loop3A_923 = vector.shape_cast %parallel_loop3A_918 : vector<16xf32> to vector<1x16xf32>
      tpu.vector_store %arg11[%parallel_loop3A_919, %parallel_loop3A_920], %parallel_loop3A_923 {strides = array<i32>} : memref<80x128xf32, #tpu.memory_space<vmem>>, vector<1x16xf32>,
      %parallel_loop3A_924 = arith.index_cast %parallel_loop3A_863 : i32 to index
      %parallel_loop3A_925 = arith.constant 80 : index
      %parallel_loop3A_926 = tpu.vector_load %arg11[%parallel_loop3A_924, %parallel_loop3A_925] {strides = array<i32>} : memref<80x128xf32, #tpu.memory_space<vmem>>, vector<1x16xf32>,
      %parallel_loop3A_927 = vector.shape_cast %parallel_loop3A_926 : vector<1x16xf32> to vector<16xf32>
      %parallel_loop3A_928 = arith.constant 0.000000e+00 : f32
      %parallel_loop3A_929 = vector.broadcast %parallel_loop3A_928 : f32 to vector<16xf32>
      %parallel_loop3A_930 = arith.maximumf %parallel_loop3A_927, %parallel_loop3A_929 : vector<16xf32>
      %parallel_loop3A_931 = arith.index_cast %parallel_loop3A_863 : i32 to index
      %parallel_loop3A_932 = arith.constant 80 : index
      %parallel_loop3A_933 = tpu.vector_load %arg11[%parallel_loop3A_931, %parallel_loop3A_932] {strides = array<i32>} : memref<80x128xf32, #tpu.memory_space<vmem>>, vector<1x16xf32>,
      %parallel_loop3A_934 = vector.shape_cast %parallel_loop3A_933 : vector<1x16xf32> to vector<16xf32>
      %parallel_loop3A_935 = vector.shape_cast %parallel_loop3A_930 : vector<16xf32> to vector<1x16xf32>
      tpu.vector_store %arg11[%parallel_loop3A_931, %parallel_loop3A_932], %parallel_loop3A_935 {strides = array<i32>} : memref<80x128xf32, #tpu.memory_space<vmem>>, vector<1x16xf32>,
      %parallel_loop3A_936 = arith.index_cast %parallel_loop3A_863 : i32 to index
      %parallel_loop3A_937 = arith.constant 96 : index
      %parallel_loop3A_938 = tpu.vector_load %arg11[%parallel_loop3A_936, %parallel_loop3A_937] {strides = array<i32>} : memref<80x128xf32, #tpu.memory_space<vmem>>, vector<1x16xf32>,
      %parallel_loop3A_939 = vector.shape_cast %parallel_loop3A_938 : vector<1x16xf32> to vector<16xf32>
      %parallel_loop3A_940 = arith.constant 0.000000e+00 : f32
      %parallel_loop3A_941 = vector.broadcast %parallel_loop3A_940 : f32 to vector<16xf32>
      %parallel_loop3A_942 = arith.maximumf %parallel_loop3A_939, %parallel_loop3A_941 : vector<16xf32>
      %parallel_loop3A_943 = arith.index_cast %parallel_loop3A_863 : i32 to index
      %parallel_loop3A_944 = arith.constant 96 : index
      %parallel_loop3A_945 = tpu.vector_load %arg11[%parallel_loop3A_943, %parallel_loop3A_944] {strides = array<i32>} : memref<80x128xf32, #tpu.memory_space<vmem>>, vector<1x16xf32>,
      %parallel_loop3A_946 = vector.shape_cast %parallel_loop3A_945 : vector<1x16xf32> to vector<16xf32>
      %parallel_loop3A_947 = vector.shape_cast %parallel_loop3A_942 : vector<16xf32> to vector<1x16xf32>
      tpu.vector_store %arg11[%parallel_loop3A_943, %parallel_loop3A_944], %parallel_loop3A_947 {strides = array<i32>} : memref<80x128xf32, #tpu.memory_space<vmem>>, vector<1x16xf32>,
      %parallel_loop3A_948 = arith.index_cast %parallel_loop3A_863 : i32 to index
      %parallel_loop3A_949 = arith.constant 112 : index
      %parallel_loop3A_950 = tpu.vector_load %arg11[%parallel_loop3A_948, %parallel_loop3A_949] {strides = array<i32>} : memref<80x128xf32, #tpu.memory_space<vmem>>, vector<1x16xf32>,
      %parallel_loop3A_951 = vector.shape_cast %parallel_loop3A_950 : vector<1x16xf32> to vector<16xf32>
      %parallel_loop3A_952 = arith.constant 0.000000e+00 : f32
      %parallel_loop3A_953 = vector.broadcast %parallel_loop3A_952 : f32 to vector<16xf32>
      %parallel_loop3A_954 = arith.maximumf %parallel_loop3A_951, %parallel_loop3A_953 : vector<16xf32>
      %parallel_loop3A_955 = arith.index_cast %parallel_loop3A_863 : i32 to index
      %parallel_loop3A_956 = arith.constant 112 : index
      %parallel_loop3A_957 = tpu.vector_load %arg11[%parallel_loop3A_955, %parallel_loop3A_956] {strides = array<i32>} : memref<80x128xf32, #tpu.memory_space<vmem>>, vector<1x16xf32>,
      %parallel_loop3A_958 = vector.shape_cast %parallel_loop3A_957 : vector<1x16xf32> to vector<16xf32>
      %parallel_loop3A_959 = vector.shape_cast %parallel_loop3A_954 : vector<16xf32> to vector<1x16xf32>
      tpu.vector_store %arg11[%parallel_loop3A_955, %parallel_loop3A_956], %parallel_loop3A_959 {strides = array<i32>} : memref<80x128xf32, #tpu.memory_space<vmem>>, vector<1x16xf32>,
    } {sc.loop_unroll_factor = 4 : i64, sc.parallel_access}
    %dma_wait3A_839 = arith.constant 1 : i32
    %dma_wait3A_840 = arith.constant 0 : i32
    %dma_wait3A_841 = tpu.memref_slice %arg9[%dma_wait3A_839, %dma_wait3A_840] : memref<3x80xi32, #tpu.memory_space<vmem>> -> memref<1x80xi32, #tpu.memory_space<vmem>>
    %dma_wait3A_842 = tpu.memref_squeeze %dma_wait3A_841 : memref<1x80xi32, #tpu.memory_space<vmem>> -> memref<80xi32, #tpu.memory_space<vmem>>
    %dma_wait3A_843 = tpu.memref_slice %arg3[%mul3A_0] : memref<160000xi32, #tpu.memory_space<hbm>> -> memref<80xi32, #tpu.memory_space<hbm>>
    %dma_wait3A_844 = arith.constant 0 : i32
    %dma_wait3A_845 = tpu.memref_slice %arg9[%dma_wait3A_839, %dma_wait3A_844] : memref<3x80xi32, #tpu.memory_space<vmem>> -> memref<1x80xi32, #tpu.memory_space<vmem>>
    %dma_wait3A_846 = tpu.memref_squeeze %dma_wait3A_845 : memref<1x80xi32, #tpu.memory_space<vmem>> -> memref<80xi32, #tpu.memory_space<vmem>>
    %dma_wait3A_847 = tpu.memref_slice %arg3[%mul3A_0] : memref<160000xi32, #tpu.memory_space<hbm>> -> memref<80xi32, #tpu.memory_space<hbm>>
    tpu.wait_dma2 semaphore(%arg21 : memref<!tpu.dma_semaphore, #tpu.memory_space<semaphore_mem>>) src(%dma_wait3A_847 : memref<80xi32, #tpu.memory_space<hbm>>) dst(%dma_wait3A_846 : memref<80xi32, #tpu.memory_space<vmem>>)
    %dma_start3A_848 = arith.constant 1 : i32
    %dma_start3A_849 = arith.constant 0 : i32
    %dma_start3A_850 = tpu.memref_slice %arg9[%dma_start3A_848, %dma_start3A_849] : memref<3x80xi32, #tpu.memory_space<vmem>> -> memref<1x80xi32, #tpu.memory_space<vmem>>
    %dma_start3A_851 = tpu.memref_squeeze %dma_start3A_850 : memref<1x80xi32, #tpu.memory_space<vmem>> -> memref<80xi32, #tpu.memory_space<vmem>>
    %dma_start3A_852 = arith.constant 0 : i32
    %dma_start3A_853 = arith.constant 0 : i32
    %dma_start3A_854 = tpu.memref_slice %arg13[%dma_start3A_852, %dma_start3A_853] : memref<10240x128xf32, #tpu.memory_space<vmem_shared>> -> memref<10240x128xf32, #tpu.memory_space<vmem_shared>>
    tpu.enqueue_indirect_dma source(%arg11 : memref<80x128xf32, #tpu.memory_space<vmem>>) target(%dma_start3A_854 : memref<10240x128xf32, #tpu.memory_space<vmem_shared>>) offsets(%dma_start3A_851 : memref<80xi32, #tpu.memory_space<vmem>>) semaphore(%arg24 : memref<!tpu.dma_semaphore, #tpu.memory_space<semaphore_mem>>) {add = true}
    %dma_wait3A_855 = arith.constant 1 : i32
    %dma_wait3A_856 = arith.constant 0 : i32
    %dma_wait3A_857 = tpu.memref_slice %arg9[%dma_wait3A_855, %dma_wait3A_856] : memref<3x80xi32, #tpu.memory_space<vmem>> -> memref<1x80xi32, #tpu.memory_space<vmem>>
    %dma_wait3A_858 = tpu.memref_squeeze %dma_wait3A_857 : memref<1x80xi32, #tpu.memory_space<vmem>> -> memref<80xi32, #tpu.memory_space<vmem>>
    %dma_wait3A_859 = arith.constant 0 : i32
    %dma_wait3A_860 = arith.constant 0 : i32
    %dma_wait3A_861 = tpu.memref_slice %arg13[%dma_wait3A_859, %dma_wait3A_860] : memref<10240x128xf32, #tpu.memory_space<vmem_shared>> -> memref<10240x128xf32, #tpu.memory_space<vmem_shared>>
    tpu.wait_indirect_dma semaphore(%arg24 : memref<!tpu.dma_semaphore, #tpu.memory_space<semaphore_mem>>) src(%arg11 : memref<80x128xf32, #tpu.memory_space<vmem>>) dst(%dma_wait3A_861 : memref<10240x128xf32, #tpu.memory_space<vmem_shared>>)
    %barrier3A_862 = arith.constant 0 : index
    tpu.barrier barrier_id(%barrier3A_862)
    "tpu.region"() ({
      %run_scoped3A = tpu.sem_alloc : memref<!tpu.dma_semaphore, #tpu.memory_space<semaphore_mem>>
      %dma_start3A_863 = arith.constant 0 : i32
      %dma_start3A_864 = tpu.memref_slice %arg6[%arg0, %mul3A_2, %dma_start3A_863] : memref<2x10240x128xf32, #tpu.memory_space<hbm>> -> memref<1x640x128xf32, #tpu.memory_space<hbm>>
      %dma_start3A_865 = tpu.memref_squeeze %dma_start3A_864 : memref<1x640x128xf32, #tpu.memory_space<hbm>> -> memref<640x128xf32, #tpu.memory_space<hbm>>
      %dma_start3A_866 = arith.constant 0 : i32
      %dma_start3A_867 = tpu.memref_slice %arg13[%mul3A_2, %dma_start3A_866] : memref<10240x128xf32, #tpu.memory_space<vmem_shared>> -> memref<640x128xf32, #tpu.memory_space<vmem_shared>>
      tpu.enqueue_dma source(%dma_start3A_867 : memref<640x128xf32, #tpu.memory_space<vmem_shared>>) target(%dma_start3A_865 : memref<640x128xf32, #tpu.memory_space<hbm>>) target_semaphore(%run_scoped3A : memref<!tpu.dma_semaphore, #tpu.memory_space<semaphore_mem>>)
      %dma_wait3A_868 = arith.constant 0 : i32
      %dma_wait3A_869 = tpu.memref_slice %arg6[%arg0, %mul3A_2, %dma_wait3A_868] : memref<2x10240x128xf32, #tpu.memory_space<hbm>> -> memref<1x640x128xf32, #tpu.memory_space<hbm>>
      %dma_wait3A_870 = tpu.memref_squeeze %dma_wait3A_869 : memref<1x640x128xf32, #tpu.memory_space<hbm>> -> memref<640x128xf32, #tpu.memory_space<hbm>>
      %dma_wait3A_871 = arith.constant 0 : i32
      %dma_wait3A_872 = tpu.memref_slice %arg13[%mul3A_2, %dma_wait3A_871] : memref<10240x128xf32, #tpu.memory_space<vmem_shared>> -> memref<640x128xf32, #tpu.memory_space<vmem_shared>>
      tpu.wait_dma2 semaphore(%run_scoped3A : memref<!tpu.dma_semaphore, #tpu.memory_space<semaphore_mem>>) src(%dma_wait3A_872 : memref<640x128xf32, #tpu.memory_space<vmem_shared>>) dst(%dma_wait3A_870 : memref<640x128xf32, #tpu.memory_space<hbm>>)
      tpu.yield
    }) : () -> ()
    return
  }
}

module attributes {stable_mosaic.version = 14 : i64} {
  func.func @_mlp_body(%arg0: i32, %arg1: memref<2000x256xf32, #tpu.memory_space<vmem>>, %arg2: memref<2x2000x128xf32, #tpu.memory_space<vmem>>, %arg3: memref<256x256xf32, #tpu.memory_space<vmem>>, %arg4: memref<1x256xf32, #tpu.memory_space<vmem>>, %arg5: memref<256x256xf32, #tpu.memory_space<vmem>>, %arg6: memref<1x256xf32, #tpu.memory_space<vmem>>, %arg7: memref<2000x256xf32, #tpu.memory_space<vmem>>) attributes {dimension_semantics = [#tpu.dimension_semantics<arbitrary>], iteration_bounds = array<i64: 5>, scalar_prefetch = 0 : i64, scratch_operands = 0 : i64, tpu.core_type = #tpu.core_type<tc>, window_params = [{transform_indices = @transform_0, window_bounds = array<i64: 2000, 256>}, {transform_indices = @transform_1, window_bounds = array<i64: 2, 2000, 128>}, {pipeline_mode = #tpu.pipeline_mode<synchronous>, transform_indices = @transform_2, window_bounds = array<i64: 256, 256>}, {pipeline_mode = #tpu.pipeline_mode<synchronous>, transform_indices = @transform_3, window_bounds = array<i64: 1, 256>}, {pipeline_mode = #tpu.pipeline_mode<synchronous>, transform_indices = @transform_4, window_bounds = array<i64: 256, 256>}, {pipeline_mode = #tpu.pipeline_mode<synchronous>, transform_indices = @transform_5, window_bounds = array<i64: 1, 256>}, {transform_indices = @transform_6, window_bounds = array<i64: 2000, 256>}]} {
    %get3A = arith.constant 0 : index
    %get3A_0 = arith.constant 0 : index
    %get3A_1 = arith.constant 0 : index
    %get3A_2 = vector.load %arg2[%get3A, %get3A_0, %get3A_1] : memref<2x2000x128xf32, #tpu.memory_space<vmem>>, vector<1x2000x128xf32>
    %get3A_3 = vector.shape_cast %get3A_2 : vector<1x2000x128xf32> to vector<2000x128xf32>
    %get3A_4 = arith.constant 1 : index
    %get3A_5 = arith.constant 0 : index
    %get3A_6 = arith.constant 0 : index
    %get3A_7 = vector.load %arg2[%get3A_4, %get3A_5, %get3A_6] : memref<2x2000x128xf32, #tpu.memory_space<vmem>>, vector<1x2000x128xf32>
    %get3A_8 = vector.shape_cast %get3A_7 : vector<1x2000x128xf32> to vector<2000x128xf32>
    %concatenate3A = tpu.concatenate %get3A_3, %get3A_8 in 1 : vector<2000x128xf32>, vector<2000x128xf32> -> vector<2000x256xf32>
    %get3A_9 = arith.constant 0 : index
    %get3A_10 = arith.constant 0 : index
    %get3A_11 = vector.load %arg1[%get3A_9, %get3A_10] : memref<2000x256xf32, #tpu.memory_space<vmem>>, vector<2000x256xf32>
    %add3A = arith.addf %get3A_11, %concatenate3A : vector<2000x256xf32>
    %get3A_12 = arith.constant 0 : index
    %get3A_13 = arith.constant 0 : index
    %get3A_14 = vector.load %arg3[%get3A_12, %get3A_13] : memref<256x256xf32, #tpu.memory_space<vmem>>, vector<256x256xf32>
    %dot_general3A = arith.constant dense<0.000000e+00> : vector<2000x256xf32>
    %dot_general3A_15 = tpu.matmul %add3A, %get3A_14, %dot_general3A {dimension_numbers = #tpu.dot_dimension_numbers<[1], [0], [0], [1], [0, 0, 1, 1], [], []>, transpose_lhs_hint = false} : vector<2000x256xf32>, vector<256x256xf32>, vector<2000x256xf32> -> vector<2000x256xf32>
    %get3A_16 = arith.constant 0 : index
    %get3A_17 = arith.constant 0 : index
    %get3A_18 = vector.load %arg4[%get3A_16, %get3A_17] : memref<1x256xf32, #tpu.memory_space<vmem>>, vector<1x256xf32>
    %add3A_19 = vector.broadcast %get3A_18 : vector<1x256xf32> to vector<2000x256xf32>
    %add3A_20 = arith.addf %dot_general3A_15, %add3A_19 : vector<2000x256xf32>
    %max3A = arith.constant 0.000000e+00 : f32
    %max3A_21 = vector.broadcast %max3A : f32 to vector<2000x256xf32>
    %max3A_22 = arith.maximumf %add3A_20, %max3A_21 : vector<2000x256xf32>
    %get3A_23 = arith.constant 0 : index
    %get3A_24 = arith.constant 0 : index
    %get3A_25 = vector.load %arg5[%get3A_23, %get3A_24] : memref<256x256xf32, #tpu.memory_space<vmem>>, vector<256x256xf32>
    %dot_general3A_26 = arith.constant dense<0.000000e+00> : vector<2000x256xf32>
    %dot_general3A_27 = tpu.matmul %max3A_22, %get3A_25, %dot_general3A_26 {dimension_numbers = #tpu.dot_dimension_numbers<[1], [0], [0], [1], [0, 0, 1, 1], [], []>, transpose_lhs_hint = false} : vector<2000x256xf32>, vector<256x256xf32>, vector<2000x256xf32> -> vector<2000x256xf32>
    %get3A_28 = arith.constant 0 : index
    %get3A_29 = arith.constant 0 : index
    %get3A_30 = vector.load %arg6[%get3A_28, %get3A_29] : memref<1x256xf32, #tpu.memory_space<vmem>>, vector<1x256xf32>
    %add3A_31 = vector.broadcast %get3A_30 : vector<1x256xf32> to vector<2000x256xf32>
    %add3A_32 = arith.addf %dot_general3A_27, %add3A_31 : vector<2000x256xf32>
    %swap3A = arith.constant 0 : index
    %swap3A_33 = arith.constant 0 : index
    %swap3A_34 = vector.load %arg7[%swap3A, %swap3A_33] : memref<2000x256xf32, #tpu.memory_space<vmem>>, vector<2000x256xf32>
    tpu.vector_store %arg7[%swap3A, %swap3A_33], %add3A_32 {strides = array<i32>} : memref<2000x256xf32, #tpu.memory_space<vmem>>, vector<2000x256xf32>,
    return
  }
  func.func @transform_0(%arg0: i32) -> (i32, i32) {
    %c0_i32 = arith.constant 0 : i32
    %c0_i32_0 = arith.constant 0 : i32
    return %arg0, %c0_i32 : i32, i32
  }
  func.func @transform_1(%arg0: i32) -> (i32, i32, i32) {
    %c0_i32 = arith.constant 0 : i32
    %c0_i32_0 = arith.constant 0 : i32
    %c0_i32_1 = arith.constant 0 : i32
    return %c0_i32, %arg0, %c0_i32_0 : i32, i32, i32
  }
  func.func @transform_2(%arg0: i32) -> (i32, i32) {
    %c0_i32 = arith.constant 0 : i32
    %c0_i32_0 = arith.constant 0 : i32
    %c0_i32_1 = arith.constant 0 : i32
    return %c0_i32, %c0_i32_0 : i32, i32
  }
  func.func @transform_3(%arg0: i32) -> (i32, i32) {
    %c0_i32 = arith.constant 0 : i32
    %c0_i32_0 = arith.constant 0 : i32
    %c0_i32_1 = arith.constant 0 : i32
    return %c0_i32, %c0_i32_0 : i32, i32
  }
  func.func @transform_4(%arg0: i32) -> (i32, i32) {
    %c0_i32 = arith.constant 0 : i32
    %c0_i32_0 = arith.constant 0 : i32
    %c0_i32_1 = arith.constant 0 : i32
    return %c0_i32, %c0_i32_0 : i32, i32
  }
  func.func @transform_5(%arg0: i32) -> (i32, i32) {
    %c0_i32 = arith.constant 0 : i32
    %c0_i32_0 = arith.constant 0 : i32
    %c0_i32_1 = arith.constant 0 : i32
    return %c0_i32, %c0_i32_0 : i32, i32
  }
  func.func @transform_6(%arg0: i32) -> (i32, i32) {
    %c0_i32 = arith.constant 0 : i32
    %c0_i32_0 = arith.constant 0 : i32
    return %arg0, %c0_i32 : i32, i32
  }
}

</mosaic_0001>

<sc_bundles>
// kernel: kernel.4.cloned.1.call-start
scs
__scs_entry_jumppad:
0x0: {  	(pc) =	sbr.rel $0x88, $3  }
0x1: {  	(tag) =	ssettag $0x0;
	lr =	simm.s32 $0x1  }
0x2: {  	[smem:$0x3F9A] =	sst lr;
	_ =	strace $0xD0000000  }
0x3: {  	_ = 	snop  }
0x4: {  	_ = 	snop  }
0x5: {  	_ = 	snop  }
0x6: {  	_ = 	snop  }
0x7: {  	_ = 	snop  }
__scs_overlays_trampoline_lowered:
0x8: {  	[smem:$0x3FA9] =	sst s0  }
0x9: {  	[smem:$0x3FAA] =	sst s1  }
0xa: {  	[smem:$0x3FAB] =	sst s2  }
0xb: {  	[smem:$0x3FAC] =	sst s3  }
0xc: {  	[smem:$0x3FAD] =	sst s4  }
0xd: {  	[smem:$0x3FAE] =	sst s5  }
0xe: {  	[smem:$0x3FAF] =	sst s6  }
0xf: {  	[smem:$0x3FB0] =	sst s7  }
0x10: {  	[smem:$0x3FB1] =	sst s8  }
0x11: {  	[smem:$0x3FB2] =	sst s9;
	s0 =	simm.s32 @!p0 $0x0  }
0x12: {  	s1 =	sld [smem:$0x3F98];
	s0 =	simm.s32 @p0 $0x1  }
0x13: {  	[smem:$0x3FB3] =	sst s0;
	s0 =	simm.s32 @!p1 $0x0  }
0x14: {  	s2 =	sld [smem:$0x3F97];
	s0 =	simm.s32 @p1 $0x1  }
0x15: {  	[smem:$0x3FB4] =	sst s0;
	s0 =	simm.s32 @!p2 $0x0  }
0x16: {  	s3 =	sld [smem:$0x3FDB];
	s0 =	simm.s32 @p2 $0x1  }
0x17: {  	s4 =	simm.s32 $0x1BF5;
	[smem:$0x3FB6] =	sst s0  }
0x18: {  	s0 =	sld [smem:$0x3F99];
	_ =	swait.ge [sflag:s4], $0x0  }
0x19: {  	s7 =	sld [smem:$0x3F9A]  }
0x1a: {  	s8 =	sadd.s32 $0xFFFFE003, lr  }
0x1b: {  	s9 =	sadd.s32 $0xFFFFFEF7, lr;
	s5 =	simm.s32 $0xFFFFFFFF;
	p2 =	slt.u32 s8, $0xFFFFF086  }
0x1c: {  	p1 =	slt.u32 s9, $0xF7A;
	s5 =	simm.s32 @!p2 $0x0  }
0x1d: {  	s5 =	simm.s32 @p1 $0x1;
	p0 =	seq.s32 s7, s2  }
0x1e: {  	s7 =	smul.u32 @!p0 $0xF7A, s2;
	p2 =	seq.s32 @!p0 s5, $0x0  }
0x1f: {  	s9 =	smul.u32 $0xF7A, s1;
	s8 =	simm.s32 @!p0 $0x1BF5;
	p2 =	por !p2, p0  }
0x20: {  	[sflag:s8] =	ssyncset.s32 @!p0 $0xFFFFF086;
	s6 =	sadd.s32 @!p0 s3, s7;
	s7 =	simm.s32 @!p0 $0x108  }
0x21: {  	s3 =	sadd.s32 s3, s9;
	s6 =	sadd.s32 @!p0 $0x88, s6;
	s7 =	simm.s32 @p2 $0x1082  }
0x22: {  	[simem:s7], [sflag:s8] =	dma.local @!p0 [hbm:s6], $0xF7A  }
0x23: {  	s9 =	sor.u32 $0xD0000000, s2;
	s6 =	simm.s32 $0x108;
	_ =	swait.ge @!p0 [sflag:s8], $0x0  }
0x24: {  	s3 =	sadd.s32 $0x88, s3;
	s6 =	simm.s32 @!p1 $0x1082;
	[sflag:s4] =	ssyncset.s32 $0xFFFFF086  }
0x25: {  	[simem:s6], [sflag:s4] =	dma.local [hbm:s3], $0xF7A  }
0x26: {  	[smem:$0x3F9A] =	sst s1;
	(tag) =	ssettag s2;
	_ =	strace s9  }
0x27: {  	s1 =	sld [smem:$0x3FAA]  }
0x28: {  	s2 =	sld [smem:$0x3FAB]  }
0x29: {  	s4 =	sld [smem:$0x3FAD]  }
0x2a: {  	p0 =	seq.s32 s5, $0x0;
	s5 =	sld [smem:$0x3FAE]  }
0x2b: {  	s6 =	sld [smem:$0x3FAF]  }
0x2c: {  	s7 =	sld [smem:$0x3FB0]  }
0x2d: {  	s3 =	simm.s32 $0x108;
	s8 =	sld [smem:$0x3FB1]  }
0x2e: {  	s3 =	simm.s32 @!p0 $0x1082;
	s9 =	sld [smem:$0x3FB2]  }
0x2f: {  	lr =	sadd.s32 s0, s3;
	s0 =	sld [smem:$0x3FA9]  }
0x30: {  	s3 =	sld [smem:$0x3FAC]  }
0x31: {  	[smem:$0x3FB5] =	sst s10  }
0x32: {  	s10 =	sld [smem:$0x3FB3];
	_ =	sdelay $0x3  }
0x33: {  	p0 =	seq.s32 s10, $0x1;
	s10 =	sld [smem:$0x3FB5];
	_ =	sdelay $0x3  }
0x34: {  	[smem:$0x3FB5] =	sst s10  }
0x35: {  	s10 =	sld [smem:$0x3FB4];
	_ =	sdelay $0x3  }
0x36: {  	p1 =	seq.s32 s10, $0x1;
	s10 =	sld [smem:$0x3FB5];
	_ =	sdelay $0x3  }
0x37: {  	[smem:$0x3FB5] =	sst s10  }
0x38: {  	s10 =	sld [smem:$0x3FB6]  }
0x39: {  	_ = 	snop;
	(pc) =	sbr.ind lr, $3  }
0x3a: {  	_ = 	snop  }
0x3b: {  	_ = 	snop  }
0x3c: {  	p2 =	seq.s32 s10, $0x1;
	s10 =	sld [smem:$0x3FB5]  }
0x3d: {  	_ =	shalt  }
0x3e: {  	_ =	shalt  }
0x3f: {  	_ =	shalt  }
0x40: {  	_ =	shalt  }
0x41: {  	_ =	shalt  }
0x42: {  	_ =	shalt  }
0x43: {  	_ =	shalt  }
0x44: {  	_ =	shalt  }
0x45: {  	_ =	shalt  }
0x46: {  	_ =	shalt  }
0x47: {  	_ =	shalt  }
0x48: {  	_ =	shalt  }
0x49: {  	_ =	shalt  }
0x4a: {  	_ =	shalt  }
0x4b: {  	_ =	shalt  }
0x4c: {  	_ =	shalt  }
0x4d: {  	_ =	shalt  }
0x4e: {  	_ =	shalt  }
0x4f: {  	_ =	shalt  }
0x50: {  	_ =	shalt  }
0x51: {  	_ =	shalt  }
0x52: {  	_ =	shalt  }
0x53: {  	_ =	shalt  }
0x54: {  	_ =	shalt  }
0x55: {  	_ =	shalt  }
0x56: {  	_ =	shalt  }
0x57: {  	_ =	shalt  }
0x58: {  	_ =	shalt  }
0x59: {  	_ =	shalt  }
0x5a: {  	_ =	shalt  }
0x5b: {  	_ =	shalt  }
0x5c: {  	_ =	shalt  }
0x5d: {  	_ =	shalt  }
0x5e: {  	_ =	shalt  }
0x5f: {  	_ =	shalt  }
0x60: {  	_ =	shalt  }
0x61: {  	_ =	shalt  }
0x62: {  	_ =	shalt  }
0x63: {  	_ =	shalt  }
0x64: {  	_ =	shalt  }
0x65: {  	_ =	shalt  }
0x66: {  	_ =	shalt  }
0x67: {  	_ =	shalt  }
0x68: {  	_ =	shalt  }
0x69: {  	_ =	shalt  }
0x6a: {  	_ =	shalt  }
0x6b: {  	_ =	shalt  }
0x6c: {  	_ =	shalt  }
0x6d: {  	_ =	shalt  }
0x6e: {  	_ =	shalt  }
0x6f: {  	_ =	shalt  }
0x70: {  	_ =	shalt  }
0x71: {  	_ =	shalt  }
0x72: {  	_ =	shalt  }
0x73: {  	_ =	shalt  }
0x74: {  	_ =	shalt  }
0x75: {  	_ =	shalt  }
0x76: {  	_ =	shalt  }
0x77: {  	_ =	shalt  }
0x78: {  	_ =	shalt  }
0x79: {  	_ =	shalt  }
0x7a: {  	_ =	shalt  }
0x7b: {  	_ =	shalt  }
0x7c: {  	_ =	shalt  }
0x7d: {  	_ =	shalt  }
0x7e: {  	_ =	shalt  }
0x7f: {  	_ =	shalt  }
0x80: {  	_ =	shalt  }
0x81: {  	_ =	shalt  }
0x82: {  	_ =	shalt  }
0x83: {  	_ =	shalt  }
0x84: {  	_ =	shalt  }
0x85: {  	_ =	shalt  }
0x86: {  	_ =	shalt  }
0x87: {  	_ =	shalt  }
.Lfunc_end0:
.L_simem_size_0:
called_computation_lowered:
.L_overlay_start_0:
0x88: {  	s2 =	sld [smem:$0x3FD9]  }
0x89: {  	s3 =	sld [smem:$0x3FFE];
	_ =	sdelay $0x1  }
0x8a: {  	s1 =	srdreg.scid  }
0x8b: {  	s0 =	sand.u32 $0x1, s1  }
0x8c: {  	s17 =	sshll.u32 s0, $0xA;
	s2 =	sadd.s32 s3, s2  }
0x8d: {  	s2 =	sadd.s32 s2, s17  }
0x8e: {  	[smem:$0x3FC1] =	sst s2  }
0x8f: {  	_ = 	snop  }
0x90: {  	s2 =	sld [smem:$0x3FD0];
	(tm) =	ssettm $0x1  }
0x91: {  	s18 =	sld [smem:$0x3FFB];
	_ =	sdelay $0x3  }
0x92: {  	_ =	strace s18  }
0x93: {  	s3 =	sld [smem:$0x3FFC];
	_ =	sdelay $0x3  }
0x94: {  	_ =	strace s3  }
0x95: {  	s3 =	sld [smem:$0x3FFD];
	_ =	sdelay $0x3  }
0x96: {  	_ =	strace s3  }
0x97: {  	_ =	strace $0x8FFFFFFF  }
0x98: {  	s19 =	sld [smem:$0x3FDB];
	_ =	sdelay $0x1  }
0x99: {  	s4 =	simm.s32 $_scs_section_size  }
0x9a: {  	s5 =	simm.s32 $_size__tile_overlayer_lowered;
	s6 =	simm.s32 $_tile_overlayer_lowered  }
0x9b: {  	s22 =	simm.s32 $0x1BFF;
	s21 =	sshll.u32 s6, $0x1;
	s3 =	sadd.s32 s4, s19  }
0x9c: {  	s7 =	simm.s32 $0x0;
	s20 =	sshll.u32 s5, $0x1;
	s5 =	sadd.s32 s21, s3  }
0x9d: {  	[timem:s7], [sflag:s22] =	dma.local [hbm:s5], s20  }
0x9e: {  	_ =	swait.ge [sflag:s22], s20  }
0x9f: {  	s4 =	ssub.s32 $0x0, s20;
	[sflag:s22] =	ssyncset.done $0x0  }
0xa0: {  	[sflag:s22] =	ssyncadd.s32 s4;
	_ =	sdelay $0x1  }
0xa1: {  	s23 =	simm.s32 $0x1B8B  }
0xa2: {  	_ =	swait.ge [sflag:s23], $0x1  }
0xa3: {  	[sflag:s23] =	ssyncset.done $0x0  }
0xa4: {  	s25 =	simm.s32 $0x1B8E;
	s24 =	sld [smem:$0x3FFE];
	[sflag:s23] =	ssyncadd.s32 $0xFFFFFFFF  }
0xa5: {  	s26 =	simm.s32 $execute0_lowered;
	[smem:$0x3FD2] =	sst s25  }
0xa6: {  	s5 =	sshll.u32 s26, $0x1;
	_ =	strace $0x80000046;
	[dreg:$0x1] =	wrdreg $0xFFFFFFFF  }
0xa7: {  	s28 =	simm.s32 $_size_execute0_lowered;
	s3 =	sadd.s32 s3, s5;
	[dreg:$0x0] =	wrdreg $0x0  }
0xa8: {  	s5 =	sshll.u32 s28, $0x1;
	[dreg:$0x2] =	wrdreg s3  }
0xa9: {  	[dreg:$0x3] =	wrdreg s5  }
0xaa: {  	[dreg:$0x4] =	wrdreg $0xC0  }
0xab: {  	_ =	task [dreg:s7], $0x5FFFF  }
0xac: {  	[dreg:$0x1] =	wrdreg $0xFFFFFFFF  }
0xad: {  	[dreg:$0x0] =	wrdreg $0x60  }
0xae: {  	[dreg:$0x2] =	wrdreg s24  }
0xaf: {  	[dreg:$0x3] =	wrdreg s2  }
0xb0: {  	[dreg:$0x4] =	wrdreg $0xA3800  }
0xb1: {  	[dreg:$0x5] =	wrdreg $0x9  }
0xb2: {  	_ =	task.clear_ibuf [dreg:s7], $0x6FFFF;
	_ =	strace $0x90000046  }
0xb3: {  	s29 =	simm.s32 $0x9;
	_ =	strace $0x80000048  }
0xb4: {  	_ =	swait.ge [sflag:s29], $0x1  }
0xb5: {  	[sflag:s29] =	ssyncadd.s32 $0xFFFFFFFF  }
0xb6: {  	_ =	strace $0x90000048  }
0xb7: {  	_ =	sfence  }
0xb8: {  	s30 =	sld [smem:$0x0];
	_ =	sdelay $0x2  }
0xb9: {  	s31 =	sshll.u32 s1, $0xD;
	s1 =	sshrl.u32 s1, $0x2  }
0xba: {  	s3 =	sand.u32 $0x4000, s31;
	s1 =	sadd.s32 s1, s30  }
0xbb: {  	s0 =	sor.u32 s3, s0;
	s1 =	sshll.u32 s1, $0x11  }
0xbc: {  	s0 =	sor.u32 s1, s0  }
0xbd: {  	s0 =	sadd.s32 $0x8F2B, s0  }
0xbe: {  	[sflag:s0] =	ssyncadd.remote.s32 $0x1  }
0xbf: {  	_ =	sfence.sel $0xFFFF  }
0xc0: {  	[dreg:$0x0] =	wrdreg $0xFFFFFFFF;
	(pc) =	sbr.abs _section_cstart, $3  }
0xc1: {  	[dreg:$0x1] =	wrdreg $0xFFFFFFFF  }
0xc2: {  	_ =	task.clear_ibuf [dreg:s7], $0x2FFFF;
	_ =	strace $0x9FFFFFFF  }
0xc3: {  	(tm) =	ssettm $0x7FFFFFFF  }
tec
execute0_lowered:
.L_overlay_start_1:
0x0: {  	(tag) =	ssettag $0x1  }
0x1: {  	s0 =	rddreg [dreg:$0x0]  }
0x2: {  	s2 =	rddreg [dreg:$0x1]  }
0x3: {  	s13 =	stileid.u32;
	s1 =	srdreg.scid  }
0x4: {  	s3 =	rddreg [dreg:$0x2];
	s4 =	smul.u32 $0x2710, s13  }
0x5: {  	s6 =	simm.s32 $0x0;
	s29 =	simm.s32 $0x50;
	s8 =	smul.u32 $0x14000, s13  }
0x6: {  	s31 =	simm.s32 $0x2B80;
	s30 =	simm.s32 $0x2A80;
	s11 =	smul.u32 $0x50000, s13  }
0x7: {  	s5 =	sand.u32 $0x1, s1;
	[smem:$0x7FF] =	sst s6;
	s18 =	smul.u32 $0x4E20, s13  }
0x8: {  	s7 =	sadd.s32 $0x800, s0;
	s1 =	smul.u32 $0x140000, s5;
	s12 =	ssub.s32 $0x2, s5  }
0x9: {  	_ =	strace $0x80000047;
	s9 =	sshrl.u32 s4, $0x3;
	s17 =	sshrl.u32 s12, $0x1  }
0xa: {  	s11 =	sshrl.u32 s11, $0x2;
	s22 =	sadd.s32 $0x50, s4;
	s24 =	sadd.s32 $0xA0, s4  }
0xb: {  	s26 =	sadd.s32 $0x2670, s4;
	s10 =	sadd.s32 s9, s0;
	s1 =	sadd.s32 s8, s1  }
0xc: {  	s8 =	sadd.s32 $0xA800, s0;
	s12 =	ssub.s32 s12, s17;
	s15 =	sadd.s32 s11, s3  }
0xd: {  	s9 =	sadd.s32 s7, s9;
	s23 =	sshll.u32 s22, $0x1;
	s25 =	sshll.u32 s24, $0x1  }
0xe: {  	s16 =	sshll.u32 s26, $0x1;
	s17 =	sshrl.u32 s26, $0x3;
	[dreg:$0x9] =	wrdreg s9  }
0xf: {  	s1 =	sshrl.u32 s1, $0x3;
	s10 =	sadd.s32 $0x5800, s10;
	[dreg:$0x4] =	wrdreg s15  }
0x10: {  	s19 =	sadd.s32 $0x2800, s15;
	s20 =	sadd.s32 $0x5000, s15;
	[dreg:$0x5] =	wrdreg s10  }
0x11: {  	s21 =	sadd.s32 $0x7800, s15;
	s11 =	sor.u32 s5, s23;
	[dreg:$0x6] =	wrdreg s19  }
0x12: {  	s14 =	sor.u32 s5, s25;
	s9 =	sor.u32 s5, s16;
	[dreg:$0x7] =	wrdreg s20  }
0x13: {  	s23 =	sadd.s32 $0xF000, s15;
	s1 =	sadd.s32 s1, s0;
	[dreg:$0x8] =	wrdreg s21  }
0x14: {  	s10 =	sor.u32 s5, s18;
	s0 =	sshrl.u32 s22, $0x3;
	s18 =	sadd.s32 $0x26C0, s4  }
0x15: {  	s20 =	smax.u32 s12, $0x1;
	s21 =	sadd.s32 $0xA000, s15;
	s22 =	sadd.s32 $0xC800, s15  }
0x16: {  	[dreg:$0x12] =	wrdreg s23;
	s16 =	sadd.s32 $0x20, s11;
	s23 =	sadd.s32 $0x80, s14  }
0x17: {  	s25 =	sadd.s32 $0x40, s9;
	s26 =	sadd.s32 $0x60, s9;
	[dreg:$0xf] =	wrdreg s20  }
0x18: {  	s0 =	sadd.s32 s7, s0;
	s19 =	sshll.u32 s18, $0x1;
	[dreg:$0x10] =	wrdreg s21  }
0x19: {  	v0 =	vlaneseq.u32;
	s13 =	sshrl.u32 s18, $0x3;
	s1 =	sadd.s32 $0x4EC800, s1;
	[dreg:$0x11] =	wrdreg s22  }
0x1a: {  	v0 =	vmul.u32 $0x2, v0;
	s12 =	sadd.s32 $0x40, s10;
	s18 =	sadd.s32 $0x60, s11;
	s20 =	sadd.s32 $0x20, s14  }
0x1b: {  	s21 =	sadd.s32 $0x40, s14;
	s22 =	sadd.s32 $0x60, s14;
	[dreg:$0x1a] =	wrdreg s26  }
0x1c: {  	s26 =	sadd.s32 $0x80, s9;
	v7 =	vor.u32 s16, v0;
	s16 =	simm.s32 $0x1;
	[dreg:$0xa] =	wrdreg s0  }
0x1d: {  	v15 =	vor.u32 s23, v0;
	s23 =	simm.s32 $0x3;
	s0 =	sshrl.u32 s24, $0x3;
	[dreg:$0xe] =	wrdreg s1  }
0x1e: {  	v18 =	vor.u32 s25, v0;
	s13 =	sadd.s32 s7, s13;
	s24 =	sadd.s32 $0x11800, s15;
	s25 =	rddreg [dreg:$0x1a]  }
0x1f: {  	s1 =	sadd.s32 $0x20, s10;
	s15 =	sadd.s32 $0x80, s10;
	[dreg:$0xd] =	wrdreg s13  }
0x20: {  	v3 =	vor.u32 s12, v0;
	s12 =	simm.s32 $0x4;
	s0 =	sadd.s32 s7, s0;
	[dreg:$0x13] =	wrdreg s24  }
0x21: {  	v9 =	vor.u32 s18, v0;
	s18 =	simm.s32 $0xA;
	[dreg:$0xb] =	wrdreg s0;
	s0 =	sadd.s32 s7, s17  }
0x22: {  	s24 =	sadd.s32 $0x190, s4;
	[dreg:$0xc] =	wrdreg s0;
	s0 =	sor.u32 s5, s19  }
0x23: {  	v12 =	vor.u32 s20, v0;
	s20 =	simm.s32 $0x2;
	[dreg:$0x14] =	wrdreg s24;
	s28 =	sadd.s32 $0x20, s0  }
0x24: {  	v13 =	vor.u32 s21, v0;
	s21 =	simm.s32 $0x8;
	[dreg:$0x17] =	wrdreg s28;
	s28 =	sadd.s32 $0x40, s0  }
0x25: {  	v14 =	vor.u32 s22, v0;
	s22 =	simm.s32 $0xB;
	s13 =	sadd.s32 $0x60, s10;
	[dreg:$0x18] =	wrdreg s28  }
0x26: {  	v2 =	vor.u32 s1, v0;
	s1 =	simm.s32 $0x2980;
	v4 =	vor.u32 s13, v0;
	s28 =	sadd.s32 $0x60, s0;
	s13 =	rddreg [dreg:$0x17]  }
0x27: {  	v1 =	vor.u32 s10, v0;
	v5 =	vor.u32 s15, v0;
	s10 =	simm.s32 $0x5380;
	s15 =	simm.s32 $0x5;
	[dreg:$0x19] =	wrdreg s28  }
0x28: {  	v27 =	vimm.f32 $0.0e+00;
	v26 =	vmov s5;
	v11 =	vor.u32 s14, v0;
	s17 =	sadd.s32 $0x40, s11;
	s28 =	sadd.s32 $0x80, s0;
	s14 =	rddreg [dreg:$0x18]  }
0x29: {  	v6 =	vor.u32 s11, v0;
	v16 =	vor.u32 s9, v0;
	v20 =	vor.u32 s26, v0;
	s24 =	sadd.s32 $0x20, s9;
	s9 =	simm.s32 $0xC;
	[dreg:$0x16] =	wrdreg s28  }
0x2a: {  	v19 =	vor.u32 s25, v0;
	s19 =	sadd.s32 $0x80, s11;
	v8 =	vor.u32 s17, v0;
	s11 =	simm.s32 $0x2A00;
	v17 =	vor.u32 s24, v0;
	s25 =	rddreg [dreg:$0x19]  }
0x2b: {  	s17 =	simm.s32 $0x7;
	s24 =	simm.s32 $0x9;
	v10 =	vor.u32 s19, v0;
	v21 =	vor.u32 s0, v0;
	v22 =	vor.u32 s13, v0;
	s26 =	rddreg [dreg:$0x16]  }
0x2c: {  	s19 =	simm.s32 $0x6;
	s13 =	simm.s32 $0x0;
	s28 =	simm.s32 $0x7B80;
	v23 =	vor.u32 s14, v0;
	v24 =	vor.u32 s25, v0;
	v25 =	vor.u32 s26, v0  }
.LBB2_1:
0x2d: {  	s0 =	rddreg [dreg:$0x5]  }
0x2e: {  	[tilespmem:s6], [sflag:$0xD] =	stream.linear.gather [hbm4b:s0+s6], $0x2710, $0x38;
	[tilespmem:$0x1E380] =	vst v63  }
0x2f: {  	[dreg:$0x15] =	wrdreg s13;
	s0 =	simm.s32 $0x7C00  }
0x30: {  	[tilespmem:s0+$0xFFFFFF80] =	vst v27  }
0x31: {  	[tilespmem:s0+$0x70] =	vst v27  }
0x32: {  	[tilespmem:s0+$0x60] =	vst v27  }
0x33: {  	[tilespmem:s0+$0x50] =	vst v27  }
0x34: {  	[tilespmem:s0+$0x40] =	vst v27  }
0x35: {  	[tilespmem:s0+$0x30] =	vst v27  }
0x36: {  	[tilespmem:s0+$0x20] =	vst v27  }
0x37: {  	[tilespmem:s0+$0x10] =	vst v27  }
0x38: {  	[tilespmem:s0+$0x0] =	vst v27  }
0x39: {  	[tilespmem:s0+$0xFFFFFFF0] =	vst v27  }
0x3a: {  	[tilespmem:s0+$0xFFFFFFE0] =	vst v27  }
0x3b: {  	[tilespmem:s0+$0xFFFFFFD0] =	vst v27  }
0x3c: {  	[tilespmem:s0+$0xFFFFFFC0] =	vst v27  }
0x3d: {  	[tilespmem:s0+$0xFFFFFFB0] =	vst v27  }
0x3e: {  	s13 =	simm.s32 $0x0;
	[tilespmem:s0+$0xFFFFFFA0] =	vst v27  }
.LBB2_2:
0x3f: {  	s13 =	sadd.s32 $0x2, s13;
	[tilespmem:s0+$0xFFFFFF90] =	vst v27;
	s0 =	sadd.s32 $0x100, s0  }
0x40: {  	[tilespmem:s0+$0xFFFFFF80] =	vst v27;
	p0 =	slt.u32 s13, $0x4E  }
0x41: {  	[tilespmem:s0+$0x70] =	vst v27  }
0x42: {  	[tilespmem:s0+$0x60] =	vst v27  }
0x43: {  	[tilespmem:s0+$0x50] =	vst v27  }
0x44: {  	[tilespmem:s0+$0x40] =	vst v27  }
0x45: {  	[tilespmem:s0+$0x30] =	vst v27  }
0x46: {  	[tilespmem:s0+$0x20] =	vst v27  }
0x47: {  	[tilespmem:s0+$0x10] =	vst v27  }
0x48: {  	[tilespmem:s0+$0x0] =	vst v27  }
0x49: {  	[tilespmem:s0+$0xFFFFFFF0] =	vst v27  }
.Ltmp0:
0x4a: {  	[tilespmem:s0+$0xFFFFFFE0] =	vst v27;
	(pc) =	sbr.rel @p0 .LBB2_2-.Ltmp0, $4  }
0x4b: {  	[tilespmem:s0+$0xFFFFFFD0] =	vst v27  }
0x4c: {  	[tilespmem:s0+$0xFFFFFFC0] =	vst v27  }
0x4d: {  	[tilespmem:s0+$0xFFFFFFB0] =	vst v27  }
0x4e: {  	[tilespmem:s0+$0xFFFFFFA0] =	vst v27  }
0x4f: {  	[tilespmem:s0+$0xFFFFFF90] =	vst v27;
	s26 =	simm.s32 $0xD  }
0x50: {  	_ =	swait.ge [sflag:s26], $0x2710  }
0x51: {  	[sflag:s26] =	ssyncset.done $0x0  }
0x52: {  	s13 =	simm.s32 $0x20;
	[sflag:s26] =	ssyncadd.s32 $0xFFFFD8F0  }
0x53: {  	v28 =	vld [tilespmem:s13+$0xFFFFFFE0]  }
0x54: {  	v30 =	vld [tilespmem:s13+$0x10]  }
0x55: {  	v31 =	vld [tilespmem:s13+$0x0]  }
0x56: {  	v32 =	vld [tilespmem:s13+$0xFFFFFFF0];
	_ =	sdelay $0x1  }
0x57: {  	s0 =	simm.s32 $0x60;
	v28 =	vshll.u32 v28, $0x1  }
0x58: {  	v29 =	vld [tilespmem:s0+$0xFFFFFFE0];
	v30 =	vshll.u32 v30, $0x1;
	v33 =	vor.u32 v26, v28  }
0x59: {  	v31 =	vshll.u32 v31, $0x1;
	v28 =	vld [tilespmem:s0+$0x10];
	v63 =	vor.u32 v26, v30;
	[tilespmem:s13+$0xFFFFFFE0] =	vst v33  }
0x5a: {  	v32 =	vshll.u32 v32, $0x1;
	v30 =	vld [tilespmem:s0+$0x0];
	v34 =	vor.u32 v26, v31;
	[tilespmem:s13+$0x10] =	vst v63  }
0x5b: {  	s14 =	simm.s32 $0x4;
	v31 =	vld [tilespmem:s0+$0xFFFFFFF0];
	v32 =	vor.u32 v26, v32;
	[tilespmem:s13+$0x0] =	vst v34  }
.LBB2_4:
0x5c: {  	s14 =	sadd.s32 $0x4, s14  }
0x5d: {  	[tilespmem:s13+$0xFFFFFFF0] =	vst v32;
	s13 =	smov.u32 s0;
	p0 =	slt.u32 s14, $0x26C  }
.Ltmp1:
0x5e: {  	s0 =	sadd.s32 $0x40, s0;
	v32 =	vshll.u32 v29, $0x1;
	(pc) =	sbr.rel @p0 .LBB2_4-.Ltmp1, $4  }
0x5f: {  	v29 =	vld [tilespmem:s0+$0xFFFFFFE0];
	v32 =	vor.u32 v26, v32;
	v33 =	vshll.u32 v28, $0x1  }
0x60: {  	v28 =	vld [tilespmem:s0+$0x10];
	[tilespmem:s13+$0xFFFFFFE0] =	vst v32;
	v32 =	vshll.u32 v30, $0x1;
	v33 =	vor.u32 v26, v33  }
0x61: {  	v30 =	vld [tilespmem:s0+$0x0];
	v34 =	vshll.u32 v31, $0x1;
	v35 =	vor.u32 v26, v32;
	[tilespmem:s13+$0x10] =	vst v33  }
0x62: {  	v31 =	vld [tilespmem:s0+$0xFFFFFFF0];
	v32 =	vor.u32 v26, v34;
	[tilespmem:s13+$0x0] =	vst v35  }
0x63: {  	_ = 	snop  }
0x64: {  	v29 =	vshll.u32 v29, $0x1  }
0x65: {  	[tilespmem:s13+$0xFFFFFFF0] =	vst v32;
	v29 =	vor.u32 v26, v29;
	v28 =	vshll.u32 v28, $0x1  }
0x66: {  	[tilespmem:s0+$0xFFFFFFE0] =	vst v29;
	v29 =	vshll.u32 v30, $0x1;
	v28 =	vor.u32 v26, v28  }
0x67: {  	v30 =	vshll.u32 v31, $0x1;
	v29 =	vor.u32 v26, v29;
	[tilespmem:s0+$0x10] =	vst v28  }
0x68: {  	v28 =	vor.u32 v26, v30;
	[tilespmem:s0+$0x0] =	vst v29  }
0x69: {  	[tilespmem:s0+$0xFFFFFFF0] =	vst v28  }
0x6a: {  	v28 =	vld [tilespmem:$0x2700];
	_ =	sdelay $0x4  }
0x6b: {  	v28 =	vshll.u32 v28, $0x1  }
0x6c: {  	v28 =	vor.u32 v26, v28  }
0x6d: {  	s0 =	rddreg [dreg:$0x4];
	[tilespmem:$0x2700] =	vst v28  }
0x6e: {  	[spmem:s0] =	stream.linear.scatter [tilespmem:s28], [sflag:$0xD], $0x2800, $0x38;
	[tilespmem:$0x1E380] =	vst v63  }
0x6f: {  	s25 =	rddreg [dreg:$0x6]  }
0x70: {  	[spmem:s25] =	stream.linear.scatter [tilespmem:s28], [sflag:$0xD], $0x2800, $0x38;
	[tilespmem:$0x1E380] =	vst v63  }
0x71: {  	s26 =	rddreg [dreg:$0x7]  }
0x72: {  	[spmem:s26] =	stream.linear.scatter [tilespmem:s28], [sflag:$0xD], $0x2800, $0x38;
	[tilespmem:$0x1E380] =	vst v63  }
0x73: {  	s13 =	rddreg [dreg:$0x8]  }
0x74: {  	[spmem:s13] =	stream.linear.scatter [tilespmem:s28], [sflag:$0xD], $0x2800, $0x38;
	[tilespmem:$0x1E380] =	vst v63  }
0x75: {  	s14 =	rddreg [dreg:$0x10]  }
0x76: {  	[spmem:s14] =	stream.linear.scatter [tilespmem:s28], [sflag:$0xD], $0x2800, $0x38;
	[tilespmem:$0x1E380] =	vst v63  }
0x77: {  	s25 =	rddreg [dreg:$0x11]  }
0x78: {  	[spmem:s25] =	stream.linear.scatter [tilespmem:s28], [sflag:$0xD], $0x2800, $0x38;
	[tilespmem:$0x1E380] =	vst v63  }
0x79: {  	s26 =	rddreg [dreg:$0x12]  }
0x7a: {  	[spmem:s26] =	stream.linear.scatter [tilespmem:s28], [sflag:$0xD], $0x2800, $0x38;
	[tilespmem:$0x1E380] =	vst v63  }
0x7b: {  	s13 =	rddreg [dreg:$0x13]  }
0x7c: {  	[spmem:s13] =	stream.linear.scatter [tilespmem:s28], [sflag:$0xD], $0x2800, $0x38;
	[tilespmem:$0x1E380] =	vst v63  }
0x7d: {  	[tilespmem:$0x2780] =	vst v1  }
0x7e: {  	[tilespmem:$0x2790] =	vst v2  }
0x7f: {  	[tilespmem:$0x27A0] =	vst v3  }
0x80: {  	[tilespmem:$0x27B0] =	vst v4  }
0x81: {  	s14 =	simm.s32 $0x2780;
	[tilespmem:$0x27C0] =	vst v5  }
0x82: {  	[tilespmem:s31], [sflag:$0x4] =	stream.indirect.gather [hbm4b:s8+s29], $0x80, s14, s29, $0xb8;
	[tilespmem:$0x1E380] =	vst v63  }
0x83: {  	s25 =	rddreg [dreg:$0x9]  }
0x84: {  	[tilespmem:s1], [sflag:$0x7] =	stream.linear.gather [hbm4b:s25+s6], $0x50, $0x38;
	[tilespmem:$0x1E380] =	vst v63  }
0x85: {  	[tilespmem:$0x2800] =	vst v6  }
0x86: {  	[tilespmem:$0x2810] =	vst v7  }
0x87: {  	[tilespmem:$0x2820] =	vst v8  }
0x88: {  	[tilespmem:$0x2830] =	vst v9  }
0x89: {  	s26 =	simm.s32 $0x2800;
	[tilespmem:$0x2840] =	vst v10  }
0x8a: {  	[tilespmem:s10], [sflag:$0x5] =	stream.indirect.gather [hbm4b:s8+s29], $0x80, s26, s29, $0xb8;
	[tilespmem:$0x1E380] =	vst v63  }
0x8b: {  	s13 =	rddreg [dreg:$0xa]  }
0x8c: {  	[tilespmem:s11], [sflag:$0x8] =	stream.linear.gather [hbm4b:s13+s6], $0x50, $0x38;
	[tilespmem:$0x1E380] =	vst v63  }
0x8d: {  	_ =	swait.ge [sflag:s12], $0x2800  }
0x8e: {  	[sflag:s12] =	ssyncset.done $0x0  }
0x8f: {  	s14 =	simm.s32 $0xD;
	[sflag:s12] =	ssyncadd.s32 $0xFFFFD800  }
0x90: {  	[tilespmem:s31], [sflag:$0x1] =	stream.indirect.gather.add.f32 [hbm:s2], $0x80, s6, s29, $0xb8;
	[tilespmem:$0x1E380] =	vst v63  }
0x91: {  	_ =	swait.ge [sflag:s14], $0x2800  }
0x92: {  	[sflag:s14] =	ssyncset.done $0x0  }
0x93: {  	[sflag:s14] =	ssyncadd.s32 $0xFFFFD800  }
0x94: {  	_ =	swait.ge [sflag:s14], $0x2800  }
0x95: {  	[sflag:s14] =	ssyncset.done $0x0  }
0x96: {  	[sflag:s14] =	ssyncadd.s32 $0xFFFFD800  }
0x97: {  	_ =	swait.ge [sflag:s14], $0x2800  }
0x98: {  	[sflag:s14] =	ssyncset.done $0x0  }
0x99: {  	[sflag:s14] =	ssyncadd.s32 $0xFFFFD800  }
0x9a: {  	_ =	swait.ge [sflag:s14], $0x2800  }
0x9b: {  	[sflag:s14] =	ssyncset.done $0x0  }
0x9c: {  	[sflag:s14] =	ssyncadd.s32 $0xFFFFD800  }
0x9d: {  	_ =	swait.ge [sflag:s14], $0x2800  }
0x9e: {  	[sflag:s14] =	ssyncset.done $0x0  }
0x9f: {  	[sflag:s14] =	ssyncadd.s32 $0xFFFFD800  }
0xa0: {  	_ =	swait.ge [sflag:s14], $0x2800  }
0xa1: {  	[sflag:s14] =	ssyncset.done $0x0  }
0xa2: {  	[sflag:s14] =	ssyncadd.s32 $0xFFFFD800  }
0xa3: {  	_ =	swait.ge [sflag:s14], $0x2800  }
0xa4: {  	[sflag:s14] =	ssyncset.done $0x0  }
0xa5: {  	[sflag:s14] =	ssyncadd.s32 $0xFFFFD800  }
0xa6: {  	_ =	swait.ge [sflag:s14], $0x2800  }
0xa7: {  	[sflag:s14] =	ssyncset.done $0x0  }
0xa8: {  	[sflag:s14] =	ssyncadd.s32 $0xFFFFD800  }
0xa9: {  	[bflag:$0x0] =	sbarrier.arrive $0xFFFF  }
0xaa: {  	[tilespmem:$0x2880] =	vst v11  }
0xab: {  	[tilespmem:$0x2890] =	vst v12  }
0xac: {  	[tilespmem:$0x28A0] =	vst v13  }
0xad: {  	[tilespmem:$0x28B0] =	vst v14  }
0xae: {  	s25 =	simm.s32 $0x2880;
	[tilespmem:$0x28C0] =	vst v15  }
0xaf: {  	[tilespmem:s28], [sflag:$0x6] =	stream.indirect.gather [hbm4b:s8+s29], $0x80, s25, s29, $0xb8;
	[tilespmem:$0x1E380] =	vst v63  }
0xb0: {  	s26 =	rddreg [dreg:$0xb]  }
0xb1: {  	[tilespmem:s30], [sflag:$0x9] =	stream.linear.gather [hbm4b:s26+s6], $0x50, $0x38;
	[tilespmem:$0x1E380] =	vst v63  }
0xb2: {  	_ =	swait.ge [sflag:s15], $0x2800  }
0xb3: {  	[sflag:s15] =	ssyncset.done $0x0  }
0xb4: {  	[sflag:s15] =	ssyncadd.s32 $0xFFFFD800  }
0xb5: {  	[tilespmem:s10], [sflag:$0x2] =	stream.indirect.gather.add.f32 [hbm:s2], $0x80, s29, s29, $0xb8;
	[tilespmem:$0x1E380] =	vst v63  }
0xb6: {  	_ =	swait.ge [sflag:s16], $0x2800  }
0xb7: {  	[sflag:s16] =	ssyncset.done $0x0  }
0xb8: {  	s0 =	simm.s32 $0x2C80;
	[sflag:s16] =	ssyncadd.s32 $0xFFFFD800  }
0xb9: {  	v28 =	vld [tilespmem:s0+$0xFFFFFF10]  }
0xba: {  	v29 =	vld [tilespmem:s0+$0xFFFFFF20]  }
0xbb: {  	v34 =	vld [tilespmem:s0+$0xF0]  }
0xbc: {  	v30 =	vld [tilespmem:s0+$0xFFFFFF30]  }
0xbd: {  	v59 =	vld [tilespmem:s0+$0x50]  }
0xbe: {  	v35 =	vld [tilespmem:s0+$0xFFFFFF80]  }
0xbf: {  	v31 =	vld [tilespmem:s0+$0xFFFFFF40];
	v28 =	vmax.f32 v28, $0.0e+00  }
0xc0: {  	v36 =	vld [tilespmem:s0+$0xFFFFFF90];
	v34 =	vmax.f32 v34, $0.0e+00;
	[tilespmem:s0+$0xFFFFFF10] =	vst v28  }
0xc1: {  	v52 =	vld [tilespmem:s0+$0xFFFFFF50];
	v29 =	vmax.f32 v29, $0.0e+00;
	[tilespmem:s0+$0xF0] =	vst v34  }
0xc2: {  	v33 =	vld [tilespmem:s0+$0xFFFFFF60];
	v32 =	vmax.f32 v59, $0.0e+00;
	[tilespmem:s0+$0xFFFFFF20] =	vst v29  }
0xc3: {  	v37 =	vld [tilespmem:s0+$0xFFFFFFA0];
	v29 =	vmax.f32 v35, $0.0e+00;
	[tilespmem:s0+$0x50] =	vst v32  }
0xc4: {  	v28 =	vld [tilespmem:s0+$0xFFFFFF70];
	[tilespmem:s0+$0xFFFFFF80] =	vst v29;
	v29 =	vmax.f32 v30, $0.0e+00  }
0xc5: {  	v38 =	vld [tilespmem:s0+$0xFFFFFFB0];
	[tilespmem:s0+$0xFFFFFF30] =	vst v29;
	v29 =	vmax.f32 v36, $0.0e+00  }
0xc6: {  	v53 =	vld [tilespmem:s0+$0xFFFFFFC0];
	[tilespmem:s0+$0xFFFFFF90] =	vst v29;
	v29 =	vmax.f32 v31, $0.0e+00  }
0xc7: {  	v54 =	vld [tilespmem:s0+$0xFFFFFFD0];
	[tilespmem:s0+$0xFFFFFF40] =	vst v29;
	v29 =	vmax.f32 v52, $0.0e+00  }
0xc8: {  	v55 =	vld [tilespmem:s0+$0x0];
	[tilespmem:s0+$0xFFFFFF50] =	vst v29;
	v29 =	vmax.f32 v33, $0.0e+00  }
0xc9: {  	v56 =	vld [tilespmem:s0+$0x20];
	v28 =	vmax.f32 v28, $0.0e+00;
	[tilespmem:s0+$0xFFFFFF60] =	vst v29  }
0xca: {  	v29 =	vld [tilespmem:s0+$0x10];
	[tilespmem:s0+$0xFFFFFF70] =	vst v28;
	v28 =	vmax.f32 v37, $0.0e+00  }
0xcb: {  	v30 =	vld [tilespmem:s0+$0xFFFFFFE0];
	[tilespmem:s0+$0xFFFFFFA0] =	vst v28;
	v28 =	vmax.f32 v38, $0.0e+00  }
0xcc: {  	v31 =	vld [tilespmem:s0+$0xFFFFFFF0];
	[tilespmem:s0+$0xFFFFFFB0] =	vst v28;
	v28 =	vmax.f32 v53, $0.0e+00  }
0xcd: {  	v57 =	vld [tilespmem:s0+$0x30];
	[tilespmem:s0+$0xFFFFFFC0] =	vst v28;
	v28 =	vmax.f32 v55, $0.0e+00  }
0xce: {  	v58 =	vld [tilespmem:s0+$0x40];
	[tilespmem:s0+$0x0] =	vst v28;
	v28 =	vmax.f32 v54, $0.0e+00  }
0xcf: {  	v60 =	vld [tilespmem:s0+$0x90];
	[tilespmem:s0+$0xFFFFFFD0] =	vst v28;
	v28 =	vmax.f32 v29, $0.0e+00  }
0xd0: {  	v29 =	vld [tilespmem:s0+$0x60];
	[tilespmem:s0+$0x10] =	vst v28;
	v28 =	vmax.f32 v30, $0.0e+00  }
0xd1: {  	v30 =	vld [tilespmem:s0+$0x80];
	[tilespmem:s0+$0xFFFFFFE0] =	vst v28;
	v28 =	vmax.f32 v31, $0.0e+00  }
0xd2: {  	v31 =	vld [tilespmem:s0+$0x70];
	[tilespmem:s0+$0xFFFFFFF0] =	vst v28;
	v28 =	vmax.f32 v56, $0.0e+00  }
0xd3: {  	[tilespmem:s0+$0x20] =	vst v28;
	v28 =	vmax.f32 v57, $0.0e+00  }
0xd4: {  	v61 =	vld [tilespmem:s0+$0xA0];
	[tilespmem:s0+$0x30] =	vst v28;
	v28 =	vmax.f32 v58, $0.0e+00  }
0xd5: {  	v33 =	vmax.f32 v60, $0.0e+00;
	[tilespmem:s0+$0x40] =	vst v28;
	v28 =	vld [tilespmem:s0+$0xB0]  }
0xd6: {  	[tilespmem:s0+$0x90] =	vst v33;
	v62 =	vmax.f32 v29, $0.0e+00;
	v29 =	vld [tilespmem:s0+$0xC0]  }
0xd7: {  	[tilespmem:s0+$0x60] =	vst v62;
	v63 =	vmax.f32 v30, $0.0e+00;
	v30 =	vld [tilespmem:s0+$0xD0];
	v31 =	vmax.f32 v31, $0.0e+00  }
0xd8: {  	[tilespmem:s0+$0x70] =	vst v31;
	v31 =	vld [tilespmem:s0+$0xE0]  }
0xd9: {  	s13 =	simm.s32 $0x0;
	s25 =	simm.s32 $0x2E80;
	v32 =	vld [tilespmem:s0+$0xFFFFFF00];
	v33 =	vmax.f32 v61, $0.0e+00;
	[tilespmem:s0+$0x80] =	vst v63  }
.LBB2_6:
0xda: {  	v34 =	vld [tilespmem:s25+$0xF0];
	s13 =	sadd.s32 $0x4, s13;
	[tilespmem:s0+$0xA0] =	vst v33;
	v28 =	vmax.f32 v28, $0.0e+00  }
0xdb: {  	v33 =	vld [tilespmem:s25+$0xFFFFFF10];
	p0 =	slt.u32 s13, $0x4C;
	[tilespmem:s0+$0xB0] =	vst v28;
	v28 =	vmax.f32 v29, $0.0e+00  }
0xdc: {  	v29 =	vld [tilespmem:s25+$0xFFFFFF20];
	[tilespmem:s0+$0xC0] =	vst v28;
	v28 =	vmax.f32 v30, $0.0e+00  }
0xdd: {  	v30 =	vld [tilespmem:s25+$0xFFFFFF30];
	[tilespmem:s0+$0xD0] =	vst v28;
	v28 =	vmax.f32 v31, $0.0e+00  }
0xde: {  	v31 =	vld [tilespmem:s25+$0xFFFFFF40];
	v32 =	vmax.f32 v32, $0.0e+00;
	[tilespmem:s0+$0xE0] =	vst v28  }
0xdf: {  	v28 =	vld [tilespmem:s25+$0xFFFFFF50];
	v34 =	vmax.f32 v34, $0.0e+00;
	[tilespmem:s0+$0xFFFFFF00] =	vst v32;
	s0 =	smov.u32 s25  }
0xe0: {  	v32 =	vmax.f32 v33, $0.0e+00;
	v33 =	vld [tilespmem:s25+$0xFFFFFF60];
	[tilespmem:s25+$0xF0] =	vst v34  }
0xe1: {  	[tilespmem:s25+$0xFFFFFF10] =	vst v32;
	v29 =	vmax.f32 v29, $0.0e+00;
	v32 =	vld [tilespmem:s25+$0xFFFFFF70]  }
0xe2: {  	[tilespmem:s25+$0xFFFFFF20] =	vst v29;
	v29 =	vmax.f32 v30, $0.0e+00;
	v30 =	vld [tilespmem:s25+$0xFFFFFF80]  }
0xe3: {  	[tilespmem:s25+$0xFFFFFF30] =	vst v29;
	v29 =	vmax.f32 v31, $0.0e+00;
	v31 =	vld [tilespmem:s25+$0xFFFFFF90]  }
0xe4: {  	[tilespmem:s25+$0xFFFFFF40] =	vst v29;
	v28 =	vmax.f32 v28, $0.0e+00;
	v29 =	vld [tilespmem:s25+$0xFFFFFFA0]  }
0xe5: {  	[tilespmem:s25+$0xFFFFFF50] =	vst v28;
	v28 =	vmax.f32 v33, $0.0e+00;
	v33 =	vld [tilespmem:s25+$0xFFFFFFB0]  }
0xe6: {  	[tilespmem:s25+$0xFFFFFF60] =	vst v28;
	v28 =	vmax.f32 v32, $0.0e+00;
	v32 =	vld [tilespmem:s25+$0xFFFFFFC0]  }
0xe7: {  	[tilespmem:s25+$0xFFFFFF70] =	vst v28;
	v28 =	vmax.f32 v30, $0.0e+00;
	v30 =	vld [tilespmem:s25+$0xFFFFFFD0]  }
0xe8: {  	[tilespmem:s25+$0xFFFFFF80] =	vst v28;
	v28 =	vmax.f32 v31, $0.0e+00;
	v31 =	vld [tilespmem:s25+$0xFFFFFFE0]  }
0xe9: {  	[tilespmem:s25+$0xFFFFFF90] =	vst v28;
	v28 =	vmax.f32 v29, $0.0e+00;
	v29 =	vld [tilespmem:s25+$0xFFFFFFF0]  }
0xea: {  	[tilespmem:s25+$0xFFFFFFA0] =	vst v28;
	v28 =	vmax.f32 v33, $0.0e+00;
	v33 =	vld [tilespmem:s25+$0x0]  }
0xeb: {  	[tilespmem:s25+$0xFFFFFFB0] =	vst v28;
	v28 =	vmax.f32 v32, $0.0e+00;
	v32 =	vld [tilespmem:s25+$0x10]  }
0xec: {  	[tilespmem:s25+$0xFFFFFFC0] =	vst v28;
	v28 =	vmax.f32 v30, $0.0e+00;
	v30 =	vld [tilespmem:s25+$0x20]  }
0xed: {  	[tilespmem:s25+$0xFFFFFFD0] =	vst v28;
	v28 =	vmax.f32 v31, $0.0e+00;
	v31 =	vld [tilespmem:s25+$0x30]  }
0xee: {  	[tilespmem:s25+$0xFFFFFFE0] =	vst v28;
	v28 =	vmax.f32 v29, $0.0e+00;
	v29 =	vld [tilespmem:s25+$0x40]  }
0xef: {  	[tilespmem:s25+$0xFFFFFFF0] =	vst v28;
	v28 =	vmax.f32 v33, $0.0e+00;
	v33 =	vld [tilespmem:s25+$0x50]  }
0xf0: {  	[tilespmem:s25+$0x0] =	vst v28;
	v28 =	vmax.f32 v32, $0.0e+00;
	v32 =	vld [tilespmem:s25+$0x60]  }
0xf1: {  	[tilespmem:s25+$0x10] =	vst v28;
	v28 =	vmax.f32 v30, $0.0e+00;
	v30 =	vld [tilespmem:s25+$0x70]  }
0xf2: {  	[tilespmem:s25+$0x20] =	vst v28;
	v28 =	vmax.f32 v31, $0.0e+00;
	v31 =	vld [tilespmem:s25+$0x80]  }
0xf3: {  	[tilespmem:s25+$0x30] =	vst v28;
	v28 =	vmax.f32 v29, $0.0e+00;
	v34 =	vld [tilespmem:s25+$0x90]  }
0xf4: {  	[tilespmem:s25+$0x40] =	vst v28;
	v28 =	vmax.f32 v33, $0.0e+00;
	v33 =	vld [tilespmem:s25+$0xA0]  }
.Ltmp2:
0xf5: {  	[tilespmem:s25+$0x50] =	vst v28;
	v29 =	vmax.f32 v32, $0.0e+00;
	v28 =	vld [tilespmem:s25+$0xB0];
	(pc) =	sbr.rel @p0 .LBB2_6-.Ltmp2, $4  }
0xf6: {  	[tilespmem:s25+$0x60] =	vst v29;
	v30 =	vmax.f32 v30, $0.0e+00;
	v29 =	vld [tilespmem:s25+$0xC0]  }
0xf7: {  	[tilespmem:s25+$0x70] =	vst v30;
	v31 =	vmax.f32 v31, $0.0e+00;
	v30 =	vld [tilespmem:s25+$0xD0]  }
0xf8: {  	[tilespmem:s25+$0x80] =	vst v31;
	v34 =	vmax.f32 v34, $0.0e+00;
	v31 =	vld [tilespmem:s25+$0xE0]  }
0xf9: {  	s25 =	sadd.s32 $0x200, s25;
	v32 =	vld [tilespmem:s0+$0xFFFFFF00];
	[tilespmem:s0+$0x90] =	vst v34;
	v33 =	vmax.f32 v33, $0.0e+00  }
0xfa: {  	[tilespmem:s0+$0xA0] =	vst v33;
	v28 =	vmax.f32 v28, $0.0e+00  }
0xfb: {  	[tilespmem:s0+$0xB0] =	vst v28;
	v28 =	vmax.f32 v29, $0.0e+00  }
0xfc: {  	[tilespmem:s0+$0xC0] =	vst v28;
	v28 =	vmax.f32 v30, $0.0e+00  }
0xfd: {  	[tilespmem:s0+$0xD0] =	vst v28;
	v28 =	vmax.f32 v31, $0.0e+00  }
0xfe: {  	v29 =	vmax.f32 v32, $0.0e+00;
	[tilespmem:s0+$0xE0] =	vst v28  }
0xff: {  	[tilespmem:s0+$0xFFFFFF00] =	vst v29  }
0x100: {  	_ =	swait.ge [sflag:s17], $0x50  }
0x101: {  	[sflag:s17] =	ssyncset.done $0x0  }
0x102: {  	s26 =	simm.s32 $0x0;
	[sflag:s17] =	ssyncadd.s32 $0xFFFFFFB0  }
0x103: {  	[spmem:s3] =	stream.indirect.scatter.add.f32 [tilespmem:s31], [sflag:$0xA], $0x80, s1, s29, $0xb8;
	[tilespmem:$0x1E380] =	vst v63  }
.LBB2_8:
0x104: {  	s13 =	smul.u32 $0xF0, s26;
	_ =	sdelay $0x1  }
0x105: {  	s30 =	sadd.s32 $0xF0, s13  }
0x106: {  	s0 =	sadd.s32 s4, s30  }
0x107: {  	_ =	swait.ge [sflag:s18], $0x2800;
	s14 =	sshll.u32 s0, $0x1  }
0x108: {  	[sflag:s18] =	ssyncset.done $0x0;
	s14 =	sor.u32 s5, s14  }
0x109: {  	[sflag:s18] =	ssyncadd.s32 $0xFFFFD800;
	v28 =	vor.u32 s14, v0;
	s25 =	sadd.s32 $0x20, s14  }
0x10a: {  	s1 =	sadd.s32 $0x40, s14;
	[tilespmem:$0x2780] =	vst v28;
	v28 =	vadd.s32 s25, v0  }
0x10b: {  	[tilespmem:$0x2790] =	vst v28;
	v28 =	vadd.s32 s1, v0;
	s1 =	sadd.s32 $0x60, s14  }
0x10c: {  	s14 =	sadd.s32 $0x80, s14;
	[tilespmem:$0x27A0] =	vst v28;
	v28 =	vadd.s32 s1, v0  }
0x10d: {  	[tilespmem:$0x27B0] =	vst v28;
	v28 =	vadd.s32 s14, v0  }
0x10e: {  	s0 =	sshrl.u32 s0, $0x3;
	s1 =	simm.s32 $0x2780;
	[tilespmem:$0x27C0] =	vst v28  }
0x10f: {  	[tilespmem:s31], [sflag:$0x4] =	stream.indirect.gather [hbm4b:s8+s29], $0x80, s1, s29, $0xb8;
	[tilespmem:$0x1E380] =	vst v63  }
0x110: {  	s0 =	sadd.s32 s7, s0;
	s25 =	simm.s32 $0x2980  }
0x111: {  	[tilespmem:s25], [sflag:$0x7] =	stream.linear.gather [hbm4b:s0+s6], $0x50, $0x38;
	[tilespmem:$0x1E380] =	vst v63  }
0x112: {  	s25 =	smul.u32 $0x3C0, s26  }
0x113: {  	_ =	swait.ge [sflag:s19], $0x2800  }
0x114: {  	[sflag:s19] =	ssyncset.done $0x0;
	s0 =	sshra.s32 s25, $0x2  }
0x115: {  	[sflag:s19] =	ssyncadd.s32 $0xFFFFD800;
	s0 =	sadd.s32 $0xA0, s0  }
0x116: {  	[tilespmem:s28], [sflag:$0x3] =	stream.indirect.gather.add.f32 [hbm:s2], $0x80, s0, s29, $0xb8;
	[tilespmem:$0x1E380] =	vst v63  }
0x117: {  	_ =	swait.ge [sflag:s20], $0x2800  }
0x118: {  	[sflag:s20] =	ssyncset.done $0x0  }
0x119: {  	s0 =	simm.s32 $0x5480;
	[sflag:s20] =	ssyncadd.s32 $0xFFFFD800  }
0x11a: {  	v28 =	vld [tilespmem:s0+$0xFFFFFF10]  }
0x11b: {  	v29 =	vld [tilespmem:s0+$0xFFFFFF20]  }
0x11c: {  	v34 =	vld [tilespmem:s0+$0xF0]  }
0x11d: {  	v30 =	vld [tilespmem:s0+$0xFFFFFF30]  }
0x11e: {  	v35 =	vld [tilespmem:s0+$0xFFFFFF80]  }
0x11f: {  	v31 =	vld [tilespmem:s0+$0xFFFFFF40]  }
0x120: {  	v36 =	vld [tilespmem:s0+$0xFFFFFF90];
	v28 =	vmax.f32 v28, $0.0e+00  }
0x121: {  	v32 =	vld [tilespmem:s0+$0xFFFFFF50];
	v34 =	vmax.f32 v34, $0.0e+00;
	[tilespmem:s0+$0xFFFFFF10] =	vst v28  }
0x122: {  	v33 =	vld [tilespmem:s0+$0xFFFFFF60];
	v29 =	vmax.f32 v29, $0.0e+00;
	[tilespmem:s0+$0xF0] =	vst v34  }
0x123: {  	v59 =	vld [tilespmem:s0+$0x50];
	[tilespmem:s0+$0xFFFFFF20] =	vst v29;
	v29 =	vmax.f32 v35, $0.0e+00  }
0x124: {  	v37 =	vld [tilespmem:s0+$0xFFFFFFA0];
	[tilespmem:s0+$0xFFFFFF80] =	vst v29;
	v29 =	vmax.f32 v30, $0.0e+00  }
0x125: {  	v28 =	vld [tilespmem:s0+$0xFFFFFF70];
	[tilespmem:s0+$0xFFFFFF30] =	vst v29;
	v29 =	vmax.f32 v36, $0.0e+00  }
0x126: {  	v38 =	vld [tilespmem:s0+$0xFFFFFFB0];
	[tilespmem:s0+$0xFFFFFF90] =	vst v29;
	v29 =	vmax.f32 v31, $0.0e+00  }
0x127: {  	v53 =	vld [tilespmem:s0+$0xFFFFFFC0];
	[tilespmem:s0+$0xFFFFFF40] =	vst v29;
	v29 =	vmax.f32 v32, $0.0e+00  }
0x128: {  	v54 =	vld [tilespmem:s0+$0xFFFFFFD0];
	v32 =	vmax.f32 v59, $0.0e+00;
	[tilespmem:s0+$0xFFFFFF50] =	vst v29  }
0x129: {  	v55 =	vld [tilespmem:s0+$0x0];
	v29 =	vmax.f32 v33, $0.0e+00;
	[tilespmem:s0+$0x50] =	vst v32  }
0x12a: {  	v56 =	vld [tilespmem:s0+$0x20];
	v28 =	vmax.f32 v28, $0.0e+00;
	[tilespmem:s0+$0xFFFFFF60] =	vst v29  }
0x12b: {  	v29 =	vld [tilespmem:s0+$0x10];
	[tilespmem:s0+$0xFFFFFF70] =	vst v28;
	v28 =	vmax.f32 v37, $0.0e+00  }
0x12c: {  	v30 =	vld [tilespmem:s0+$0xFFFFFFE0];
	[tilespmem:s0+$0xFFFFFFA0] =	vst v28;
	v28 =	vmax.f32 v38, $0.0e+00  }
0x12d: {  	v31 =	vld [tilespmem:s0+$0xFFFFFFF0];
	[tilespmem:s0+$0xFFFFFFB0] =	vst v28;
	v28 =	vmax.f32 v53, $0.0e+00  }
0x12e: {  	v57 =	vld [tilespmem:s0+$0x30];
	[tilespmem:s0+$0xFFFFFFC0] =	vst v28;
	v28 =	vmax.f32 v55, $0.0e+00  }
0x12f: {  	v58 =	vld [tilespmem:s0+$0x40];
	[tilespmem:s0+$0x0] =	vst v28;
	v28 =	vmax.f32 v54, $0.0e+00  }
0x130: {  	v60 =	vld [tilespmem:s0+$0x90];
	[tilespmem:s0+$0xFFFFFFD0] =	vst v28;
	v28 =	vmax.f32 v29, $0.0e+00  }
0x131: {  	v29 =	vld [tilespmem:s0+$0x60];
	[tilespmem:s0+$0x10] =	vst v28;
	v28 =	vmax.f32 v30, $0.0e+00  }
0x132: {  	v30 =	vld [tilespmem:s0+$0x80];
	[tilespmem:s0+$0xFFFFFFE0] =	vst v28;
	v28 =	vmax.f32 v31, $0.0e+00  }
0x133: {  	v31 =	vld [tilespmem:s0+$0x70];
	[tilespmem:s0+$0xFFFFFFF0] =	vst v28;
	v28 =	vmax.f32 v56, $0.0e+00  }
0x134: {  	[tilespmem:s0+$0x20] =	vst v28;
	v28 =	vmax.f32 v57, $0.0e+00  }
0x135: {  	v61 =	vld [tilespmem:s0+$0xA0];
	[tilespmem:s0+$0x30] =	vst v28;
	v28 =	vmax.f32 v58, $0.0e+00  }
0x136: {  	v33 =	vmax.f32 v60, $0.0e+00;
	[tilespmem:s0+$0x40] =	vst v28;
	v28 =	vld [tilespmem:s0+$0xB0]  }
0x137: {  	[tilespmem:s0+$0x90] =	vst v33;
	v62 =	vmax.f32 v29, $0.0e+00;
	v29 =	vld [tilespmem:s0+$0xC0]  }
0x138: {  	[tilespmem:s0+$0x60] =	vst v62;
	v63 =	vmax.f32 v30, $0.0e+00;
	v30 =	vld [tilespmem:s0+$0xD0];
	v31 =	vmax.f32 v31, $0.0e+00  }
0x139: {  	[tilespmem:s0+$0x70] =	vst v31;
	v31 =	vld [tilespmem:s0+$0xE0]  }
0x13a: {  	s14 =	simm.s32 $0x5680;
	s25 =	simm.s32 $0x0;
	v32 =	vld [tilespmem:s0+$0xFFFFFF00];
	v33 =	vmax.f32 v61, $0.0e+00;
	[tilespmem:s0+$0x80] =	vst v63  }
.LBB2_9:
0x13b: {  	v34 =	vld [tilespmem:s14+$0xF0];
	s25 =	sadd.s32 $0x4, s25;
	[tilespmem:s0+$0xA0] =	vst v33;
	v28 =	vmax.f32 v28, $0.0e+00  }
0x13c: {  	v33 =	vld [tilespmem:s14+$0xFFFFFF10];
	p0 =	slt.u32 s25, $0x4C;
	[tilespmem:s0+$0xB0] =	vst v28;
	v28 =	vmax.f32 v29, $0.0e+00  }
0x13d: {  	v29 =	vld [tilespmem:s14+$0xFFFFFF20];
	[tilespmem:s0+$0xC0] =	vst v28;
	v28 =	vmax.f32 v30, $0.0e+00  }
0x13e: {  	v30 =	vld [tilespmem:s14+$0xFFFFFF30];
	[tilespmem:s0+$0xD0] =	vst v28;
	v28 =	vmax.f32 v31, $0.0e+00  }
0x13f: {  	v31 =	vld [tilespmem:s14+$0xFFFFFF40];
	v32 =	vmax.f32 v32, $0.0e+00;
	[tilespmem:s0+$0xE0] =	vst v28  }
0x140: {  	v28 =	vld [tilespmem:s14+$0xFFFFFF50];
	v34 =	vmax.f32 v34, $0.0e+00;
	[tilespmem:s0+$0xFFFFFF00] =	vst v32;
	s0 =	smov.u32 s14  }
0x141: {  	v32 =	vmax.f32 v33, $0.0e+00;
	v33 =	vld [tilespmem:s14+$0xFFFFFF60];
	[tilespmem:s14+$0xF0] =	vst v34  }
0x142: {  	[tilespmem:s14+$0xFFFFFF10] =	vst v32;
	v29 =	vmax.f32 v29, $0.0e+00;
	v32 =	vld [tilespmem:s14+$0xFFFFFF70]  }
0x143: {  	[tilespmem:s14+$0xFFFFFF20] =	vst v29;
	v29 =	vmax.f32 v30, $0.0e+00;
	v30 =	vld [tilespmem:s14+$0xFFFFFF80]  }
0x144: {  	[tilespmem:s14+$0xFFFFFF30] =	vst v29;
	v29 =	vmax.f32 v31, $0.0e+00;
	v31 =	vld [tilespmem:s14+$0xFFFFFF90]  }
0x145: {  	[tilespmem:s14+$0xFFFFFF40] =	vst v29;
	v28 =	vmax.f32 v28, $0.0e+00;
	v29 =	vld [tilespmem:s14+$0xFFFFFFA0]  }
0x146: {  	[tilespmem:s14+$0xFFFFFF50] =	vst v28;
	v28 =	vmax.f32 v33, $0.0e+00;
	v33 =	vld [tilespmem:s14+$0xFFFFFFB0]  }
0x147: {  	[tilespmem:s14+$0xFFFFFF60] =	vst v28;
	v28 =	vmax.f32 v32, $0.0e+00;
	v32 =	vld [tilespmem:s14+$0xFFFFFFC0]  }
0x148: {  	[tilespmem:s14+$0xFFFFFF70] =	vst v28;
	v28 =	vmax.f32 v30, $0.0e+00;
	v30 =	vld [tilespmem:s14+$0xFFFFFFD0]  }
0x149: {  	[tilespmem:s14+$0xFFFFFF80] =	vst v28;
	v28 =	vmax.f32 v31, $0.0e+00;
	v31 =	vld [tilespmem:s14+$0xFFFFFFE0]  }
0x14a: {  	[tilespmem:s14+$0xFFFFFF90] =	vst v28;
	v28 =	vmax.f32 v29, $0.0e+00;
	v29 =	vld [tilespmem:s14+$0xFFFFFFF0]  }
0x14b: {  	[tilespmem:s14+$0xFFFFFFA0] =	vst v28;
	v28 =	vmax.f32 v33, $0.0e+00;
	v33 =	vld [tilespmem:s14+$0x0]  }
0x14c: {  	[tilespmem:s14+$0xFFFFFFB0] =	vst v28;
	v28 =	vmax.f32 v32, $0.0e+00;
	v32 =	vld [tilespmem:s14+$0x10]  }
0x14d: {  	[tilespmem:s14+$0xFFFFFFC0] =	vst v28;
	v28 =	vmax.f32 v30, $0.0e+00;
	v30 =	vld [tilespmem:s14+$0x20]  }
0x14e: {  	[tilespmem:s14+$0xFFFFFFD0] =	vst v28;
	v28 =	vmax.f32 v31, $0.0e+00;
	v31 =	vld [tilespmem:s14+$0x30]  }
0x14f: {  	[tilespmem:s14+$0xFFFFFFE0] =	vst v28;
	v28 =	vmax.f32 v29, $0.0e+00;
	v29 =	vld [tilespmem:s14+$0x40]  }
0x150: {  	[tilespmem:s14+$0xFFFFFFF0] =	vst v28;
	v28 =	vmax.f32 v33, $0.0e+00;
	v33 =	vld [tilespmem:s14+$0x50]  }
0x151: {  	[tilespmem:s14+$0x0] =	vst v28;
	v28 =	vmax.f32 v32, $0.0e+00;
	v32 =	vld [tilespmem:s14+$0x60]  }
0x152: {  	[tilespmem:s14+$0x10] =	vst v28;
	v28 =	vmax.f32 v30, $0.0e+00;
	v30 =	vld [tilespmem:s14+$0x70]  }
0x153: {  	[tilespmem:s14+$0x20] =	vst v28;
	v28 =	vmax.f32 v31, $0.0e+00;
	v31 =	vld [tilespmem:s14+$0x80]  }
0x154: {  	[tilespmem:s14+$0x30] =	vst v28;
	v28 =	vmax.f32 v29, $0.0e+00;
	v34 =	vld [tilespmem:s14+$0x90]  }
0x155: {  	[tilespmem:s14+$0x40] =	vst v28;
	v28 =	vmax.f32 v33, $0.0e+00;
	v33 =	vld [tilespmem:s14+$0xA0]  }
.Ltmp3:
0x156: {  	[tilespmem:s14+$0x50] =	vst v28;
	v29 =	vmax.f32 v32, $0.0e+00;
	v28 =	vld [tilespmem:s14+$0xB0];
	(pc) =	sbr.rel @p0 .LBB2_9-.Ltmp3, $4  }
0x157: {  	[tilespmem:s14+$0x60] =	vst v29;
	v30 =	vmax.f32 v30, $0.0e+00;
	v29 =	vld [tilespmem:s14+$0xC0]  }
0x158: {  	[tilespmem:s14+$0x70] =	vst v30;
	v31 =	vmax.f32 v31, $0.0e+00;
	v30 =	vld [tilespmem:s14+$0xD0]  }
0x159: {  	[tilespmem:s14+$0x80] =	vst v31;
	v34 =	vmax.f32 v34, $0.0e+00;
	v31 =	vld [tilespmem:s14+$0xE0]  }
0x15a: {  	s14 =	sadd.s32 $0x200, s14;
	v32 =	vld [tilespmem:s0+$0xFFFFFF00];
	[tilespmem:s0+$0x90] =	vst v34;
	v33 =	vmax.f32 v33, $0.0e+00  }
0x15b: {  	[tilespmem:s0+$0xA0] =	vst v33;
	v28 =	vmax.f32 v28, $0.0e+00  }
0x15c: {  	[tilespmem:s0+$0xB0] =	vst v28;
	v28 =	vmax.f32 v29, $0.0e+00  }
0x15d: {  	[tilespmem:s0+$0xC0] =	vst v28;
	v28 =	vmax.f32 v30, $0.0e+00  }
0x15e: {  	[tilespmem:s0+$0xD0] =	vst v28;
	v28 =	vmax.f32 v31, $0.0e+00  }
0x15f: {  	v29 =	vmax.f32 v32, $0.0e+00;
	[tilespmem:s0+$0xE0] =	vst v28  }
0x160: {  	[tilespmem:s0+$0xFFFFFF00] =	vst v29  }
0x161: {  	_ =	swait.ge [sflag:s21], $0x50  }
0x162: {  	s0 =	sadd.s32 $0x140, s13;
	[sflag:s21] =	ssyncset.done $0x0  }
0x163: {  	s14 =	sadd.s32 s4, s0;
	[sflag:s21] =	ssyncadd.s32 $0xFFFFFFB0  }
0x164: {  	[spmem:s3] =	stream.indirect.scatter.add.f32 [tilespmem:s10], [sflag:$0xB], $0x80, s11, s29, $0xb8;
	[tilespmem:$0x1E380] =	vst v63  }
0x165: {  	s25 =	sshll.u32 s14, $0x1;
	_ =	swait.ge [sflag:s22], $0x2800  }
0x166: {  	s25 =	sor.u32 s5, s25;
	[sflag:s22] =	ssyncset.done $0x0  }
0x167: {  	v28 =	vor.u32 s25, v0;
	s1 =	sadd.s32 $0x20, s25;
	[sflag:s22] =	ssyncadd.s32 $0xFFFFD800  }
0x168: {  	[tilespmem:$0x2800] =	vst v28;
	v28 =	vadd.s32 s1, v0;
	s1 =	sadd.s32 $0x40, s25  }
0x169: {  	[tilespmem:$0x2810] =	vst v28;
	v28 =	vadd.s32 s1, v0;
	s1 =	sadd.s32 $0x60, s25  }
0x16a: {  	s25 =	sadd.s32 $0x80, s25;
	[tilespmem:$0x2820] =	vst v28;
	v28 =	vadd.s32 s1, v0  }
0x16b: {  	[tilespmem:$0x2830] =	vst v28;
	v28 =	vadd.s32 s25, v0  }
0x16c: {  	s25 =	simm.s32 $0x2800;
	[tilespmem:$0x2840] =	vst v28  }
0x16d: {  	[tilespmem:s10], [sflag:$0x5] =	stream.indirect.gather [hbm4b:s8+s29], $0x80, s25, s29, $0xb8;
	[tilespmem:$0x1E380] =	vst v63  }
0x16e: {  	s25 =	sshrl.u32 s14, $0x3  }
0x16f: {  	s1 =	sadd.s32 s7, s25  }
0x170: {  	[tilespmem:s11], [sflag:$0x8] =	stream.linear.gather [hbm4b:s1+s6], $0x50, $0x38;
	[tilespmem:$0x1E380] =	vst v63  }
0x171: {  	_ =	swait.ge [sflag:s12], $0x2800  }
0x172: {  	[sflag:s12] =	ssyncset.done $0x0  }
0x173: {  	[sflag:s12] =	ssyncadd.s32 $0xFFFFD800  }
0x174: {  	[tilespmem:s31], [sflag:$0x1] =	stream.indirect.gather.add.f32 [hbm:s2], $0x80, s30, s29, $0xb8;
	[tilespmem:$0x1E380] =	vst v63  }
0x175: {  	_ =	swait.ge [sflag:s23], $0x2800  }
0x176: {  	[sflag:s23] =	ssyncset.done $0x0  }
0x177: {  	s30 =	simm.s32 $0x7C80;
	[sflag:s23] =	ssyncadd.s32 $0xFFFFD800  }
0x178: {  	v28 =	vld [tilespmem:s30+$0xFFFFFF10]  }
0x179: {  	v29 =	vld [tilespmem:s30+$0xFFFFFF20]  }
0x17a: {  	v34 =	vld [tilespmem:s30+$0xF0]  }
0x17b: {  	v30 =	vld [tilespmem:s30+$0xFFFFFF30]  }
0x17c: {  	v59 =	vld [tilespmem:s30+$0x50]  }
0x17d: {  	v35 =	vld [tilespmem:s30+$0xFFFFFF80]  }
0x17e: {  	v31 =	vld [tilespmem:s30+$0xFFFFFF40];
	v28 =	vmax.f32 v28, $0.0e+00  }
0x17f: {  	v36 =	vld [tilespmem:s30+$0xFFFFFF90];
	v34 =	vmax.f32 v34, $0.0e+00;
	[tilespmem:s30+$0xFFFFFF10] =	vst v28  }
0x180: {  	v51 =	vld [tilespmem:s30+$0xFFFFFF50];
	v29 =	vmax.f32 v29, $0.0e+00;
	[tilespmem:s30+$0xF0] =	vst v34  }
0x181: {  	v52 =	vld [tilespmem:s30+$0xFFFFFF60];
	v32 =	vmax.f32 v59, $0.0e+00;
	[tilespmem:s30+$0xFFFFFF20] =	vst v29  }
0x182: {  	v37 =	vld [tilespmem:s30+$0xFFFFFFA0];
	v29 =	vmax.f32 v35, $0.0e+00;
	[tilespmem:s30+$0x50] =	vst v32  }
0x183: {  	v28 =	vld [tilespmem:s30+$0xFFFFFF70];
	[tilespmem:s30+$0xFFFFFF80] =	vst v29;
	v29 =	vmax.f32 v30, $0.0e+00  }
0x184: {  	v38 =	vld [tilespmem:s30+$0xFFFFFFB0];
	[tilespmem:s30+$0xFFFFFF30] =	vst v29;
	v29 =	vmax.f32 v36, $0.0e+00  }
0x185: {  	v53 =	vld [tilespmem:s30+$0xFFFFFFC0];
	[tilespmem:s30+$0xFFFFFF90] =	vst v29;
	v29 =	vmax.f32 v31, $0.0e+00  }
0x186: {  	v54 =	vld [tilespmem:s30+$0xFFFFFFD0];
	[tilespmem:s30+$0xFFFFFF40] =	vst v29;
	v29 =	vmax.f32 v51, $0.0e+00  }
0x187: {  	v55 =	vld [tilespmem:s30+$0x0];
	[tilespmem:s30+$0xFFFFFF50] =	vst v29;
	v29 =	vmax.f32 v52, $0.0e+00  }
0x188: {  	v56 =	vld [tilespmem:s30+$0x20];
	v28 =	vmax.f32 v28, $0.0e+00;
	[tilespmem:s30+$0xFFFFFF60] =	vst v29  }
0x189: {  	v29 =	vld [tilespmem:s30+$0x10];
	[tilespmem:s30+$0xFFFFFF70] =	vst v28;
	v28 =	vmax.f32 v37, $0.0e+00  }
0x18a: {  	v30 =	vld [tilespmem:s30+$0xFFFFFFE0];
	[tilespmem:s30+$0xFFFFFFA0] =	vst v28;
	v28 =	vmax.f32 v38, $0.0e+00  }
0x18b: {  	v31 =	vld [tilespmem:s30+$0xFFFFFFF0];
	[tilespmem:s30+$0xFFFFFFB0] =	vst v28;
	v28 =	vmax.f32 v53, $0.0e+00  }
0x18c: {  	v57 =	vld [tilespmem:s30+$0x30];
	[tilespmem:s30+$0xFFFFFFC0] =	vst v28;
	v28 =	vmax.f32 v55, $0.0e+00  }
0x18d: {  	v58 =	vld [tilespmem:s30+$0x40];
	[tilespmem:s30+$0x0] =	vst v28;
	v28 =	vmax.f32 v54, $0.0e+00  }
0x18e: {  	v60 =	vld [tilespmem:s30+$0x90];
	[tilespmem:s30+$0xFFFFFFD0] =	vst v28;
	v28 =	vmax.f32 v29, $0.0e+00  }
0x18f: {  	v29 =	vld [tilespmem:s30+$0x60];
	[tilespmem:s30+$0x10] =	vst v28;
	v28 =	vmax.f32 v30, $0.0e+00  }
0x190: {  	v30 =	vld [tilespmem:s30+$0x80];
	[tilespmem:s30+$0xFFFFFFE0] =	vst v28;
	v28 =	vmax.f32 v31, $0.0e+00  }
0x191: {  	v31 =	vld [tilespmem:s30+$0x70];
	[tilespmem:s30+$0xFFFFFFF0] =	vst v28;
	v28 =	vmax.f32 v56, $0.0e+00  }
0x192: {  	[tilespmem:s30+$0x20] =	vst v28;
	v28 =	vmax.f32 v57, $0.0e+00  }
0x193: {  	v61 =	vld [tilespmem:s30+$0xA0];
	[tilespmem:s30+$0x30] =	vst v28;
	v28 =	vmax.f32 v58, $0.0e+00  }
0x194: {  	v33 =	vmax.f32 v60, $0.0e+00;
	[tilespmem:s30+$0x40] =	vst v28;
	v28 =	vld [tilespmem:s30+$0xB0]  }
0x195: {  	[tilespmem:s30+$0x90] =	vst v33;
	v62 =	vmax.f32 v29, $0.0e+00;
	v29 =	vld [tilespmem:s30+$0xC0]  }
0x196: {  	[tilespmem:s30+$0x60] =	vst v62;
	v63 =	vmax.f32 v30, $0.0e+00;
	v30 =	vld [tilespmem:s30+$0xD0];
	v31 =	vmax.f32 v31, $0.0e+00  }
0x197: {  	[tilespmem:s30+$0x70] =	vst v31;
	v31 =	vld [tilespmem:s30+$0xE0]  }
0x198: {  	s14 =	simm.s32 $0x7E80;
	s25 =	simm.s32 $0x0;
	v32 =	vld [tilespmem:s30+$0xFFFFFF00];
	v33 =	vmax.f32 v61, $0.0e+00;
	[tilespmem:s30+$0x80] =	vst v63  }
.LBB2_11:
0x199: {  	v34 =	vld [tilespmem:s14+$0xF0];
	s25 =	sadd.s32 $0x4, s25;
	[tilespmem:s30+$0xA0] =	vst v33;
	v28 =	vmax.f32 v28, $0.0e+00  }
0x19a: {  	v33 =	vld [tilespmem:s14+$0xFFFFFF10];
	p0 =	slt.u32 s25, $0x4C;
	[tilespmem:s30+$0xB0] =	vst v28;
	v28 =	vmax.f32 v29, $0.0e+00  }
0x19b: {  	v29 =	vld [tilespmem:s14+$0xFFFFFF20];
	[tilespmem:s30+$0xC0] =	vst v28;
	v28 =	vmax.f32 v30, $0.0e+00  }
0x19c: {  	v30 =	vld [tilespmem:s14+$0xFFFFFF30];
	[tilespmem:s30+$0xD0] =	vst v28;
	v28 =	vmax.f32 v31, $0.0e+00  }
0x19d: {  	v31 =	vld [tilespmem:s14+$0xFFFFFF40];
	v32 =	vmax.f32 v32, $0.0e+00;
	[tilespmem:s30+$0xE0] =	vst v28  }
0x19e: {  	v28 =	vld [tilespmem:s14+$0xFFFFFF50];
	v34 =	vmax.f32 v34, $0.0e+00;
	[tilespmem:s30+$0xFFFFFF00] =	vst v32;
	s30 =	smov.u32 s14  }
0x19f: {  	v32 =	vmax.f32 v33, $0.0e+00;
	v33 =	vld [tilespmem:s14+$0xFFFFFF60];
	[tilespmem:s14+$0xF0] =	vst v34  }
0x1a0: {  	[tilespmem:s14+$0xFFFFFF10] =	vst v32;
	v29 =	vmax.f32 v29, $0.0e+00;
	v32 =	vld [tilespmem:s14+$0xFFFFFF70]  }
0x1a1: {  	[tilespmem:s14+$0xFFFFFF20] =	vst v29;
	v29 =	vmax.f32 v30, $0.0e+00;
	v30 =	vld [tilespmem:s14+$0xFFFFFF80]  }
0x1a2: {  	[tilespmem:s14+$0xFFFFFF30] =	vst v29;
	v29 =	vmax.f32 v31, $0.0e+00;
	v31 =	vld [tilespmem:s14+$0xFFFFFF90]  }
0x1a3: {  	[tilespmem:s14+$0xFFFFFF40] =	vst v29;
	v28 =	vmax.f32 v28, $0.0e+00;
	v29 =	vld [tilespmem:s14+$0xFFFFFFA0]  }
0x1a4: {  	[tilespmem:s14+$0xFFFFFF50] =	vst v28;
	v28 =	vmax.f32 v33, $0.0e+00;
	v33 =	vld [tilespmem:s14+$0xFFFFFFB0]  }
0x1a5: {  	[tilespmem:s14+$0xFFFFFF60] =	vst v28;
	v28 =	vmax.f32 v32, $0.0e+00;
	v32 =	vld [tilespmem:s14+$0xFFFFFFC0]  }
0x1a6: {  	[tilespmem:s14+$0xFFFFFF70] =	vst v28;
	v28 =	vmax.f32 v30, $0.0e+00;
	v30 =	vld [tilespmem:s14+$0xFFFFFFD0]  }
0x1a7: {  	[tilespmem:s14+$0xFFFFFF80] =	vst v28;
	v28 =	vmax.f32 v31, $0.0e+00;
	v31 =	vld [tilespmem:s14+$0xFFFFFFE0]  }
0x1a8: {  	[tilespmem:s14+$0xFFFFFF90] =	vst v28;
	v28 =	vmax.f32 v29, $0.0e+00;
	v29 =	vld [tilespmem:s14+$0xFFFFFFF0]  }
0x1a9: {  	[tilespmem:s14+$0xFFFFFFA0] =	vst v28;
	v28 =	vmax.f32 v33, $0.0e+00;
	v33 =	vld [tilespmem:s14+$0x0]  }
0x1aa: {  	[tilespmem:s14+$0xFFFFFFB0] =	vst v28;
	v28 =	vmax.f32 v32, $0.0e+00;
	v32 =	vld [tilespmem:s14+$0x10]  }
0x1ab: {  	[tilespmem:s14+$0xFFFFFFC0] =	vst v28;
	v28 =	vmax.f32 v30, $0.0e+00;
	v30 =	vld [tilespmem:s14+$0x20]  }
0x1ac: {  	[tilespmem:s14+$0xFFFFFFD0] =	vst v28;
	v28 =	vmax.f32 v31, $0.0e+00;
	v31 =	vld [tilespmem:s14+$0x30]  }
0x1ad: {  	[tilespmem:s14+$0xFFFFFFE0] =	vst v28;
	v28 =	vmax.f32 v29, $0.0e+00;
	v29 =	vld [tilespmem:s14+$0x40]  }
0x1ae: {  	[tilespmem:s14+$0xFFFFFFF0] =	vst v28;
	v28 =	vmax.f32 v33, $0.0e+00;
	v33 =	vld [tilespmem:s14+$0x50]  }
0x1af: {  	[tilespmem:s14+$0x0] =	vst v28;
	v28 =	vmax.f32 v32, $0.0e+00;
	v32 =	vld [tilespmem:s14+$0x60]  }
0x1b0: {  	[tilespmem:s14+$0x10] =	vst v28;
	v28 =	vmax.f32 v30, $0.0e+00;
	v30 =	vld [tilespmem:s14+$0x70]  }
0x1b1: {  	[tilespmem:s14+$0x20] =	vst v28;
	v28 =	vmax.f32 v31, $0.0e+00;
	v31 =	vld [tilespmem:s14+$0x80]  }
0x1b2: {  	[tilespmem:s14+$0x30] =	vst v28;
	v28 =	vmax.f32 v29, $0.0e+00;
	v34 =	vld [tilespmem:s14+$0x90]  }
0x1b3: {  	[tilespmem:s14+$0x40] =	vst v28;
	v28 =	vmax.f32 v33, $0.0e+00;
	v33 =	vld [tilespmem:s14+$0xA0]  }
.Ltmp4:
0x1b4: {  	[tilespmem:s14+$0x50] =	vst v28;
	v29 =	vmax.f32 v32, $0.0e+00;
	v28 =	vld [tilespmem:s14+$0xB0];
	(pc) =	sbr.rel @p0 .LBB2_11-.Ltmp4, $4  }
0x1b5: {  	[tilespmem:s14+$0x60] =	vst v29;
	v30 =	vmax.f32 v30, $0.0e+00;
	v29 =	vld [tilespmem:s14+$0xC0]  }
0x1b6: {  	[tilespmem:s14+$0x70] =	vst v30;
	v31 =	vmax.f32 v31, $0.0e+00;
	v30 =	vld [tilespmem:s14+$0xD0]  }
0x1b7: {  	[tilespmem:s14+$0x80] =	vst v31;
	v34 =	vmax.f32 v34, $0.0e+00;
	v31 =	vld [tilespmem:s14+$0xE0]  }
0x1b8: {  	s14 =	sadd.s32 $0x200, s14;
	v32 =	vld [tilespmem:s30+$0xFFFFFF00];
	[tilespmem:s30+$0x90] =	vst v34;
	v33 =	vmax.f32 v33, $0.0e+00  }
0x1b9: {  	[tilespmem:s30+$0xA0] =	vst v33;
	v28 =	vmax.f32 v28, $0.0e+00  }
0x1ba: {  	[tilespmem:s30+$0xB0] =	vst v28;
	v28 =	vmax.f32 v29, $0.0e+00  }
0x1bb: {  	[tilespmem:s30+$0xC0] =	vst v28;
	v28 =	vmax.f32 v30, $0.0e+00  }
0x1bc: {  	[tilespmem:s30+$0xD0] =	vst v28;
	v28 =	vmax.f32 v31, $0.0e+00  }
0x1bd: {  	v29 =	vmax.f32 v32, $0.0e+00;
	[tilespmem:s30+$0xE0] =	vst v28  }
0x1be: {  	[tilespmem:s30+$0xFFFFFF00] =	vst v29  }
0x1bf: {  	_ =	swait.ge [sflag:s24], $0x50  }
0x1c0: {  	[sflag:s24] =	ssyncset.done $0x0;
	s1 =	rddreg [dreg:$0x14]  }
0x1c1: {  	s25 =	simm.s32 $0x2A80;
	[sflag:s24] =	ssyncadd.s32 $0xFFFFFFB0;
	s1 =	sadd.s32 s13, s1  }
0x1c2: {  	[spmem:s3] =	stream.indirect.scatter.add.f32 [tilespmem:s28], [sflag:$0xC], $0x80, s25, s29, $0xb8;
	[tilespmem:$0x1E380] =	vst v63  }
0x1c3: {  	s13 =	sshll.u32 s1, $0x1;
	_ =	swait.ge [sflag:s9], $0x2800  }
0x1c4: {  	s13 =	sor.u32 s5, s13;
	[sflag:s9] =	ssyncset.done $0x0  }
0x1c5: {  	v28 =	vor.u32 s13, v0;
	s14 =	sadd.s32 $0x20, s13;
	[sflag:s9] =	ssyncadd.s32 $0xFFFFD800  }
0x1c6: {  	[tilespmem:$0x2880] =	vst v28;
	v28 =	vadd.s32 s14, v0;
	s14 =	sadd.s32 $0x40, s13  }
0x1c7: {  	[tilespmem:$0x2890] =	vst v28;
	v28 =	vadd.s32 s14, v0;
	s14 =	sadd.s32 $0x60, s13  }
0x1c8: {  	s13 =	sadd.s32 $0x80, s13;
	[tilespmem:$0x28A0] =	vst v28;
	v28 =	vadd.s32 s14, v0  }
0x1c9: {  	[tilespmem:$0x28B0] =	vst v28;
	v28 =	vadd.s32 s13, v0  }
0x1ca: {  	s1 =	sshrl.u32 s1, $0x3;
	s14 =	simm.s32 $0x2880;
	[tilespmem:$0x28C0] =	vst v28  }
0x1cb: {  	[tilespmem:s28], [sflag:$0x6] =	stream.indirect.gather [hbm4b:s8+s29], $0x80, s14, s29, $0xb8;
	[tilespmem:$0x1E380] =	vst v63  }
0x1cc: {  	s1 =	sadd.s32 s7, s1  }
0x1cd: {  	[tilespmem:s25], [sflag:$0x9] =	stream.linear.gather [hbm4b:s1+s6], $0x50, $0x38;
	[tilespmem:$0x1E380] =	vst v63  }
0x1ce: {  	_ =	swait.ge [sflag:s15], $0x2800  }
0x1cf: {  	[sflag:s15] =	ssyncset.done $0x0  }
0x1d0: {  	[sflag:s15] =	ssyncadd.s32 $0xFFFFD800  }
0x1d1: {  	[tilespmem:s10], [sflag:$0x2] =	stream.indirect.gather.add.f32 [hbm:s2], $0x80, s0, s29, $0xb8;
	[tilespmem:$0x1E380] =	vst v63  }
0x1d2: {  	_ =	swait.ge [sflag:s16], $0x2800  }
0x1d3: {  	[sflag:s16] =	ssyncset.done $0x0  }
0x1d4: {  	s0 =	simm.s32 $0x2C80;
	[sflag:s16] =	ssyncadd.s32 $0xFFFFD800  }
0x1d5: {  	v28 =	vld [tilespmem:s0+$0xFFFFFF10]  }
0x1d6: {  	v29 =	vld [tilespmem:s0+$0xFFFFFF20]  }
0x1d7: {  	v34 =	vld [tilespmem:s0+$0xF0]  }
0x1d8: {  	v30 =	vld [tilespmem:s0+$0xFFFFFF30]  }
0x1d9: {  	v59 =	vld [tilespmem:s0+$0x50]  }
0x1da: {  	v35 =	vld [tilespmem:s0+$0xFFFFFF80]  }
0x1db: {  	v31 =	vld [tilespmem:s0+$0xFFFFFF40];
	v28 =	vmax.f32 v28, $0.0e+00  }
0x1dc: {  	v36 =	vld [tilespmem:s0+$0xFFFFFF90];
	v34 =	vmax.f32 v34, $0.0e+00;
	[tilespmem:s0+$0xFFFFFF10] =	vst v28  }
0x1dd: {  	v51 =	vld [tilespmem:s0+$0xFFFFFF50];
	v29 =	vmax.f32 v29, $0.0e+00;
	[tilespmem:s0+$0xF0] =	vst v34  }
0x1de: {  	v52 =	vld [tilespmem:s0+$0xFFFFFF60];
	v32 =	vmax.f32 v59, $0.0e+00;
	[tilespmem:s0+$0xFFFFFF20] =	vst v29  }
0x1df: {  	v37 =	vld [tilespmem:s0+$0xFFFFFFA0];
	v29 =	vmax.f32 v35, $0.0e+00;
	[tilespmem:s0+$0x50] =	vst v32  }
0x1e0: {  	v28 =	vld [tilespmem:s0+$0xFFFFFF70];
	[tilespmem:s0+$0xFFFFFF80] =	vst v29;
	v29 =	vmax.f32 v30, $0.0e+00  }
0x1e1: {  	v38 =	vld [tilespmem:s0+$0xFFFFFFB0];
	[tilespmem:s0+$0xFFFFFF30] =	vst v29;
	v29 =	vmax.f32 v36, $0.0e+00  }
0x1e2: {  	v53 =	vld [tilespmem:s0+$0xFFFFFFC0];
	[tilespmem:s0+$0xFFFFFF90] =	vst v29;
	v29 =	vmax.f32 v31, $0.0e+00  }
0x1e3: {  	v54 =	vld [tilespmem:s0+$0xFFFFFFD0];
	[tilespmem:s0+$0xFFFFFF40] =	vst v29;
	v29 =	vmax.f32 v51, $0.0e+00  }
0x1e4: {  	v55 =	vld [tilespmem:s0+$0x0];
	[tilespmem:s0+$0xFFFFFF50] =	vst v29;
	v29 =	vmax.f32 v52, $0.0e+00  }
0x1e5: {  	v56 =	vld [tilespmem:s0+$0x20];
	v28 =	vmax.f32 v28, $0.0e+00;
	[tilespmem:s0+$0xFFFFFF60] =	vst v29  }
0x1e6: {  	v29 =	vld [tilespmem:s0+$0x10];
	[tilespmem:s0+$0xFFFFFF70] =	vst v28;
	v28 =	vmax.f32 v37, $0.0e+00  }
0x1e7: {  	v30 =	vld [tilespmem:s0+$0xFFFFFFE0];
	[tilespmem:s0+$0xFFFFFFA0] =	vst v28;
	v28 =	vmax.f32 v38, $0.0e+00  }
0x1e8: {  	v31 =	vld [tilespmem:s0+$0xFFFFFFF0];
	[tilespmem:s0+$0xFFFFFFB0] =	vst v28;
	v28 =	vmax.f32 v53, $0.0e+00  }
0x1e9: {  	v57 =	vld [tilespmem:s0+$0x30];
	[tilespmem:s0+$0xFFFFFFC0] =	vst v28;
	v28 =	vmax.f32 v55, $0.0e+00  }
0x1ea: {  	v58 =	vld [tilespmem:s0+$0x40];
	[tilespmem:s0+$0x0] =	vst v28;
	v28 =	vmax.f32 v54, $0.0e+00  }
0x1eb: {  	v60 =	vld [tilespmem:s0+$0x90];
	[tilespmem:s0+$0xFFFFFFD0] =	vst v28;
	v28 =	vmax.f32 v29, $0.0e+00  }
0x1ec: {  	v29 =	vld [tilespmem:s0+$0x60];
	[tilespmem:s0+$0x10] =	vst v28;
	v28 =	vmax.f32 v30, $0.0e+00  }
0x1ed: {  	v30 =	vld [tilespmem:s0+$0x80];
	[tilespmem:s0+$0xFFFFFFE0] =	vst v28;
	v28 =	vmax.f32 v31, $0.0e+00  }
0x1ee: {  	v31 =	vld [tilespmem:s0+$0x70];
	[tilespmem:s0+$0xFFFFFFF0] =	vst v28;
	v28 =	vmax.f32 v56, $0.0e+00  }
0x1ef: {  	[tilespmem:s0+$0x20] =	vst v28;
	v28 =	vmax.f32 v57, $0.0e+00  }
0x1f0: {  	v61 =	vld [tilespmem:s0+$0xA0];
	[tilespmem:s0+$0x30] =	vst v28;
	v28 =	vmax.f32 v58, $0.0e+00  }
0x1f1: {  	v33 =	vmax.f32 v60, $0.0e+00;
	[tilespmem:s0+$0x40] =	vst v28;
	v28 =	vld [tilespmem:s0+$0xB0]  }
0x1f2: {  	[tilespmem:s0+$0x90] =	vst v33;
	v62 =	vmax.f32 v29, $0.0e+00;
	v29 =	vld [tilespmem:s0+$0xC0]  }
0x1f3: {  	[tilespmem:s0+$0x60] =	vst v62;
	v63 =	vmax.f32 v30, $0.0e+00;
	v30 =	vld [tilespmem:s0+$0xD0];
	v31 =	vmax.f32 v31, $0.0e+00  }
0x1f4: {  	[tilespmem:s0+$0x70] =	vst v31;
	v31 =	vld [tilespmem:s0+$0xE0]  }
0x1f5: {  	s30 =	simm.s32 $0x2A80;
	s13 =	simm.s32 $0x0;
	s14 =	simm.s32 $0x2E80;
	v32 =	vld [tilespmem:s0+$0xFFFFFF00];
	v33 =	vmax.f32 v61, $0.0e+00;
	[tilespmem:s0+$0x80] =	vst v63  }
.LBB2_13:
0x1f6: {  	v34 =	vld [tilespmem:s14+$0xF0];
	s13 =	sadd.s32 $0x4, s13;
	[tilespmem:s0+$0xA0] =	vst v33;
	v28 =	vmax.f32 v28, $0.0e+00  }
0x1f7: {  	v33 =	vld [tilespmem:s14+$0xFFFFFF10];
	p0 =	slt.u32 s13, $0x4C;
	[tilespmem:s0+$0xB0] =	vst v28;
	v28 =	vmax.f32 v29, $0.0e+00  }
0x1f8: {  	v29 =	vld [tilespmem:s14+$0xFFFFFF20];
	[tilespmem:s0+$0xC0] =	vst v28;
	v28 =	vmax.f32 v30, $0.0e+00  }
0x1f9: {  	v30 =	vld [tilespmem:s14+$0xFFFFFF30];
	[tilespmem:s0+$0xD0] =	vst v28;
	v28 =	vmax.f32 v31, $0.0e+00  }
0x1fa: {  	v31 =	vld [tilespmem:s14+$0xFFFFFF40];
	v32 =	vmax.f32 v32, $0.0e+00;
	[tilespmem:s0+$0xE0] =	vst v28  }
0x1fb: {  	v28 =	vld [tilespmem:s14+$0xFFFFFF50];
	v34 =	vmax.f32 v34, $0.0e+00;
	[tilespmem:s0+$0xFFFFFF00] =	vst v32;
	s0 =	smov.u32 s14  }
0x1fc: {  	v32 =	vmax.f32 v33, $0.0e+00;
	v33 =	vld [tilespmem:s14+$0xFFFFFF60];
	[tilespmem:s14+$0xF0] =	vst v34  }
0x1fd: {  	[tilespmem:s14+$0xFFFFFF10] =	vst v32;
	v29 =	vmax.f32 v29, $0.0e+00;
	v32 =	vld [tilespmem:s14+$0xFFFFFF70]  }
0x1fe: {  	[tilespmem:s14+$0xFFFFFF20] =	vst v29;
	v29 =	vmax.f32 v30, $0.0e+00;
	v30 =	vld [tilespmem:s14+$0xFFFFFF80]  }
0x1ff: {  	[tilespmem:s14+$0xFFFFFF30] =	vst v29;
	v29 =	vmax.f32 v31, $0.0e+00;
	v31 =	vld [tilespmem:s14+$0xFFFFFF90]  }
0x200: {  	[tilespmem:s14+$0xFFFFFF40] =	vst v29;
	v28 =	vmax.f32 v28, $0.0e+00;
	v29 =	vld [tilespmem:s14+$0xFFFFFFA0]  }
0x201: {  	[tilespmem:s14+$0xFFFFFF50] =	vst v28;
	v28 =	vmax.f32 v33, $0.0e+00;
	v33 =	vld [tilespmem:s14+$0xFFFFFFB0]  }
0x202: {  	[tilespmem:s14+$0xFFFFFF60] =	vst v28;
	v28 =	vmax.f32 v32, $0.0e+00;
	v32 =	vld [tilespmem:s14+$0xFFFFFFC0]  }
0x203: {  	[tilespmem:s14+$0xFFFFFF70] =	vst v28;
	v28 =	vmax.f32 v30, $0.0e+00;
	v30 =	vld [tilespmem:s14+$0xFFFFFFD0]  }
0x204: {  	[tilespmem:s14+$0xFFFFFF80] =	vst v28;
	v28 =	vmax.f32 v31, $0.0e+00;
	v31 =	vld [tilespmem:s14+$0xFFFFFFE0]  }
0x205: {  	[tilespmem:s14+$0xFFFFFF90] =	vst v28;
	v28 =	vmax.f32 v29, $0.0e+00;
	v29 =	vld [tilespmem:s14+$0xFFFFFFF0]  }
0x206: {  	[tilespmem:s14+$0xFFFFFFA0] =	vst v28;
	v28 =	vmax.f32 v33, $0.0e+00;
	v33 =	vld [tilespmem:s14+$0x0]  }
0x207: {  	[tilespmem:s14+$0xFFFFFFB0] =	vst v28;
	v28 =	vmax.f32 v32, $0.0e+00;
	v32 =	vld [tilespmem:s14+$0x10]  }
0x208: {  	[tilespmem:s14+$0xFFFFFFC0] =	vst v28;
	v28 =	vmax.f32 v30, $0.0e+00;
	v30 =	vld [tilespmem:s14+$0x20]  }
0x209: {  	[tilespmem:s14+$0xFFFFFFD0] =	vst v28;
	v28 =	vmax.f32 v31, $0.0e+00;
	v31 =	vld [tilespmem:s14+$0x30]  }
0x20a: {  	[tilespmem:s14+$0xFFFFFFE0] =	vst v28;
	v28 =	vmax.f32 v29, $0.0e+00;
	v29 =	vld [tilespmem:s14+$0x40]  }
0x20b: {  	[tilespmem:s14+$0xFFFFFFF0] =	vst v28;
	v28 =	vmax.f32 v33, $0.0e+00;
	v33 =	vld [tilespmem:s14+$0x50]  }
0x20c: {  	[tilespmem:s14+$0x0] =	vst v28;
	v28 =	vmax.f32 v32, $0.0e+00;
	v32 =	vld [tilespmem:s14+$0x60]  }
0x20d: {  	[tilespmem:s14+$0x10] =	vst v28;
	v28 =	vmax.f32 v30, $0.0e+00;
	v30 =	vld [tilespmem:s14+$0x70]  }
0x20e: {  	[tilespmem:s14+$0x20] =	vst v28;
	v28 =	vmax.f32 v31, $0.0e+00;
	v31 =	vld [tilespmem:s14+$0x80]  }
0x20f: {  	[tilespmem:s14+$0x30] =	vst v28;
	v28 =	vmax.f32 v29, $0.0e+00;
	v34 =	vld [tilespmem:s14+$0x90]  }
0x210: {  	[tilespmem:s14+$0x40] =	vst v28;
	v28 =	vmax.f32 v33, $0.0e+00;
	v33 =	vld [tilespmem:s14+$0xA0]  }
.Ltmp5:
0x211: {  	[tilespmem:s14+$0x50] =	vst v28;
	v29 =	vmax.f32 v32, $0.0e+00;
	v28 =	vld [tilespmem:s14+$0xB0];
	(pc) =	sbr.rel @p0 .LBB2_13-.Ltmp5, $4  }
0x212: {  	[tilespmem:s14+$0x60] =	vst v29;
	v30 =	vmax.f32 v30, $0.0e+00;
	v29 =	vld [tilespmem:s14+$0xC0]  }
0x213: {  	[tilespmem:s14+$0x70] =	vst v30;
	v31 =	vmax.f32 v31, $0.0e+00;
	v30 =	vld [tilespmem:s14+$0xD0]  }
0x214: {  	[tilespmem:s14+$0x80] =	vst v31;
	v34 =	vmax.f32 v34, $0.0e+00;
	v31 =	vld [tilespmem:s14+$0xE0]  }
0x215: {  	s14 =	sadd.s32 $0x200, s14;
	v32 =	vld [tilespmem:s0+$0xFFFFFF00];
	[tilespmem:s0+$0x90] =	vst v34;
	v33 =	vmax.f32 v33, $0.0e+00  }
0x216: {  	[tilespmem:s0+$0xA0] =	vst v33;
	v28 =	vmax.f32 v28, $0.0e+00  }
0x217: {  	[tilespmem:s0+$0xB0] =	vst v28;
	v28 =	vmax.f32 v29, $0.0e+00  }
0x218: {  	[tilespmem:s0+$0xC0] =	vst v28;
	v28 =	vmax.f32 v30, $0.0e+00  }
0x219: {  	s26 =	sadd.s32 $0x1, s26;
	[tilespmem:s0+$0xD0] =	vst v28;
	v28 =	vmax.f32 v31, $0.0e+00  }
0x21a: {  	p0 =	sne.s32 s26, $0x28;
	v29 =	vmax.f32 v32, $0.0e+00;
	[tilespmem:s0+$0xE0] =	vst v28  }
.Ltmp6:
0x21b: {  	[tilespmem:s0+$0xFFFFFF00] =	vst v29;
	(pc) =	sbr.rel @p0 .LBB2_8-.Ltmp6, $4  }
0x21c: {  	_ =	swait.ge [sflag:s17], $0x50  }
0x21d: {  	[sflag:s17] =	ssyncset.done $0x0  }
0x21e: {  	s1 =	simm.s32 $0x2980;
	[sflag:s17] =	ssyncadd.s32 $0xFFFFFFB0  }
0x21f: {  	[spmem:s3] =	stream.indirect.scatter.add.f32 [tilespmem:s31], [sflag:$0xA], $0x80, s1, s29, $0xb8;
	[tilespmem:$0x1E380] =	vst v63  }
0x220: {  	_ =	swait.ge [sflag:s18], $0x2800  }
0x221: {  	[sflag:s18] =	ssyncset.done $0x0  }
0x222: {  	[sflag:s18] =	ssyncadd.s32 $0xFFFFD800  }
0x223: {  	[tilespmem:$0x2780] =	vst v16  }
0x224: {  	[tilespmem:$0x2790] =	vst v17  }
0x225: {  	[tilespmem:$0x27A0] =	vst v18  }
0x226: {  	[tilespmem:$0x27B0] =	vst v19  }
0x227: {  	s0 =	simm.s32 $0x2780;
	[tilespmem:$0x27C0] =	vst v20  }
0x228: {  	[tilespmem:s31], [sflag:$0x4] =	stream.indirect.gather [hbm4b:s8+s29], $0x80, s0, s29, $0xb8;
	[tilespmem:$0x1E380] =	vst v63  }
0x229: {  	s25 =	rddreg [dreg:$0xc]  }
0x22a: {  	[tilespmem:s1], [sflag:$0x7] =	stream.linear.gather [hbm4b:s25+s6], $0x50, $0x38;
	[tilespmem:$0x1E380] =	vst v63  }
0x22b: {  	_ =	swait.ge [sflag:s19], $0x2800  }
0x22c: {  	[sflag:s19] =	ssyncset.done $0x0  }
0x22d: {  	s26 =	simm.s32 $0x2620;
	[sflag:s19] =	ssyncadd.s32 $0xFFFFD800  }
0x22e: {  	[tilespmem:s28], [sflag:$0x3] =	stream.indirect.gather.add.f32 [hbm:s2], $0x80, s26, s29, $0xb8;
	[tilespmem:$0x1E380] =	vst v63  }
0x22f: {  	_ =	swait.ge [sflag:s20], $0x2800  }
0x230: {  	[sflag:s20] =	ssyncset.done $0x0  }
0x231: {  	s0 =	simm.s32 $0x5480;
	[sflag:s20] =	ssyncadd.s32 $0xFFFFD800  }
0x232: {  	v28 =	vld [tilespmem:s0+$0xFFFFFF10]  }
0x233: {  	v29 =	vld [tilespmem:s0+$0xFFFFFF20]  }
0x234: {  	v34 =	vld [tilespmem:s0+$0xF0]  }
0x235: {  	v30 =	vld [tilespmem:s0+$0xFFFFFF30]  }
0x236: {  	v35 =	vld [tilespmem:s0+$0xFFFFFF80]  }
0x237: {  	v31 =	vld [tilespmem:s0+$0xFFFFFF40]  }
0x238: {  	v36 =	vld [tilespmem:s0+$0xFFFFFF90];
	v28 =	vmax.f32 v28, $0.0e+00  }
0x239: {  	v32 =	vld [tilespmem:s0+$0xFFFFFF50];
	v34 =	vmax.f32 v34, $0.0e+00;
	[tilespmem:s0+$0xFFFFFF10] =	vst v28  }
0x23a: {  	v33 =	vld [tilespmem:s0+$0xFFFFFF60];
	v29 =	vmax.f32 v29, $0.0e+00;
	[tilespmem:s0+$0xF0] =	vst v34  }
0x23b: {  	v59 =	vld [tilespmem:s0+$0x50];
	[tilespmem:s0+$0xFFFFFF20] =	vst v29;
	v29 =	vmax.f32 v35, $0.0e+00  }
0x23c: {  	v37 =	vld [tilespmem:s0+$0xFFFFFFA0];
	[tilespmem:s0+$0xFFFFFF80] =	vst v29;
	v29 =	vmax.f32 v30, $0.0e+00  }
0x23d: {  	v28 =	vld [tilespmem:s0+$0xFFFFFF70];
	[tilespmem:s0+$0xFFFFFF30] =	vst v29;
	v29 =	vmax.f32 v36, $0.0e+00  }
0x23e: {  	v38 =	vld [tilespmem:s0+$0xFFFFFFB0];
	[tilespmem:s0+$0xFFFFFF90] =	vst v29;
	v29 =	vmax.f32 v31, $0.0e+00  }
0x23f: {  	v53 =	vld [tilespmem:s0+$0xFFFFFFC0];
	[tilespmem:s0+$0xFFFFFF40] =	vst v29;
	v29 =	vmax.f32 v32, $0.0e+00  }
0x240: {  	v54 =	vld [tilespmem:s0+$0xFFFFFFD0];
	v32 =	vmax.f32 v59, $0.0e+00;
	[tilespmem:s0+$0xFFFFFF50] =	vst v29  }
0x241: {  	v55 =	vld [tilespmem:s0+$0x0];
	v29 =	vmax.f32 v33, $0.0e+00;
	[tilespmem:s0+$0x50] =	vst v32  }
0x242: {  	v56 =	vld [tilespmem:s0+$0x20];
	v28 =	vmax.f32 v28, $0.0e+00;
	[tilespmem:s0+$0xFFFFFF60] =	vst v29  }
0x243: {  	v29 =	vld [tilespmem:s0+$0x10];
	[tilespmem:s0+$0xFFFFFF70] =	vst v28;
	v28 =	vmax.f32 v37, $0.0e+00  }
0x244: {  	v30 =	vld [tilespmem:s0+$0xFFFFFFE0];
	[tilespmem:s0+$0xFFFFFFA0] =	vst v28;
	v28 =	vmax.f32 v38, $0.0e+00  }
0x245: {  	v31 =	vld [tilespmem:s0+$0xFFFFFFF0];
	[tilespmem:s0+$0xFFFFFFB0] =	vst v28;
	v28 =	vmax.f32 v53, $0.0e+00  }
0x246: {  	v57 =	vld [tilespmem:s0+$0x30];
	[tilespmem:s0+$0xFFFFFFC0] =	vst v28;
	v28 =	vmax.f32 v55, $0.0e+00  }
0x247: {  	v58 =	vld [tilespmem:s0+$0x40];
	[tilespmem:s0+$0x0] =	vst v28;
	v28 =	vmax.f32 v54, $0.0e+00  }
0x248: {  	v60 =	vld [tilespmem:s0+$0x90];
	[tilespmem:s0+$0xFFFFFFD0] =	vst v28;
	v28 =	vmax.f32 v29, $0.0e+00  }
0x249: {  	v29 =	vld [tilespmem:s0+$0x60];
	[tilespmem:s0+$0x10] =	vst v28;
	v28 =	vmax.f32 v30, $0.0e+00  }
0x24a: {  	v30 =	vld [tilespmem:s0+$0x80];
	[tilespmem:s0+$0xFFFFFFE0] =	vst v28;
	v28 =	vmax.f32 v31, $0.0e+00  }
0x24b: {  	v31 =	vld [tilespmem:s0+$0x70];
	[tilespmem:s0+$0xFFFFFFF0] =	vst v28;
	v28 =	vmax.f32 v56, $0.0e+00  }
0x24c: {  	[tilespmem:s0+$0x20] =	vst v28;
	v28 =	vmax.f32 v57, $0.0e+00  }
0x24d: {  	v61 =	vld [tilespmem:s0+$0xA0];
	[tilespmem:s0+$0x30] =	vst v28;
	v28 =	vmax.f32 v58, $0.0e+00  }
0x24e: {  	v33 =	vmax.f32 v60, $0.0e+00;
	[tilespmem:s0+$0x40] =	vst v28;
	v28 =	vld [tilespmem:s0+$0xB0]  }
0x24f: {  	[tilespmem:s0+$0x90] =	vst v33;
	v62 =	vmax.f32 v29, $0.0e+00;
	v29 =	vld [tilespmem:s0+$0xC0]  }
0x250: {  	[tilespmem:s0+$0x60] =	vst v62;
	v63 =	vmax.f32 v30, $0.0e+00;
	v30 =	vld [tilespmem:s0+$0xD0];
	v31 =	vmax.f32 v31, $0.0e+00  }
0x251: {  	[tilespmem:s0+$0x70] =	vst v31;
	v31 =	vld [tilespmem:s0+$0xE0]  }
0x252: {  	s13 =	simm.s32 $0x0;
	s14 =	simm.s32 $0x5680;
	v32 =	vld [tilespmem:s0+$0xFFFFFF00];
	v33 =	vmax.f32 v61, $0.0e+00;
	[tilespmem:s0+$0x80] =	vst v63  }
.LBB2_16:
0x253: {  	v34 =	vld [tilespmem:s14+$0xF0];
	s13 =	sadd.s32 $0x4, s13;
	[tilespmem:s0+$0xA0] =	vst v33;
	v28 =	vmax.f32 v28, $0.0e+00  }
0x254: {  	v33 =	vld [tilespmem:s14+$0xFFFFFF10];
	p0 =	slt.u32 s13, $0x4C;
	[tilespmem:s0+$0xB0] =	vst v28;
	v28 =	vmax.f32 v29, $0.0e+00  }
0x255: {  	v29 =	vld [tilespmem:s14+$0xFFFFFF20];
	[tilespmem:s0+$0xC0] =	vst v28;
	v28 =	vmax.f32 v30, $0.0e+00  }
0x256: {  	v30 =	vld [tilespmem:s14+$0xFFFFFF30];
	[tilespmem:s0+$0xD0] =	vst v28;
	v28 =	vmax.f32 v31, $0.0e+00  }
0x257: {  	v31 =	vld [tilespmem:s14+$0xFFFFFF40];
	v32 =	vmax.f32 v32, $0.0e+00;
	[tilespmem:s0+$0xE0] =	vst v28  }
0x258: {  	v28 =	vld [tilespmem:s14+$0xFFFFFF50];
	v34 =	vmax.f32 v34, $0.0e+00;
	[tilespmem:s0+$0xFFFFFF00] =	vst v32;
	s0 =	smov.u32 s14  }
0x259: {  	v32 =	vmax.f32 v33, $0.0e+00;
	v33 =	vld [tilespmem:s14+$0xFFFFFF60];
	[tilespmem:s14+$0xF0] =	vst v34  }
0x25a: {  	[tilespmem:s14+$0xFFFFFF10] =	vst v32;
	v29 =	vmax.f32 v29, $0.0e+00;
	v32 =	vld [tilespmem:s14+$0xFFFFFF70]  }
0x25b: {  	[tilespmem:s14+$0xFFFFFF20] =	vst v29;
	v29 =	vmax.f32 v30, $0.0e+00;
	v30 =	vld [tilespmem:s14+$0xFFFFFF80]  }
0x25c: {  	[tilespmem:s14+$0xFFFFFF30] =	vst v29;
	v29 =	vmax.f32 v31, $0.0e+00;
	v31 =	vld [tilespmem:s14+$0xFFFFFF90]  }
0x25d: {  	[tilespmem:s14+$0xFFFFFF40] =	vst v29;
	v28 =	vmax.f32 v28, $0.0e+00;
	v29 =	vld [tilespmem:s14+$0xFFFFFFA0]  }
0x25e: {  	[tilespmem:s14+$0xFFFFFF50] =	vst v28;
	v28 =	vmax.f32 v33, $0.0e+00;
	v33 =	vld [tilespmem:s14+$0xFFFFFFB0]  }
0x25f: {  	[tilespmem:s14+$0xFFFFFF60] =	vst v28;
	v28 =	vmax.f32 v32, $0.0e+00;
	v32 =	vld [tilespmem:s14+$0xFFFFFFC0]  }
0x260: {  	[tilespmem:s14+$0xFFFFFF70] =	vst v28;
	v28 =	vmax.f32 v30, $0.0e+00;
	v30 =	vld [tilespmem:s14+$0xFFFFFFD0]  }
0x261: {  	[tilespmem:s14+$0xFFFFFF80] =	vst v28;
	v28 =	vmax.f32 v31, $0.0e+00;
	v31 =	vld [tilespmem:s14+$0xFFFFFFE0]  }
0x262: {  	[tilespmem:s14+$0xFFFFFF90] =	vst v28;
	v28 =	vmax.f32 v29, $0.0e+00;
	v29 =	vld [tilespmem:s14+$0xFFFFFFF0]  }
0x263: {  	[tilespmem:s14+$0xFFFFFFA0] =	vst v28;
	v28 =	vmax.f32 v33, $0.0e+00;
	v33 =	vld [tilespmem:s14+$0x0]  }
0x264: {  	[tilespmem:s14+$0xFFFFFFB0] =	vst v28;
	v28 =	vmax.f32 v32, $0.0e+00;
	v32 =	vld [tilespmem:s14+$0x10]  }
0x265: {  	[tilespmem:s14+$0xFFFFFFC0] =	vst v28;
	v28 =	vmax.f32 v30, $0.0e+00;
	v30 =	vld [tilespmem:s14+$0x20]  }
0x266: {  	[tilespmem:s14+$0xFFFFFFD0] =	vst v28;
	v28 =	vmax.f32 v31, $0.0e+00;
	v31 =	vld [tilespmem:s14+$0x30]  }
0x267: {  	[tilespmem:s14+$0xFFFFFFE0] =	vst v28;
	v28 =	vmax.f32 v29, $0.0e+00;
	v29 =	vld [tilespmem:s14+$0x40]  }
0x268: {  	[tilespmem:s14+$0xFFFFFFF0] =	vst v28;
	v28 =	vmax.f32 v33, $0.0e+00;
	v33 =	vld [tilespmem:s14+$0x50]  }
0x269: {  	[tilespmem:s14+$0x0] =	vst v28;
	v28 =	vmax.f32 v32, $0.0e+00;
	v32 =	vld [tilespmem:s14+$0x60]  }
0x26a: {  	[tilespmem:s14+$0x10] =	vst v28;
	v28 =	vmax.f32 v30, $0.0e+00;
	v30 =	vld [tilespmem:s14+$0x70]  }
0x26b: {  	[tilespmem:s14+$0x20] =	vst v28;
	v28 =	vmax.f32 v31, $0.0e+00;
	v31 =	vld [tilespmem:s14+$0x80]  }
0x26c: {  	[tilespmem:s14+$0x30] =	vst v28;
	v28 =	vmax.f32 v29, $0.0e+00;
	v34 =	vld [tilespmem:s14+$0x90]  }
0x26d: {  	[tilespmem:s14+$0x40] =	vst v28;
	v28 =	vmax.f32 v33, $0.0e+00;
	v33 =	vld [tilespmem:s14+$0xA0]  }
.Ltmp7:
0x26e: {  	[tilespmem:s14+$0x50] =	vst v28;
	v29 =	vmax.f32 v32, $0.0e+00;
	v28 =	vld [tilespmem:s14+$0xB0];
	(pc) =	sbr.rel @p0 .LBB2_16-.Ltmp7, $4  }
0x26f: {  	[tilespmem:s14+$0x60] =	vst v29;
	v30 =	vmax.f32 v30, $0.0e+00;
	v29 =	vld [tilespmem:s14+$0xC0]  }
0x270: {  	[tilespmem:s14+$0x70] =	vst v30;
	v31 =	vmax.f32 v31, $0.0e+00;
	v30 =	vld [tilespmem:s14+$0xD0]  }
0x271: {  	[tilespmem:s14+$0x80] =	vst v31;
	v34 =	vmax.f32 v34, $0.0e+00;
	v31 =	vld [tilespmem:s14+$0xE0]  }
0x272: {  	s14 =	sadd.s32 $0x200, s14;
	v32 =	vld [tilespmem:s0+$0xFFFFFF00];
	[tilespmem:s0+$0x90] =	vst v34;
	v33 =	vmax.f32 v33, $0.0e+00  }
0x273: {  	[tilespmem:s0+$0xA0] =	vst v33;
	v28 =	vmax.f32 v28, $0.0e+00  }
0x274: {  	[tilespmem:s0+$0xB0] =	vst v28;
	v28 =	vmax.f32 v29, $0.0e+00  }
0x275: {  	[tilespmem:s0+$0xC0] =	vst v28;
	v28 =	vmax.f32 v30, $0.0e+00  }
0x276: {  	[tilespmem:s0+$0xD0] =	vst v28;
	v28 =	vmax.f32 v31, $0.0e+00  }
0x277: {  	v29 =	vmax.f32 v32, $0.0e+00;
	[tilespmem:s0+$0xE0] =	vst v28  }
0x278: {  	[tilespmem:s0+$0xFFFFFF00] =	vst v29  }
0x279: {  	_ =	swait.ge [sflag:s21], $0x50  }
0x27a: {  	[sflag:s21] =	ssyncset.done $0x0  }
0x27b: {  	[sflag:s21] =	ssyncadd.s32 $0xFFFFFFB0  }
0x27c: {  	[spmem:s3] =	stream.indirect.scatter.add.f32 [tilespmem:s10], [sflag:$0xB], $0x80, s11, s29, $0xb8;
	[tilespmem:$0x1E380] =	vst v63  }
0x27d: {  	_ =	swait.ge [sflag:s22], $0x2800  }
0x27e: {  	[sflag:s22] =	ssyncset.done $0x0  }
0x27f: {  	[sflag:s22] =	ssyncadd.s32 $0xFFFFD800  }
0x280: {  	[tilespmem:$0x2800] =	vst v21  }
0x281: {  	[tilespmem:$0x2810] =	vst v22  }
0x282: {  	[tilespmem:$0x2820] =	vst v23  }
0x283: {  	[tilespmem:$0x2830] =	vst v24  }
0x284: {  	s14 =	simm.s32 $0x2800;
	[tilespmem:$0x2840] =	vst v25  }
0x285: {  	[tilespmem:s10], [sflag:$0x5] =	stream.indirect.gather [hbm4b:s8+s29], $0x80, s14, s29, $0xb8;
	[tilespmem:$0x1E380] =	vst v63  }
0x286: {  	s25 =	rddreg [dreg:$0xd]  }
0x287: {  	[tilespmem:s11], [sflag:$0x8] =	stream.linear.gather [hbm4b:s25+s6], $0x50, $0x38;
	[tilespmem:$0x1E380] =	vst v63  }
0x288: {  	_ =	swait.ge [sflag:s12], $0x2800  }
0x289: {  	[sflag:s12] =	ssyncset.done $0x0  }
0x28a: {  	s26 =	simm.s32 $0x2670;
	[sflag:s12] =	ssyncadd.s32 $0xFFFFD800  }
0x28b: {  	[tilespmem:s31], [sflag:$0x1] =	stream.indirect.gather.add.f32 [hbm:s2], $0x80, s26, s29, $0xb8;
	[tilespmem:$0x1E380] =	vst v63  }
0x28c: {  	_ =	swait.ge [sflag:s23], $0x2800  }
0x28d: {  	[sflag:s23] =	ssyncset.done $0x0  }
0x28e: {  	s0 =	simm.s32 $0x7C80;
	[sflag:s23] =	ssyncadd.s32 $0xFFFFD800  }
0x28f: {  	v28 =	vld [tilespmem:s0+$0xFFFFFF10]  }
0x290: {  	v29 =	vld [tilespmem:s0+$0xFFFFFF20]  }
0x291: {  	v34 =	vld [tilespmem:s0+$0xF0]  }
0x292: {  	v30 =	vld [tilespmem:s0+$0xFFFFFF30]  }
0x293: {  	v59 =	vld [tilespmem:s0+$0x50]  }
0x294: {  	v35 =	vld [tilespmem:s0+$0xFFFFFF80]  }
0x295: {  	v31 =	vld [tilespmem:s0+$0xFFFFFF40];
	v28 =	vmax.f32 v28, $0.0e+00  }
0x296: {  	v36 =	vld [tilespmem:s0+$0xFFFFFF90];
	v34 =	vmax.f32 v34, $0.0e+00;
	[tilespmem:s0+$0xFFFFFF10] =	vst v28  }
0x297: {  	v51 =	vld [tilespmem:s0+$0xFFFFFF50];
	v29 =	vmax.f32 v29, $0.0e+00;
	[tilespmem:s0+$0xF0] =	vst v34  }
0x298: {  	v52 =	vld [tilespmem:s0+$0xFFFFFF60];
	v32 =	vmax.f32 v59, $0.0e+00;
	[tilespmem:s0+$0xFFFFFF20] =	vst v29  }
0x299: {  	v37 =	vld [tilespmem:s0+$0xFFFFFFA0];
	v29 =	vmax.f32 v35, $0.0e+00;
	[tilespmem:s0+$0x50] =	vst v32  }
0x29a: {  	v28 =	vld [tilespmem:s0+$0xFFFFFF70];
	[tilespmem:s0+$0xFFFFFF80] =	vst v29;
	v29 =	vmax.f32 v30, $0.0e+00  }
0x29b: {  	v38 =	vld [tilespmem:s0+$0xFFFFFFB0];
	[tilespmem:s0+$0xFFFFFF30] =	vst v29;
	v29 =	vmax.f32 v36, $0.0e+00  }
0x29c: {  	v53 =	vld [tilespmem:s0+$0xFFFFFFC0];
	[tilespmem:s0+$0xFFFFFF90] =	vst v29;
	v29 =	vmax.f32 v31, $0.0e+00  }
0x29d: {  	v54 =	vld [tilespmem:s0+$0xFFFFFFD0];
	[tilespmem:s0+$0xFFFFFF40] =	vst v29;
	v29 =	vmax.f32 v51, $0.0e+00  }
0x29e: {  	v55 =	vld [tilespmem:s0+$0x0];
	[tilespmem:s0+$0xFFFFFF50] =	vst v29;
	v29 =	vmax.f32 v52, $0.0e+00  }
0x29f: {  	v56 =	vld [tilespmem:s0+$0x20];
	v28 =	vmax.f32 v28, $0.0e+00;
	[tilespmem:s0+$0xFFFFFF60] =	vst v29  }
0x2a0: {  	v29 =	vld [tilespmem:s0+$0x10];
	[tilespmem:s0+$0xFFFFFF70] =	vst v28;
	v28 =	vmax.f32 v37, $0.0e+00  }
0x2a1: {  	v30 =	vld [tilespmem:s0+$0xFFFFFFE0];
	[tilespmem:s0+$0xFFFFFFA0] =	vst v28;
	v28 =	vmax.f32 v38, $0.0e+00  }
0x2a2: {  	v31 =	vld [tilespmem:s0+$0xFFFFFFF0];
	[tilespmem:s0+$0xFFFFFFB0] =	vst v28;
	v28 =	vmax.f32 v53, $0.0e+00  }
0x2a3: {  	v57 =	vld [tilespmem:s0+$0x30];
	[tilespmem:s0+$0xFFFFFFC0] =	vst v28;
	v28 =	vmax.f32 v55, $0.0e+00  }
0x2a4: {  	v58 =	vld [tilespmem:s0+$0x40];
	[tilespmem:s0+$0x0] =	vst v28;
	v28 =	vmax.f32 v54, $0.0e+00  }
0x2a5: {  	v60 =	vld [tilespmem:s0+$0x90];
	[tilespmem:s0+$0xFFFFFFD0] =	vst v28;
	v28 =	vmax.f32 v29, $0.0e+00  }
0x2a6: {  	v29 =	vld [tilespmem:s0+$0x60];
	[tilespmem:s0+$0x10] =	vst v28;
	v28 =	vmax.f32 v30, $0.0e+00  }
0x2a7: {  	v30 =	vld [tilespmem:s0+$0x80];
	[tilespmem:s0+$0xFFFFFFE0] =	vst v28;
	v28 =	vmax.f32 v31, $0.0e+00  }
0x2a8: {  	v31 =	vld [tilespmem:s0+$0x70];
	[tilespmem:s0+$0xFFFFFFF0] =	vst v28;
	v28 =	vmax.f32 v56, $0.0e+00  }
0x2a9: {  	[tilespmem:s0+$0x20] =	vst v28;
	v28 =	vmax.f32 v57, $0.0e+00  }
0x2aa: {  	v61 =	vld [tilespmem:s0+$0xA0];
	[tilespmem:s0+$0x30] =	vst v28;
	v28 =	vmax.f32 v58, $0.0e+00  }
0x2ab: {  	v33 =	vmax.f32 v60, $0.0e+00;
	[tilespmem:s0+$0x40] =	vst v28;
	v28 =	vld [tilespmem:s0+$0xB0]  }
0x2ac: {  	[tilespmem:s0+$0x90] =	vst v33;
	v62 =	vmax.f32 v29, $0.0e+00;
	v29 =	vld [tilespmem:s0+$0xC0]  }
0x2ad: {  	[tilespmem:s0+$0x60] =	vst v62;
	v63 =	vmax.f32 v30, $0.0e+00;
	v30 =	vld [tilespmem:s0+$0xD0];
	v31 =	vmax.f32 v31, $0.0e+00  }
0x2ae: {  	[tilespmem:s0+$0x70] =	vst v31;
	v31 =	vld [tilespmem:s0+$0xE0]  }
0x2af: {  	s13 =	simm.s32 $0x0;
	s14 =	simm.s32 $0x7E80;
	v32 =	vld [tilespmem:s0+$0xFFFFFF00];
	v33 =	vmax.f32 v61, $0.0e+00;
	[tilespmem:s0+$0x80] =	vst v63  }
.LBB2_18:
0x2b0: {  	v34 =	vld [tilespmem:s14+$0xF0];
	s13 =	sadd.s32 $0x4, s13;
	[tilespmem:s0+$0xA0] =	vst v33;
	v28 =	vmax.f32 v28, $0.0e+00  }
0x2b1: {  	v33 =	vld [tilespmem:s14+$0xFFFFFF10];
	p0 =	slt.u32 s13, $0x4C;
	[tilespmem:s0+$0xB0] =	vst v28;
	v28 =	vmax.f32 v29, $0.0e+00  }
0x2b2: {  	v29 =	vld [tilespmem:s14+$0xFFFFFF20];
	[tilespmem:s0+$0xC0] =	vst v28;
	v28 =	vmax.f32 v30, $0.0e+00  }
0x2b3: {  	v30 =	vld [tilespmem:s14+$0xFFFFFF30];
	[tilespmem:s0+$0xD0] =	vst v28;
	v28 =	vmax.f32 v31, $0.0e+00  }
0x2b4: {  	v31 =	vld [tilespmem:s14+$0xFFFFFF40];
	v32 =	vmax.f32 v32, $0.0e+00;
	[tilespmem:s0+$0xE0] =	vst v28  }
0x2b5: {  	v28 =	vld [tilespmem:s14+$0xFFFFFF50];
	v34 =	vmax.f32 v34, $0.0e+00;
	[tilespmem:s0+$0xFFFFFF00] =	vst v32;
	s0 =	smov.u32 s14  }
0x2b6: {  	v32 =	vmax.f32 v33, $0.0e+00;
	v33 =	vld [tilespmem:s14+$0xFFFFFF60];
	[tilespmem:s14+$0xF0] =	vst v34  }
0x2b7: {  	[tilespmem:s14+$0xFFFFFF10] =	vst v32;
	v29 =	vmax.f32 v29, $0.0e+00;
	v32 =	vld [tilespmem:s14+$0xFFFFFF70]  }
0x2b8: {  	[tilespmem:s14+$0xFFFFFF20] =	vst v29;
	v29 =	vmax.f32 v30, $0.0e+00;
	v30 =	vld [tilespmem:s14+$0xFFFFFF80]  }
0x2b9: {  	[tilespmem:s14+$0xFFFFFF30] =	vst v29;
	v29 =	vmax.f32 v31, $0.0e+00;
	v31 =	vld [tilespmem:s14+$0xFFFFFF90]  }
0x2ba: {  	[tilespmem:s14+$0xFFFFFF40] =	vst v29;
	v28 =	vmax.f32 v28, $0.0e+00;
	v29 =	vld [tilespmem:s14+$0xFFFFFFA0]  }
0x2bb: {  	[tilespmem:s14+$0xFFFFFF50] =	vst v28;
	v28 =	vmax.f32 v33, $0.0e+00;
	v33 =	vld [tilespmem:s14+$0xFFFFFFB0]  }
0x2bc: {  	[tilespmem:s14+$0xFFFFFF60] =	vst v28;
	v28 =	vmax.f32 v32, $0.0e+00;
	v32 =	vld [tilespmem:s14+$0xFFFFFFC0]  }
0x2bd: {  	[tilespmem:s14+$0xFFFFFF70] =	vst v28;
	v28 =	vmax.f32 v30, $0.0e+00;
	v30 =	vld [tilespmem:s14+$0xFFFFFFD0]  }
0x2be: {  	[tilespmem:s14+$0xFFFFFF80] =	vst v28;
	v28 =	vmax.f32 v31, $0.0e+00;
	v31 =	vld [tilespmem:s14+$0xFFFFFFE0]  }
0x2bf: {  	[tilespmem:s14+$0xFFFFFF90] =	vst v28;
	v28 =	vmax.f32 v29, $0.0e+00;
	v29 =	vld [tilespmem:s14+$0xFFFFFFF0]  }
0x2c0: {  	[tilespmem:s14+$0xFFFFFFA0] =	vst v28;
	v28 =	vmax.f32 v33, $0.0e+00;
	v33 =	vld [tilespmem:s14+$0x0]  }
0x2c1: {  	[tilespmem:s14+$0xFFFFFFB0] =	vst v28;
	v28 =	vmax.f32 v32, $0.0e+00;
	v32 =	vld [tilespmem:s14+$0x10]  }
0x2c2: {  	[tilespmem:s14+$0xFFFFFFC0] =	vst v28;
	v28 =	vmax.f32 v30, $0.0e+00;
	v30 =	vld [tilespmem:s14+$0x20]  }
0x2c3: {  	[tilespmem:s14+$0xFFFFFFD0] =	vst v28;
	v28 =	vmax.f32 v31, $0.0e+00;
	v31 =	vld [tilespmem:s14+$0x30]  }
0x2c4: {  	[tilespmem:s14+$0xFFFFFFE0] =	vst v28;
	v28 =	vmax.f32 v29, $0.0e+00;
	v29 =	vld [tilespmem:s14+$0x40]  }
0x2c5: {  	[tilespmem:s14+$0xFFFFFFF0] =	vst v28;
	v28 =	vmax.f32 v33, $0.0e+00;
	v33 =	vld [tilespmem:s14+$0x50]  }
0x2c6: {  	[tilespmem:s14+$0x0] =	vst v28;
	v28 =	vmax.f32 v32, $0.0e+00;
	v32 =	vld [tilespmem:s14+$0x60]  }
0x2c7: {  	[tilespmem:s14+$0x10] =	vst v28;
	v28 =	vmax.f32 v30, $0.0e+00;
	v30 =	vld [tilespmem:s14+$0x70]  }
0x2c8: {  	[tilespmem:s14+$0x20] =	vst v28;
	v28 =	vmax.f32 v31, $0.0e+00;
	v31 =	vld [tilespmem:s14+$0x80]  }
0x2c9: {  	[tilespmem:s14+$0x30] =	vst v28;
	v28 =	vmax.f32 v29, $0.0e+00;
	v34 =	vld [tilespmem:s14+$0x90]  }
0x2ca: {  	[tilespmem:s14+$0x40] =	vst v28;
	v28 =	vmax.f32 v33, $0.0e+00;
	v33 =	vld [tilespmem:s14+$0xA0]  }
.Ltmp8:
0x2cb: {  	[tilespmem:s14+$0x50] =	vst v28;
	v29 =	vmax.f32 v32, $0.0e+00;
	v28 =	vld [tilespmem:s14+$0xB0];
	(pc) =	sbr.rel @p0 .LBB2_18-.Ltmp8, $4  }
0x2cc: {  	[tilespmem:s14+$0x60] =	vst v29;
	v30 =	vmax.f32 v30, $0.0e+00;
	v29 =	vld [tilespmem:s14+$0xC0]  }
0x2cd: {  	[tilespmem:s14+$0x70] =	vst v30;
	v31 =	vmax.f32 v31, $0.0e+00;
	v30 =	vld [tilespmem:s14+$0xD0]  }
0x2ce: {  	[tilespmem:s14+$0x80] =	vst v31;
	v34 =	vmax.f32 v34, $0.0e+00;
	v31 =	vld [tilespmem:s14+$0xE0]  }
0x2cf: {  	s14 =	sadd.s32 $0x200, s14;
	v32 =	vld [tilespmem:s0+$0xFFFFFF00];
	[tilespmem:s0+$0x90] =	vst v34;
	v33 =	vmax.f32 v33, $0.0e+00  }
0x2d0: {  	[tilespmem:s0+$0xA0] =	vst v33;
	v28 =	vmax.f32 v28, $0.0e+00  }
0x2d1: {  	[tilespmem:s0+$0xB0] =	vst v28;
	v28 =	vmax.f32 v29, $0.0e+00  }
0x2d2: {  	[tilespmem:s0+$0xC0] =	vst v28;
	v28 =	vmax.f32 v30, $0.0e+00  }
0x2d3: {  	[tilespmem:s0+$0xD0] =	vst v28;
	v28 =	vmax.f32 v31, $0.0e+00  }
0x2d4: {  	v29 =	vmax.f32 v32, $0.0e+00;
	[tilespmem:s0+$0xE0] =	vst v28  }
0x2d5: {  	[tilespmem:s0+$0xFFFFFF00] =	vst v29  }
0x2d6: {  	_ =	swait.ge [sflag:s24], $0x50  }
0x2d7: {  	[sflag:s24] =	ssyncset.done $0x0  }
0x2d8: {  	[sflag:s24] =	ssyncadd.s32 $0xFFFFFFB0  }
0x2d9: {  	[spmem:s3] =	stream.indirect.scatter.add.f32 [tilespmem:s28], [sflag:$0xC], $0x80, s30, s29, $0xb8;
	[tilespmem:$0x1E380] =	vst v63  }
0x2da: {  	_ =	swait.ge [sflag:s9], $0x2800  }
0x2db: {  	[sflag:s9] =	ssyncset.done $0x0  }
0x2dc: {  	[sflag:s9] =	ssyncadd.s32 $0xFFFFD800  }
0x2dd: {  	_ =	swait.ge [sflag:s15], $0x2800  }
0x2de: {  	[sflag:s15] =	ssyncset.done $0x0  }
0x2df: {  	s26 =	simm.s32 $0x26C0;
	[sflag:s15] =	ssyncadd.s32 $0xFFFFD800  }
0x2e0: {  	[tilespmem:s10], [sflag:$0x2] =	stream.indirect.gather.add.f32 [hbm:s2], $0x80, s26, s29, $0xb8;
	[tilespmem:$0x1E380] =	vst v63  }
0x2e1: {  	_ =	swait.ge [sflag:s16], $0x2800  }
0x2e2: {  	[sflag:s16] =	ssyncset.done $0x0  }
0x2e3: {  	s0 =	simm.s32 $0x2C80;
	[sflag:s16] =	ssyncadd.s32 $0xFFFFD800  }
0x2e4: {  	v28 =	vld [tilespmem:s0+$0xFFFFFF10]  }
0x2e5: {  	v29 =	vld [tilespmem:s0+$0xFFFFFF20]  }
0x2e6: {  	v34 =	vld [tilespmem:s0+$0xF0]  }
0x2e7: {  	v30 =	vld [tilespmem:s0+$0xFFFFFF30]  }
0x2e8: {  	v59 =	vld [tilespmem:s0+$0x50]  }
0x2e9: {  	v35 =	vld [tilespmem:s0+$0xFFFFFF80]  }
0x2ea: {  	v31 =	vld [tilespmem:s0+$0xFFFFFF40];
	v28 =	vmax.f32 v28, $0.0e+00  }
0x2eb: {  	v36 =	vld [tilespmem:s0+$0xFFFFFF90];
	v34 =	vmax.f32 v34, $0.0e+00;
	[tilespmem:s0+$0xFFFFFF10] =	vst v28  }
0x2ec: {  	v51 =	vld [tilespmem:s0+$0xFFFFFF50];
	v29 =	vmax.f32 v29, $0.0e+00;
	[tilespmem:s0+$0xF0] =	vst v34  }
0x2ed: {  	v52 =	vld [tilespmem:s0+$0xFFFFFF60];
	v32 =	vmax.f32 v59, $0.0e+00;
	[tilespmem:s0+$0xFFFFFF20] =	vst v29  }
0x2ee: {  	v37 =	vld [tilespmem:s0+$0xFFFFFFA0];
	v29 =	vmax.f32 v35, $0.0e+00;
	[tilespmem:s0+$0x50] =	vst v32  }
0x2ef: {  	v28 =	vld [tilespmem:s0+$0xFFFFFF70];
	[tilespmem:s0+$0xFFFFFF80] =	vst v29;
	v29 =	vmax.f32 v30, $0.0e+00  }
0x2f0: {  	v38 =	vld [tilespmem:s0+$0xFFFFFFB0];
	[tilespmem:s0+$0xFFFFFF30] =	vst v29;
	v29 =	vmax.f32 v36, $0.0e+00  }
0x2f1: {  	v53 =	vld [tilespmem:s0+$0xFFFFFFC0];
	[tilespmem:s0+$0xFFFFFF90] =	vst v29;
	v29 =	vmax.f32 v31, $0.0e+00  }
0x2f2: {  	v54 =	vld [tilespmem:s0+$0xFFFFFFD0];
	[tilespmem:s0+$0xFFFFFF40] =	vst v29;
	v29 =	vmax.f32 v51, $0.0e+00  }
0x2f3: {  	v55 =	vld [tilespmem:s0+$0x0];
	[tilespmem:s0+$0xFFFFFF50] =	vst v29;
	v29 =	vmax.f32 v52, $0.0e+00  }
0x2f4: {  	v56 =	vld [tilespmem:s0+$0x20];
	v28 =	vmax.f32 v28, $0.0e+00;
	[tilespmem:s0+$0xFFFFFF60] =	vst v29  }
0x2f5: {  	v29 =	vld [tilespmem:s0+$0x10];
	[tilespmem:s0+$0xFFFFFF70] =	vst v28;
	v28 =	vmax.f32 v37, $0.0e+00  }
0x2f6: {  	v30 =	vld [tilespmem:s0+$0xFFFFFFE0];
	[tilespmem:s0+$0xFFFFFFA0] =	vst v28;
	v28 =	vmax.f32 v38, $0.0e+00  }
0x2f7: {  	v31 =	vld [tilespmem:s0+$0xFFFFFFF0];
	[tilespmem:s0+$0xFFFFFFB0] =	vst v28;
	v28 =	vmax.f32 v53, $0.0e+00  }
0x2f8: {  	v57 =	vld [tilespmem:s0+$0x30];
	[tilespmem:s0+$0xFFFFFFC0] =	vst v28;
	v28 =	vmax.f32 v55, $0.0e+00  }
0x2f9: {  	v58 =	vld [tilespmem:s0+$0x40];
	[tilespmem:s0+$0x0] =	vst v28;
	v28 =	vmax.f32 v54, $0.0e+00  }
0x2fa: {  	v60 =	vld [tilespmem:s0+$0x90];
	[tilespmem:s0+$0xFFFFFFD0] =	vst v28;
	v28 =	vmax.f32 v29, $0.0e+00  }
0x2fb: {  	v29 =	vld [tilespmem:s0+$0x60];
	[tilespmem:s0+$0x10] =	vst v28;
	v28 =	vmax.f32 v30, $0.0e+00  }
0x2fc: {  	v30 =	vld [tilespmem:s0+$0x80];
	[tilespmem:s0+$0xFFFFFFE0] =	vst v28;
	v28 =	vmax.f32 v31, $0.0e+00  }
0x2fd: {  	v31 =	vld [tilespmem:s0+$0x70];
	[tilespmem:s0+$0xFFFFFFF0] =	vst v28;
	v28 =	vmax.f32 v56, $0.0e+00  }
0x2fe: {  	[tilespmem:s0+$0x20] =	vst v28;
	v28 =	vmax.f32 v57, $0.0e+00  }
0x2ff: {  	v61 =	vld [tilespmem:s0+$0xA0];
	[tilespmem:s0+$0x30] =	vst v28;
	v28 =	vmax.f32 v58, $0.0e+00  }
0x300: {  	v33 =	vmax.f32 v60, $0.0e+00;
	[tilespmem:s0+$0x40] =	vst v28;
	v28 =	vld [tilespmem:s0+$0xB0]  }
0x301: {  	[tilespmem:s0+$0x90] =	vst v33;
	v62 =	vmax.f32 v29, $0.0e+00;
	v29 =	vld [tilespmem:s0+$0xC0]  }
0x302: {  	[tilespmem:s0+$0x60] =	vst v62;
	v63 =	vmax.f32 v30, $0.0e+00;
	v30 =	vld [tilespmem:s0+$0xD0];
	v31 =	vmax.f32 v31, $0.0e+00  }
0x303: {  	[tilespmem:s0+$0x70] =	vst v31;
	v31 =	vld [tilespmem:s0+$0xE0]  }
0x304: {  	s13 =	simm.s32 $0x0;
	s14 =	simm.s32 $0x2E80;
	v32 =	vld [tilespmem:s0+$0xFFFFFF00];
	v33 =	vmax.f32 v61, $0.0e+00;
	[tilespmem:s0+$0x80] =	vst v63  }
.LBB2_20:
0x305: {  	v34 =	vld [tilespmem:s14+$0xF0];
	s13 =	sadd.s32 $0x4, s13;
	[tilespmem:s0+$0xA0] =	vst v33;
	v28 =	vmax.f32 v28, $0.0e+00  }
0x306: {  	v33 =	vld [tilespmem:s14+$0xFFFFFF10];
	p0 =	slt.u32 s13, $0x4C;
	[tilespmem:s0+$0xB0] =	vst v28;
	v28 =	vmax.f32 v29, $0.0e+00  }
0x307: {  	v29 =	vld [tilespmem:s14+$0xFFFFFF20];
	[tilespmem:s0+$0xC0] =	vst v28;
	v28 =	vmax.f32 v30, $0.0e+00  }
0x308: {  	v30 =	vld [tilespmem:s14+$0xFFFFFF30];
	[tilespmem:s0+$0xD0] =	vst v28;
	v28 =	vmax.f32 v31, $0.0e+00  }
0x309: {  	v31 =	vld [tilespmem:s14+$0xFFFFFF40];
	v32 =	vmax.f32 v32, $0.0e+00;
	[tilespmem:s0+$0xE0] =	vst v28  }
0x30a: {  	v28 =	vld [tilespmem:s14+$0xFFFFFF50];
	v34 =	vmax.f32 v34, $0.0e+00;
	[tilespmem:s0+$0xFFFFFF00] =	vst v32;
	s0 =	smov.u32 s14  }
0x30b: {  	v32 =	vmax.f32 v33, $0.0e+00;
	v33 =	vld [tilespmem:s14+$0xFFFFFF60];
	[tilespmem:s14+$0xF0] =	vst v34  }
0x30c: {  	[tilespmem:s14+$0xFFFFFF10] =	vst v32;
	v29 =	vmax.f32 v29, $0.0e+00;
	v32 =	vld [tilespmem:s14+$0xFFFFFF70]  }
0x30d: {  	[tilespmem:s14+$0xFFFFFF20] =	vst v29;
	v29 =	vmax.f32 v30, $0.0e+00;
	v30 =	vld [tilespmem:s14+$0xFFFFFF80]  }
0x30e: {  	[tilespmem:s14+$0xFFFFFF30] =	vst v29;
	v29 =	vmax.f32 v31, $0.0e+00;
	v31 =	vld [tilespmem:s14+$0xFFFFFF90]  }
0x30f: {  	[tilespmem:s14+$0xFFFFFF40] =	vst v29;
	v28 =	vmax.f32 v28, $0.0e+00;
	v29 =	vld [tilespmem:s14+$0xFFFFFFA0]  }
0x310: {  	[tilespmem:s14+$0xFFFFFF50] =	vst v28;
	v28 =	vmax.f32 v33, $0.0e+00;
	v33 =	vld [tilespmem:s14+$0xFFFFFFB0]  }
0x311: {  	[tilespmem:s14+$0xFFFFFF60] =	vst v28;
	v28 =	vmax.f32 v32, $0.0e+00;
	v32 =	vld [tilespmem:s14+$0xFFFFFFC0]  }
0x312: {  	[tilespmem:s14+$0xFFFFFF70] =	vst v28;
	v28 =	vmax.f32 v30, $0.0e+00;
	v30 =	vld [tilespmem:s14+$0xFFFFFFD0]  }
0x313: {  	[tilespmem:s14+$0xFFFFFF80] =	vst v28;
	v28 =	vmax.f32 v31, $0.0e+00;
	v31 =	vld [tilespmem:s14+$0xFFFFFFE0]  }
0x314: {  	[tilespmem:s14+$0xFFFFFF90] =	vst v28;
	v28 =	vmax.f32 v29, $0.0e+00;
	v29 =	vld [tilespmem:s14+$0xFFFFFFF0]  }
0x315: {  	[tilespmem:s14+$0xFFFFFFA0] =	vst v28;
	v28 =	vmax.f32 v33, $0.0e+00;
	v33 =	vld [tilespmem:s14+$0x0]  }
0x316: {  	[tilespmem:s14+$0xFFFFFFB0] =	vst v28;
	v28 =	vmax.f32 v32, $0.0e+00;
	v32 =	vld [tilespmem:s14+$0x10]  }
0x317: {  	[tilespmem:s14+$0xFFFFFFC0] =	vst v28;
	v28 =	vmax.f32 v30, $0.0e+00;
	v30 =	vld [tilespmem:s14+$0x20]  }
0x318: {  	[tilespmem:s14+$0xFFFFFFD0] =	vst v28;
	v28 =	vmax.f32 v31, $0.0e+00;
	v31 =	vld [tilespmem:s14+$0x30]  }
0x319: {  	[tilespmem:s14+$0xFFFFFFE0] =	vst v28;
	v28 =	vmax.f32 v29, $0.0e+00;
	v29 =	vld [tilespmem:s14+$0x40]  }
0x31a: {  	[tilespmem:s14+$0xFFFFFFF0] =	vst v28;
	v28 =	vmax.f32 v33, $0.0e+00;
	v33 =	vld [tilespmem:s14+$0x50]  }
0x31b: {  	[tilespmem:s14+$0x0] =	vst v28;
	v28 =	vmax.f32 v32, $0.0e+00;
	v32 =	vld [tilespmem:s14+$0x60]  }
0x31c: {  	[tilespmem:s14+$0x10] =	vst v28;
	v28 =	vmax.f32 v30, $0.0e+00;
	v30 =	vld [tilespmem:s14+$0x70]  }
0x31d: {  	[tilespmem:s14+$0x20] =	vst v28;
	v28 =	vmax.f32 v31, $0.0e+00;
	v31 =	vld [tilespmem:s14+$0x80]  }
0x31e: {  	[tilespmem:s14+$0x30] =	vst v28;
	v28 =	vmax.f32 v29, $0.0e+00;
	v34 =	vld [tilespmem:s14+$0x90]  }
0x31f: {  	[tilespmem:s14+$0x40] =	vst v28;
	v28 =	vmax.f32 v33, $0.0e+00;
	v33 =	vld [tilespmem:s14+$0xA0]  }
.Ltmp9:
0x320: {  	[tilespmem:s14+$0x50] =	vst v28;
	v29 =	vmax.f32 v32, $0.0e+00;
	v28 =	vld [tilespmem:s14+$0xB0];
	(pc) =	sbr.rel @p0 .LBB2_20-.Ltmp9, $4  }
0x321: {  	[tilespmem:s14+$0x60] =	vst v29;
	v30 =	vmax.f32 v30, $0.0e+00;
	v29 =	vld [tilespmem:s14+$0xC0]  }
0x322: {  	[tilespmem:s14+$0x70] =	vst v30;
	v31 =	vmax.f32 v31, $0.0e+00;
	v30 =	vld [tilespmem:s14+$0xD0]  }
0x323: {  	[tilespmem:s14+$0x80] =	vst v31;
	v34 =	vmax.f32 v34, $0.0e+00;
	v31 =	vld [tilespmem:s14+$0xE0]  }
0x324: {  	s14 =	sadd.s32 $0x200, s14;
	v32 =	vld [tilespmem:s0+$0xFFFFFF00];
	[tilespmem:s0+$0x90] =	vst v34;
	v33 =	vmax.f32 v33, $0.0e+00  }
0x325: {  	[tilespmem:s0+$0xA0] =	vst v33;
	v28 =	vmax.f32 v28, $0.0e+00  }
0x326: {  	[tilespmem:s0+$0xB0] =	vst v28;
	v28 =	vmax.f32 v29, $0.0e+00  }
0x327: {  	[tilespmem:s0+$0xC0] =	vst v28;
	v28 =	vmax.f32 v30, $0.0e+00  }
0x328: {  	[tilespmem:s0+$0xD0] =	vst v28;
	v28 =	vmax.f32 v31, $0.0e+00  }
0x329: {  	v29 =	vmax.f32 v32, $0.0e+00;
	[tilespmem:s0+$0xE0] =	vst v28  }
0x32a: {  	[tilespmem:s0+$0xFFFFFF00] =	vst v29  }
0x32b: {  	_ =	swait.ge [sflag:s17], $0x50  }
0x32c: {  	[sflag:s17] =	ssyncset.done $0x0  }
0x32d: {  	[sflag:s17] =	ssyncadd.s32 $0xFFFFFFB0  }
0x32e: {  	[spmem:s3] =	stream.indirect.scatter.add.f32 [tilespmem:s31], [sflag:$0xA], $0x80, s1, s29, $0xb8;
	[tilespmem:$0x1E380] =	vst v63  }
0x32f: {  	_ =	swait.ge [sflag:s18], $0x2800  }
0x330: {  	[sflag:s18] =	ssyncset.done $0x0  }
0x331: {  	[sflag:s18] =	ssyncadd.s32 $0xFFFFD800  }
0x332: {  	_ =	swait.ge [sflag:s20], $0x2800  }
0x333: {  	[sflag:s20] =	ssyncset.done $0x0  }
0x334: {  	s0 =	simm.s32 $0x5480;
	[sflag:s20] =	ssyncadd.s32 $0xFFFFD800  }
0x335: {  	v28 =	vld [tilespmem:s0+$0xFFFFFF10]  }
0x336: {  	v29 =	vld [tilespmem:s0+$0xFFFFFF20]  }
0x337: {  	v34 =	vld [tilespmem:s0+$0xF0]  }
0x338: {  	v30 =	vld [tilespmem:s0+$0xFFFFFF30]  }
0x339: {  	v59 =	vld [tilespmem:s0+$0x50]  }
0x33a: {  	v35 =	vld [tilespmem:s0+$0xFFFFFF80]  }
0x33b: {  	v31 =	vld [tilespmem:s0+$0xFFFFFF40];
	v28 =	vmax.f32 v28, $0.0e+00  }
0x33c: {  	v36 =	vld [tilespmem:s0+$0xFFFFFF90];
	v34 =	vmax.f32 v34, $0.0e+00;
	[tilespmem:s0+$0xFFFFFF10] =	vst v28  }
0x33d: {  	v51 =	vld [tilespmem:s0+$0xFFFFFF50];
	v29 =	vmax.f32 v29, $0.0e+00;
	[tilespmem:s0+$0xF0] =	vst v34  }
0x33e: {  	v52 =	vld [tilespmem:s0+$0xFFFFFF60];
	v32 =	vmax.f32 v59, $0.0e+00;
	[tilespmem:s0+$0xFFFFFF20] =	vst v29  }
0x33f: {  	v37 =	vld [tilespmem:s0+$0xFFFFFFA0];
	v29 =	vmax.f32 v35, $0.0e+00;
	[tilespmem:s0+$0x50] =	vst v32  }
0x340: {  	v28 =	vld [tilespmem:s0+$0xFFFFFF70];
	[tilespmem:s0+$0xFFFFFF80] =	vst v29;
	v29 =	vmax.f32 v30, $0.0e+00  }
0x341: {  	v38 =	vld [tilespmem:s0+$0xFFFFFFB0];
	[tilespmem:s0+$0xFFFFFF30] =	vst v29;
	v29 =	vmax.f32 v36, $0.0e+00  }
0x342: {  	v53 =	vld [tilespmem:s0+$0xFFFFFFC0];
	[tilespmem:s0+$0xFFFFFF90] =	vst v29;
	v29 =	vmax.f32 v31, $0.0e+00  }
0x343: {  	v54 =	vld [tilespmem:s0+$0xFFFFFFD0];
	[tilespmem:s0+$0xFFFFFF40] =	vst v29;
	v29 =	vmax.f32 v51, $0.0e+00  }
0x344: {  	v55 =	vld [tilespmem:s0+$0x0];
	[tilespmem:s0+$0xFFFFFF50] =	vst v29;
	v29 =	vmax.f32 v52, $0.0e+00  }
0x345: {  	v56 =	vld [tilespmem:s0+$0x20];
	v28 =	vmax.f32 v28, $0.0e+00;
	[tilespmem:s0+$0xFFFFFF60] =	vst v29  }
0x346: {  	v29 =	vld [tilespmem:s0+$0x10];
	[tilespmem:s0+$0xFFFFFF70] =	vst v28;
	v28 =	vmax.f32 v37, $0.0e+00  }
0x347: {  	v30 =	vld [tilespmem:s0+$0xFFFFFFE0];
	[tilespmem:s0+$0xFFFFFFA0] =	vst v28;
	v28 =	vmax.f32 v38, $0.0e+00  }
0x348: {  	v31 =	vld [tilespmem:s0+$0xFFFFFFF0];
	[tilespmem:s0+$0xFFFFFFB0] =	vst v28;
	v28 =	vmax.f32 v53, $0.0e+00  }
0x349: {  	v57 =	vld [tilespmem:s0+$0x30];
	[tilespmem:s0+$0xFFFFFFC0] =	vst v28;
	v28 =	vmax.f32 v55, $0.0e+00  }
0x34a: {  	v58 =	vld [tilespmem:s0+$0x40];
	[tilespmem:s0+$0x0] =	vst v28;
	v28 =	vmax.f32 v54, $0.0e+00  }
0x34b: {  	v60 =	vld [tilespmem:s0+$0x90];
	[tilespmem:s0+$0xFFFFFFD0] =	vst v28;
	v28 =	vmax.f32 v29, $0.0e+00  }
0x34c: {  	v29 =	vld [tilespmem:s0+$0x60];
	[tilespmem:s0+$0x10] =	vst v28;
	v28 =	vmax.f32 v30, $0.0e+00  }
0x34d: {  	v30 =	vld [tilespmem:s0+$0x80];
	[tilespmem:s0+$0xFFFFFFE0] =	vst v28;
	v28 =	vmax.f32 v31, $0.0e+00  }
0x34e: {  	v31 =	vld [tilespmem:s0+$0x70];
	[tilespmem:s0+$0xFFFFFFF0] =	vst v28;
	v28 =	vmax.f32 v56, $0.0e+00  }
0x34f: {  	[tilespmem:s0+$0x20] =	vst v28;
	v28 =	vmax.f32 v57, $0.0e+00  }
0x350: {  	v61 =	vld [tilespmem:s0+$0xA0];
	[tilespmem:s0+$0x30] =	vst v28;
	v28 =	vmax.f32 v58, $0.0e+00  }
0x351: {  	v33 =	vmax.f32 v60, $0.0e+00;
	[tilespmem:s0+$0x40] =	vst v28;
	v28 =	vld [tilespmem:s0+$0xB0]  }
0x352: {  	[tilespmem:s0+$0x90] =	vst v33;
	v62 =	vmax.f32 v29, $0.0e+00;
	v29 =	vld [tilespmem:s0+$0xC0]  }
0x353: {  	[tilespmem:s0+$0x60] =	vst v62;
	v63 =	vmax.f32 v30, $0.0e+00;
	v30 =	vld [tilespmem:s0+$0xD0];
	v31 =	vmax.f32 v31, $0.0e+00  }
0x354: {  	[tilespmem:s0+$0x70] =	vst v31;
	v31 =	vld [tilespmem:s0+$0xE0]  }
0x355: {  	s13 =	simm.s32 $0x0;
	s14 =	simm.s32 $0x5680;
	v32 =	vld [tilespmem:s0+$0xFFFFFF00];
	v33 =	vmax.f32 v61, $0.0e+00;
	[tilespmem:s0+$0x80] =	vst v63  }
.LBB2_22:
0x356: {  	v34 =	vld [tilespmem:s14+$0xF0];
	s13 =	sadd.s32 $0x4, s13;
	[tilespmem:s0+$0xA0] =	vst v33;
	v28 =	vmax.f32 v28, $0.0e+00  }
0x357: {  	v33 =	vld [tilespmem:s14+$0xFFFFFF10];
	p0 =	slt.u32 s13, $0x4C;
	[tilespmem:s0+$0xB0] =	vst v28;
	v28 =	vmax.f32 v29, $0.0e+00  }
0x358: {  	v29 =	vld [tilespmem:s14+$0xFFFFFF20];
	[tilespmem:s0+$0xC0] =	vst v28;
	v28 =	vmax.f32 v30, $0.0e+00  }
0x359: {  	v30 =	vld [tilespmem:s14+$0xFFFFFF30];
	[tilespmem:s0+$0xD0] =	vst v28;
	v28 =	vmax.f32 v31, $0.0e+00  }
0x35a: {  	v31 =	vld [tilespmem:s14+$0xFFFFFF40];
	v32 =	vmax.f32 v32, $0.0e+00;
	[tilespmem:s0+$0xE0] =	vst v28  }
0x35b: {  	v28 =	vld [tilespmem:s14+$0xFFFFFF50];
	v34 =	vmax.f32 v34, $0.0e+00;
	[tilespmem:s0+$0xFFFFFF00] =	vst v32;
	s0 =	smov.u32 s14  }
0x35c: {  	v32 =	vmax.f32 v33, $0.0e+00;
	v33 =	vld [tilespmem:s14+$0xFFFFFF60];
	[tilespmem:s14+$0xF0] =	vst v34  }
0x35d: {  	[tilespmem:s14+$0xFFFFFF10] =	vst v32;
	v29 =	vmax.f32 v29, $0.0e+00;
	v32 =	vld [tilespmem:s14+$0xFFFFFF70]  }
0x35e: {  	[tilespmem:s14+$0xFFFFFF20] =	vst v29;
	v29 =	vmax.f32 v30, $0.0e+00;
	v30 =	vld [tilespmem:s14+$0xFFFFFF80]  }
0x35f: {  	[tilespmem:s14+$0xFFFFFF30] =	vst v29;
	v29 =	vmax.f32 v31, $0.0e+00;
	v31 =	vld [tilespmem:s14+$0xFFFFFF90]  }
0x360: {  	[tilespmem:s14+$0xFFFFFF40] =	vst v29;
	v28 =	vmax.f32 v28, $0.0e+00;
	v29 =	vld [tilespmem:s14+$0xFFFFFFA0]  }
0x361: {  	[tilespmem:s14+$0xFFFFFF50] =	vst v28;
	v28 =	vmax.f32 v33, $0.0e+00;
	v33 =	vld [tilespmem:s14+$0xFFFFFFB0]  }
0x362: {  	[tilespmem:s14+$0xFFFFFF60] =	vst v28;
	v28 =	vmax.f32 v32, $0.0e+00;
	v32 =	vld [tilespmem:s14+$0xFFFFFFC0]  }
0x363: {  	[tilespmem:s14+$0xFFFFFF70] =	vst v28;
	v28 =	vmax.f32 v30, $0.0e+00;
	v30 =	vld [tilespmem:s14+$0xFFFFFFD0]  }
0x364: {  	[tilespmem:s14+$0xFFFFFF80] =	vst v28;
	v28 =	vmax.f32 v31, $0.0e+00;
	v31 =	vld [tilespmem:s14+$0xFFFFFFE0]  }
0x365: {  	[tilespmem:s14+$0xFFFFFF90] =	vst v28;
	v28 =	vmax.f32 v29, $0.0e+00;
	v29 =	vld [tilespmem:s14+$0xFFFFFFF0]  }
0x366: {  	[tilespmem:s14+$0xFFFFFFA0] =	vst v28;
	v28 =	vmax.f32 v33, $0.0e+00;
	v33 =	vld [tilespmem:s14+$0x0]  }
0x367: {  	[tilespmem:s14+$0xFFFFFFB0] =	vst v28;
	v28 =	vmax.f32 v32, $0.0e+00;
	v32 =	vld [tilespmem:s14+$0x10]  }
0x368: {  	[tilespmem:s14+$0xFFFFFFC0] =	vst v28;
	v28 =	vmax.f32 v30, $0.0e+00;
	v30 =	vld [tilespmem:s14+$0x20]  }
0x369: {  	[tilespmem:s14+$0xFFFFFFD0] =	vst v28;
	v28 =	vmax.f32 v31, $0.0e+00;
	v31 =	vld [tilespmem:s14+$0x30]  }
0x36a: {  	[tilespmem:s14+$0xFFFFFFE0] =	vst v28;
	v28 =	vmax.f32 v29, $0.0e+00;
	v29 =	vld [tilespmem:s14+$0x40]  }
0x36b: {  	[tilespmem:s14+$0xFFFFFFF0] =	vst v28;
	v28 =	vmax.f32 v33, $0.0e+00;
	v33 =	vld [tilespmem:s14+$0x50]  }
0x36c: {  	[tilespmem:s14+$0x0] =	vst v28;
	v28 =	vmax.f32 v32, $0.0e+00;
	v32 =	vld [tilespmem:s14+$0x60]  }
0x36d: {  	[tilespmem:s14+$0x10] =	vst v28;
	v28 =	vmax.f32 v30, $0.0e+00;
	v30 =	vld [tilespmem:s14+$0x70]  }
0x36e: {  	[tilespmem:s14+$0x20] =	vst v28;
	v28 =	vmax.f32 v31, $0.0e+00;
	v31 =	vld [tilespmem:s14+$0x80]  }
0x36f: {  	[tilespmem:s14+$0x30] =	vst v28;
	v28 =	vmax.f32 v29, $0.0e+00;
	v34 =	vld [tilespmem:s14+$0x90]  }
0x370: {  	[tilespmem:s14+$0x40] =	vst v28;
	v28 =	vmax.f32 v33, $0.0e+00;
	v33 =	vld [tilespmem:s14+$0xA0]  }
.Ltmp10:
0x371: {  	[tilespmem:s14+$0x50] =	vst v28;
	v29 =	vmax.f32 v32, $0.0e+00;
	v28 =	vld [tilespmem:s14+$0xB0];
	(pc) =	sbr.rel @p0 .LBB2_22-.Ltmp10, $4  }
0x372: {  	[tilespmem:s14+$0x60] =	vst v29;
	v30 =	vmax.f32 v30, $0.0e+00;
	v29 =	vld [tilespmem:s14+$0xC0]  }
0x373: {  	[tilespmem:s14+$0x70] =	vst v30;
	v31 =	vmax.f32 v31, $0.0e+00;
	v30 =	vld [tilespmem:s14+$0xD0]  }
0x374: {  	[tilespmem:s14+$0x80] =	vst v31;
	v34 =	vmax.f32 v34, $0.0e+00;
	v31 =	vld [tilespmem:s14+$0xE0]  }
0x375: {  	s14 =	sadd.s32 $0x200, s14;
	v32 =	vld [tilespmem:s0+$0xFFFFFF00];
	[tilespmem:s0+$0x90] =	vst v34;
	v33 =	vmax.f32 v33, $0.0e+00  }
0x376: {  	[tilespmem:s0+$0xA0] =	vst v33;
	v28 =	vmax.f32 v28, $0.0e+00  }
0x377: {  	[tilespmem:s0+$0xB0] =	vst v28;
	v28 =	vmax.f32 v29, $0.0e+00  }
0x378: {  	[tilespmem:s0+$0xC0] =	vst v28;
	v28 =	vmax.f32 v30, $0.0e+00  }
0x379: {  	[tilespmem:s0+$0xD0] =	vst v28;
	v28 =	vmax.f32 v31, $0.0e+00  }
0x37a: {  	v29 =	vmax.f32 v32, $0.0e+00;
	[tilespmem:s0+$0xE0] =	vst v28  }
0x37b: {  	[tilespmem:s0+$0xFFFFFF00] =	vst v29  }
0x37c: {  	_ =	swait.ge [sflag:s21], $0x50  }
0x37d: {  	[sflag:s21] =	ssyncset.done $0x0  }
0x37e: {  	[sflag:s21] =	ssyncadd.s32 $0xFFFFFFB0  }
0x37f: {  	[spmem:s3] =	stream.indirect.scatter.add.f32 [tilespmem:s10], [sflag:$0xB], $0x80, s11, s29, $0xb8;
	[tilespmem:$0x1E380] =	vst v63  }
0x380: {  	_ =	swait.ge [sflag:s22], $0x2800  }
0x381: {  	[sflag:s22] =	ssyncset.done $0x0  }
0x382: {  	[sflag:s22] =	ssyncadd.s32 $0xFFFFD800  }
0x383: {  	s13 =	stileid.u32;
	[bflag:$0x0] =	sbarrier.arrive $0xFFFF  }
0x384: {  	s14 =	simm.s32 $0xE;
	s0 =	sshll.u32 s13, $0x6;
	s1 =	rddreg [dreg:$0x4]  }
0x385: {  	s0 =	sor.u32 $0x1C0E, s0;
	s13 =	rddreg [dreg:$0xe];
	s1 =	sshrl.u32 s1, $0x3  }
0x386: {  	[hbm:s13], [sflag:s0] =	dma.local [spmem:s1], $0x2800  }
0x387: {  	_ =	swait.ge [sflag:s14], $0x2800  }
0x388: {  	s25 =	rddreg [dreg:$0x15]  }
0x389: {  	s26 =	rddreg [dreg:$0xf];
	s13 =	sadd.s32 $0x1, s25  }
0x38a: {  	p0 =	sne.s32 s13, s26  }
.Ltmp11:
0x38b: {  	_ = 	snop;
	(pc) =	sbr.rel @p0 .LBB2_1-.Ltmp11, $3  }
0x38c: {  	_ =	sdelay $0x1  }
0x38d: {  	[sflag:s14] =	ssyncset.done $0x0  }
0x38e: {  	s1 =	simm.s32 $0x2980;
	[sflag:s14] =	ssyncadd.s32 $0xFFFFD800  }
0x38f: {  	_ =	sfence.sel $0x180000  }
0x390: {  	[bflag:$0x0] =	sbarrier.arrive $0xFFFF  }
0x391: {  	_ =	strace $0x90000047  }
0x392: {  	s0 =	stileid.u32;
	[bflag:$0x2] =	sbarrier.arrive $0xFFFF  }
0x393: {  	p0 =	sne.s32 s0, $0x0;
	s0 =	rddreg [dreg:$0x3]  }
0x394: {  	s0 =	sadd.s32 @!p0 $0x100000, s0  }
0x395: {  	[sflag:s0] =	ssyncadd.tile.s32 @!p0 $0x1;
	_ =	shalt  }
.Lfunc_end2:
_tile_overlayer_lowered:
.L_overlay_start_2:
0x396: {  	(tag) =	ssettag $0x2  }
0x397: {  	s0 =	rddreg [dreg:$0x0];
	s2 =	stileid.u32  }
0x398: {  	s1 =	rddreg [dreg:$0x1];
	p0 =	sne.s32 s2, $0x0  }
0x399: {  	s3 =	rddreg [dreg:$0x2];
	[bflag:$0x3] =	sbarrier.arrive $0xFFFF;
	s2 =	simm.s32 @!p0 $0x1C0E  }
0x39a: {  	[timem:s3], [sflag:s2] =	dma.local @!p0 [hbm:s0], s1  }
0x39b: {  	s0 =	simm.s32 @!p0 $0xE  }
0x39c: {  	_ =	swait.ge @!p0 [sflag:s0], s1  }
0x39d: {  	s1 =	ssub.s32 @!p0 $0x0, s1;
	[sflag:s0] =	ssyncset.done @!p0 $0x0  }
0x39e: {  	[sflag:s0] =	ssyncadd.s32 @!p0 s1  }
0x39f: {  	[bflag:$0x3] =	sbarrier.arrive $0xFFFF  }
0x3a0: {  	_ =	shalt  }

</sc_bundles>
